<compile_context>
chip_gen: v7x
topology: tpu7x:2x2x1
jax: 0.10.2.dev20260603
libtpu: 0.0.44.dev20260713+nightly
codegen_flags: <defaults>
</compile_context>

<pallas_src>
import functools

import jax
import jax.numpy as jnp
from jax import lax
from jax.experimental import pallas as pl
from jax.experimental.pallas import tpu as pltpu
from jax.experimental.pallas import tpu_sc as plsc

_NC = 2
_NS = 16
_NW = _NC * _NS
_L = 16


def _pre_body(node_ref, group_ref, w1_ref, b1_ref, a_ref, b_ref):
    w1 = w1_ref[...]
    dn = (((1,), (1,)), ((), ()))
    hi = lax.Precision.HIGHEST
    a_ref[...] = (
        lax.dot_general(node_ref[...], w1, dn, precision=hi,
                        preferred_element_type=jnp.float32)
        + b1_ref[...]
    )
    b_ref[...] = lax.dot_general(
        group_ref[...], w1, dn, precision=hi, preferred_element_type=jnp.float32
    )


def _post_body(t0_ref, t1_ref, c0_ref, c1_ref, w_ref, b2_ref, o_ref):
    hi = lax.Precision.HIGHEST
    acc = t0_ref[...] + t1_ref[...]
    cnt = c0_ref[...] + c1_ref[...]
    nr, d = cnt.shape
    main = lax.dot_general(
        acc, w_ref[...], (((1,), (0,)), ((), ())),
        precision=hi, preferred_element_type=jnp.float32,
    )
    i0 = lax.broadcasted_iota(jnp.int32, (d, d), 0)
    i1 = lax.broadcasted_iota(jnp.int32, (d, d), 1)
    eye = (i0 == i1).astype(jnp.float32)
    b2r = b2_ref[...]
    for r in range(nr):
        col = lax.dot_general(
            eye, lax.slice(cnt, (r, 0), (r + 1, d)), (((1,), (1,)), ((), ())),
            precision=hi, preferred_element_type=jnp.float32,
        )
        o_ref[pl.ds(r * d, d), :] = (
            lax.slice(main, (r * d, 0), ((r + 1) * d, d)) + col * b2r
        )


@functools.partial(jax.jit, static_argnums=(6, 7, 8))
def _sc_edges(src, dst, w, thr16, a, b, E, N, D):
    K = 48
    EW = E // _NW
    C = 2000
    assert K % _L == 0 and EW % C == 0 and C % _L == 0 and C % 8 == 0
    G = K // _L
    NR = D // _L
    SHIFT = 14
    assert N <= (1 << SHIFT)
    RPT = -(-(N + _L) // (2 * _NS * 8)) * 16
    NPAD = RPT * _NS
    CH = 40
    NCH = RPT // CH
    CR = -(-N // D)
    CAP = EW + K + 4 * _L

    mesh = plsc.VectorSubcoreMesh(
        core_axis_name="c", subcore_axis_name="s",
        num_cores=_NC, num_subcores=_NS,
    )

    @functools.partial(
        pl.kernel,
        out_type=jax.ShapeDtypeStruct((_NC, NPAD, D), jnp.float32),
        mesh=mesh,
        compiler_params=pltpu.CompilerParams(needs_layout_passes=False),
        scratch_types=[
            pltpu.VMEM_SHARED((NPAD, D), jnp.float32),
            pltpu.VMEM((CAP,), jnp.int32),
            pltpu.VMEM((C,), jnp.int32),
            pltpu.VMEM((C,), jnp.int32),
            pltpu.VMEM((C,), jnp.float32),
            pltpu.VMEM((2, K), jnp.int32),
            pltpu.VMEM((2, K), jnp.int32),
            pltpu.VMEM((2, K), jnp.int32),
            pltpu.VMEM((2, K), jnp.int32),
            pltpu.VMEM((_L,), jnp.float32),
            pltpu.VMEM((K, D), jnp.float32),
            pltpu.VMEM((K, D), jnp.float32),
            pltpu.VMEM((K, D), jnp.float32),
            pltpu.VMEM((K, D), jnp.float32),
            pltpu.VMEM((K, D), jnp.float32),
            pltpu.SemaphoreType.DMA,
            pltpu.SemaphoreType.DMA,
            pltpu.SemaphoreType.DMA,
            pltpu.SemaphoreType.DMA,
        ],
    )
    def body(src_hbm, dst_hbm, w_hbm, thr_hbm, a_hbm, b_hbm, out_hbm,
             table, clist, sA, sB, sW, gi2, gd2, ssi2, cri2, thr_v,
             a0, a1, b0, b1, cbuf, gsem0, gsem1, ssem0, ssem1):
        c = lax.axis_index("c")
        s = lax.axis_index("s")
        wid = s * _NC + c
        abuf = (a0, a1)
        bbuf = (b0, b1)
        gsem = (gsem0, gsem1)
        ssem = (ssem0, ssem1)

        def _zrow(i, carry):
            for r in range(NR):
                cbuf[i, pl.ds(r * _L, _L)] = jnp.zeros((_L,), jnp.float32)
            return carry
        lax.fori_loop(0, K, _zrow, 0)
        r0 = s * RPT

        def _ztab(k, carry):
            pltpu.sync_copy(cbuf.at[pl.ds(0, CH)], table.at[pl.ds(r0 + k * CH, CH)])
            return carry
        lax.fori_loop(0, NCH, _ztab, 0)
        plsc.subcore_barrier()

        pltpu.sync_copy(thr_hbm, thr_v)
        thr = thr_v[...]
        iota = lax.iota(jnp.int32, _L)
        trash = N + CR + _L + iota

        def _chunk(ci, off):
            base = pl.multiple_of(wid * EW + ci * C, 8)
            pltpu.sync_copy(src_hbm.at[pl.ds(base, C)], sA)
            pltpu.sync_copy(dst_hbm.at[pl.ds(base, C)], sB)
            pltpu.sync_copy(w_hbm.at[pl.ds(base, C)], sW)

            def _grp(g, ov):
                s16 = sA[pl.ds(g * _L, _L)]
                d16 = sB[pl.ds(g * _L, _L)]
                w16 = sW[pl.ds(g * _L, _L)]
                m = w16 < thr
                packed = s16 | lax.shift_left(d16, SHIFT)
                pos = ov + plsc.cumsum(m.astype(jnp.int32))
                plsc.store_scatter(clist, [pos], packed, mask=m)
                return ov + plsc.all_reduce_population_count(m)
            return lax.fori_loop(0, C // _L, _grp, off)
        cntv = lax.fori_loop(0, EW // C, _chunk,
                             jnp.full((_L,), -1, jnp.int32))
        cnt = lax.squeeze(lax.slice(cntv, (0,), (1,)), (0,)) + 1

        cntp = (jnp.maximum(cnt, 1) + (K - 1)) // K * K
        for j in range(K // _L + 1):
            clist[pl.ds(cnt + j * _L, _L)] = trash
        nblk = cntp // K

        def _unpack_g(blk, p):
            for g in range(G):
                packed = clist[pl.ds(blk * K + g * _L, _L)]
                si = packed & ((1 << SHIFT) - 1)
                gd2[p, pl.ds(g * _L, _L)] = lax.shift_right_logical(packed, SHIFT)
                gi2[p, pl.ds(g * _L, _L)] = jnp.minimum(si, N - 1)

        def _unpack_s(blk, p):
            for g in range(G):
                packed = clist[pl.ds(blk * K + g * _L, _L)]
                si = packed & ((1 << SHIFT) - 1)
                ssi2[p, pl.ds(g * _L, _L)] = si
                cri2[p, pl.ds(g * _L, _L)] = jnp.where(
                    si < N, N + lax.shift_right_logical(si, 7), trash + _L)

        def fire_gather(p):
            pltpu.async_copy(a_hbm.at[gi2.at[p]], abuf[p], gsem[p])
            pltpu.async_copy(b_hbm.at[gd2.at[p]], bbuf[p], gsem[p])

        def wait_gather(p):
            pltpu.make_async_copy(a_hbm.at[gi2.at[p]], abuf[p], gsem[p]).wait()
            pltpu.make_async_copy(b_hbm.at[gd2.at[p]], bbuf[p], gsem[p]).wait()

        def fire_scatter(p):
            pltpu.async_copy(abuf[p], table.at[ssi2.at[p]], ssem[p], add=True)
            pltpu.async_copy(cbuf, table.at[cri2.at[p]], ssem[p], add=True)

        def wait_scatter(p):
            pltpu.make_async_copy(abuf[p], table.at[ssi2.at[p]], ssem[p]).wait()
            pltpu.make_async_copy(cbuf, table.at[cri2.at[p]], ssem[p]).wait()

        ones16 = jnp.full((_L,), 1.0, jnp.float32)
        zeros16 = jnp.zeros((_L,), jnp.float32)

        def set_onehots(p, val):
            for g in range(G):
                j16 = g * _L + iota
                rem = ssi2[p, pl.ds(g * _L, _L)] & (D - 1)
                plsc.store_scatter(cbuf, [j16, rem], val)

        _unpack_g(0, 0)
        _unpack_s(0, 0)
        fire_gather(0)
        _unpack_g(jnp.minimum(1, nblk - 1), 1)
        _unpack_s(jnp.minimum(1, nblk - 1), 1)

        def _half(blk, p):
            q = 1 - p
            wait_gather(p)

            @pl.when(blk >= 1)
            def _():
                wait_scatter(q)
                set_onehots(q, zeros16)
                _unpack_s(jnp.minimum(blk + 1, nblk - 1), q)
            fire_gather(q)

            ap, bp = abuf[p], bbuf[p]

            def _edge(j, ecarry):
                for r in range(NR):
                    h = ap[j, pl.ds(r * _L, _L)] + bp[j, pl.ds(r * _L, _L)]
                    ap[j, pl.ds(r * _L, _L)] = h / (1.0 + jnp.exp(-h))
                return ecarry
            lax.fori_loop(0, K, _edge, 0)

            set_onehots(p, ones16)
            fire_scatter(p)
            _unpack_g(jnp.minimum(blk + 2, nblk - 1), p)

        def _pair(u, carry):
            _half(2 * u, 0)
            _half(2 * u + 1, 1)
            return carry
        lax.fori_loop(0, nblk // 2, _pair, 0)

        @pl.when(nblk % 2 == 1)
        def _():
            _half(nblk - 1, 0)

        @pl.when(nblk % 2 == 0)
        def _():
            wait_scatter(1)
            wait_gather(0)

        @pl.when(nblk % 2 == 1)
        def _():
            wait_scatter(0)
            wait_gather(1)

        plsc.subcore_barrier()

        def _out(k, carry):
            pltpu.sync_copy(table.at[pl.ds(r0 + k * CH, CH)], cbuf.at[pl.ds(0, CH)])
            pltpu.sync_copy(cbuf.at[pl.ds(0, CH)], out_hbm.at[c, pl.ds(r0 + k * CH, CH)])
            return carry
        lax.fori_loop(0, NCH, _out, 0)

    return body(src, dst, w, thr16, a, b)


def kernel(edge_index, node_embedding, group_embedding, edge_weight, edge_vec,
           scale_factor, W1, b1, W2, b2):
    N, D = node_embedding.shape
    E = edge_index.shape[1]
    RB = 2000

    src = edge_index[0]
    dst = edge_index[1]
    thr16 = jnp.full((_L,), 0.5, jnp.float32) * scale_factor

    a, b = pl.pallas_call(
        _pre_body,
        grid=(N // RB,),
        in_specs=[
            pl.BlockSpec((RB, D), lambda i: (i, 0)),
            pl.BlockSpec((RB, D), lambda i: (i, 0)),
            pl.BlockSpec((D, D), lambda i: (0, 0)),
            pl.BlockSpec((1, D), lambda i: (0, 0)),
        ],
        out_specs=[
            pl.BlockSpec((RB, D), lambda i: (i, 0)),
            pl.BlockSpec((RB, D), lambda i: (i, 0)),
        ],
        out_shape=[
            jax.ShapeDtypeStruct((N, D), jnp.float32),
            jax.ShapeDtypeStruct((N, D), jnp.float32),
        ],
    )(node_embedding, group_embedding, W1, b1[None, :])

    tables = _sc_edges(src, dst, edge_weight, thr16, a, b, E, N, D)

    RB2 = 2048
    CB = RB2 // D
    nb = -(-N // RB2)
    out = pl.pallas_call(
        _post_body,
        grid=(nb,),
        in_specs=[
            pl.BlockSpec((RB2, D), lambda i: (i, 0)),
            pl.BlockSpec((RB2, D), lambda i: (i, 0)),
            pl.BlockSpec((CB, D), lambda i: (N // CB + i, 0)),
            pl.BlockSpec((CB, D), lambda i: (N // CB + i, 0)),
            pl.BlockSpec((D, D), lambda i: (0, 0)),
            pl.BlockSpec((1, D), lambda i: (0, 0)),
        ],
        out_specs=pl.BlockSpec((RB2, D), lambda i: (i, 0)),
        out_shape=jax.ShapeDtypeStruct((N, D), jnp.float32),
    )(tables[0], tables[1], tables[0], tables[1], W2.T, b2[None, :])

    return out

# --- scband reference (transcript-rebuilt; emitter-appended) ---
"""Pipeline reference for scband-hierarchical-layer-15607911153870 (READ-ONLY COPY).

The authoritative reference and input builder live on the scoring server;
editing this copy changes nothing except your own understanding.
"""

import jax, jax.numpy as jnp
import numpy as np

N = 10000
E = 320000
D = 128
SCALE = 0.5


def setup_inputs(seed: int = 0) -> dict:
    key = jax.random.key(seed)
    ks = jax.random.split(key, 10)
    node_embedding = jax.random.normal(ks[0], (N, D), dtype=jnp.float32)
    group_embedding = jax.random.normal(ks[1], (N, D), dtype=jnp.float32)
    edge_index = jax.random.randint(ks[2], (2, E), 0, N, dtype=jnp.int32)
    edge_weight = jax.random.uniform(ks[3], (E,), dtype=jnp.float32)
    edge_vec = jax.random.normal(ks[4], (E, 3), dtype=jnp.float32)
    scale_factor = jnp.ones((), dtype=jnp.float32)
    lim = 1.0 / np.sqrt(D)
    W1 = jax.random.uniform(ks[5], (D, D), minval=-lim, maxval=lim, dtype=jnp.float32)
    b1 = jax.random.uniform(ks[6], (D,), minval=-lim, maxval=lim, dtype=jnp.float32)
    W2 = jax.random.uniform(ks[7], (D, D), minval=-lim, maxval=lim, dtype=jnp.float32)
    b2 = jax.random.uniform(ks[8], (D,), minval=-lim, maxval=lim, dtype=jnp.float32)
    return {
        "edge_index": edge_index,
        "node_embedding": node_embedding,
        "group_embedding": group_embedding,
        "edge_weight": edge_weight,
        "edge_vec": edge_vec,
        "scale_factor": scale_factor,
        "W1": W1, "b1": b1, "W2": W2, "b2": b2,
    }


def reference(edge_index, node_embedding, group_embedding, edge_weight, edge_vec,
              scale_factor, W1, b1, W2, b2):
    # mask edges by weight threshold (scale * scale_factor)
    scaled_mask = edge_weight < SCALE * scale_factor
    mask_f = scaled_mask.astype(node_embedding.dtype)
    src = edge_index[0]
    dst = edge_index[1]
    # gather (SparseCore: jnp.take)
    node_features = jnp.take(node_embedding, src, axis=0)
    group_features = jnp.take(group_embedding, dst, axis=0)
    combined = node_features + group_features
    # scale_transform: Linear -> SiLU -> Linear
    h = combined @ W1.T + b1
    h = h * jax.nn.sigmoid(h)
    transformed = h @ W2.T + b2
    # scatter-add back to source nodes (index_add_)
    output = jnp.zeros_like(node_embedding).at[src].add(transformed * mask_f[:, None])
    return output

if __name__ == "__main__":
    import jax
    _d = setup_inputs()
    print(jax.jit(kernel)(*tuple(_d.values())))

</pallas_src>

<mosaic_0001>
#map = affine_map<(d0, d1) -> (0)>
#map1 = affine_map<(d0, d1) -> (0, 0)>
#map2 = affine_map<(d0, d1) -> (0, 0, 0)>
module attributes {stable_mosaic.version = 14 : i64} {
  func.func @body(%arg0: i32, %arg1: i32, %arg2: memref<320000xi32, #tpu.memory_space<hbm>>, %arg3: memref<320000xi32, #tpu.memory_space<hbm>>, %arg4: memref<320000xf32, #tpu.memory_space<hbm>>, %arg5: memref<16xf32, #tpu.memory_space<hbm>>, %arg6: memref<10000x128xf32, #tpu.memory_space<hbm>>, %arg7: memref<10000x128xf32, #tpu.memory_space<hbm>>, %arg8: memref<2x10240x128xf32, #tpu.memory_space<hbm>>, %arg9: memref<10240x128xf32, #tpu.memory_space<vmem_shared>>, %arg10: memref<10112xi32, #tpu.memory_space<vmem>>, %arg11: memref<2000xi32, #tpu.memory_space<vmem>>, %arg12: memref<2000xi32, #tpu.memory_space<vmem>>, %arg13: memref<2000xf32, #tpu.memory_space<vmem>>, %arg14: memref<2x48xi32, #tpu.memory_space<vmem>>, %arg15: memref<2x48xi32, #tpu.memory_space<vmem>>, %arg16: memref<2x48xi32, #tpu.memory_space<vmem>>, %arg17: memref<2x48xi32, #tpu.memory_space<vmem>>, %arg18: memref<16xf32, #tpu.memory_space<vmem>>, %arg19: memref<48x128xf32, #tpu.memory_space<vmem>>, %arg20: memref<48x128xf32, #tpu.memory_space<vmem>>, %arg21: memref<48x128xf32, #tpu.memory_space<vmem>>, %arg22: memref<48x128xf32, #tpu.memory_space<vmem>>, %arg23: memref<48x128xf32, #tpu.memory_space<vmem>>, %arg24: memref<!tpu.dma_semaphore, #tpu.memory_space<semaphore_mem>>, %arg25: memref<!tpu.dma_semaphore, #tpu.memory_space<semaphore_mem>>, %arg26: memref<!tpu.dma_semaphore, #tpu.memory_space<semaphore_mem>>, %arg27: memref<!tpu.dma_semaphore, #tpu.memory_space<semaphore_mem>>) attributes {dimension_semantics = [#tpu.dimension_semantics<core_parallel>, #tpu.dimension_semantics<subcore_parallel>], iteration_bounds = array<i64: 2, 16>, scalar_prefetch = 0 : i64, scratch_operands = 19 : i64, tpu.core_type = #tpu.core_type<sc_vector_subcore>, window_params = [{transform_indices = #map}, {transform_indices = #map}, {transform_indices = #map}, {transform_indices = #map}, {transform_indices = #map1}, {transform_indices = #map1}, {transform_indices = #map2}]} {
    %mul3A = arith.constant 2 : i32
    %mul3A_0 = arith.muli %arg1, %mul3A : i32
    %add3A = arith.addi %mul3A_0, %arg0 : i32
    %scan3A = arith.constant 0 : i32
    %scan3A_1 = arith.constant 0 : i32
    %scan3A_2 = arith.constant 48 : i32
    %scan3A_3 = arith.addi %scan3A_1, %scan3A_2 : i32
    %scan3A_4 = arith.constant 1 : i32
    scf.for %scan3A_503 = %scan3A_1 to %scan3A_3 step %scan3A_4  : i32 {
      %broadcast_in_dim3A_504 = arith.constant 0.000000e+00 : f32
      %broadcast_in_dim3A_505 = vector.broadcast %broadcast_in_dim3A_504 : f32 to vector<16xf32>
      %swap3A_506 = arith.index_cast %scan3A_503 : i32 to index
      %swap3A_507 = arith.constant 0 : index
      %swap3A_508 = tpu.vector_load %arg23[%swap3A_506, %swap3A_507] {strides = array<i32>} : memref<48x128xf32, #tpu.memory_space<vmem>>, vector<16xf32>,
      tpu.vector_store %arg23[%swap3A_506, %swap3A_507], %broadcast_in_dim3A_505 {strides = array<i32>} : memref<48x128xf32, #tpu.memory_space<vmem>>, vector<16xf32>,
      %broadcast_in_dim3A_509 = arith.constant 0.000000e+00 : f32
      %broadcast_in_dim3A_510 = vector.broadcast %broadcast_in_dim3A_509 : f32 to vector<16xf32>
      %swap3A_511 = arith.index_cast %scan3A_503 : i32 to index
      %swap3A_512 = arith.constant 16 : index
      %swap3A_513 = tpu.vector_load %arg23[%swap3A_511, %swap3A_512] {strides = array<i32>} : memref<48x128xf32, #tpu.memory_space<vmem>>, vector<16xf32>,
      tpu.vector_store %arg23[%swap3A_511, %swap3A_512], %broadcast_in_dim3A_510 {strides = array<i32>} : memref<48x128xf32, #tpu.memory_space<vmem>>, vector<16xf32>,
      %broadcast_in_dim3A_514 = arith.constant 0.000000e+00 : f32
      %broadcast_in_dim3A_515 = vector.broadcast %broadcast_in_dim3A_514 : f32 to vector<16xf32>
      %swap3A_516 = arith.index_cast %scan3A_503 : i32 to index
      %swap3A_517 = arith.constant 32 : index
      %swap3A_518 = tpu.vector_load %arg23[%swap3A_516, %swap3A_517] {strides = array<i32>} : memref<48x128xf32, #tpu.memory_space<vmem>>, vector<16xf32>,
      tpu.vector_store %arg23[%swap3A_516, %swap3A_517], %broadcast_in_dim3A_515 {strides = array<i32>} : memref<48x128xf32, #tpu.memory_space<vmem>>, vector<16xf32>,
      %broadcast_in_dim3A_519 = arith.constant 0.000000e+00 : f32
      %broadcast_in_dim3A_520 = vector.broadcast %broadcast_in_dim3A_519 : f32 to vector<16xf32>
      %swap3A_521 = arith.index_cast %scan3A_503 : i32 to index
      %swap3A_522 = arith.constant 48 : index
      %swap3A_523 = tpu.vector_load %arg23[%swap3A_521, %swap3A_522] {strides = array<i32>} : memref<48x128xf32, #tpu.memory_space<vmem>>, vector<16xf32>,
      tpu.vector_store %arg23[%swap3A_521, %swap3A_522], %broadcast_in_dim3A_520 {strides = array<i32>} : memref<48x128xf32, #tpu.memory_space<vmem>>, vector<16xf32>,
      %broadcast_in_dim3A_524 = arith.constant 0.000000e+00 : f32
      %broadcast_in_dim3A_525 = vector.broadcast %broadcast_in_dim3A_524 : f32 to vector<16xf32>
      %swap3A_526 = arith.index_cast %scan3A_503 : i32 to index
      %swap3A_527 = arith.constant 64 : index
      %swap3A_528 = tpu.vector_load %arg23[%swap3A_526, %swap3A_527] {strides = array<i32>} : memref<48x128xf32, #tpu.memory_space<vmem>>, vector<16xf32>,
      tpu.vector_store %arg23[%swap3A_526, %swap3A_527], %broadcast_in_dim3A_525 {strides = array<i32>} : memref<48x128xf32, #tpu.memory_space<vmem>>, vector<16xf32>,
      %broadcast_in_dim3A_529 = arith.constant 0.000000e+00 : f32
      %broadcast_in_dim3A_530 = vector.broadcast %broadcast_in_dim3A_529 : f32 to vector<16xf32>
      %swap3A_531 = arith.index_cast %scan3A_503 : i32 to index
      %swap3A_532 = arith.constant 80 : index
      %swap3A_533 = tpu.vector_load %arg23[%swap3A_531, %swap3A_532] {strides = array<i32>} : memref<48x128xf32, #tpu.memory_space<vmem>>, vector<16xf32>,
      tpu.vector_store %arg23[%swap3A_531, %swap3A_532], %broadcast_in_dim3A_530 {strides = array<i32>} : memref<48x128xf32, #tpu.memory_space<vmem>>, vector<16xf32>,
      %broadcast_in_dim3A_534 = arith.constant 0.000000e+00 : f32
      %broadcast_in_dim3A_535 = vector.broadcast %broadcast_in_dim3A_534 : f32 to vector<16xf32>
      %swap3A_536 = arith.index_cast %scan3A_503 : i32 to index
      %swap3A_537 = arith.constant 96 : index
      %swap3A_538 = tpu.vector_load %arg23[%swap3A_536, %swap3A_537] {strides = array<i32>} : memref<48x128xf32, #tpu.memory_space<vmem>>, vector<16xf32>,
      tpu.vector_store %arg23[%swap3A_536, %swap3A_537], %broadcast_in_dim3A_535 {strides = array<i32>} : memref<48x128xf32, #tpu.memory_space<vmem>>, vector<16xf32>,
      %broadcast_in_dim3A_539 = arith.constant 0.000000e+00 : f32
      %broadcast_in_dim3A_540 = vector.broadcast %broadcast_in_dim3A_539 : f32 to vector<16xf32>
      %swap3A_541 = arith.index_cast %scan3A_503 : i32 to index
      %swap3A_542 = arith.constant 112 : index
      %swap3A_543 = tpu.vector_load %arg23[%swap3A_541, %swap3A_542] {strides = array<i32>} : memref<48x128xf32, #tpu.memory_space<vmem>>, vector<16xf32>,
      tpu.vector_store %arg23[%swap3A_541, %swap3A_542], %broadcast_in_dim3A_540 {strides = array<i32>} : memref<48x128xf32, #tpu.memory_space<vmem>>, vector<16xf32>,
    }
    %scan3A_5 = arith.constant 48 : i32
    %mul3A_6 = arith.constant 640 : i32
    %mul3A_7 = arith.muli %arg1, %mul3A_6 : i32
    %scan3A_8 = arith.constant 0 : i32
    %scan3A_9 = arith.constant 0 : i32
    %scan3A_10 = arith.constant 16 : i32
    %scan3A_11 = arith.addi %scan3A_9, %scan3A_10 : i32
    %scan3A_12 = arith.constant 1 : i32
    scf.for %scan3A_503 = %scan3A_9 to %scan3A_11 step %scan3A_12  : i32 {
      %mul3A_504 = arith.constant 40 : i32
      %mul3A_505 = arith.muli %scan3A_503, %mul3A_504 : i32
      %add3A_506 = arith.addi %mul3A_7, %mul3A_505 : i32
      "tpu.region"() ({
        %run_scoped3A = tpu.sem_alloc : memref<!tpu.dma_semaphore, #tpu.memory_space<semaphore_mem>>
        %dma_start3A_507 = arith.constant 0 : i32
        %dma_start3A_508 = arith.constant 0 : i32
        %dma_start3A_509 = tpu.memref_slice %arg23[%dma_start3A_507, %dma_start3A_508] : memref<48x128xf32, #tpu.memory_space<vmem>> -> memref<40x128xf32, #tpu.memory_space<vmem>>
        %dma_start3A_510 = arith.constant 0 : i32
        %dma_start3A_511 = tpu.memref_slice %arg9[%add3A_506, %dma_start3A_510] : memref<10240x128xf32, #tpu.memory_space<vmem_shared>> -> memref<40x128xf32, #tpu.memory_space<vmem_shared>>
        %dma_start3A_512 = arith.constant 0 : i32
        %dma_start3A_513 = tpu.memref_slice %arg9[%add3A_506, %dma_start3A_512] : memref<10240x128xf32, #tpu.memory_space<vmem_shared>> -> memref<40x128xf32, #tpu.memory_space<vmem_shared>>
        %dma_start3A_514 = arith.constant 0 : i32
        %dma_start3A_515 = arith.constant 0 : i32
        %dma_start3A_516 = tpu.memref_slice %arg23[%dma_start3A_514, %dma_start3A_515] : memref<48x128xf32, #tpu.memory_space<vmem>> -> memref<40x128xf32, #tpu.memory_space<vmem>>
        tpu.enqueue_dma source(%dma_start3A_516 : memref<40x128xf32, #tpu.memory_space<vmem>>) target(%dma_start3A_513 : memref<40x128xf32, #tpu.memory_space<vmem_shared>>) target_semaphore(%run_scoped3A : memref<!tpu.dma_semaphore, #tpu.memory_space<semaphore_mem>>)
        %dma_wait3A = arith.constant 0 : i32
        %dma_wait3A_517 = arith.constant 0 : i32
        %dma_wait3A_518 = tpu.memref_slice %arg23[%dma_wait3A, %dma_wait3A_517] : memref<48x128xf32, #tpu.memory_space<vmem>> -> memref<40x128xf32, #tpu.memory_space<vmem>>
        %dma_wait3A_519 = arith.constant 0 : i32
        %dma_wait3A_520 = tpu.memref_slice %arg9[%add3A_506, %dma_wait3A_519] : memref<10240x128xf32, #tpu.memory_space<vmem_shared>> -> memref<40x128xf32, #tpu.memory_space<vmem_shared>>
        %dma_wait3A_521 = arith.constant 0 : i32
        %dma_wait3A_522 = tpu.memref_slice %arg9[%add3A_506, %dma_wait3A_521] : memref<10240x128xf32, #tpu.memory_space<vmem_shared>> -> memref<40x128xf32, #tpu.memory_space<vmem_shared>>
        %dma_wait3A_523 = arith.constant 0 : i32
        %dma_wait3A_524 = arith.constant 0 : i32
        %dma_wait3A_525 = tpu.memref_slice %arg23[%dma_wait3A_523, %dma_wait3A_524] : memref<48x128xf32, #tpu.memory_space<vmem>> -> memref<40x128xf32, #tpu.memory_space<vmem>>
        tpu.wait_dma2 semaphore(%run_scoped3A : memref<!tpu.dma_semaphore, #tpu.memory_space<semaphore_mem>>) src(%dma_wait3A_525 : memref<40x128xf32, #tpu.memory_space<vmem>>) dst(%dma_wait3A_522 : memref<40x128xf32, #tpu.memory_space<vmem_shared>>)
        tpu.yield
      }) : () -> ()
    }
    %scan3A_13 = arith.constant 16 : i32
    %barrier3A = arith.constant 0 : index
    tpu.barrier barrier_id(%barrier3A)
    "tpu.region"() ({
      %run_scoped3A = tpu.sem_alloc : memref<!tpu.dma_semaphore, #tpu.memory_space<semaphore_mem>>
      tpu.enqueue_dma source(%arg5 : memref<16xf32, #tpu.memory_space<hbm>>) target(%arg18 : memref<16xf32, #tpu.memory_space<vmem>>) target_semaphore(%run_scoped3A : memref<!tpu.dma_semaphore, #tpu.memory_space<semaphore_mem>>)
      tpu.wait_dma2 semaphore(%run_scoped3A : memref<!tpu.dma_semaphore, #tpu.memory_space<semaphore_mem>>) src(%arg5 : memref<16xf32, #tpu.memory_space<hbm>>) dst(%arg18 : memref<16xf32, #tpu.memory_space<vmem>>)
      tpu.yield
    }) : () -> ()
    %get3A = arith.constant 0 : index
    %get3A_14 = tpu.vector_load %arg18[%get3A] {strides = array<i32>} : memref<16xf32, #tpu.memory_space<vmem>>, vector<16xf32>,
    %iota3A = tpu.iota {dimensions = array<i32: 0>} : vector<16xi32>
    %add3A_15 = arith.constant 10095 : i32
    %add3A_16 = vector.broadcast %add3A_15 : i32 to vector<16xi32>
    %add3A_17 = arith.addi %add3A_16, %iota3A : vector<16xi32>
    %broadcast_in_dim3A = arith.constant -1 : i32
    %broadcast_in_dim3A_18 = vector.broadcast %broadcast_in_dim3A : i32 to vector<16xi32>
    %scan3A_19 = arith.constant 0 : i32
    %scan3A_20 = arith.constant 5 : i32
    %scan3A_21 = arith.addi %scan3A_19, %scan3A_20 : i32
    %scan3A_22 = arith.constant 1 : i32
    %scan3A_23 = scf.for %scan3A_503 = %scan3A_19 to %scan3A_21 step %scan3A_22 iter_args(%scan3A_504 = %broadcast_in_dim3A_18) -> (vector<16xi32>)  : i32 {
      %mul3A_505 = arith.constant 10000 : i32
      %mul3A_506 = arith.muli %add3A, %mul3A_505 : i32
      %mul3A_507 = arith.constant 2000 : i32
      %mul3A_508 = arith.muli %scan3A_503, %mul3A_507 : i32
      %add3A_509 = arith.addi %mul3A_506, %mul3A_508 : i32
      %multiple_of3A = tpu.assume_multiple %add3A_509, 8 : i32
      "tpu.region"() ({
        %run_scoped3A = tpu.sem_alloc : memref<!tpu.dma_semaphore, #tpu.memory_space<semaphore_mem>>
        %dma_start3A_516 = tpu.memref_slice %arg2[%multiple_of3A] : memref<320000xi32, #tpu.memory_space<hbm>> -> memref<2000xi32, #tpu.memory_space<hbm>>
        %dma_start3A_517 = tpu.memref_slice %arg2[%multiple_of3A] : memref<320000xi32, #tpu.memory_space<hbm>> -> memref<2000xi32, #tpu.memory_space<hbm>>
        tpu.enqueue_dma source(%dma_start3A_517 : memref<2000xi32, #tpu.memory_space<hbm>>) target(%arg11 : memref<2000xi32, #tpu.memory_space<vmem>>) target_semaphore(%run_scoped3A : memref<!tpu.dma_semaphore, #tpu.memory_space<semaphore_mem>>)
        %dma_wait3A = tpu.memref_slice %arg2[%multiple_of3A] : memref<320000xi32, #tpu.memory_space<hbm>> -> memref<2000xi32, #tpu.memory_space<hbm>>
        %dma_wait3A_518 = tpu.memref_slice %arg2[%multiple_of3A] : memref<320000xi32, #tpu.memory_space<hbm>> -> memref<2000xi32, #tpu.memory_space<hbm>>
        tpu.wait_dma2 semaphore(%run_scoped3A : memref<!tpu.dma_semaphore, #tpu.memory_space<semaphore_mem>>) src(%dma_wait3A_518 : memref<2000xi32, #tpu.memory_space<hbm>>) dst(%arg11 : memref<2000xi32, #tpu.memory_space<vmem>>)
        tpu.yield
      }) : () -> ()
      "tpu.region"() ({
        %run_scoped3A = tpu.sem_alloc : memref<!tpu.dma_semaphore, #tpu.memory_space<semaphore_mem>>
        %dma_start3A_516 = tpu.memref_slice %arg3[%multiple_of3A] : memref<320000xi32, #tpu.memory_space<hbm>> -> memref<2000xi32, #tpu.memory_space<hbm>>
        %dma_start3A_517 = tpu.memref_slice %arg3[%multiple_of3A] : memref<320000xi32, #tpu.memory_space<hbm>> -> memref<2000xi32, #tpu.memory_space<hbm>>
        tpu.enqueue_dma source(%dma_start3A_517 : memref<2000xi32, #tpu.memory_space<hbm>>) target(%arg12 : memref<2000xi32, #tpu.memory_space<vmem>>) target_semaphore(%run_scoped3A : memref<!tpu.dma_semaphore, #tpu.memory_space<semaphore_mem>>)
        %dma_wait3A = tpu.memref_slice %arg3[%multiple_of3A] : memref<320000xi32, #tpu.memory_space<hbm>> -> memref<2000xi32, #tpu.memory_space<hbm>>
        %dma_wait3A_518 = tpu.memref_slice %arg3[%multiple_of3A] : memref<320000xi32, #tpu.memory_space<hbm>> -> memref<2000xi32, #tpu.memory_space<hbm>>
        tpu.wait_dma2 semaphore(%run_scoped3A : memref<!tpu.dma_semaphore, #tpu.memory_space<semaphore_mem>>) src(%dma_wait3A_518 : memref<2000xi32, #tpu.memory_space<hbm>>) dst(%arg12 : memref<2000xi32, #tpu.memory_space<vmem>>)
        tpu.yield
      }) : () -> ()
      "tpu.region"() ({
        %run_scoped3A = tpu.sem_alloc : memref<!tpu.dma_semaphore, #tpu.memory_space<semaphore_mem>>
        %dma_start3A_516 = tpu.memref_slice %arg4[%multiple_of3A] : memref<320000xf32, #tpu.memory_space<hbm>> -> memref<2000xf32, #tpu.memory_space<hbm>>
        %dma_start3A_517 = tpu.memref_slice %arg4[%multiple_of3A] : memref<320000xf32, #tpu.memory_space<hbm>> -> memref<2000xf32, #tpu.memory_space<hbm>>
        tpu.enqueue_dma source(%dma_start3A_517 : memref<2000xf32, #tpu.memory_space<hbm>>) target(%arg13 : memref<2000xf32, #tpu.memory_space<vmem>>) target_semaphore(%run_scoped3A : memref<!tpu.dma_semaphore, #tpu.memory_space<semaphore_mem>>)
        %dma_wait3A = tpu.memref_slice %arg4[%multiple_of3A] : memref<320000xf32, #tpu.memory_space<hbm>> -> memref<2000xf32, #tpu.memory_space<hbm>>
        %dma_wait3A_518 = tpu.memref_slice %arg4[%multiple_of3A] : memref<320000xf32, #tpu.memory_space<hbm>> -> memref<2000xf32, #tpu.memory_space<hbm>>
        tpu.wait_dma2 semaphore(%run_scoped3A : memref<!tpu.dma_semaphore, #tpu.memory_space<semaphore_mem>>) src(%dma_wait3A_518 : memref<2000xf32, #tpu.memory_space<hbm>>) dst(%arg13 : memref<2000xf32, #tpu.memory_space<vmem>>)
        tpu.yield
      }) : () -> ()
      %scan3A_510 = arith.constant 0 : i32
      %scan3A_511 = arith.constant 125 : i32
      %scan3A_512 = arith.addi %scan3A_510, %scan3A_511 : i32
      %scan3A_513 = arith.constant 1 : i32
      %scan3A_514 = scf.for %scan3A_516 = %scan3A_510 to %scan3A_512 step %scan3A_513 iter_args(%scan3A_517 = %scan3A_504) -> (vector<16xi32>)  : i32 {
        %mul3A_518 = arith.constant 16 : i32
        %mul3A_519 = arith.muli %scan3A_516, %mul3A_518 : i32
        %get3A_520 = arith.index_cast %mul3A_519 : i32 to index
        %get3A_521 = tpu.vector_load %arg11[%get3A_520] {strides = array<i32>} : memref<2000xi32, #tpu.memory_space<vmem>>, vector<16xi32>,
        %mul3A_522 = arith.constant 16 : i32
        %mul3A_523 = arith.muli %scan3A_516, %mul3A_522 : i32
        %get3A_524 = arith.index_cast %mul3A_523 : i32 to index
        %get3A_525 = tpu.vector_load %arg12[%get3A_524] {strides = array<i32>} : memref<2000xi32, #tpu.memory_space<vmem>>, vector<16xi32>,
        %mul3A_526 = arith.constant 16 : i32
        %mul3A_527 = arith.muli %scan3A_516, %mul3A_526 : i32
        %get3A_528 = arith.index_cast %mul3A_527 : i32 to index
        %get3A_529 = tpu.vector_load %arg13[%get3A_528] {strides = array<i32>} : memref<2000xf32, #tpu.memory_space<vmem>>, vector<16xf32>,
        %lt3A_530 = arith.cmpf olt, %get3A_529, %get3A_14 : vector<16xf32>
        %shift_left3A = arith.constant 14 : i32
        %shift_left3A_531 = vector.broadcast %shift_left3A : i32 to vector<16xi32>
        %shift_left3A_532 = arith.shli %get3A_525, %shift_left3A_531 : vector<16xi32>
        %or3A = arith.ori %get3A_521, %shift_left3A_532 : vector<16xi32>
        %convert_element_type3A_533 = arith.extui %lt3A_530 : vector<16xi1> to vector<16xi32>
        %broadcast_in_dim3A_534 = arith.constant true
        %broadcast_in_dim3A_535 = vector.broadcast %broadcast_in_dim3A_534 : i1 to vector<16xi1>
        %masked_cumsum3A = tpu.scan <sum>, %convert_element_type3A_533 masked %broadcast_in_dim3A_535 : vector<16xi32>, vector<16xi1> -> vector<16xi32>
        %add3A_536 = arith.addi %scan3A_517, %masked_cumsum3A : vector<16xi32>
        tpu.vector_store_idx %arg10[%add3A_536], %or3A masked %lt3A_530 : memref<10112xi32, #tpu.memory_space<vmem>>[vector<16xi32>], vector<16xi32>, vector<16xi1>
        %all_reduce_population_count3A = tpu.all_reduce %lt3A_530 {dim = 0 : i64, kind = #tpu.reduction_kind<sum>} : vector<16xi1> -> vector<16xi32>
        %add3A_537 = arith.addi %scan3A_517, %all_reduce_population_count3A : vector<16xi32>
        scf.yield %add3A_537 : vector<16xi32>
      }
      %scan3A_515 = arith.constant 125 : i32
      scf.yield %scan3A_514 : vector<16xi32>
    }
    %scan3A_24 = arith.constant 5 : i32
    %slice3A = vector.extract_strided_slice %scan3A_23 {offsets = [0], sizes = [1], strides = [1]} : vector<16xi32> to vector<1xi32>
    %squeeze3A = vector.extract %slice3A[0] : i32 from vector<1xi32>
    %add3A_25 = arith.constant 1 : i32
    %add3A_26 = arith.addi %squeeze3A, %add3A_25 : i32
    %max3A = arith.constant 1 : i32
    %max3A_27 = arith.maxsi %add3A_26, %max3A : i32
    %add3A_28 = arith.constant 47 : i32
    %add3A_29 = arith.addi %max3A_27, %add3A_28 : i32
    %jit3A = arith.constant 48 : i32
    %div3A = arith.divsi %add3A_29, %jit3A : i32
    %sign3A = arith.constant 0 : i32
    %sign3A_30 = arith.cmpi sgt, %add3A_29, %sign3A : i32
    %sign3A_31 = arith.extui %sign3A_30 : i1 to i32
    %sign3A_32 = arith.constant 0 : i32
    %sign3A_33 = arith.cmpi slt, %add3A_29, %sign3A_32 : i32
    %sign3A_34 = arith.extui %sign3A_33 : i1 to i32
    %sign3A_35 = arith.subi %sign3A_31, %sign3A_34 : i32
    %sign3A_36 = arith.constant 0 : i32
    %sign3A_37 = arith.cmpi sgt, %jit3A, %sign3A_36 : i32
    %sign3A_38 = arith.extui %sign3A_37 : i1 to i32
    %sign3A_39 = arith.constant 0 : i32
    %sign3A_40 = arith.cmpi slt, %jit3A, %sign3A_39 : i32
    %sign3A_41 = arith.extui %sign3A_40 : i1 to i32
    %sign3A_42 = arith.subi %sign3A_38, %sign3A_41 : i32
    %ne3A = arith.cmpi ne, %sign3A_35, %sign3A_42 : i32
    %rem3A = arith.remsi %add3A_29, %jit3A : i32
    %ne3A_43 = arith.constant 0 : i32
    %ne3A_44 = arith.cmpi ne, %rem3A, %ne3A_43 : i32
    %and3A = arith.andi %ne3A, %ne3A_44 : i1
    %sub3A = arith.constant 1 : i32
    %sub3A_45 = arith.subi %div3A, %sub3A : i32
    %select_n3A = arith.select %and3A, %sub3A_45, %div3A : i32
    %mul3A_46 = arith.constant 48 : i32
    %mul3A_47 = arith.muli %select_n3A, %mul3A_46 : i32
    %add3A_48 = arith.constant 0 : i32
    %add3A_49 = arith.addi %add3A_26, %add3A_48 : i32
    %swap3A = arith.index_cast %add3A_49 : i32 to index
    %swap3A_50 = tpu.vector_load %arg10[%swap3A] {strides = array<i32>} : memref<10112xi32, #tpu.memory_space<vmem>>, vector<16xi32>,
    tpu.vector_store %arg10[%swap3A], %add3A_17 {strides = array<i32>} : memref<10112xi32, #tpu.memory_space<vmem>>, vector<16xi32>,
    %add3A_51 = arith.constant 16 : i32
    %add3A_52 = arith.addi %add3A_26, %add3A_51 : i32
    %swap3A_53 = arith.index_cast %add3A_52 : i32 to index
    %swap3A_54 = tpu.vector_load %arg10[%swap3A_53] {strides = array<i32>} : memref<10112xi32, #tpu.memory_space<vmem>>, vector<16xi32>,
    tpu.vector_store %arg10[%swap3A_53], %add3A_17 {strides = array<i32>} : memref<10112xi32, #tpu.memory_space<vmem>>, vector<16xi32>,
    %add3A_55 = arith.constant 32 : i32
    %add3A_56 = arith.addi %add3A_26, %add3A_55 : i32
    %swap3A_57 = arith.index_cast %add3A_56 : i32 to index
    %swap3A_58 = tpu.vector_load %arg10[%swap3A_57] {strides = array<i32>} : memref<10112xi32, #tpu.memory_space<vmem>>, vector<16xi32>,
    tpu.vector_store %arg10[%swap3A_57], %add3A_17 {strides = array<i32>} : memref<10112xi32, #tpu.memory_space<vmem>>, vector<16xi32>,
    %add3A_59 = arith.constant 48 : i32
    %add3A_60 = arith.addi %add3A_26, %add3A_59 : i32
    %swap3A_61 = arith.index_cast %add3A_60 : i32 to index
    %swap3A_62 = tpu.vector_load %arg10[%swap3A_61] {strides = array<i32>} : memref<10112xi32, #tpu.memory_space<vmem>>, vector<16xi32>,
    tpu.vector_store %arg10[%swap3A_61], %add3A_17 {strides = array<i32>} : memref<10112xi32, #tpu.memory_space<vmem>>, vector<16xi32>,
    %jit3A_63 = arith.constant 48 : i32
    %div3A_64 = arith.divsi %mul3A_47, %jit3A_63 : i32
    %sign3A_65 = arith.constant 0 : i32
    %sign3A_66 = arith.cmpi sgt, %mul3A_47, %sign3A_65 : i32
    %sign3A_67 = arith.extui %sign3A_66 : i1 to i32
    %sign3A_68 = arith.constant 0 : i32
    %sign3A_69 = arith.cmpi slt, %mul3A_47, %sign3A_68 : i32
    %sign3A_70 = arith.extui %sign3A_69 : i1 to i32
    %sign3A_71 = arith.subi %sign3A_67, %sign3A_70 : i32
    %sign3A_72 = arith.constant 0 : i32
    %sign3A_73 = arith.cmpi sgt, %jit3A_63, %sign3A_72 : i32
    %sign3A_74 = arith.extui %sign3A_73 : i1 to i32
    %sign3A_75 = arith.constant 0 : i32
    %sign3A_76 = arith.cmpi slt, %jit3A_63, %sign3A_75 : i32
    %sign3A_77 = arith.extui %sign3A_76 : i1 to i32
    %sign3A_78 = arith.subi %sign3A_74, %sign3A_77 : i32
    %ne3A_79 = arith.cmpi ne, %sign3A_71, %sign3A_78 : i32
    %rem3A_80 = arith.remsi %mul3A_47, %jit3A_63 : i32
    %ne3A_81 = arith.constant 0 : i32
    %ne3A_82 = arith.cmpi ne, %rem3A_80, %ne3A_81 : i32
    %and3A_83 = arith.andi %ne3A_79, %ne3A_82 : i1
    %sub3A_84 = arith.constant 1 : i32
    %sub3A_85 = arith.subi %div3A_64, %sub3A_84 : i32
    %select_n3A_86 = arith.select %and3A_83, %sub3A_85, %div3A_64 : i32
    %broadcast_in_dim3A_87 = arith.constant 1.000000e+00 : f32
    %broadcast_in_dim3A_88 = vector.broadcast %broadcast_in_dim3A_87 : f32 to vector<16xf32>
    %broadcast_in_dim3A_89 = arith.constant 0.000000e+00 : f32
    %broadcast_in_dim3A_90 = vector.broadcast %broadcast_in_dim3A_89 : f32 to vector<16xf32>
    %get3A_91 = arith.constant 0 : index
    %get3A_92 = tpu.vector_load %arg10[%get3A_91] {strides = array<i32>} : memref<10112xi32, #tpu.memory_space<vmem>>, vector<16xi32>,
    %and3A_93 = arith.constant 16383 : i32
    %and3A_94 = vector.broadcast %and3A_93 : i32 to vector<16xi32>
    %and3A_95 = arith.andi %get3A_92, %and3A_94 : vector<16xi32>
    %shift_right_logical3A = arith.constant 14 : i32
    %shift_right_logical3A_96 = vector.broadcast %shift_right_logical3A : i32 to vector<16xi32>
    %shift_right_logical3A_97 = arith.shrui %get3A_92, %shift_right_logical3A_96 : vector<16xi32>
    %swap3A_98 = arith.constant 0 : i32
    %swap3A_99 = arith.index_cast %swap3A_98 : i32 to index
    %swap3A_100 = arith.constant 0 : index
    %swap3A_101 = tpu.vector_load %arg15[%swap3A_99, %swap3A_100] {strides = array<i32>} : memref<2x48xi32, #tpu.memory_space<vmem>>, vector<16xi32>,
    tpu.vector_store %arg15[%swap3A_99, %swap3A_100], %shift_right_logical3A_97 {strides = array<i32>} : memref<2x48xi32, #tpu.memory_space<vmem>>, vector<16xi32>,
    %min3A = arith.constant 9999 : i32
    %min3A_102 = vector.broadcast %min3A : i32 to vector<16xi32>
    %min3A_103 = arith.minsi %and3A_95, %min3A_102 : vector<16xi32>
    %swap3A_104 = arith.constant 0 : i32
    %swap3A_105 = arith.index_cast %swap3A_104 : i32 to index
    %swap3A_106 = arith.constant 0 : index
    %swap3A_107 = tpu.vector_load %arg14[%swap3A_105, %swap3A_106] {strides = array<i32>} : memref<2x48xi32, #tpu.memory_space<vmem>>, vector<16xi32>,
    tpu.vector_store %arg14[%swap3A_105, %swap3A_106], %min3A_103 {strides = array<i32>} : memref<2x48xi32, #tpu.memory_space<vmem>>, vector<16xi32>,
    %get3A_108 = arith.constant 16 : index
    %get3A_109 = tpu.vector_load %arg10[%get3A_108] {strides = array<i32>} : memref<10112xi32, #tpu.memory_space<vmem>>, vector<16xi32>,
    %and3A_110 = arith.constant 16383 : i32
    %and3A_111 = vector.broadcast %and3A_110 : i32 to vector<16xi32>
    %and3A_112 = arith.andi %get3A_109, %and3A_111 : vector<16xi32>
    %shift_right_logical3A_113 = arith.constant 14 : i32
    %shift_right_logical3A_114 = vector.broadcast %shift_right_logical3A_113 : i32 to vector<16xi32>
    %shift_right_logical3A_115 = arith.shrui %get3A_109, %shift_right_logical3A_114 : vector<16xi32>
    %swap3A_116 = arith.constant 0 : i32
    %swap3A_117 = arith.index_cast %swap3A_116 : i32 to index
    %swap3A_118 = arith.constant 16 : index
    %swap3A_119 = tpu.vector_load %arg15[%swap3A_117, %swap3A_118] {strides = array<i32>} : memref<2x48xi32, #tpu.memory_space<vmem>>, vector<16xi32>,
    tpu.vector_store %arg15[%swap3A_117, %swap3A_118], %shift_right_logical3A_115 {strides = array<i32>} : memref<2x48xi32, #tpu.memory_space<vmem>>, vector<16xi32>,
    %min3A_120 = arith.constant 9999 : i32
    %min3A_121 = vector.broadcast %min3A_120 : i32 to vector<16xi32>
    %min3A_122 = arith.minsi %and3A_112, %min3A_121 : vector<16xi32>
    %swap3A_123 = arith.constant 0 : i32
    %swap3A_124 = arith.index_cast %swap3A_123 : i32 to index
    %swap3A_125 = arith.constant 16 : index
    %swap3A_126 = tpu.vector_load %arg14[%swap3A_124, %swap3A_125] {strides = array<i32>} : memref<2x48xi32, #tpu.memory_space<vmem>>, vector<16xi32>,
    tpu.vector_store %arg14[%swap3A_124, %swap3A_125], %min3A_122 {strides = array<i32>} : memref<2x48xi32, #tpu.memory_space<vmem>>, vector<16xi32>,
    %get3A_127 = arith.constant 32 : index
    %get3A_128 = tpu.vector_load %arg10[%get3A_127] {strides = array<i32>} : memref<10112xi32, #tpu.memory_space<vmem>>, vector<16xi32>,
    %and3A_129 = arith.constant 16383 : i32
    %and3A_130 = vector.broadcast %and3A_129 : i32 to vector<16xi32>
    %and3A_131 = arith.andi %get3A_128, %and3A_130 : vector<16xi32>
    %shift_right_logical3A_132 = arith.constant 14 : i32
    %shift_right_logical3A_133 = vector.broadcast %shift_right_logical3A_132 : i32 to vector<16xi32>
    %shift_right_logical3A_134 = arith.shrui %get3A_128, %shift_right_logical3A_133 : vector<16xi32>
    %swap3A_135 = arith.constant 0 : i32
    %swap3A_136 = arith.index_cast %swap3A_135 : i32 to index
    %swap3A_137 = arith.constant 32 : index
    %swap3A_138 = tpu.vector_load %arg15[%swap3A_136, %swap3A_137] {strides = array<i32>} : memref<2x48xi32, #tpu.memory_space<vmem>>, vector<16xi32>,
    tpu.vector_store %arg15[%swap3A_136, %swap3A_137], %shift_right_logical3A_134 {strides = array<i32>} : memref<2x48xi32, #tpu.memory_space<vmem>>, vector<16xi32>,
    %min3A_139 = arith.constant 9999 : i32
    %min3A_140 = vector.broadcast %min3A_139 : i32 to vector<16xi32>
    %min3A_141 = arith.minsi %and3A_131, %min3A_140 : vector<16xi32>
    %swap3A_142 = arith.constant 0 : i32
    %swap3A_143 = arith.index_cast %swap3A_142 : i32 to index
    %swap3A_144 = arith.constant 32 : index
    %swap3A_145 = tpu.vector_load %arg14[%swap3A_143, %swap3A_144] {strides = array<i32>} : memref<2x48xi32, #tpu.memory_space<vmem>>, vector<16xi32>,
    tpu.vector_store %arg14[%swap3A_143, %swap3A_144], %min3A_141 {strides = array<i32>} : memref<2x48xi32, #tpu.memory_space<vmem>>, vector<16xi32>,
    %get3A_146 = arith.constant 0 : index
    %get3A_147 = tpu.vector_load %arg10[%get3A_146] {strides = array<i32>} : memref<10112xi32, #tpu.memory_space<vmem>>, vector<16xi32>,
    %and3A_148 = arith.constant 16383 : i32
    %and3A_149 = vector.broadcast %and3A_148 : i32 to vector<16xi32>
    %and3A_150 = arith.andi %get3A_147, %and3A_149 : vector<16xi32>
    %swap3A_151 = arith.constant 0 : i32
    %swap3A_152 = arith.index_cast %swap3A_151 : i32 to index
    %swap3A_153 = arith.constant 0 : index
    %swap3A_154 = tpu.vector_load %arg16[%swap3A_152, %swap3A_153] {strides = array<i32>} : memref<2x48xi32, #tpu.memory_space<vmem>>, vector<16xi32>,
    tpu.vector_store %arg16[%swap3A_152, %swap3A_153], %and3A_150 {strides = array<i32>} : memref<2x48xi32, #tpu.memory_space<vmem>>, vector<16xi32>,
    %lt3A = arith.constant 10000 : i32
    %lt3A_155 = vector.broadcast %lt3A : i32 to vector<16xi32>
    %lt3A_156 = arith.cmpi slt, %and3A_150, %lt3A_155 : vector<16xi32>
    %shift_right_logical3A_157 = arith.constant 7 : i32
    %shift_right_logical3A_158 = vector.broadcast %shift_right_logical3A_157 : i32 to vector<16xi32>
    %shift_right_logical3A_159 = arith.shrui %and3A_150, %shift_right_logical3A_158 : vector<16xi32>
    %add3A_160 = arith.constant 10000 : i32
    %add3A_161 = vector.broadcast %add3A_160 : i32 to vector<16xi32>
    %add3A_162 = arith.addi %add3A_161, %shift_right_logical3A_159 : vector<16xi32>
    %add3A_163 = arith.constant 16 : i32
    %add3A_164 = vector.broadcast %add3A_163 : i32 to vector<16xi32>
    %add3A_165 = arith.addi %add3A_17, %add3A_164 : vector<16xi32>
    %select_n3A_166 = arith.select %lt3A_156, %add3A_162, %add3A_165 : vector<16xi1>, vector<16xi32>
    %swap3A_167 = arith.constant 0 : i32
    %swap3A_168 = arith.index_cast %swap3A_167 : i32 to index
    %swap3A_169 = arith.constant 0 : index
    %swap3A_170 = tpu.vector_load %arg17[%swap3A_168, %swap3A_169] {strides = array<i32>} : memref<2x48xi32, #tpu.memory_space<vmem>>, vector<16xi32>,
    tpu.vector_store %arg17[%swap3A_168, %swap3A_169], %select_n3A_166 {strides = array<i32>} : memref<2x48xi32, #tpu.memory_space<vmem>>, vector<16xi32>,
    %get3A_171 = arith.constant 16 : index
    %get3A_172 = tpu.vector_load %arg10[%get3A_171] {strides = array<i32>} : memref<10112xi32, #tpu.memory_space<vmem>>, vector<16xi32>,
    %and3A_173 = arith.constant 16383 : i32
    %and3A_174 = vector.broadcast %and3A_173 : i32 to vector<16xi32>
    %and3A_175 = arith.andi %get3A_172, %and3A_174 : vector<16xi32>
    %swap3A_176 = arith.constant 0 : i32
    %swap3A_177 = arith.index_cast %swap3A_176 : i32 to index
    %swap3A_178 = arith.constant 16 : index
    %swap3A_179 = tpu.vector_load %arg16[%swap3A_177, %swap3A_178] {strides = array<i32>} : memref<2x48xi32, #tpu.memory_space<vmem>>, vector<16xi32>,
    tpu.vector_store %arg16[%swap3A_177, %swap3A_178], %and3A_175 {strides = array<i32>} : memref<2x48xi32, #tpu.memory_space<vmem>>, vector<16xi32>,
    %lt3A_180 = arith.constant 10000 : i32
    %lt3A_181 = vector.broadcast %lt3A_180 : i32 to vector<16xi32>
    %lt3A_182 = arith.cmpi slt, %and3A_175, %lt3A_181 : vector<16xi32>
    %shift_right_logical3A_183 = arith.constant 7 : i32
    %shift_right_logical3A_184 = vector.broadcast %shift_right_logical3A_183 : i32 to vector<16xi32>
    %shift_right_logical3A_185 = arith.shrui %and3A_175, %shift_right_logical3A_184 : vector<16xi32>
    %add3A_186 = arith.constant 10000 : i32
    %add3A_187 = vector.broadcast %add3A_186 : i32 to vector<16xi32>
    %add3A_188 = arith.addi %add3A_187, %shift_right_logical3A_185 : vector<16xi32>
    %add3A_189 = arith.constant 16 : i32
    %add3A_190 = vector.broadcast %add3A_189 : i32 to vector<16xi32>
    %add3A_191 = arith.addi %add3A_17, %add3A_190 : vector<16xi32>
    %select_n3A_192 = arith.select %lt3A_182, %add3A_188, %add3A_191 : vector<16xi1>, vector<16xi32>
    %swap3A_193 = arith.constant 0 : i32
    %swap3A_194 = arith.index_cast %swap3A_193 : i32 to index
    %swap3A_195 = arith.constant 16 : index
    %swap3A_196 = tpu.vector_load %arg17[%swap3A_194, %swap3A_195] {strides = array<i32>} : memref<2x48xi32, #tpu.memory_space<vmem>>, vector<16xi32>,
    tpu.vector_store %arg17[%swap3A_194, %swap3A_195], %select_n3A_192 {strides = array<i32>} : memref<2x48xi32, #tpu.memory_space<vmem>>, vector<16xi32>,
    %get3A_197 = arith.constant 32 : index
    %get3A_198 = tpu.vector_load %arg10[%get3A_197] {strides = array<i32>} : memref<10112xi32, #tpu.memory_space<vmem>>, vector<16xi32>,
    %and3A_199 = arith.constant 16383 : i32
    %and3A_200 = vector.broadcast %and3A_199 : i32 to vector<16xi32>
    %and3A_201 = arith.andi %get3A_198, %and3A_200 : vector<16xi32>
    %swap3A_202 = arith.constant 0 : i32
    %swap3A_203 = arith.index_cast %swap3A_202 : i32 to index
    %swap3A_204 = arith.constant 32 : index
    %swap3A_205 = tpu.vector_load %arg16[%swap3A_203, %swap3A_204] {strides = array<i32>} : memref<2x48xi32, #tpu.memory_space<vmem>>, vector<16xi32>,
    tpu.vector_store %arg16[%swap3A_203, %swap3A_204], %and3A_201 {strides = array<i32>} : memref<2x48xi32, #tpu.memory_space<vmem>>, vector<16xi32>,
    %lt3A_206 = arith.constant 10000 : i32
    %lt3A_207 = vector.broadcast %lt3A_206 : i32 to vector<16xi32>
    %lt3A_208 = arith.cmpi slt, %and3A_201, %lt3A_207 : vector<16xi32>
    %shift_right_logical3A_209 = arith.constant 7 : i32
    %shift_right_logical3A_210 = vector.broadcast %shift_right_logical3A_209 : i32 to vector<16xi32>
    %shift_right_logical3A_211 = arith.shrui %and3A_201, %shift_right_logical3A_210 : vector<16xi32>
    %add3A_212 = arith.constant 10000 : i32
    %add3A_213 = vector.broadcast %add3A_212 : i32 to vector<16xi32>
    %add3A_214 = arith.addi %add3A_213, %shift_right_logical3A_211 : vector<16xi32>
    %add3A_215 = arith.constant 16 : i32
    %add3A_216 = vector.broadcast %add3A_215 : i32 to vector<16xi32>
    %add3A_217 = arith.addi %add3A_17, %add3A_216 : vector<16xi32>
    %select_n3A_218 = arith.select %lt3A_208, %add3A_214, %add3A_217 : vector<16xi1>, vector<16xi32>
    %swap3A_219 = arith.constant 0 : i32
    %swap3A_220 = arith.index_cast %swap3A_219 : i32 to index
    %swap3A_221 = arith.constant 32 : index
    %swap3A_222 = tpu.vector_load %arg17[%swap3A_220, %swap3A_221] {strides = array<i32>} : memref<2x48xi32, #tpu.memory_space<vmem>>, vector<16xi32>,
    tpu.vector_store %arg17[%swap3A_220, %swap3A_221], %select_n3A_218 {strides = array<i32>} : memref<2x48xi32, #tpu.memory_space<vmem>>, vector<16xi32>,
    %dma_start3A = arith.constant 0 : i32
    %dma_start3A_223 = arith.constant 0 : i32
    %dma_start3A_224 = tpu.memref_slice %arg14[%dma_start3A, %dma_start3A_223] : memref<2x48xi32, #tpu.memory_space<vmem>> -> memref<1x48xi32, #tpu.memory_space<vmem>>
    %dma_start3A_225 = tpu.memref_squeeze %dma_start3A_224 : memref<1x48xi32, #tpu.memory_space<vmem>> -> memref<48xi32, #tpu.memory_space<vmem>>
    %dma_start3A_226 = arith.constant 0 : i32
    %dma_start3A_227 = arith.constant 0 : i32
    %dma_start3A_228 = tpu.memref_slice %arg6[%dma_start3A_226, %dma_start3A_227] : memref<10000x128xf32, #tpu.memory_space<hbm>> -> memref<10000x128xf32, #tpu.memory_space<hbm>>
    tpu.enqueue_indirect_dma source(%dma_start3A_228 : memref<10000x128xf32, #tpu.memory_space<hbm>>) target(%arg19 : memref<48x128xf32, #tpu.memory_space<vmem>>) offsets(%dma_start3A_225 : memref<48xi32, #tpu.memory_space<vmem>>) semaphore(%arg24 : memref<!tpu.dma_semaphore, #tpu.memory_space<semaphore_mem>>)
    %dma_start3A_229 = arith.constant 0 : i32
    %dma_start3A_230 = arith.constant 0 : i32
    %dma_start3A_231 = tpu.memref_slice %arg15[%dma_start3A_229, %dma_start3A_230] : memref<2x48xi32, #tpu.memory_space<vmem>> -> memref<1x48xi32, #tpu.memory_space<vmem>>
    %dma_start3A_232 = tpu.memref_squeeze %dma_start3A_231 : memref<1x48xi32, #tpu.memory_space<vmem>> -> memref<48xi32, #tpu.memory_space<vmem>>
    %dma_start3A_233 = arith.constant 0 : i32
    %dma_start3A_234 = arith.constant 0 : i32
    %dma_start3A_235 = tpu.memref_slice %arg7[%dma_start3A_233, %dma_start3A_234] : memref<10000x128xf32, #tpu.memory_space<hbm>> -> memref<10000x128xf32, #tpu.memory_space<hbm>>
    tpu.enqueue_indirect_dma source(%dma_start3A_235 : memref<10000x128xf32, #tpu.memory_space<hbm>>) target(%arg21 : memref<48x128xf32, #tpu.memory_space<vmem>>) offsets(%dma_start3A_232 : memref<48xi32, #tpu.memory_space<vmem>>) semaphore(%arg24 : memref<!tpu.dma_semaphore, #tpu.memory_space<semaphore_mem>>)
    %sub3A_236 = arith.constant 1 : i32
    %sub3A_237 = arith.subi %select_n3A_86, %sub3A_236 : i32
    %min3A_238 = arith.constant 1 : i32
    %min3A_239 = arith.minsi %min3A_238, %sub3A_237 : i32
    %mul3A_240 = arith.constant 48 : i32
    %mul3A_241 = arith.muli %min3A_239, %mul3A_240 : i32
    %add3A_242 = arith.constant 0 : i32
    %add3A_243 = arith.addi %mul3A_241, %add3A_242 : i32
    %get3A_244 = arith.index_cast %add3A_243 : i32 to index
    %get3A_245 = tpu.vector_load %arg10[%get3A_244] {strides = array<i32>} : memref<10112xi32, #tpu.memory_space<vmem>>, vector<16xi32>,
    %and3A_246 = arith.constant 16383 : i32
    %and3A_247 = vector.broadcast %and3A_246 : i32 to vector<16xi32>
    %and3A_248 = arith.andi %get3A_245, %and3A_247 : vector<16xi32>
    %shift_right_logical3A_249 = arith.constant 14 : i32
    %shift_right_logical3A_250 = vector.broadcast %shift_right_logical3A_249 : i32 to vector<16xi32>
    %shift_right_logical3A_251 = arith.shrui %get3A_245, %shift_right_logical3A_250 : vector<16xi32>
    %swap3A_252 = arith.constant 1 : i32
    %swap3A_253 = arith.index_cast %swap3A_252 : i32 to index
    %swap3A_254 = arith.constant 0 : index
    %swap3A_255 = tpu.vector_load %arg15[%swap3A_253, %swap3A_254] {strides = array<i32>} : memref<2x48xi32, #tpu.memory_space<vmem>>, vector<16xi32>,
    tpu.vector_store %arg15[%swap3A_253, %swap3A_254], %shift_right_logical3A_251 {strides = array<i32>} : memref<2x48xi32, #tpu.memory_space<vmem>>, vector<16xi32>,
    %min3A_256 = arith.constant 9999 : i32
    %min3A_257 = vector.broadcast %min3A_256 : i32 to vector<16xi32>
    %min3A_258 = arith.minsi %and3A_248, %min3A_257 : vector<16xi32>
    %swap3A_259 = arith.constant 1 : i32
    %swap3A_260 = arith.index_cast %swap3A_259 : i32 to index
    %swap3A_261 = arith.constant 0 : index
    %swap3A_262 = tpu.vector_load %arg14[%swap3A_260, %swap3A_261] {strides = array<i32>} : memref<2x48xi32, #tpu.memory_space<vmem>>, vector<16xi32>,
    tpu.vector_store %arg14[%swap3A_260, %swap3A_261], %min3A_258 {strides = array<i32>} : memref<2x48xi32, #tpu.memory_space<vmem>>, vector<16xi32>,
    %mul3A_263 = arith.constant 48 : i32
    %mul3A_264 = arith.muli %min3A_239, %mul3A_263 : i32
    %add3A_265 = arith.constant 16 : i32
    %add3A_266 = arith.addi %mul3A_264, %add3A_265 : i32
    %get3A_267 = arith.index_cast %add3A_266 : i32 to index
    %get3A_268 = tpu.vector_load %arg10[%get3A_267] {strides = array<i32>} : memref<10112xi32, #tpu.memory_space<vmem>>, vector<16xi32>,
    %and3A_269 = arith.constant 16383 : i32
    %and3A_270 = vector.broadcast %and3A_269 : i32 to vector<16xi32>
    %and3A_271 = arith.andi %get3A_268, %and3A_270 : vector<16xi32>
    %shift_right_logical3A_272 = arith.constant 14 : i32
    %shift_right_logical3A_273 = vector.broadcast %shift_right_logical3A_272 : i32 to vector<16xi32>
    %shift_right_logical3A_274 = arith.shrui %get3A_268, %shift_right_logical3A_273 : vector<16xi32>
    %swap3A_275 = arith.constant 1 : i32
    %swap3A_276 = arith.index_cast %swap3A_275 : i32 to index
    %swap3A_277 = arith.constant 16 : index
    %swap3A_278 = tpu.vector_load %arg15[%swap3A_276, %swap3A_277] {strides = array<i32>} : memref<2x48xi32, #tpu.memory_space<vmem>>, vector<16xi32>,
    tpu.vector_store %arg15[%swap3A_276, %swap3A_277], %shift_right_logical3A_274 {strides = array<i32>} : memref<2x48xi32, #tpu.memory_space<vmem>>, vector<16xi32>,
    %min3A_279 = arith.constant 9999 : i32
    %min3A_280 = vector.broadcast %min3A_279 : i32 to vector<16xi32>
    %min3A_281 = arith.minsi %and3A_271, %min3A_280 : vector<16xi32>
    %swap3A_282 = arith.constant 1 : i32
    %swap3A_283 = arith.index_cast %swap3A_282 : i32 to index
    %swap3A_284 = arith.constant 16 : index
    %swap3A_285 = tpu.vector_load %arg14[%swap3A_283, %swap3A_284] {strides = array<i32>} : memref<2x48xi32, #tpu.memory_space<vmem>>, vector<16xi32>,
    tpu.vector_store %arg14[%swap3A_283, %swap3A_284], %min3A_281 {strides = array<i32>} : memref<2x48xi32, #tpu.memory_space<vmem>>, vector<16xi32>,
    %mul3A_286 = arith.constant 48 : i32
    %mul3A_287 = arith.muli %min3A_239, %mul3A_286 : i32
    %add3A_288 = arith.constant 32 : i32
    %add3A_289 = arith.addi %mul3A_287, %add3A_288 : i32
    %get3A_290 = arith.index_cast %add3A_289 : i32 to index
    %get3A_291 = tpu.vector_load %arg10[%get3A_290] {strides = array<i32>} : memref<10112xi32, #tpu.memory_space<vmem>>, vector<16xi32>,
    %and3A_292 = arith.constant 16383 : i32
    %and3A_293 = vector.broadcast %and3A_292 : i32 to vector<16xi32>
    %and3A_294 = arith.andi %get3A_291, %and3A_293 : vector<16xi32>
    %shift_right_logical3A_295 = arith.constant 14 : i32
    %shift_right_logical3A_296 = vector.broadcast %shift_right_logical3A_295 : i32 to vector<16xi32>
    %shift_right_logical3A_297 = arith.shrui %get3A_291, %shift_right_logical3A_296 : vector<16xi32>
    %swap3A_298 = arith.constant 1 : i32
    %swap3A_299 = arith.index_cast %swap3A_298 : i32 to index
    %swap3A_300 = arith.constant 32 : index
    %swap3A_301 = tpu.vector_load %arg15[%swap3A_299, %swap3A_300] {strides = array<i32>} : memref<2x48xi32, #tpu.memory_space<vmem>>, vector<16xi32>,
    tpu.vector_store %arg15[%swap3A_299, %swap3A_300], %shift_right_logical3A_297 {strides = array<i32>} : memref<2x48xi32, #tpu.memory_space<vmem>>, vector<16xi32>,
    %min3A_302 = arith.constant 9999 : i32
    %min3A_303 = vector.broadcast %min3A_302 : i32 to vector<16xi32>
    %min3A_304 = arith.minsi %and3A_294, %min3A_303 : vector<16xi32>
    %swap3A_305 = arith.constant 1 : i32
    %swap3A_306 = arith.index_cast %swap3A_305 : i32 to index
    %swap3A_307 = arith.constant 32 : index
    %swap3A_308 = tpu.vector_load %arg14[%swap3A_306, %swap3A_307] {strides = array<i32>} : memref<2x48xi32, #tpu.memory_space<vmem>>, vector<16xi32>,
    tpu.vector_store %arg14[%swap3A_306, %swap3A_307], %min3A_304 {strides = array<i32>} : memref<2x48xi32, #tpu.memory_space<vmem>>, vector<16xi32>,
    %sub3A_309 = arith.constant 1 : i32
    %sub3A_310 = arith.subi %select_n3A_86, %sub3A_309 : i32
    %min3A_311 = arith.constant 1 : i32
    %min3A_312 = arith.minsi %min3A_311, %sub3A_310 : i32
    %mul3A_313 = arith.constant 48 : i32
    %mul3A_314 = arith.muli %min3A_312, %mul3A_313 : i32
    %add3A_315 = arith.constant 0 : i32
    %add3A_316 = arith.addi %mul3A_314, %add3A_315 : i32
    %get3A_317 = arith.index_cast %add3A_316 : i32 to index
    %get3A_318 = tpu.vector_load %arg10[%get3A_317] {strides = array<i32>} : memref<10112xi32, #tpu.memory_space<vmem>>, vector<16xi32>,
    %and3A_319 = arith.constant 16383 : i32
    %and3A_320 = vector.broadcast %and3A_319 : i32 to vector<16xi32>
    %and3A_321 = arith.andi %get3A_318, %and3A_320 : vector<16xi32>
    %swap3A_322 = arith.constant 1 : i32
    %swap3A_323 = arith.index_cast %swap3A_322 : i32 to index
    %swap3A_324 = arith.constant 0 : index
    %swap3A_325 = tpu.vector_load %arg16[%swap3A_323, %swap3A_324] {strides = array<i32>} : memref<2x48xi32, #tpu.memory_space<vmem>>, vector<16xi32>,
    tpu.vector_store %arg16[%swap3A_323, %swap3A_324], %and3A_321 {strides = array<i32>} : memref<2x48xi32, #tpu.memory_space<vmem>>, vector<16xi32>,
    %lt3A_326 = arith.constant 10000 : i32
    %lt3A_327 = vector.broadcast %lt3A_326 : i32 to vector<16xi32>
    %lt3A_328 = arith.cmpi slt, %and3A_321, %lt3A_327 : vector<16xi32>
    %shift_right_logical3A_329 = arith.constant 7 : i32
    %shift_right_logical3A_330 = vector.broadcast %shift_right_logical3A_329 : i32 to vector<16xi32>
    %shift_right_logical3A_331 = arith.shrui %and3A_321, %shift_right_logical3A_330 : vector<16xi32>
    %add3A_332 = arith.constant 10000 : i32
    %add3A_333 = vector.broadcast %add3A_332 : i32 to vector<16xi32>
    %add3A_334 = arith.addi %add3A_333, %shift_right_logical3A_331 : vector<16xi32>
    %add3A_335 = arith.constant 16 : i32
    %add3A_336 = vector.broadcast %add3A_335 : i32 to vector<16xi32>
    %add3A_337 = arith.addi %add3A_17, %add3A_336 : vector<16xi32>
    %select_n3A_338 = arith.select %lt3A_328, %add3A_334, %add3A_337 : vector<16xi1>, vector<16xi32>
    %swap3A_339 = arith.constant 1 : i32
    %swap3A_340 = arith.index_cast %swap3A_339 : i32 to index
    %swap3A_341 = arith.constant 0 : index
    %swap3A_342 = tpu.vector_load %arg17[%swap3A_340, %swap3A_341] {strides = array<i32>} : memref<2x48xi32, #tpu.memory_space<vmem>>, vector<16xi32>,
    tpu.vector_store %arg17[%swap3A_340, %swap3A_341], %select_n3A_338 {strides = array<i32>} : memref<2x48xi32, #tpu.memory_space<vmem>>, vector<16xi32>,
    %mul3A_343 = arith.constant 48 : i32
    %mul3A_344 = arith.muli %min3A_312, %mul3A_343 : i32
    %add3A_345 = arith.constant 16 : i32
    %add3A_346 = arith.addi %mul3A_344, %add3A_345 : i32
    %get3A_347 = arith.index_cast %add3A_346 : i32 to index
    %get3A_348 = tpu.vector_load %arg10[%get3A_347] {strides = array<i32>} : memref<10112xi32, #tpu.memory_space<vmem>>, vector<16xi32>,
    %and3A_349 = arith.constant 16383 : i32
    %and3A_350 = vector.broadcast %and3A_349 : i32 to vector<16xi32>
    %and3A_351 = arith.andi %get3A_348, %and3A_350 : vector<16xi32>
    %swap3A_352 = arith.constant 1 : i32
    %swap3A_353 = arith.index_cast %swap3A_352 : i32 to index
    %swap3A_354 = arith.constant 16 : index
    %swap3A_355 = tpu.vector_load %arg16[%swap3A_353, %swap3A_354] {strides = array<i32>} : memref<2x48xi32, #tpu.memory_space<vmem>>, vector<16xi32>,
    tpu.vector_store %arg16[%swap3A_353, %swap3A_354], %and3A_351 {strides = array<i32>} : memref<2x48xi32, #tpu.memory_space<vmem>>, vector<16xi32>,
    %lt3A_356 = arith.constant 10000 : i32
    %lt3A_357 = vector.broadcast %lt3A_356 : i32 to vector<16xi32>
    %lt3A_358 = arith.cmpi slt, %and3A_351, %lt3A_357 : vector<16xi32>
    %shift_right_logical3A_359 = arith.constant 7 : i32
    %shift_right_logical3A_360 = vector.broadcast %shift_right_logical3A_359 : i32 to vector<16xi32>
    %shift_right_logical3A_361 = arith.shrui %and3A_351, %shift_right_logical3A_360 : vector<16xi32>
    %add3A_362 = arith.constant 10000 : i32
    %add3A_363 = vector.broadcast %add3A_362 : i32 to vector<16xi32>
    %add3A_364 = arith.addi %add3A_363, %shift_right_logical3A_361 : vector<16xi32>
    %add3A_365 = arith.constant 16 : i32
    %add3A_366 = vector.broadcast %add3A_365 : i32 to vector<16xi32>
    %add3A_367 = arith.addi %add3A_17, %add3A_366 : vector<16xi32>
    %select_n3A_368 = arith.select %lt3A_358, %add3A_364, %add3A_367 : vector<16xi1>, vector<16xi32>
    %swap3A_369 = arith.constant 1 : i32
    %swap3A_370 = arith.index_cast %swap3A_369 : i32 to index
    %swap3A_371 = arith.constant 16 : index
    %swap3A_372 = tpu.vector_load %arg17[%swap3A_370, %swap3A_371] {strides = array<i32>} : memref<2x48xi32, #tpu.memory_space<vmem>>, vector<16xi32>,
    tpu.vector_store %arg17[%swap3A_370, %swap3A_371], %select_n3A_368 {strides = array<i32>} : memref<2x48xi32, #tpu.memory_space<vmem>>, vector<16xi32>,
    %mul3A_373 = arith.constant 48 : i32
    %mul3A_374 = arith.muli %min3A_312, %mul3A_373 : i32
    %add3A_375 = arith.constant 32 : i32
    %add3A_376 = arith.addi %mul3A_374, %add3A_375 : i32
    %get3A_377 = arith.index_cast %add3A_376 : i32 to index
    %get3A_378 = tpu.vector_load %arg10[%get3A_377] {strides = array<i32>} : memref<10112xi32, #tpu.memory_space<vmem>>, vector<16xi32>,
    %and3A_379 = arith.constant 16383 : i32
    %and3A_380 = vector.broadcast %and3A_379 : i32 to vector<16xi32>
    %and3A_381 = arith.andi %get3A_378, %and3A_380 : vector<16xi32>
    %swap3A_382 = arith.constant 1 : i32
    %swap3A_383 = arith.index_cast %swap3A_382 : i32 to index
    %swap3A_384 = arith.constant 32 : index
    %swap3A_385 = tpu.vector_load %arg16[%swap3A_383, %swap3A_384] {strides = array<i32>} : memref<2x48xi32, #tpu.memory_space<vmem>>, vector<16xi32>,
    tpu.vector_store %arg16[%swap3A_383, %swap3A_384], %and3A_381 {strides = array<i32>} : memref<2x48xi32, #tpu.memory_space<vmem>>, vector<16xi32>,
    %lt3A_386 = arith.constant 10000 : i32
    %lt3A_387 = vector.broadcast %lt3A_386 : i32 to vector<16xi32>
    %lt3A_388 = arith.cmpi slt, %and3A_381, %lt3A_387 : vector<16xi32>
    %shift_right_logical3A_389 = arith.constant 7 : i32
    %shift_right_logical3A_390 = vector.broadcast %shift_right_logical3A_389 : i32 to vector<16xi32>
    %shift_right_logical3A_391 = arith.shrui %and3A_381, %shift_right_logical3A_390 : vector<16xi32>
    %add3A_392 = arith.constant 10000 : i32
    %add3A_393 = vector.broadcast %add3A_392 : i32 to vector<16xi32>
    %add3A_394 = arith.addi %add3A_393, %shift_right_logical3A_391 : vector<16xi32>
    %add3A_395 = arith.constant 16 : i32
    %add3A_396 = vector.broadcast %add3A_395 : i32 to vector<16xi32>
    %add3A_397 = arith.addi %add3A_17, %add3A_396 : vector<16xi32>
    %select_n3A_398 = arith.select %lt3A_388, %add3A_394, %add3A_397 : vector<16xi1>, vector<16xi32>
    %swap3A_399 = arith.constant 1 : i32
    %swap3A_400 = arith.index_cast %swap3A_399 : i32 to index
    %swap3A_401 = arith.constant 32 : index
    %swap3A_402 = tpu.vector_load %arg17[%swap3A_400, %swap3A_401] {strides = array<i32>} : memref<2x48xi32, #tpu.memory_space<vmem>>, vector<16xi32>,
    tpu.vector_store %arg17[%swap3A_400, %swap3A_401], %select_n3A_398 {strides = array<i32>} : memref<2x48xi32, #tpu.memory_space<vmem>>, vector<16xi32>,
    %jit3A_403 = arith.constant 2 : i32
    %div3A_404 = arith.divsi %select_n3A_86, %jit3A_403 : i32
    %sign3A_405 = arith.constant 0 : i32
    %sign3A_406 = arith.cmpi sgt, %select_n3A_86, %sign3A_405 : i32
    %sign3A_407 = arith.extui %sign3A_406 : i1 to i32
    %sign3A_408 = arith.constant 0 : i32
    %sign3A_409 = arith.cmpi slt, %select_n3A_86, %sign3A_408 : i32
    %sign3A_410 = arith.extui %sign3A_409 : i1 to i32
    %sign3A_411 = arith.subi %sign3A_407, %sign3A_410 : i32
    %sign3A_412 = arith.constant 0 : i32
    %sign3A_413 = arith.cmpi sgt, %jit3A_403, %sign3A_412 : i32
    %sign3A_414 = arith.extui %sign3A_413 : i1 to i32
    %sign3A_415 = arith.constant 0 : i32
    %sign3A_416 = arith.cmpi slt, %jit3A_403, %sign3A_415 : i32
    %sign3A_417 = arith.extui %sign3A_416 : i1 to i32
    %sign3A_418 = arith.subi %sign3A_414, %sign3A_417 : i32
    %ne3A_419 = arith.cmpi ne, %sign3A_411, %sign3A_418 : i32
    %rem3A_420 = arith.remsi %select_n3A_86, %jit3A_403 : i32
    %ne3A_421 = arith.constant 0 : i32
    %ne3A_422 = arith.cmpi ne, %rem3A_420, %ne3A_421 : i32
    %and3A_423 = arith.andi %ne3A_419, %ne3A_422 : i1
    %sub3A_424 = arith.constant 1 : i32
    %sub3A_425 = arith.subi %div3A_404, %sub3A_424 : i32
    %select_n3A_426 = arith.select %and3A_423, %sub3A_425, %div3A_404 : i32
    %while3A = arith.constant 0 : i32
    %while3A_427 = arith.constant 0 : i32
    %while3A_428 = arith.subi %select_n3A_426, %while3A_427 : i32
    %while3A_429 = arith.addi %while3A_427, %while3A_428 : i32
    %while3A_430 = arith.constant 1 : i32
    %while3A_431 = arith.divsi %while3A_428, %while3A_430 : i32
    %while3A_432 = arith.muli %while3A_431, %while3A_430 : i32
    %while3A_433 = arith.addi %while3A_427, %while3A_432 : i32
    %while3A_434 = arith.constant 1 : i32
    scf.for %while3A_503 = %while3A_427 to %while3A_433 step %while3A_434  : i32 {
      %mul3A_504 = arith.constant 2 : i32
      %mul3A_505 = arith.muli %mul3A_504, %while3A_503 : i32
      %dma_wait3A = arith.constant 0 : i32
      %dma_wait3A_506 = arith.constant 0 : i32
      %dma_wait3A_507 = tpu.memref_slice %arg14[%dma_wait3A, %dma_wait3A_506] : memref<2x48xi32, #tpu.memory_space<vmem>> -> memref<1x48xi32, #tpu.memory_space<vmem>>
      %dma_wait3A_508 = tpu.memref_squeeze %dma_wait3A_507 : memref<1x48xi32, #tpu.memory_space<vmem>> -> memref<48xi32, #tpu.memory_space<vmem>>
      %dma_wait3A_509 = arith.constant 0 : i32
      %dma_wait3A_510 = arith.constant 0 : i32
      %dma_wait3A_511 = tpu.memref_slice %arg6[%dma_wait3A_509, %dma_wait3A_510] : memref<10000x128xf32, #tpu.memory_space<hbm>> -> memref<10000x128xf32, #tpu.memory_space<hbm>>
      tpu.wait_indirect_dma semaphore(%arg24 : memref<!tpu.dma_semaphore, #tpu.memory_space<semaphore_mem>>) src(%dma_wait3A_511 : memref<10000x128xf32, #tpu.memory_space<hbm>>) dst(%arg19 : memref<48x128xf32, #tpu.memory_space<vmem>>)
      %dma_wait3A_512 = arith.constant 0 : i32
      %dma_wait3A_513 = arith.constant 0 : i32
      %dma_wait3A_514 = tpu.memref_slice %arg15[%dma_wait3A_512, %dma_wait3A_513] : memref<2x48xi32, #tpu.memory_space<vmem>> -> memref<1x48xi32, #tpu.memory_space<vmem>>
      %dma_wait3A_515 = tpu.memref_squeeze %dma_wait3A_514 : memref<1x48xi32, #tpu.memory_space<vmem>> -> memref<48xi32, #tpu.memory_space<vmem>>
      %dma_wait3A_516 = arith.constant 0 : i32
      %dma_wait3A_517 = arith.constant 0 : i32
      %dma_wait3A_518 = tpu.memref_slice %arg7[%dma_wait3A_516, %dma_wait3A_517] : memref<10000x128xf32, #tpu.memory_space<hbm>> -> memref<10000x128xf32, #tpu.memory_space<hbm>>
      tpu.wait_indirect_dma semaphore(%arg24 : memref<!tpu.dma_semaphore, #tpu.memory_space<semaphore_mem>>) src(%dma_wait3A_518 : memref<10000x128xf32, #tpu.memory_space<hbm>>) dst(%arg21 : memref<48x128xf32, #tpu.memory_space<vmem>>)
      %ge3A = arith.constant 1 : i32
      %ge3A_519 = arith.cmpi sge, %mul3A_505, %ge3A : i32
      %convert_element_type3A_520 = arith.extui %ge3A_519 : i1 to i32
      %cond3A_521 = arith.constant 0 : i32
      %cond3A_522 = arith.cmpi ne, %convert_element_type3A_520, %cond3A_521 : i32
      scf.if %cond3A_522 {
        %dma_wait3A_822 = arith.constant 1 : i32
        %dma_wait3A_823 = arith.constant 0 : i32
        %dma_wait3A_824 = tpu.memref_slice %arg16[%dma_wait3A_822, %dma_wait3A_823] : memref<2x48xi32, #tpu.memory_space<vmem>> -> memref<1x48xi32, #tpu.memory_space<vmem>>
        %dma_wait3A_825 = tpu.memref_squeeze %dma_wait3A_824 : memref<1x48xi32, #tpu.memory_space<vmem>> -> memref<48xi32, #tpu.memory_space<vmem>>
        %dma_wait3A_826 = arith.constant 0 : i32
        %dma_wait3A_827 = arith.constant 0 : i32
        %dma_wait3A_828 = tpu.memref_slice %arg9[%dma_wait3A_826, %dma_wait3A_827] : memref<10240x128xf32, #tpu.memory_space<vmem_shared>> -> memref<10240x128xf32, #tpu.memory_space<vmem_shared>>
        tpu.wait_indirect_dma semaphore(%arg27 : memref<!tpu.dma_semaphore, #tpu.memory_space<semaphore_mem>>) src(%arg20 : memref<48x128xf32, #tpu.memory_space<vmem>>) dst(%dma_wait3A_828 : memref<10240x128xf32, #tpu.memory_space<vmem_shared>>)
        %dma_wait3A_829 = arith.constant 1 : i32
        %dma_wait3A_830 = arith.constant 0 : i32
        %dma_wait3A_831 = tpu.memref_slice %arg17[%dma_wait3A_829, %dma_wait3A_830] : memref<2x48xi32, #tpu.memory_space<vmem>> -> memref<1x48xi32, #tpu.memory_space<vmem>>
        %dma_wait3A_832 = tpu.memref_squeeze %dma_wait3A_831 : memref<1x48xi32, #tpu.memory_space<vmem>> -> memref<48xi32, #tpu.memory_space<vmem>>
        %dma_wait3A_833 = arith.constant 0 : i32
        %dma_wait3A_834 = arith.constant 0 : i32
        %dma_wait3A_835 = tpu.memref_slice %arg9[%dma_wait3A_833, %dma_wait3A_834] : memref<10240x128xf32, #tpu.memory_space<vmem_shared>> -> memref<10240x128xf32, #tpu.memory_space<vmem_shared>>
        tpu.wait_indirect_dma semaphore(%arg27 : memref<!tpu.dma_semaphore, #tpu.memory_space<semaphore_mem>>) src(%arg23 : memref<48x128xf32, #tpu.memory_space<vmem>>) dst(%dma_wait3A_835 : memref<10240x128xf32, #tpu.memory_space<vmem_shared>>)
        %add3A_836 = arith.constant 0 : i32
        %add3A_837 = vector.broadcast %add3A_836 : i32 to vector<16xi32>
        %add3A_838 = arith.addi %add3A_837, %iota3A : vector<16xi32>
        %get3A_839 = arith.constant 1 : i32
        %get3A_840 = arith.index_cast %get3A_839 : i32 to index
        %get3A_841 = arith.constant 0 : index
        %get3A_842 = tpu.vector_load %arg16[%get3A_840, %get3A_841] {strides = array<i32>} : memref<2x48xi32, #tpu.memory_space<vmem>>, vector<16xi32>,
        %and3A_843 = arith.constant 127 : i32
        %and3A_844 = vector.broadcast %and3A_843 : i32 to vector<16xi32>
        %and3A_845 = arith.andi %get3A_842, %and3A_844 : vector<16xi32>
        tpu.vector_store_idx %arg23[%add3A_838, %and3A_845], %broadcast_in_dim3A_90 : memref<48x128xf32, #tpu.memory_space<vmem>>[vector<16xi32>, vector<16xi32>], vector<16xf32>,
        %add3A_846 = arith.constant 16 : i32
        %add3A_847 = vector.broadcast %add3A_846 : i32 to vector<16xi32>
        %add3A_848 = arith.addi %add3A_847, %iota3A : vector<16xi32>
        %get3A_849 = arith.constant 1 : i32
        %get3A_850 = arith.index_cast %get3A_849 : i32 to index
        %get3A_851 = arith.constant 16 : index
        %get3A_852 = tpu.vector_load %arg16[%get3A_850, %get3A_851] {strides = array<i32>} : memref<2x48xi32, #tpu.memory_space<vmem>>, vector<16xi32>,
        %and3A_853 = arith.constant 127 : i32
        %and3A_854 = vector.broadcast %and3A_853 : i32 to vector<16xi32>
        %and3A_855 = arith.andi %get3A_852, %and3A_854 : vector<16xi32>
        tpu.vector_store_idx %arg23[%add3A_848, %and3A_855], %broadcast_in_dim3A_90 : memref<48x128xf32, #tpu.memory_space<vmem>>[vector<16xi32>, vector<16xi32>], vector<16xf32>,
        %add3A_856 = arith.constant 32 : i32
        %add3A_857 = vector.broadcast %add3A_856 : i32 to vector<16xi32>
        %add3A_858 = arith.addi %add3A_857, %iota3A : vector<16xi32>
        %get3A_859 = arith.constant 1 : i32
        %get3A_860 = arith.index_cast %get3A_859 : i32 to index
        %get3A_861 = arith.constant 32 : index
        %get3A_862 = tpu.vector_load %arg16[%get3A_860, %get3A_861] {strides = array<i32>} : memref<2x48xi32, #tpu.memory_space<vmem>>, vector<16xi32>,
        %and3A_863 = arith.constant 127 : i32
        %and3A_864 = vector.broadcast %and3A_863 : i32 to vector<16xi32>
        %and3A_865 = arith.andi %get3A_862, %and3A_864 : vector<16xi32>
        tpu.vector_store_idx %arg23[%add3A_858, %and3A_865], %broadcast_in_dim3A_90 : memref<48x128xf32, #tpu.memory_space<vmem>>[vector<16xi32>, vector<16xi32>], vector<16xf32>,
        %add3A_866 = arith.constant 1 : i32
        %add3A_867 = arith.addi %mul3A_505, %add3A_866 : i32
        %sub3A_868 = arith.constant 1 : i32
        %sub3A_869 = arith.subi %select_n3A_86, %sub3A_868 : i32
        %min3A_870 = arith.minsi %add3A_867, %sub3A_869 : i32
        %mul3A_871 = arith.constant 48 : i32
        %mul3A_872 = arith.muli %min3A_870, %mul3A_871 : i32
        %add3A_873 = arith.constant 0 : i32
        %add3A_874 = arith.addi %mul3A_872, %add3A_873 : i32
        %get3A_875 = arith.index_cast %add3A_874 : i32 to index
        %get3A_876 = tpu.vector_load %arg10[%get3A_875] {strides = array<i32>} : memref<10112xi32, #tpu.memory_space<vmem>>, vector<16xi32>,
        %and3A_877 = arith.constant 16383 : i32
        %and3A_878 = vector.broadcast %and3A_877 : i32 to vector<16xi32>
        %and3A_879 = arith.andi %get3A_876, %and3A_878 : vector<16xi32>
        %swap3A_880 = arith.constant 1 : i32
        %swap3A_881 = arith.index_cast %swap3A_880 : i32 to index
        %swap3A_882 = arith.constant 0 : index
        %swap3A_883 = tpu.vector_load %arg16[%swap3A_881, %swap3A_882] {strides = array<i32>} : memref<2x48xi32, #tpu.memory_space<vmem>>, vector<16xi32>,
        tpu.vector_store %arg16[%swap3A_881, %swap3A_882], %and3A_879 {strides = array<i32>} : memref<2x48xi32, #tpu.memory_space<vmem>>, vector<16xi32>,
        %lt3A_884 = arith.constant 10000 : i32
        %lt3A_885 = vector.broadcast %lt3A_884 : i32 to vector<16xi32>
        %lt3A_886 = arith.cmpi slt, %and3A_879, %lt3A_885 : vector<16xi32>
        %shift_right_logical3A_887 = arith.constant 7 : i32
        %shift_right_logical3A_888 = vector.broadcast %shift_right_logical3A_887 : i32 to vector<16xi32>
        %shift_right_logical3A_889 = arith.shrui %and3A_879, %shift_right_logical3A_888 : vector<16xi32>
        %add3A_890 = arith.constant 10000 : i32
        %add3A_891 = vector.broadcast %add3A_890 : i32 to vector<16xi32>
        %add3A_892 = arith.addi %add3A_891, %shift_right_logical3A_889 : vector<16xi32>
        %add3A_893 = arith.constant 16 : i32
        %add3A_894 = vector.broadcast %add3A_893 : i32 to vector<16xi32>
        %add3A_895 = arith.addi %add3A_17, %add3A_894 : vector<16xi32>
        %select_n3A_896 = arith.select %lt3A_886, %add3A_892, %add3A_895 : vector<16xi1>, vector<16xi32>
        %swap3A_897 = arith.constant 1 : i32
        %swap3A_898 = arith.index_cast %swap3A_897 : i32 to index
        %swap3A_899 = arith.constant 0 : index
        %swap3A_900 = tpu.vector_load %arg17[%swap3A_898, %swap3A_899] {strides = array<i32>} : memref<2x48xi32, #tpu.memory_space<vmem>>, vector<16xi32>,
        tpu.vector_store %arg17[%swap3A_898, %swap3A_899], %select_n3A_896 {strides = array<i32>} : memref<2x48xi32, #tpu.memory_space<vmem>>, vector<16xi32>,
        %mul3A_901 = arith.constant 48 : i32
        %mul3A_902 = arith.muli %min3A_870, %mul3A_901 : i32
        %add3A_903 = arith.constant 16 : i32
        %add3A_904 = arith.addi %mul3A_902, %add3A_903 : i32
        %get3A_905 = arith.index_cast %add3A_904 : i32 to index
        %get3A_906 = tpu.vector_load %arg10[%get3A_905] {strides = array<i32>} : memref<10112xi32, #tpu.memory_space<vmem>>, vector<16xi32>,
        %and3A_907 = arith.constant 16383 : i32
        %and3A_908 = vector.broadcast %and3A_907 : i32 to vector<16xi32>
        %and3A_909 = arith.andi %get3A_906, %and3A_908 : vector<16xi32>
        %swap3A_910 = arith.constant 1 : i32
        %swap3A_911 = arith.index_cast %swap3A_910 : i32 to index
        %swap3A_912 = arith.constant 16 : index
        %swap3A_913 = tpu.vector_load %arg16[%swap3A_911, %swap3A_912] {strides = array<i32>} : memref<2x48xi32, #tpu.memory_space<vmem>>, vector<16xi32>,
        tpu.vector_store %arg16[%swap3A_911, %swap3A_912], %and3A_909 {strides = array<i32>} : memref<2x48xi32, #tpu.memory_space<vmem>>, vector<16xi32>,
        %lt3A_914 = arith.constant 10000 : i32
        %lt3A_915 = vector.broadcast %lt3A_914 : i32 to vector<16xi32>
        %lt3A_916 = arith.cmpi slt, %and3A_909, %lt3A_915 : vector<16xi32>
        %shift_right_logical3A_917 = arith.constant 7 : i32
        %shift_right_logical3A_918 = vector.broadcast %shift_right_logical3A_917 : i32 to vector<16xi32>
        %shift_right_logical3A_919 = arith.shrui %and3A_909, %shift_right_logical3A_918 : vector<16xi32>
        %add3A_920 = arith.constant 10000 : i32
        %add3A_921 = vector.broadcast %add3A_920 : i32 to vector<16xi32>
        %add3A_922 = arith.addi %add3A_921, %shift_right_logical3A_919 : vector<16xi32>
        %add3A_923 = arith.constant 16 : i32
        %add3A_924 = vector.broadcast %add3A_923 : i32 to vector<16xi32>
        %add3A_925 = arith.addi %add3A_17, %add3A_924 : vector<16xi32>
        %select_n3A_926 = arith.select %lt3A_916, %add3A_922, %add3A_925 : vector<16xi1>, vector<16xi32>
        %swap3A_927 = arith.constant 1 : i32
        %swap3A_928 = arith.index_cast %swap3A_927 : i32 to index
        %swap3A_929 = arith.constant 16 : index
        %swap3A_930 = tpu.vector_load %arg17[%swap3A_928, %swap3A_929] {strides = array<i32>} : memref<2x48xi32, #tpu.memory_space<vmem>>, vector<16xi32>,
        tpu.vector_store %arg17[%swap3A_928, %swap3A_929], %select_n3A_926 {strides = array<i32>} : memref<2x48xi32, #tpu.memory_space<vmem>>, vector<16xi32>,
        %mul3A_931 = arith.constant 48 : i32
        %mul3A_932 = arith.muli %min3A_870, %mul3A_931 : i32
        %add3A_933 = arith.constant 32 : i32
        %add3A_934 = arith.addi %mul3A_932, %add3A_933 : i32
        %get3A_935 = arith.index_cast %add3A_934 : i32 to index
        %get3A_936 = tpu.vector_load %arg10[%get3A_935] {strides = array<i32>} : memref<10112xi32, #tpu.memory_space<vmem>>, vector<16xi32>,
        %and3A_937 = arith.constant 16383 : i32
        %and3A_938 = vector.broadcast %and3A_937 : i32 to vector<16xi32>
        %and3A_939 = arith.andi %get3A_936, %and3A_938 : vector<16xi32>
        %swap3A_940 = arith.constant 1 : i32
        %swap3A_941 = arith.index_cast %swap3A_940 : i32 to index
        %swap3A_942 = arith.constant 32 : index
        %swap3A_943 = tpu.vector_load %arg16[%swap3A_941, %swap3A_942] {strides = array<i32>} : memref<2x48xi32, #tpu.memory_space<vmem>>, vector<16xi32>,
        tpu.vector_store %arg16[%swap3A_941, %swap3A_942], %and3A_939 {strides = array<i32>} : memref<2x48xi32, #tpu.memory_space<vmem>>, vector<16xi32>,
        %lt3A_944 = arith.constant 10000 : i32
        %lt3A_945 = vector.broadcast %lt3A_944 : i32 to vector<16xi32>
        %lt3A_946 = arith.cmpi slt, %and3A_939, %lt3A_945 : vector<16xi32>
        %shift_right_logical3A_947 = arith.constant 7 : i32
        %shift_right_logical3A_948 = vector.broadcast %shift_right_logical3A_947 : i32 to vector<16xi32>
        %shift_right_logical3A_949 = arith.shrui %and3A_939, %shift_right_logical3A_948 : vector<16xi32>
        %add3A_950 = arith.constant 10000 : i32
        %add3A_951 = vector.broadcast %add3A_950 : i32 to vector<16xi32>
        %add3A_952 = arith.addi %add3A_951, %shift_right_logical3A_949 : vector<16xi32>
        %add3A_953 = arith.constant 16 : i32
        %add3A_954 = vector.broadcast %add3A_953 : i32 to vector<16xi32>
        %add3A_955 = arith.addi %add3A_17, %add3A_954 : vector<16xi32>
        %select_n3A_956 = arith.select %lt3A_946, %add3A_952, %add3A_955 : vector<16xi1>, vector<16xi32>
        %swap3A_957 = arith.constant 1 : i32
        %swap3A_958 = arith.index_cast %swap3A_957 : i32 to index
        %swap3A_959 = arith.constant 32 : index
        %swap3A_960 = tpu.vector_load %arg17[%swap3A_958, %swap3A_959] {strides = array<i32>} : memref<2x48xi32, #tpu.memory_space<vmem>>, vector<16xi32>,
        tpu.vector_store %arg17[%swap3A_958, %swap3A_959], %select_n3A_956 {strides = array<i32>} : memref<2x48xi32, #tpu.memory_space<vmem>>, vector<16xi32>,
      } else {
      }
      %dma_start3A_523 = arith.constant 1 : i32
      %dma_start3A_524 = arith.constant 0 : i32
      %dma_start3A_525 = tpu.memref_slice %arg14[%dma_start3A_523, %dma_start3A_524] : memref<2x48xi32, #tpu.memory_space<vmem>> -> memref<1x48xi32, #tpu.memory_space<vmem>>
      %dma_start3A_526 = tpu.memref_squeeze %dma_start3A_525 : memref<1x48xi32, #tpu.memory_space<vmem>> -> memref<48xi32, #tpu.memory_space<vmem>>
      %dma_start3A_527 = arith.constant 0 : i32
      %dma_start3A_528 = arith.constant 0 : i32
      %dma_start3A_529 = tpu.memref_slice %arg6[%dma_start3A_527, %dma_start3A_528] : memref<10000x128xf32, #tpu.memory_space<hbm>> -> memref<10000x128xf32, #tpu.memory_space<hbm>>
      tpu.enqueue_indirect_dma source(%dma_start3A_529 : memref<10000x128xf32, #tpu.memory_space<hbm>>) target(%arg20 : memref<48x128xf32, #tpu.memory_space<vmem>>) offsets(%dma_start3A_526 : memref<48xi32, #tpu.memory_space<vmem>>) semaphore(%arg25 : memref<!tpu.dma_semaphore, #tpu.memory_space<semaphore_mem>>)
      %dma_start3A_530 = arith.constant 1 : i32
      %dma_start3A_531 = arith.constant 0 : i32
      %dma_start3A_532 = tpu.memref_slice %arg15[%dma_start3A_530, %dma_start3A_531] : memref<2x48xi32, #tpu.memory_space<vmem>> -> memref<1x48xi32, #tpu.memory_space<vmem>>
      %dma_start3A_533 = tpu.memref_squeeze %dma_start3A_532 : memref<1x48xi32, #tpu.memory_space<vmem>> -> memref<48xi32, #tpu.memory_space<vmem>>
      %dma_start3A_534 = arith.constant 0 : i32
      %dma_start3A_535 = arith.constant 0 : i32
      %dma_start3A_536 = tpu.memref_slice %arg7[%dma_start3A_534, %dma_start3A_535] : memref<10000x128xf32, #tpu.memory_space<hbm>> -> memref<10000x128xf32, #tpu.memory_space<hbm>>
      tpu.enqueue_indirect_dma source(%dma_start3A_536 : memref<10000x128xf32, #tpu.memory_space<hbm>>) target(%arg22 : memref<48x128xf32, #tpu.memory_space<vmem>>) offsets(%dma_start3A_533 : memref<48xi32, #tpu.memory_space<vmem>>) semaphore(%arg25 : memref<!tpu.dma_semaphore, #tpu.memory_space<semaphore_mem>>)
      %scan3A_537 = arith.constant 0 : i32
      %scan3A_538 = arith.constant 0 : i32
      %scan3A_539 = arith.constant 48 : i32
      %scan3A_540 = arith.addi %scan3A_538, %scan3A_539 : i32
      %scan3A_541 = arith.constant 1 : i32
      scf.for %scan3A_822 = %scan3A_538 to %scan3A_540 step %scan3A_541  : i32 {
        %get3A_823 = arith.index_cast %scan3A_822 : i32 to index
        %get3A_824 = arith.constant 0 : index
        %get3A_825 = tpu.vector_load %arg19[%get3A_823, %get3A_824] {strides = array<i32>} : memref<48x128xf32, #tpu.memory_space<vmem>>, vector<16xf32>,
        %get3A_826 = arith.index_cast %scan3A_822 : i32 to index
        %get3A_827 = arith.constant 0 : index
        %get3A_828 = tpu.vector_load %arg21[%get3A_826, %get3A_827] {strides = array<i32>} : memref<48x128xf32, #tpu.memory_space<vmem>>, vector<16xf32>,
        %add3A_829 = arith.addf %get3A_825, %get3A_828 : vector<16xf32>
        %neg3A = arith.constant 0.000000e+00 : f32
        %neg3A_830 = vector.broadcast %neg3A : f32 to vector<16xf32>
        %neg3A_831 = arith.subf %neg3A_830, %add3A_829 : vector<16xf32>
        %exp3A = math.exp %neg3A_831 : vector<16xf32>
        %add3A_832 = arith.constant 1.000000e+00 : f32
        %add3A_833 = vector.broadcast %add3A_832 : f32 to vector<16xf32>
        %add3A_834 = arith.addf %add3A_833, %exp3A : vector<16xf32>
        %div3A_835 = arith.divf %add3A_829, %add3A_834 : vector<16xf32>
        %swap3A_836 = arith.index_cast %scan3A_822 : i32 to index
        %swap3A_837 = arith.constant 0 : index
        %swap3A_838 = tpu.vector_load %arg19[%swap3A_836, %swap3A_837] {strides = array<i32>} : memref<48x128xf32, #tpu.memory_space<vmem>>, vector<16xf32>,
        tpu.vector_store %arg19[%swap3A_836, %swap3A_837], %div3A_835 {strides = array<i32>} : memref<48x128xf32, #tpu.memory_space<vmem>>, vector<16xf32>,
        %get3A_839 = arith.index_cast %scan3A_822 : i32 to index
        %get3A_840 = arith.constant 16 : index
        %get3A_841 = tpu.vector_load %arg19[%get3A_839, %get3A_840] {strides = array<i32>} : memref<48x128xf32, #tpu.memory_space<vmem>>, vector<16xf32>,
        %get3A_842 = arith.index_cast %scan3A_822 : i32 to index
        %get3A_843 = arith.constant 16 : index
        %get3A_844 = tpu.vector_load %arg21[%get3A_842, %get3A_843] {strides = array<i32>} : memref<48x128xf32, #tpu.memory_space<vmem>>, vector<16xf32>,
        %add3A_845 = arith.addf %get3A_841, %get3A_844 : vector<16xf32>
        %neg3A_846 = arith.constant 0.000000e+00 : f32
        %neg3A_847 = vector.broadcast %neg3A_846 : f32 to vector<16xf32>
        %neg3A_848 = arith.subf %neg3A_847, %add3A_845 : vector<16xf32>
        %exp3A_849 = math.exp %neg3A_848 : vector<16xf32>
        %add3A_850 = arith.constant 1.000000e+00 : f32
        %add3A_851 = vector.broadcast %add3A_850 : f32 to vector<16xf32>
        %add3A_852 = arith.addf %add3A_851, %exp3A_849 : vector<16xf32>
        %div3A_853 = arith.divf %add3A_845, %add3A_852 : vector<16xf32>
        %swap3A_854 = arith.index_cast %scan3A_822 : i32 to index
        %swap3A_855 = arith.constant 16 : index
        %swap3A_856 = tpu.vector_load %arg19[%swap3A_854, %swap3A_855] {strides = array<i32>} : memref<48x128xf32, #tpu.memory_space<vmem>>, vector<16xf32>,
        tpu.vector_store %arg19[%swap3A_854, %swap3A_855], %div3A_853 {strides = array<i32>} : memref<48x128xf32, #tpu.memory_space<vmem>>, vector<16xf32>,
        %get3A_857 = arith.index_cast %scan3A_822 : i32 to index
        %get3A_858 = arith.constant 32 : index
        %get3A_859 = tpu.vector_load %arg19[%get3A_857, %get3A_858] {strides = array<i32>} : memref<48x128xf32, #tpu.memory_space<vmem>>, vector<16xf32>,
        %get3A_860 = arith.index_cast %scan3A_822 : i32 to index
        %get3A_861 = arith.constant 32 : index
        %get3A_862 = tpu.vector_load %arg21[%get3A_860, %get3A_861] {strides = array<i32>} : memref<48x128xf32, #tpu.memory_space<vmem>>, vector<16xf32>,
        %add3A_863 = arith.addf %get3A_859, %get3A_862 : vector<16xf32>
        %neg3A_864 = arith.constant 0.000000e+00 : f32
        %neg3A_865 = vector.broadcast %neg3A_864 : f32 to vector<16xf32>
        %neg3A_866 = arith.subf %neg3A_865, %add3A_863 : vector<16xf32>
        %exp3A_867 = math.exp %neg3A_866 : vector<16xf32>
        %add3A_868 = arith.constant 1.000000e+00 : f32
        %add3A_869 = vector.broadcast %add3A_868 : f32 to vector<16xf32>
        %add3A_870 = arith.addf %add3A_869, %exp3A_867 : vector<16xf32>
        %div3A_871 = arith.divf %add3A_863, %add3A_870 : vector<16xf32>
        %swap3A_872 = arith.index_cast %scan3A_822 : i32 to index
        %swap3A_873 = arith.constant 32 : index
        %swap3A_874 = tpu.vector_load %arg19[%swap3A_872, %swap3A_873] {strides = array<i32>} : memref<48x128xf32, #tpu.memory_space<vmem>>, vector<16xf32>,
        tpu.vector_store %arg19[%swap3A_872, %swap3A_873], %div3A_871 {strides = array<i32>} : memref<48x128xf32, #tpu.memory_space<vmem>>, vector<16xf32>,
        %get3A_875 = arith.index_cast %scan3A_822 : i32 to index
        %get3A_876 = arith.constant 48 : index
        %get3A_877 = tpu.vector_load %arg19[%get3A_875, %get3A_876] {strides = array<i32>} : memref<48x128xf32, #tpu.memory_space<vmem>>, vector<16xf32>,
        %get3A_878 = arith.index_cast %scan3A_822 : i32 to index
        %get3A_879 = arith.constant 48 : index
        %get3A_880 = tpu.vector_load %arg21[%get3A_878, %get3A_879] {strides = array<i32>} : memref<48x128xf32, #tpu.memory_space<vmem>>, vector<16xf32>,
        %add3A_881 = arith.addf %get3A_877, %get3A_880 : vector<16xf32>
        %neg3A_882 = arith.constant 0.000000e+00 : f32
        %neg3A_883 = vector.broadcast %neg3A_882 : f32 to vector<16xf32>
        %neg3A_884 = arith.subf %neg3A_883, %add3A_881 : vector<16xf32>
        %exp3A_885 = math.exp %neg3A_884 : vector<16xf32>
        %add3A_886 = arith.constant 1.000000e+00 : f32
        %add3A_887 = vector.broadcast %add3A_886 : f32 to vector<16xf32>
        %add3A_888 = arith.addf %add3A_887, %exp3A_885 : vector<16xf32>
        %div3A_889 = arith.divf %add3A_881, %add3A_888 : vector<16xf32>
        %swap3A_890 = arith.index_cast %scan3A_822 : i32 to index
        %swap3A_891 = arith.constant 48 : index
        %swap3A_892 = tpu.vector_load %arg19[%swap3A_890, %swap3A_891] {strides = array<i32>} : memref<48x128xf32, #tpu.memory_space<vmem>>, vector<16xf32>,
        tpu.vector_store %arg19[%swap3A_890, %swap3A_891], %div3A_889 {strides = array<i32>} : memref<48x128xf32, #tpu.memory_space<vmem>>, vector<16xf32>,
        %get3A_893 = arith.index_cast %scan3A_822 : i32 to index
        %get3A_894 = arith.constant 64 : index
        %get3A_895 = tpu.vector_load %arg19[%get3A_893, %get3A_894] {strides = array<i32>} : memref<48x128xf32, #tpu.memory_space<vmem>>, vector<16xf32>,
        %get3A_896 = arith.index_cast %scan3A_822 : i32 to index
        %get3A_897 = arith.constant 64 : index
        %get3A_898 = tpu.vector_load %arg21[%get3A_896, %get3A_897] {strides = array<i32>} : memref<48x128xf32, #tpu.memory_space<vmem>>, vector<16xf32>,
        %add3A_899 = arith.addf %get3A_895, %get3A_898 : vector<16xf32>
        %neg3A_900 = arith.constant 0.000000e+00 : f32
        %neg3A_901 = vector.broadcast %neg3A_900 : f32 to vector<16xf32>
        %neg3A_902 = arith.subf %neg3A_901, %add3A_899 : vector<16xf32>
        %exp3A_903 = math.exp %neg3A_902 : vector<16xf32>
        %add3A_904 = arith.constant 1.000000e+00 : f32
        %add3A_905 = vector.broadcast %add3A_904 : f32 to vector<16xf32>
        %add3A_906 = arith.addf %add3A_905, %exp3A_903 : vector<16xf32>
        %div3A_907 = arith.divf %add3A_899, %add3A_906 : vector<16xf32>
        %swap3A_908 = arith.index_cast %scan3A_822 : i32 to index
        %swap3A_909 = arith.constant 64 : index
        %swap3A_910 = tpu.vector_load %arg19[%swap3A_908, %swap3A_909] {strides = array<i32>} : memref<48x128xf32, #tpu.memory_space<vmem>>, vector<16xf32>,
        tpu.vector_store %arg19[%swap3A_908, %swap3A_909], %div3A_907 {strides = array<i32>} : memref<48x128xf32, #tpu.memory_space<vmem>>, vector<16xf32>,
        %get3A_911 = arith.index_cast %scan3A_822 : i32 to index
        %get3A_912 = arith.constant 80 : index
        %get3A_913 = tpu.vector_load %arg19[%get3A_911, %get3A_912] {strides = array<i32>} : memref<48x128xf32, #tpu.memory_space<vmem>>, vector<16xf32>,
        %get3A_914 = arith.index_cast %scan3A_822 : i32 to index
        %get3A_915 = arith.constant 80 : index
        %get3A_916 = tpu.vector_load %arg21[%get3A_914, %get3A_915] {strides = array<i32>} : memref<48x128xf32, #tpu.memory_space<vmem>>, vector<16xf32>,
        %add3A_917 = arith.addf %get3A_913, %get3A_916 : vector<16xf32>
        %neg3A_918 = arith.constant 0.000000e+00 : f32
        %neg3A_919 = vector.broadcast %neg3A_918 : f32 to vector<16xf32>
        %neg3A_920 = arith.subf %neg3A_919, %add3A_917 : vector<16xf32>
        %exp3A_921 = math.exp %neg3A_920 : vector<16xf32>
        %add3A_922 = arith.constant 1.000000e+00 : f32
        %add3A_923 = vector.broadcast %add3A_922 : f32 to vector<16xf32>
        %add3A_924 = arith.addf %add3A_923, %exp3A_921 : vector<16xf32>
        %div3A_925 = arith.divf %add3A_917, %add3A_924 : vector<16xf32>
        %swap3A_926 = arith.index_cast %scan3A_822 : i32 to index
        %swap3A_927 = arith.constant 80 : index
        %swap3A_928 = tpu.vector_load %arg19[%swap3A_926, %swap3A_927] {strides = array<i32>} : memref<48x128xf32, #tpu.memory_space<vmem>>, vector<16xf32>,
        tpu.vector_store %arg19[%swap3A_926, %swap3A_927], %div3A_925 {strides = array<i32>} : memref<48x128xf32, #tpu.memory_space<vmem>>, vector<16xf32>,
        %get3A_929 = arith.index_cast %scan3A_822 : i32 to index
        %get3A_930 = arith.constant 96 : index
        %get3A_931 = tpu.vector_load %arg19[%get3A_929, %get3A_930] {strides = array<i32>} : memref<48x128xf32, #tpu.memory_space<vmem>>, vector<16xf32>,
        %get3A_932 = arith.index_cast %scan3A_822 : i32 to index
        %get3A_933 = arith.constant 96 : index
        %get3A_934 = tpu.vector_load %arg21[%get3A_932, %get3A_933] {strides = array<i32>} : memref<48x128xf32, #tpu.memory_space<vmem>>, vector<16xf32>,
        %add3A_935 = arith.addf %get3A_931, %get3A_934 : vector<16xf32>
        %neg3A_936 = arith.constant 0.000000e+00 : f32
        %neg3A_937 = vector.broadcast %neg3A_936 : f32 to vector<16xf32>
        %neg3A_938 = arith.subf %neg3A_937, %add3A_935 : vector<16xf32>
        %exp3A_939 = math.exp %neg3A_938 : vector<16xf32>
        %add3A_940 = arith.constant 1.000000e+00 : f32
        %add3A_941 = vector.broadcast %add3A_940 : f32 to vector<16xf32>
        %add3A_942 = arith.addf %add3A_941, %exp3A_939 : vector<16xf32>
        %div3A_943 = arith.divf %add3A_935, %add3A_942 : vector<16xf32>
        %swap3A_944 = arith.index_cast %scan3A_822 : i32 to index
        %swap3A_945 = arith.constant 96 : index
        %swap3A_946 = tpu.vector_load %arg19[%swap3A_944, %swap3A_945] {strides = array<i32>} : memref<48x128xf32, #tpu.memory_space<vmem>>, vector<16xf32>,
        tpu.vector_store %arg19[%swap3A_944, %swap3A_945], %div3A_943 {strides = array<i32>} : memref<48x128xf32, #tpu.memory_space<vmem>>, vector<16xf32>,
        %get3A_947 = arith.index_cast %scan3A_822 : i32 to index
        %get3A_948 = arith.constant 112 : index
        %get3A_949 = tpu.vector_load %arg19[%get3A_947, %get3A_948] {strides = array<i32>} : memref<48x128xf32, #tpu.memory_space<vmem>>, vector<16xf32>,
        %get3A_950 = arith.index_cast %scan3A_822 : i32 to index
        %get3A_951 = arith.constant 112 : index
        %get3A_952 = tpu.vector_load %arg21[%get3A_950, %get3A_951] {strides = array<i32>} : memref<48x128xf32, #tpu.memory_space<vmem>>, vector<16xf32>,
        %add3A_953 = arith.addf %get3A_949, %get3A_952 : vector<16xf32>
        %neg3A_954 = arith.constant 0.000000e+00 : f32
        %neg3A_955 = vector.broadcast %neg3A_954 : f32 to vector<16xf32>
        %neg3A_956 = arith.subf %neg3A_955, %add3A_953 : vector<16xf32>
        %exp3A_957 = math.exp %neg3A_956 : vector<16xf32>
        %add3A_958 = arith.constant 1.000000e+00 : f32
        %add3A_959 = vector.broadcast %add3A_958 : f32 to vector<16xf32>
        %add3A_960 = arith.addf %add3A_959, %exp3A_957 : vector<16xf32>
        %div3A_961 = arith.divf %add3A_953, %add3A_960 : vector<16xf32>
        %swap3A_962 = arith.index_cast %scan3A_822 : i32 to index
        %swap3A_963 = arith.constant 112 : index
        %swap3A_964 = tpu.vector_load %arg19[%swap3A_962, %swap3A_963] {strides = array<i32>} : memref<48x128xf32, #tpu.memory_space<vmem>>, vector<16xf32>,
        tpu.vector_store %arg19[%swap3A_962, %swap3A_963], %div3A_961 {strides = array<i32>} : memref<48x128xf32, #tpu.memory_space<vmem>>, vector<16xf32>,
      }
      %scan3A_542 = arith.constant 48 : i32
      %add3A_543 = arith.constant 0 : i32
      %add3A_544 = vector.broadcast %add3A_543 : i32 to vector<16xi32>
      %add3A_545 = arith.addi %add3A_544, %iota3A : vector<16xi32>
      %get3A_546 = arith.constant 0 : i32
      %get3A_547 = arith.index_cast %get3A_546 : i32 to index
      %get3A_548 = arith.constant 0 : index
      %get3A_549 = tpu.vector_load %arg16[%get3A_547, %get3A_548] {strides = array<i32>} : memref<2x48xi32, #tpu.memory_space<vmem>>, vector<16xi32>,
      %and3A_550 = arith.constant 127 : i32
      %and3A_551 = vector.broadcast %and3A_550 : i32 to vector<16xi32>
      %and3A_552 = arith.andi %get3A_549, %and3A_551 : vector<16xi32>
      tpu.vector_store_idx %arg23[%add3A_545, %and3A_552], %broadcast_in_dim3A_88 : memref<48x128xf32, #tpu.memory_space<vmem>>[vector<16xi32>, vector<16xi32>], vector<16xf32>,
      %add3A_553 = arith.constant 16 : i32
      %add3A_554 = vector.broadcast %add3A_553 : i32 to vector<16xi32>
      %add3A_555 = arith.addi %add3A_554, %iota3A : vector<16xi32>
      %get3A_556 = arith.constant 0 : i32
      %get3A_557 = arith.index_cast %get3A_556 : i32 to index
      %get3A_558 = arith.constant 16 : index
      %get3A_559 = tpu.vector_load %arg16[%get3A_557, %get3A_558] {strides = array<i32>} : memref<2x48xi32, #tpu.memory_space<vmem>>, vector<16xi32>,
      %and3A_560 = arith.constant 127 : i32
      %and3A_561 = vector.broadcast %and3A_560 : i32 to vector<16xi32>
      %and3A_562 = arith.andi %get3A_559, %and3A_561 : vector<16xi32>
      tpu.vector_store_idx %arg23[%add3A_555, %and3A_562], %broadcast_in_dim3A_88 : memref<48x128xf32, #tpu.memory_space<vmem>>[vector<16xi32>, vector<16xi32>], vector<16xf32>,
      %add3A_563 = arith.constant 32 : i32
      %add3A_564 = vector.broadcast %add3A_563 : i32 to vector<16xi32>
      %add3A_565 = arith.addi %add3A_564, %iota3A : vector<16xi32>
      %get3A_566 = arith.constant 0 : i32
      %get3A_567 = arith.index_cast %get3A_566 : i32 to index
      %get3A_568 = arith.constant 32 : index
      %get3A_569 = tpu.vector_load %arg16[%get3A_567, %get3A_568] {strides = array<i32>} : memref<2x48xi32, #tpu.memory_space<vmem>>, vector<16xi32>,
      %and3A_570 = arith.constant 127 : i32
      %and3A_571 = vector.broadcast %and3A_570 : i32 to vector<16xi32>
      %and3A_572 = arith.andi %get3A_569, %and3A_571 : vector<16xi32>
      tpu.vector_store_idx %arg23[%add3A_565, %and3A_572], %broadcast_in_dim3A_88 : memref<48x128xf32, #tpu.memory_space<vmem>>[vector<16xi32>, vector<16xi32>], vector<16xf32>,
      %dma_start3A_573 = arith.constant 0 : i32
      %dma_start3A_574 = arith.constant 0 : i32
      %dma_start3A_575 = tpu.memref_slice %arg16[%dma_start3A_573, %dma_start3A_574] : memref<2x48xi32, #tpu.memory_space<vmem>> -> memref<1x48xi32, #tpu.memory_space<vmem>>
      %dma_start3A_576 = tpu.memref_squeeze %dma_start3A_575 : memref<1x48xi32, #tpu.memory_space<vmem>> -> memref<48xi32, #tpu.memory_space<vmem>>
      %dma_start3A_577 = arith.constant 0 : i32
      %dma_start3A_578 = arith.constant 0 : i32
      %dma_start3A_579 = tpu.memref_slice %arg9[%dma_start3A_577, %dma_start3A_578] : memref<10240x128xf32, #tpu.memory_space<vmem_shared>> -> memref<10240x128xf32, #tpu.memory_space<vmem_shared>>
      tpu.enqueue_indirect_dma source(%arg19 : memref<48x128xf32, #tpu.memory_space<vmem>>) target(%dma_start3A_579 : memref<10240x128xf32, #tpu.memory_space<vmem_shared>>) offsets(%dma_start3A_576 : memref<48xi32, #tpu.memory_space<vmem>>) semaphore(%arg26 : memref<!tpu.dma_semaphore, #tpu.memory_space<semaphore_mem>>) {add = true}
      %dma_start3A_580 = arith.constant 0 : i32
      %dma_start3A_581 = arith.constant 0 : i32
      %dma_start3A_582 = tpu.memref_slice %arg17[%dma_start3A_580, %dma_start3A_581] : memref<2x48xi32, #tpu.memory_space<vmem>> -> memref<1x48xi32, #tpu.memory_space<vmem>>
      %dma_start3A_583 = tpu.memref_squeeze %dma_start3A_582 : memref<1x48xi32, #tpu.memory_space<vmem>> -> memref<48xi32, #tpu.memory_space<vmem>>
      %dma_start3A_584 = arith.constant 0 : i32
      %dma_start3A_585 = arith.constant 0 : i32
      %dma_start3A_586 = tpu.memref_slice %arg9[%dma_start3A_584, %dma_start3A_585] : memref<10240x128xf32, #tpu.memory_space<vmem_shared>> -> memref<10240x128xf32, #tpu.memory_space<vmem_shared>>
      tpu.enqueue_indirect_dma source(%arg23 : memref<48x128xf32, #tpu.memory_space<vmem>>) target(%dma_start3A_586 : memref<10240x128xf32, #tpu.memory_space<vmem_shared>>) offsets(%dma_start3A_583 : memref<48xi32, #tpu.memory_space<vmem>>) semaphore(%arg26 : memref<!tpu.dma_semaphore, #tpu.memory_space<semaphore_mem>>) {add = true}
      %add3A_587 = arith.constant 2 : i32
      %add3A_588 = arith.addi %mul3A_505, %add3A_587 : i32
      %sub3A_589 = arith.constant 1 : i32
      %sub3A_590 = arith.subi %select_n3A_86, %sub3A_589 : i32
      %min3A_591 = arith.minsi %add3A_588, %sub3A_590 : i32
      %mul3A_592 = arith.constant 48 : i32
      %mul3A_593 = arith.muli %min3A_591, %mul3A_592 : i32
      %add3A_594 = arith.constant 0 : i32
      %add3A_595 = arith.addi %mul3A_593, %add3A_594 : i32
      %get3A_596 = arith.index_cast %add3A_595 : i32 to index
      %get3A_597 = tpu.vector_load %arg10[%get3A_596] {strides = array<i32>} : memref<10112xi32, #tpu.memory_space<vmem>>, vector<16xi32>,
      %and3A_598 = arith.constant 16383 : i32
      %and3A_599 = vector.broadcast %and3A_598 : i32 to vector<16xi32>
      %and3A_600 = arith.andi %get3A_597, %and3A_599 : vector<16xi32>
      %shift_right_logical3A_601 = arith.constant 14 : i32
      %shift_right_logical3A_602 = vector.broadcast %shift_right_logical3A_601 : i32 to vector<16xi32>
      %shift_right_logical3A_603 = arith.shrui %get3A_597, %shift_right_logical3A_602 : vector<16xi32>
      %swap3A_604 = arith.constant 0 : i32
      %swap3A_605 = arith.index_cast %swap3A_604 : i32 to index
      %swap3A_606 = arith.constant 0 : index
      %swap3A_607 = tpu.vector_load %arg15[%swap3A_605, %swap3A_606] {strides = array<i32>} : memref<2x48xi32, #tpu.memory_space<vmem>>, vector<16xi32>,
      tpu.vector_store %arg15[%swap3A_605, %swap3A_606], %shift_right_logical3A_603 {strides = array<i32>} : memref<2x48xi32, #tpu.memory_space<vmem>>, vector<16xi32>,
      %min3A_608 = arith.constant 9999 : i32
      %min3A_609 = vector.broadcast %min3A_608 : i32 to vector<16xi32>
      %min3A_610 = arith.minsi %and3A_600, %min3A_609 : vector<16xi32>
      %swap3A_611 = arith.constant 0 : i32
      %swap3A_612 = arith.index_cast %swap3A_611 : i32 to index
      %swap3A_613 = arith.constant 0 : index
      %swap3A_614 = tpu.vector_load %arg14[%swap3A_612, %swap3A_613] {strides = array<i32>} : memref<2x48xi32, #tpu.memory_space<vmem>>, vector<16xi32>,
      tpu.vector_store %arg14[%swap3A_612, %swap3A_613], %min3A_610 {strides = array<i32>} : memref<2x48xi32, #tpu.memory_space<vmem>>, vector<16xi32>,
      %mul3A_615 = arith.constant 48 : i32
      %mul3A_616 = arith.muli %min3A_591, %mul3A_615 : i32
      %add3A_617 = arith.constant 16 : i32
      %add3A_618 = arith.addi %mul3A_616, %add3A_617 : i32
      %get3A_619 = arith.index_cast %add3A_618 : i32 to index
      %get3A_620 = tpu.vector_load %arg10[%get3A_619] {strides = array<i32>} : memref<10112xi32, #tpu.memory_space<vmem>>, vector<16xi32>,
      %and3A_621 = arith.constant 16383 : i32
      %and3A_622 = vector.broadcast %and3A_621 : i32 to vector<16xi32>
      %and3A_623 = arith.andi %get3A_620, %and3A_622 : vector<16xi32>
      %shift_right_logical3A_624 = arith.constant 14 : i32
      %shift_right_logical3A_625 = vector.broadcast %shift_right_logical3A_624 : i32 to vector<16xi32>
      %shift_right_logical3A_626 = arith.shrui %get3A_620, %shift_right_logical3A_625 : vector<16xi32>
      %swap3A_627 = arith.constant 0 : i32
      %swap3A_628 = arith.index_cast %swap3A_627 : i32 to index
      %swap3A_629 = arith.constant 16 : index
      %swap3A_630 = tpu.vector_load %arg15[%swap3A_628, %swap3A_629] {strides = array<i32>} : memref<2x48xi32, #tpu.memory_space<vmem>>, vector<16xi32>,
      tpu.vector_store %arg15[%swap3A_628, %swap3A_629], %shift_right_logical3A_626 {strides = array<i32>} : memref<2x48xi32, #tpu.memory_space<vmem>>, vector<16xi32>,
      %min3A_631 = arith.constant 9999 : i32
      %min3A_632 = vector.broadcast %min3A_631 : i32 to vector<16xi32>
      %min3A_633 = arith.minsi %and3A_623, %min3A_632 : vector<16xi32>
      %swap3A_634 = arith.constant 0 : i32
      %swap3A_635 = arith.index_cast %swap3A_634 : i32 to index
      %swap3A_636 = arith.constant 16 : index
      %swap3A_637 = tpu.vector_load %arg14[%swap3A_635, %swap3A_636] {strides = array<i32>} : memref<2x48xi32, #tpu.memory_space<vmem>>, vector<16xi32>,
      tpu.vector_store %arg14[%swap3A_635, %swap3A_636], %min3A_633 {strides = array<i32>} : memref<2x48xi32, #tpu.memory_space<vmem>>, vector<16xi32>,
      %mul3A_638 = arith.constant 48 : i32
      %mul3A_639 = arith.muli %min3A_591, %mul3A_638 : i32
      %add3A_640 = arith.constant 32 : i32
      %add3A_641 = arith.addi %mul3A_639, %add3A_640 : i32
      %get3A_642 = arith.index_cast %add3A_641 : i32 to index
      %get3A_643 = tpu.vector_load %arg10[%get3A_642] {strides = array<i32>} : memref<10112xi32, #tpu.memory_space<vmem>>, vector<16xi32>,
      %and3A_644 = arith.constant 16383 : i32
      %and3A_645 = vector.broadcast %and3A_644 : i32 to vector<16xi32>
      %and3A_646 = arith.andi %get3A_643, %and3A_645 : vector<16xi32>
      %shift_right_logical3A_647 = arith.constant 14 : i32
      %shift_right_logical3A_648 = vector.broadcast %shift_right_logical3A_647 : i32 to vector<16xi32>
      %shift_right_logical3A_649 = arith.shrui %get3A_643, %shift_right_logical3A_648 : vector<16xi32>
      %swap3A_650 = arith.constant 0 : i32
      %swap3A_651 = arith.index_cast %swap3A_650 : i32 to index
      %swap3A_652 = arith.constant 32 : index
      %swap3A_653 = tpu.vector_load %arg15[%swap3A_651, %swap3A_652] {strides = array<i32>} : memref<2x48xi32, #tpu.memory_space<vmem>>, vector<16xi32>,
      tpu.vector_store %arg15[%swap3A_651, %swap3A_652], %shift_right_logical3A_649 {strides = array<i32>} : memref<2x48xi32, #tpu.memory_space<vmem>>, vector<16xi32>,
      %min3A_654 = arith.constant 9999 : i32
      %min3A_655 = vector.broadcast %min3A_654 : i32 to vector<16xi32>
      %min3A_656 = arith.minsi %and3A_646, %min3A_655 : vector<16xi32>
      %swap3A_657 = arith.constant 0 : i32
      %swap3A_658 = arith.index_cast %swap3A_657 : i32 to index
      %swap3A_659 = arith.constant 32 : index
      %swap3A_660 = tpu.vector_load %arg14[%swap3A_658, %swap3A_659] {strides = array<i32>} : memref<2x48xi32, #tpu.memory_space<vmem>>, vector<16xi32>,
      tpu.vector_store %arg14[%swap3A_658, %swap3A_659], %min3A_656 {strides = array<i32>} : memref<2x48xi32, #tpu.memory_space<vmem>>, vector<16xi32>,
      %mul3A_661 = arith.constant 2 : i32
      %mul3A_662 = arith.muli %mul3A_661, %while3A_503 : i32
      %add3A_663 = arith.constant 1 : i32
      %add3A_664 = arith.addi %mul3A_662, %add3A_663 : i32
      %dma_wait3A_665 = arith.constant 1 : i32
      %dma_wait3A_666 = arith.constant 0 : i32
      %dma_wait3A_667 = tpu.memref_slice %arg14[%dma_wait3A_665, %dma_wait3A_666] : memref<2x48xi32, #tpu.memory_space<vmem>> -> memref<1x48xi32, #tpu.memory_space<vmem>>
      %dma_wait3A_668 = tpu.memref_squeeze %dma_wait3A_667 : memref<1x48xi32, #tpu.memory_space<vmem>> -> memref<48xi32, #tpu.memory_space<vmem>>
      %dma_wait3A_669 = arith.constant 0 : i32
      %dma_wait3A_670 = arith.constant 0 : i32
      %dma_wait3A_671 = tpu.memref_slice %arg6[%dma_wait3A_669, %dma_wait3A_670] : memref<10000x128xf32, #tpu.memory_space<hbm>> -> memref<10000x128xf32, #tpu.memory_space<hbm>>
      tpu.wait_indirect_dma semaphore(%arg25 : memref<!tpu.dma_semaphore, #tpu.memory_space<semaphore_mem>>) src(%dma_wait3A_671 : memref<10000x128xf32, #tpu.memory_space<hbm>>) dst(%arg20 : memref<48x128xf32, #tpu.memory_space<vmem>>)
      %dma_wait3A_672 = arith.constant 1 : i32
      %dma_wait3A_673 = arith.constant 0 : i32
      %dma_wait3A_674 = tpu.memref_slice %arg15[%dma_wait3A_672, %dma_wait3A_673] : memref<2x48xi32, #tpu.memory_space<vmem>> -> memref<1x48xi32, #tpu.memory_space<vmem>>
      %dma_wait3A_675 = tpu.memref_squeeze %dma_wait3A_674 : memref<1x48xi32, #tpu.memory_space<vmem>> -> memref<48xi32, #tpu.memory_space<vmem>>
      %dma_wait3A_676 = arith.constant 0 : i32
      %dma_wait3A_677 = arith.constant 0 : i32
      %dma_wait3A_678 = tpu.memref_slice %arg7[%dma_wait3A_676, %dma_wait3A_677] : memref<10000x128xf32, #tpu.memory_space<hbm>> -> memref<10000x128xf32, #tpu.memory_space<hbm>>
      tpu.wait_indirect_dma semaphore(%arg25 : memref<!tpu.dma_semaphore, #tpu.memory_space<semaphore_mem>>) src(%dma_wait3A_678 : memref<10000x128xf32, #tpu.memory_space<hbm>>) dst(%arg22 : memref<48x128xf32, #tpu.memory_space<vmem>>)
      %ge3A_679 = arith.constant 1 : i32
      %ge3A_680 = arith.cmpi sge, %add3A_664, %ge3A_679 : i32
      %convert_element_type3A_681 = arith.extui %ge3A_680 : i1 to i32
      %cond3A_682 = arith.constant 0 : i32
      %cond3A_683 = arith.cmpi ne, %convert_element_type3A_681, %cond3A_682 : i32
      scf.if %cond3A_683 {
        %dma_wait3A_822 = arith.constant 0 : i32
        %dma_wait3A_823 = arith.constant 0 : i32
        %dma_wait3A_824 = tpu.memref_slice %arg16[%dma_wait3A_822, %dma_wait3A_823] : memref<2x48xi32, #tpu.memory_space<vmem>> -> memref<1x48xi32, #tpu.memory_space<vmem>>
        %dma_wait3A_825 = tpu.memref_squeeze %dma_wait3A_824 : memref<1x48xi32, #tpu.memory_space<vmem>> -> memref<48xi32, #tpu.memory_space<vmem>>
        %dma_wait3A_826 = arith.constant 0 : i32
        %dma_wait3A_827 = arith.constant 0 : i32
        %dma_wait3A_828 = tpu.memref_slice %arg9[%dma_wait3A_826, %dma_wait3A_827] : memref<10240x128xf32, #tpu.memory_space<vmem_shared>> -> memref<10240x128xf32, #tpu.memory_space<vmem_shared>>
        tpu.wait_indirect_dma semaphore(%arg26 : memref<!tpu.dma_semaphore, #tpu.memory_space<semaphore_mem>>) src(%arg19 : memref<48x128xf32, #tpu.memory_space<vmem>>) dst(%dma_wait3A_828 : memref<10240x128xf32, #tpu.memory_space<vmem_shared>>)
        %dma_wait3A_829 = arith.constant 0 : i32
        %dma_wait3A_830 = arith.constant 0 : i32
        %dma_wait3A_831 = tpu.memref_slice %arg17[%dma_wait3A_829, %dma_wait3A_830] : memref<2x48xi32, #tpu.memory_space<vmem>> -> memref<1x48xi32, #tpu.memory_space<vmem>>
        %dma_wait3A_832 = tpu.memref_squeeze %dma_wait3A_831 : memref<1x48xi32, #tpu.memory_space<vmem>> -> memref<48xi32, #tpu.memory_space<vmem>>
        %dma_wait3A_833 = arith.constant 0 : i32
        %dma_wait3A_834 = arith.constant 0 : i32
        %dma_wait3A_835 = tpu.memref_slice %arg9[%dma_wait3A_833, %dma_wait3A_834] : memref<10240x128xf32, #tpu.memory_space<vmem_shared>> -> memref<10240x128xf32, #tpu.memory_space<vmem_shared>>
        tpu.wait_indirect_dma semaphore(%arg26 : memref<!tpu.dma_semaphore, #tpu.memory_space<semaphore_mem>>) src(%arg23 : memref<48x128xf32, #tpu.memory_space<vmem>>) dst(%dma_wait3A_835 : memref<10240x128xf32, #tpu.memory_space<vmem_shared>>)
        %add3A_836 = arith.constant 0 : i32
        %add3A_837 = vector.broadcast %add3A_836 : i32 to vector<16xi32>
        %add3A_838 = arith.addi %add3A_837, %iota3A : vector<16xi32>
        %get3A_839 = arith.constant 0 : i32
        %get3A_840 = arith.index_cast %get3A_839 : i32 to index
        %get3A_841 = arith.constant 0 : index
        %get3A_842 = tpu.vector_load %arg16[%get3A_840, %get3A_841] {strides = array<i32>} : memref<2x48xi32, #tpu.memory_space<vmem>>, vector<16xi32>,
        %and3A_843 = arith.constant 127 : i32
        %and3A_844 = vector.broadcast %and3A_843 : i32 to vector<16xi32>
        %and3A_845 = arith.andi %get3A_842, %and3A_844 : vector<16xi32>
        tpu.vector_store_idx %arg23[%add3A_838, %and3A_845], %broadcast_in_dim3A_90 : memref<48x128xf32, #tpu.memory_space<vmem>>[vector<16xi32>, vector<16xi32>], vector<16xf32>,
        %add3A_846 = arith.constant 16 : i32
        %add3A_847 = vector.broadcast %add3A_846 : i32 to vector<16xi32>
        %add3A_848 = arith.addi %add3A_847, %iota3A : vector<16xi32>
        %get3A_849 = arith.constant 0 : i32
        %get3A_850 = arith.index_cast %get3A_849 : i32 to index
        %get3A_851 = arith.constant 16 : index
        %get3A_852 = tpu.vector_load %arg16[%get3A_850, %get3A_851] {strides = array<i32>} : memref<2x48xi32, #tpu.memory_space<vmem>>, vector<16xi32>,
        %and3A_853 = arith.constant 127 : i32
        %and3A_854 = vector.broadcast %and3A_853 : i32 to vector<16xi32>
        %and3A_855 = arith.andi %get3A_852, %and3A_854 : vector<16xi32>
        tpu.vector_store_idx %arg23[%add3A_848, %and3A_855], %broadcast_in_dim3A_90 : memref<48x128xf32, #tpu.memory_space<vmem>>[vector<16xi32>, vector<16xi32>], vector<16xf32>,
        %add3A_856 = arith.constant 32 : i32
        %add3A_857 = vector.broadcast %add3A_856 : i32 to vector<16xi32>
        %add3A_858 = arith.addi %add3A_857, %iota3A : vector<16xi32>
        %get3A_859 = arith.constant 0 : i32
        %get3A_860 = arith.index_cast %get3A_859 : i32 to index
        %get3A_861 = arith.constant 32 : index
        %get3A_862 = tpu.vector_load %arg16[%get3A_860, %get3A_861] {strides = array<i32>} : memref<2x48xi32, #tpu.memory_space<vmem>>, vector<16xi32>,
        %and3A_863 = arith.constant 127 : i32
        %and3A_864 = vector.broadcast %and3A_863 : i32 to vector<16xi32>
        %and3A_865 = arith.andi %get3A_862, %and3A_864 : vector<16xi32>
        tpu.vector_store_idx %arg23[%add3A_858, %and3A_865], %broadcast_in_dim3A_90 : memref<48x128xf32, #tpu.memory_space<vmem>>[vector<16xi32>, vector<16xi32>], vector<16xf32>,
        %add3A_866 = arith.constant 1 : i32
        %add3A_867 = arith.addi %add3A_664, %add3A_866 : i32
        %sub3A_868 = arith.constant 1 : i32
        %sub3A_869 = arith.subi %select_n3A_86, %sub3A_868 : i32
        %min3A_870 = arith.minsi %add3A_867, %sub3A_869 : i32
        %mul3A_871 = arith.constant 48 : i32
        %mul3A_872 = arith.muli %min3A_870, %mul3A_871 : i32
        %add3A_873 = arith.constant 0 : i32
        %add3A_874 = arith.addi %mul3A_872, %add3A_873 : i32
        %get3A_875 = arith.index_cast %add3A_874 : i32 to index
        %get3A_876 = tpu.vector_load %arg10[%get3A_875] {strides = array<i32>} : memref<10112xi32, #tpu.memory_space<vmem>>, vector<16xi32>,
        %and3A_877 = arith.constant 16383 : i32
        %and3A_878 = vector.broadcast %and3A_877 : i32 to vector<16xi32>
        %and3A_879 = arith.andi %get3A_876, %and3A_878 : vector<16xi32>
        %swap3A_880 = arith.constant 0 : i32
        %swap3A_881 = arith.index_cast %swap3A_880 : i32 to index
        %swap3A_882 = arith.constant 0 : index
        %swap3A_883 = tpu.vector_load %arg16[%swap3A_881, %swap3A_882] {strides = array<i32>} : memref<2x48xi32, #tpu.memory_space<vmem>>, vector<16xi32>,
        tpu.vector_store %arg16[%swap3A_881, %swap3A_882], %and3A_879 {strides = array<i32>} : memref<2x48xi32, #tpu.memory_space<vmem>>, vector<16xi32>,
        %lt3A_884 = arith.constant 10000 : i32
        %lt3A_885 = vector.broadcast %lt3A_884 : i32 to vector<16xi32>
        %lt3A_886 = arith.cmpi slt, %and3A_879, %lt3A_885 : vector<16xi32>
        %shift_right_logical3A_887 = arith.constant 7 : i32
        %shift_right_logical3A_888 = vector.broadcast %shift_right_logical3A_887 : i32 to vector<16xi32>
        %shift_right_logical3A_889 = arith.shrui %and3A_879, %shift_right_logical3A_888 : vector<16xi32>
        %add3A_890 = arith.constant 10000 : i32
        %add3A_891 = vector.broadcast %add3A_890 : i32 to vector<16xi32>
        %add3A_892 = arith.addi %add3A_891, %shift_right_logical3A_889 : vector<16xi32>
        %add3A_893 = arith.constant 16 : i32
        %add3A_894 = vector.broadcast %add3A_893 : i32 to vector<16xi32>
        %add3A_895 = arith.addi %add3A_17, %add3A_894 : vector<16xi32>
        %select_n3A_896 = arith.select %lt3A_886, %add3A_892, %add3A_895 : vector<16xi1>, vector<16xi32>
        %swap3A_897 = arith.constant 0 : i32
        %swap3A_898 = arith.index_cast %swap3A_897 : i32 to index
        %swap3A_899 = arith.constant 0 : index
        %swap3A_900 = tpu.vector_load %arg17[%swap3A_898, %swap3A_899] {strides = array<i32>} : memref<2x48xi32, #tpu.memory_space<vmem>>, vector<16xi32>,
        tpu.vector_store %arg17[%swap3A_898, %swap3A_899], %select_n3A_896 {strides = array<i32>} : memref<2x48xi32, #tpu.memory_space<vmem>>, vector<16xi32>,
        %mul3A_901 = arith.constant 48 : i32
        %mul3A_902 = arith.muli %min3A_870, %mul3A_901 : i32
        %add3A_903 = arith.constant 16 : i32
        %add3A_904 = arith.addi %mul3A_902, %add3A_903 : i32
        %get3A_905 = arith.index_cast %add3A_904 : i32 to index
        %get3A_906 = tpu.vector_load %arg10[%get3A_905] {strides = array<i32>} : memref<10112xi32, #tpu.memory_space<vmem>>, vector<16xi32>,
        %and3A_907 = arith.constant 16383 : i32
        %and3A_908 = vector.broadcast %and3A_907 : i32 to vector<16xi32>
        %and3A_909 = arith.andi %get3A_906, %and3A_908 : vector<16xi32>
        %swap3A_910 = arith.constant 0 : i32
        %swap3A_911 = arith.index_cast %swap3A_910 : i32 to index
        %swap3A_912 = arith.constant 16 : index
        %swap3A_913 = tpu.vector_load %arg16[%swap3A_911, %swap3A_912] {strides = array<i32>} : memref<2x48xi32, #tpu.memory_space<vmem>>, vector<16xi32>,
        tpu.vector_store %arg16[%swap3A_911, %swap3A_912], %and3A_909 {strides = array<i32>} : memref<2x48xi32, #tpu.memory_space<vmem>>, vector<16xi32>,
        %lt3A_914 = arith.constant 10000 : i32
        %lt3A_915 = vector.broadcast %lt3A_914 : i32 to vector<16xi32>
        %lt3A_916 = arith.cmpi slt, %and3A_909, %lt3A_915 : vector<16xi32>
        %shift_right_logical3A_917 = arith.constant 7 : i32
        %shift_right_logical3A_918 = vector.broadcast %shift_right_logical3A_917 : i32 to vector<16xi32>
        %shift_right_logical3A_919 = arith.shrui %and3A_909, %shift_right_logical3A_918 : vector<16xi32>
        %add3A_920 = arith.constant 10000 : i32
        %add3A_921 = vector.broadcast %add3A_920 : i32 to vector<16xi32>
        %add3A_922 = arith.addi %add3A_921, %shift_right_logical3A_919 : vector<16xi32>
        %add3A_923 = arith.constant 16 : i32
        %add3A_924 = vector.broadcast %add3A_923 : i32 to vector<16xi32>
        %add3A_925 = arith.addi %add3A_17, %add3A_924 : vector<16xi32>
        %select_n3A_926 = arith.select %lt3A_916, %add3A_922, %add3A_925 : vector<16xi1>, vector<16xi32>
        %swap3A_927 = arith.constant 0 : i32
        %swap3A_928 = arith.index_cast %swap3A_927 : i32 to index
        %swap3A_929 = arith.constant 16 : index
        %swap3A_930 = tpu.vector_load %arg17[%swap3A_928, %swap3A_929] {strides = array<i32>} : memref<2x48xi32, #tpu.memory_space<vmem>>, vector<16xi32>,
        tpu.vector_store %arg17[%swap3A_928, %swap3A_929], %select_n3A_926 {strides = array<i32>} : memref<2x48xi32, #tpu.memory_space<vmem>>, vector<16xi32>,
        %mul3A_931 = arith.constant 48 : i32
        %mul3A_932 = arith.muli %min3A_870, %mul3A_931 : i32
        %add3A_933 = arith.constant 32 : i32
        %add3A_934 = arith.addi %mul3A_932, %add3A_933 : i32
        %get3A_935 = arith.index_cast %add3A_934 : i32 to index
        %get3A_936 = tpu.vector_load %arg10[%get3A_935] {strides = array<i32>} : memref<10112xi32, #tpu.memory_space<vmem>>, vector<16xi32>,
        %and3A_937 = arith.constant 16383 : i32
        %and3A_938 = vector.broadcast %and3A_937 : i32 to vector<16xi32>
        %and3A_939 = arith.andi %get3A_936, %and3A_938 : vector<16xi32>
        %swap3A_940 = arith.constant 0 : i32
        %swap3A_941 = arith.index_cast %swap3A_940 : i32 to index
        %swap3A_942 = arith.constant 32 : index
        %swap3A_943 = tpu.vector_load %arg16[%swap3A_941, %swap3A_942] {strides = array<i32>} : memref<2x48xi32, #tpu.memory_space<vmem>>, vector<16xi32>,
        tpu.vector_store %arg16[%swap3A_941, %swap3A_942], %and3A_939 {strides = array<i32>} : memref<2x48xi32, #tpu.memory_space<vmem>>, vector<16xi32>,
        %lt3A_944 = arith.constant 10000 : i32
        %lt3A_945 = vector.broadcast %lt3A_944 : i32 to vector<16xi32>
        %lt3A_946 = arith.cmpi slt, %and3A_939, %lt3A_945 : vector<16xi32>
        %shift_right_logical3A_947 = arith.constant 7 : i32
        %shift_right_logical3A_948 = vector.broadcast %shift_right_logical3A_947 : i32 to vector<16xi32>
        %shift_right_logical3A_949 = arith.shrui %and3A_939, %shift_right_logical3A_948 : vector<16xi32>
        %add3A_950 = arith.constant 10000 : i32
        %add3A_951 = vector.broadcast %add3A_950 : i32 to vector<16xi32>
        %add3A_952 = arith.addi %add3A_951, %shift_right_logical3A_949 : vector<16xi32>
        %add3A_953 = arith.constant 16 : i32
        %add3A_954 = vector.broadcast %add3A_953 : i32 to vector<16xi32>
        %add3A_955 = arith.addi %add3A_17, %add3A_954 : vector<16xi32>
        %select_n3A_956 = arith.select %lt3A_946, %add3A_952, %add3A_955 : vector<16xi1>, vector<16xi32>
        %swap3A_957 = arith.constant 0 : i32
        %swap3A_958 = arith.index_cast %swap3A_957 : i32 to index
        %swap3A_959 = arith.constant 32 : index
        %swap3A_960 = tpu.vector_load %arg17[%swap3A_958, %swap3A_959] {strides = array<i32>} : memref<2x48xi32, #tpu.memory_space<vmem>>, vector<16xi32>,
        tpu.vector_store %arg17[%swap3A_958, %swap3A_959], %select_n3A_956 {strides = array<i32>} : memref<2x48xi32, #tpu.memory_space<vmem>>, vector<16xi32>,
      } else {
      }
      %dma_start3A_684 = arith.constant 0 : i32
      %dma_start3A_685 = arith.constant 0 : i32
      %dma_start3A_686 = tpu.memref_slice %arg14[%dma_start3A_684, %dma_start3A_685] : memref<2x48xi32, #tpu.memory_space<vmem>> -> memref<1x48xi32, #tpu.memory_space<vmem>>
      %dma_start3A_687 = tpu.memref_squeeze %dma_start3A_686 : memref<1x48xi32, #tpu.memory_space<vmem>> -> memref<48xi32, #tpu.memory_space<vmem>>
      %dma_start3A_688 = arith.constant 0 : i32
      %dma_start3A_689 = arith.constant 0 : i32
      %dma_start3A_690 = tpu.memref_slice %arg6[%dma_start3A_688, %dma_start3A_689] : memref<10000x128xf32, #tpu.memory_space<hbm>> -> memref<10000x128xf32, #tpu.memory_space<hbm>>
      tpu.enqueue_indirect_dma source(%dma_start3A_690 : memref<10000x128xf32, #tpu.memory_space<hbm>>) target(%arg19 : memref<48x128xf32, #tpu.memory_space<vmem>>) offsets(%dma_start3A_687 : memref<48xi32, #tpu.memory_space<vmem>>) semaphore(%arg24 : memref<!tpu.dma_semaphore, #tpu.memory_space<semaphore_mem>>)
      %dma_start3A_691 = arith.constant 0 : i32
      %dma_start3A_692 = arith.constant 0 : i32
      %dma_start3A_693 = tpu.memref_slice %arg15[%dma_start3A_691, %dma_start3A_692] : memref<2x48xi32, #tpu.memory_space<vmem>> -> memref<1x48xi32, #tpu.memory_space<vmem>>
      %dma_start3A_694 = tpu.memref_squeeze %dma_start3A_693 : memref<1x48xi32, #tpu.memory_space<vmem>> -> memref<48xi32, #tpu.memory_space<vmem>>
      %dma_start3A_695 = arith.constant 0 : i32
      %dma_start3A_696 = arith.constant 0 : i32
      %dma_start3A_697 = tpu.memref_slice %arg7[%dma_start3A_695, %dma_start3A_696] : memref<10000x128xf32, #tpu.memory_space<hbm>> -> memref<10000x128xf32, #tpu.memory_space<hbm>>
      tpu.enqueue_indirect_dma source(%dma_start3A_697 : memref<10000x128xf32, #tpu.memory_space<hbm>>) target(%arg21 : memref<48x128xf32, #tpu.memory_space<vmem>>) offsets(%dma_start3A_694 : memref<48xi32, #tpu.memory_space<vmem>>) semaphore(%arg24 : memref<!tpu.dma_semaphore, #tpu.memory_space<semaphore_mem>>)
      %scan3A_698 = arith.constant 0 : i32
      %scan3A_699 = arith.constant 0 : i32
      %scan3A_700 = arith.constant 48 : i32
      %scan3A_701 = arith.addi %scan3A_699, %scan3A_700 : i32
      %scan3A_702 = arith.constant 1 : i32
      scf.for %scan3A_822 = %scan3A_699 to %scan3A_701 step %scan3A_702  : i32 {
        %get3A_823 = arith.index_cast %scan3A_822 : i32 to index
        %get3A_824 = arith.constant 0 : index
        %get3A_825 = tpu.vector_load %arg20[%get3A_823, %get3A_824] {strides = array<i32>} : memref<48x128xf32, #tpu.memory_space<vmem>>, vector<16xf32>,
        %get3A_826 = arith.index_cast %scan3A_822 : i32 to index
        %get3A_827 = arith.constant 0 : index
        %get3A_828 = tpu.vector_load %arg22[%get3A_826, %get3A_827] {strides = array<i32>} : memref<48x128xf32, #tpu.memory_space<vmem>>, vector<16xf32>,
        %add3A_829 = arith.addf %get3A_825, %get3A_828 : vector<16xf32>
        %neg3A = arith.constant 0.000000e+00 : f32
        %neg3A_830 = vector.broadcast %neg3A : f32 to vector<16xf32>
        %neg3A_831 = arith.subf %neg3A_830, %add3A_829 : vector<16xf32>
        %exp3A = math.exp %neg3A_831 : vector<16xf32>
        %add3A_832 = arith.constant 1.000000e+00 : f32
        %add3A_833 = vector.broadcast %add3A_832 : f32 to vector<16xf32>
        %add3A_834 = arith.addf %add3A_833, %exp3A : vector<16xf32>
        %div3A_835 = arith.divf %add3A_829, %add3A_834 : vector<16xf32>
        %swap3A_836 = arith.index_cast %scan3A_822 : i32 to index
        %swap3A_837 = arith.constant 0 : index
        %swap3A_838 = tpu.vector_load %arg20[%swap3A_836, %swap3A_837] {strides = array<i32>} : memref<48x128xf32, #tpu.memory_space<vmem>>, vector<16xf32>,
        tpu.vector_store %arg20[%swap3A_836, %swap3A_837], %div3A_835 {strides = array<i32>} : memref<48x128xf32, #tpu.memory_space<vmem>>, vector<16xf32>,
        %get3A_839 = arith.index_cast %scan3A_822 : i32 to index
        %get3A_840 = arith.constant 16 : index
        %get3A_841 = tpu.vector_load %arg20[%get3A_839, %get3A_840] {strides = array<i32>} : memref<48x128xf32, #tpu.memory_space<vmem>>, vector<16xf32>,
        %get3A_842 = arith.index_cast %scan3A_822 : i32 to index
        %get3A_843 = arith.constant 16 : index
        %get3A_844 = tpu.vector_load %arg22[%get3A_842, %get3A_843] {strides = array<i32>} : memref<48x128xf32, #tpu.memory_space<vmem>>, vector<16xf32>,
        %add3A_845 = arith.addf %get3A_841, %get3A_844 : vector<16xf32>
        %neg3A_846 = arith.constant 0.000000e+00 : f32
        %neg3A_847 = vector.broadcast %neg3A_846 : f32 to vector<16xf32>
        %neg3A_848 = arith.subf %neg3A_847, %add3A_845 : vector<16xf32>
        %exp3A_849 = math.exp %neg3A_848 : vector<16xf32>
        %add3A_850 = arith.constant 1.000000e+00 : f32
        %add3A_851 = vector.broadcast %add3A_850 : f32 to vector<16xf32>
        %add3A_852 = arith.addf %add3A_851, %exp3A_849 : vector<16xf32>
        %div3A_853 = arith.divf %add3A_845, %add3A_852 : vector<16xf32>
        %swap3A_854 = arith.index_cast %scan3A_822 : i32 to index
        %swap3A_855 = arith.constant 16 : index
        %swap3A_856 = tpu.vector_load %arg20[%swap3A_854, %swap3A_855] {strides = array<i32>} : memref<48x128xf32, #tpu.memory_space<vmem>>, vector<16xf32>,
        tpu.vector_store %arg20[%swap3A_854, %swap3A_855], %div3A_853 {strides = array<i32>} : memref<48x128xf32, #tpu.memory_space<vmem>>, vector<16xf32>,
        %get3A_857 = arith.index_cast %scan3A_822 : i32 to index
        %get3A_858 = arith.constant 32 : index
        %get3A_859 = tpu.vector_load %arg20[%get3A_857, %get3A_858] {strides = array<i32>} : memref<48x128xf32, #tpu.memory_space<vmem>>, vector<16xf32>,
        %get3A_860 = arith.index_cast %scan3A_822 : i32 to index
        %get3A_861 = arith.constant 32 : index
        %get3A_862 = tpu.vector_load %arg22[%get3A_860, %get3A_861] {strides = array<i32>} : memref<48x128xf32, #tpu.memory_space<vmem>>, vector<16xf32>,
        %add3A_863 = arith.addf %get3A_859, %get3A_862 : vector<16xf32>
        %neg3A_864 = arith.constant 0.000000e+00 : f32
        %neg3A_865 = vector.broadcast %neg3A_864 : f32 to vector<16xf32>
        %neg3A_866 = arith.subf %neg3A_865, %add3A_863 : vector<16xf32>
        %exp3A_867 = math.exp %neg3A_866 : vector<16xf32>
        %add3A_868 = arith.constant 1.000000e+00 : f32
        %add3A_869 = vector.broadcast %add3A_868 : f32 to vector<16xf32>
        %add3A_870 = arith.addf %add3A_869, %exp3A_867 : vector<16xf32>
        %div3A_871 = arith.divf %add3A_863, %add3A_870 : vector<16xf32>
        %swap3A_872 = arith.index_cast %scan3A_822 : i32 to index
        %swap3A_873 = arith.constant 32 : index
        %swap3A_874 = tpu.vector_load %arg20[%swap3A_872, %swap3A_873] {strides = array<i32>} : memref<48x128xf32, #tpu.memory_space<vmem>>, vector<16xf32>,
        tpu.vector_store %arg20[%swap3A_872, %swap3A_873], %div3A_871 {strides = array<i32>} : memref<48x128xf32, #tpu.memory_space<vmem>>, vector<16xf32>,
        %get3A_875 = arith.index_cast %scan3A_822 : i32 to index
        %get3A_876 = arith.constant 48 : index
        %get3A_877 = tpu.vector_load %arg20[%get3A_875, %get3A_876] {strides = array<i32>} : memref<48x128xf32, #tpu.memory_space<vmem>>, vector<16xf32>,
        %get3A_878 = arith.index_cast %scan3A_822 : i32 to index
        %get3A_879 = arith.constant 48 : index
        %get3A_880 = tpu.vector_load %arg22[%get3A_878, %get3A_879] {strides = array<i32>} : memref<48x128xf32, #tpu.memory_space<vmem>>, vector<16xf32>,
        %add3A_881 = arith.addf %get3A_877, %get3A_880 : vector<16xf32>
        %neg3A_882 = arith.constant 0.000000e+00 : f32
        %neg3A_883 = vector.broadcast %neg3A_882 : f32 to vector<16xf32>
        %neg3A_884 = arith.subf %neg3A_883, %add3A_881 : vector<16xf32>
        %exp3A_885 = math.exp %neg3A_884 : vector<16xf32>
        %add3A_886 = arith.constant 1.000000e+00 : f32
        %add3A_887 = vector.broadcast %add3A_886 : f32 to vector<16xf32>
        %add3A_888 = arith.addf %add3A_887, %exp3A_885 : vector<16xf32>
        %div3A_889 = arith.divf %add3A_881, %add3A_888 : vector<16xf32>
        %swap3A_890 = arith.index_cast %scan3A_822 : i32 to index
        %swap3A_891 = arith.constant 48 : index
        %swap3A_892 = tpu.vector_load %arg20[%swap3A_890, %swap3A_891] {strides = array<i32>} : memref<48x128xf32, #tpu.memory_space<vmem>>, vector<16xf32>,
        tpu.vector_store %arg20[%swap3A_890, %swap3A_891], %div3A_889 {strides = array<i32>} : memref<48x128xf32, #tpu.memory_space<vmem>>, vector<16xf32>,
        %get3A_893 = arith.index_cast %scan3A_822 : i32 to index
        %get3A_894 = arith.constant 64 : index
        %get3A_895 = tpu.vector_load %arg20[%get3A_893, %get3A_894] {strides = array<i32>} : memref<48x128xf32, #tpu.memory_space<vmem>>, vector<16xf32>,
        %get3A_896 = arith.index_cast %scan3A_822 : i32 to index
        %get3A_897 = arith.constant 64 : index
        %get3A_898 = tpu.vector_load %arg22[%get3A_896, %get3A_897] {strides = array<i32>} : memref<48x128xf32, #tpu.memory_space<vmem>>, vector<16xf32>,
        %add3A_899 = arith.addf %get3A_895, %get3A_898 : vector<16xf32>
        %neg3A_900 = arith.constant 0.000000e+00 : f32
        %neg3A_901 = vector.broadcast %neg3A_900 : f32 to vector<16xf32>
        %neg3A_902 = arith.subf %neg3A_901, %add3A_899 : vector<16xf32>
        %exp3A_903 = math.exp %neg3A_902 : vector<16xf32>
        %add3A_904 = arith.constant 1.000000e+00 : f32
        %add3A_905 = vector.broadcast %add3A_904 : f32 to vector<16xf32>
        %add3A_906 = arith.addf %add3A_905, %exp3A_903 : vector<16xf32>
        %div3A_907 = arith.divf %add3A_899, %add3A_906 : vector<16xf32>
        %swap3A_908 = arith.index_cast %scan3A_822 : i32 to index
        %swap3A_909 = arith.constant 64 : index
        %swap3A_910 = tpu.vector_load %arg20[%swap3A_908, %swap3A_909] {strides = array<i32>} : memref<48x128xf32, #tpu.memory_space<vmem>>, vector<16xf32>,
        tpu.vector_store %arg20[%swap3A_908, %swap3A_909], %div3A_907 {strides = array<i32>} : memref<48x128xf32, #tpu.memory_space<vmem>>, vector<16xf32>,
        %get3A_911 = arith.index_cast %scan3A_822 : i32 to index
        %get3A_912 = arith.constant 80 : index
        %get3A_913 = tpu.vector_load %arg20[%get3A_911, %get3A_912] {strides = array<i32>} : memref<48x128xf32, #tpu.memory_space<vmem>>, vector<16xf32>,
        %get3A_914 = arith.index_cast %scan3A_822 : i32 to index
        %get3A_915 = arith.constant 80 : index
        %get3A_916 = tpu.vector_load %arg22[%get3A_914, %get3A_915] {strides = array<i32>} : memref<48x128xf32, #tpu.memory_space<vmem>>, vector<16xf32>,
        %add3A_917 = arith.addf %get3A_913, %get3A_916 : vector<16xf32>
        %neg3A_918 = arith.constant 0.000000e+00 : f32
        %neg3A_919 = vector.broadcast %neg3A_918 : f32 to vector<16xf32>
        %neg3A_920 = arith.subf %neg3A_919, %add3A_917 : vector<16xf32>
        %exp3A_921 = math.exp %neg3A_920 : vector<16xf32>
        %add3A_922 = arith.constant 1.000000e+00 : f32
        %add3A_923 = vector.broadcast %add3A_922 : f32 to vector<16xf32>
        %add3A_924 = arith.addf %add3A_923, %exp3A_921 : vector<16xf32>
        %div3A_925 = arith.divf %add3A_917, %add3A_924 : vector<16xf32>
        %swap3A_926 = arith.index_cast %scan3A_822 : i32 to index
        %swap3A_927 = arith.constant 80 : index
        %swap3A_928 = tpu.vector_load %arg20[%swap3A_926, %swap3A_927] {strides = array<i32>} : memref<48x128xf32, #tpu.memory_space<vmem>>, vector<16xf32>,
        tpu.vector_store %arg20[%swap3A_926, %swap3A_927], %div3A_925 {strides = array<i32>} : memref<48x128xf32, #tpu.memory_space<vmem>>, vector<16xf32>,
        %get3A_929 = arith.index_cast %scan3A_822 : i32 to index
        %get3A_930 = arith.constant 96 : index
        %get3A_931 = tpu.vector_load %arg20[%get3A_929, %get3A_930] {strides = array<i32>} : memref<48x128xf32, #tpu.memory_space<vmem>>, vector<16xf32>,
        %get3A_932 = arith.index_cast %scan3A_822 : i32 to index
        %get3A_933 = arith.constant 96 : index
        %get3A_934 = tpu.vector_load %arg22[%get3A_932, %get3A_933] {strides = array<i32>} : memref<48x128xf32, #tpu.memory_space<vmem>>, vector<16xf32>,
        %add3A_935 = arith.addf %get3A_931, %get3A_934 : vector<16xf32>
        %neg3A_936 = arith.constant 0.000000e+00 : f32
        %neg3A_937 = vector.broadcast %neg3A_936 : f32 to vector<16xf32>
        %neg3A_938 = arith.subf %neg3A_937, %add3A_935 : vector<16xf32>
        %exp3A_939 = math.exp %neg3A_938 : vector<16xf32>
        %add3A_940 = arith.constant 1.000000e+00 : f32
        %add3A_941 = vector.broadcast %add3A_940 : f32 to vector<16xf32>
        %add3A_942 = arith.addf %add3A_941, %exp3A_939 : vector<16xf32>
        %div3A_943 = arith.divf %add3A_935, %add3A_942 : vector<16xf32>
        %swap3A_944 = arith.index_cast %scan3A_822 : i32 to index
        %swap3A_945 = arith.constant 96 : index
        %swap3A_946 = tpu.vector_load %arg20[%swap3A_944, %swap3A_945] {strides = array<i32>} : memref<48x128xf32, #tpu.memory_space<vmem>>, vector<16xf32>,
        tpu.vector_store %arg20[%swap3A_944, %swap3A_945], %div3A_943 {strides = array<i32>} : memref<48x128xf32, #tpu.memory_space<vmem>>, vector<16xf32>,
        %get3A_947 = arith.index_cast %scan3A_822 : i32 to index
        %get3A_948 = arith.constant 112 : index
        %get3A_949 = tpu.vector_load %arg20[%get3A_947, %get3A_948] {strides = array<i32>} : memref<48x128xf32, #tpu.memory_space<vmem>>, vector<16xf32>,
        %get3A_950 = arith.index_cast %scan3A_822 : i32 to index
        %get3A_951 = arith.constant 112 : index
        %get3A_952 = tpu.vector_load %arg22[%get3A_950, %get3A_951] {strides = array<i32>} : memref<48x128xf32, #tpu.memory_space<vmem>>, vector<16xf32>,
        %add3A_953 = arith.addf %get3A_949, %get3A_952 : vector<16xf32>
        %neg3A_954 = arith.constant 0.000000e+00 : f32
        %neg3A_955 = vector.broadcast %neg3A_954 : f32 to vector<16xf32>
        %neg3A_956 = arith.subf %neg3A_955, %add3A_953 : vector<16xf32>
        %exp3A_957 = math.exp %neg3A_956 : vector<16xf32>
        %add3A_958 = arith.constant 1.000000e+00 : f32
        %add3A_959 = vector.broadcast %add3A_958 : f32 to vector<16xf32>
        %add3A_960 = arith.addf %add3A_959, %exp3A_957 : vector<16xf32>
        %div3A_961 = arith.divf %add3A_953, %add3A_960 : vector<16xf32>
        %swap3A_962 = arith.index_cast %scan3A_822 : i32 to index
        %swap3A_963 = arith.constant 112 : index
        %swap3A_964 = tpu.vector_load %arg20[%swap3A_962, %swap3A_963] {strides = array<i32>} : memref<48x128xf32, #tpu.memory_space<vmem>>, vector<16xf32>,
        tpu.vector_store %arg20[%swap3A_962, %swap3A_963], %div3A_961 {strides = array<i32>} : memref<48x128xf32, #tpu.memory_space<vmem>>, vector<16xf32>,
      }
      %scan3A_703 = arith.constant 48 : i32
      %add3A_704 = arith.constant 0 : i32
      %add3A_705 = vector.broadcast %add3A_704 : i32 to vector<16xi32>
      %add3A_706 = arith.addi %add3A_705, %iota3A : vector<16xi32>
      %get3A_707 = arith.constant 1 : i32
      %get3A_708 = arith.index_cast %get3A_707 : i32 to index
      %get3A_709 = arith.constant 0 : index
      %get3A_710 = tpu.vector_load %arg16[%get3A_708, %get3A_709] {strides = array<i32>} : memref<2x48xi32, #tpu.memory_space<vmem>>, vector<16xi32>,
      %and3A_711 = arith.constant 127 : i32
      %and3A_712 = vector.broadcast %and3A_711 : i32 to vector<16xi32>
      %and3A_713 = arith.andi %get3A_710, %and3A_712 : vector<16xi32>
      tpu.vector_store_idx %arg23[%add3A_706, %and3A_713], %broadcast_in_dim3A_88 : memref<48x128xf32, #tpu.memory_space<vmem>>[vector<16xi32>, vector<16xi32>], vector<16xf32>,
      %add3A_714 = arith.constant 16 : i32
      %add3A_715 = vector.broadcast %add3A_714 : i32 to vector<16xi32>
      %add3A_716 = arith.addi %add3A_715, %iota3A : vector<16xi32>
      %get3A_717 = arith.constant 1 : i32
      %get3A_718 = arith.index_cast %get3A_717 : i32 to index
      %get3A_719 = arith.constant 16 : index
      %get3A_720 = tpu.vector_load %arg16[%get3A_718, %get3A_719] {strides = array<i32>} : memref<2x48xi32, #tpu.memory_space<vmem>>, vector<16xi32>,
      %and3A_721 = arith.constant 127 : i32
      %and3A_722 = vector.broadcast %and3A_721 : i32 to vector<16xi32>
      %and3A_723 = arith.andi %get3A_720, %and3A_722 : vector<16xi32>
      tpu.vector_store_idx %arg23[%add3A_716, %and3A_723], %broadcast_in_dim3A_88 : memref<48x128xf32, #tpu.memory_space<vmem>>[vector<16xi32>, vector<16xi32>], vector<16xf32>,
      %add3A_724 = arith.constant 32 : i32
      %add3A_725 = vector.broadcast %add3A_724 : i32 to vector<16xi32>
      %add3A_726 = arith.addi %add3A_725, %iota3A : vector<16xi32>
      %get3A_727 = arith.constant 1 : i32
      %get3A_728 = arith.index_cast %get3A_727 : i32 to index
      %get3A_729 = arith.constant 32 : index
      %get3A_730 = tpu.vector_load %arg16[%get3A_728, %get3A_729] {strides = array<i32>} : memref<2x48xi32, #tpu.memory_space<vmem>>, vector<16xi32>,
      %and3A_731 = arith.constant 127 : i32
      %and3A_732 = vector.broadcast %and3A_731 : i32 to vector<16xi32>
      %and3A_733 = arith.andi %get3A_730, %and3A_732 : vector<16xi32>
      tpu.vector_store_idx %arg23[%add3A_726, %and3A_733], %broadcast_in_dim3A_88 : memref<48x128xf32, #tpu.memory_space<vmem>>[vector<16xi32>, vector<16xi32>], vector<16xf32>,
      %dma_start3A_734 = arith.constant 1 : i32
      %dma_start3A_735 = arith.constant 0 : i32
      %dma_start3A_736 = tpu.memref_slice %arg16[%dma_start3A_734, %dma_start3A_735] : memref<2x48xi32, #tpu.memory_space<vmem>> -> memref<1x48xi32, #tpu.memory_space<vmem>>
      %dma_start3A_737 = tpu.memref_squeeze %dma_start3A_736 : memref<1x48xi32, #tpu.memory_space<vmem>> -> memref<48xi32, #tpu.memory_space<vmem>>
      %dma_start3A_738 = arith.constant 0 : i32
      %dma_start3A_739 = arith.constant 0 : i32
      %dma_start3A_740 = tpu.memref_slice %arg9[%dma_start3A_738, %dma_start3A_739] : memref<10240x128xf32, #tpu.memory_space<vmem_shared>> -> memref<10240x128xf32, #tpu.memory_space<vmem_shared>>
      tpu.enqueue_indirect_dma source(%arg20 : memref<48x128xf32, #tpu.memory_space<vmem>>) target(%dma_start3A_740 : memref<10240x128xf32, #tpu.memory_space<vmem_shared>>) offsets(%dma_start3A_737 : memref<48xi32, #tpu.memory_space<vmem>>) semaphore(%arg27 : memref<!tpu.dma_semaphore, #tpu.memory_space<semaphore_mem>>) {add = true}
      %dma_start3A_741 = arith.constant 1 : i32
      %dma_start3A_742 = arith.constant 0 : i32
      %dma_start3A_743 = tpu.memref_slice %arg17[%dma_start3A_741, %dma_start3A_742] : memref<2x48xi32, #tpu.memory_space<vmem>> -> memref<1x48xi32, #tpu.memory_space<vmem>>
      %dma_start3A_744 = tpu.memref_squeeze %dma_start3A_743 : memref<1x48xi32, #tpu.memory_space<vmem>> -> memref<48xi32, #tpu.memory_space<vmem>>
      %dma_start3A_745 = arith.constant 0 : i32
      %dma_start3A_746 = arith.constant 0 : i32
      %dma_start3A_747 = tpu.memref_slice %arg9[%dma_start3A_745, %dma_start3A_746] : memref<10240x128xf32, #tpu.memory_space<vmem_shared>> -> memref<10240x128xf32, #tpu.memory_space<vmem_shared>>
      tpu.enqueue_indirect_dma source(%arg23 : memref<48x128xf32, #tpu.memory_space<vmem>>) target(%dma_start3A_747 : memref<10240x128xf32, #tpu.memory_space<vmem_shared>>) offsets(%dma_start3A_744 : memref<48xi32, #tpu.memory_space<vmem>>) semaphore(%arg27 : memref<!tpu.dma_semaphore, #tpu.memory_space<semaphore_mem>>) {add = true}
      %add3A_748 = arith.constant 2 : i32
      %add3A_749 = arith.addi %add3A_664, %add3A_748 : i32
      %sub3A_750 = arith.constant 1 : i32
      %sub3A_751 = arith.subi %select_n3A_86, %sub3A_750 : i32
      %min3A_752 = arith.minsi %add3A_749, %sub3A_751 : i32
      %mul3A_753 = arith.constant 48 : i32
      %mul3A_754 = arith.muli %min3A_752, %mul3A_753 : i32
      %add3A_755 = arith.constant 0 : i32
      %add3A_756 = arith.addi %mul3A_754, %add3A_755 : i32
      %get3A_757 = arith.index_cast %add3A_756 : i32 to index
      %get3A_758 = tpu.vector_load %arg10[%get3A_757] {strides = array<i32>} : memref<10112xi32, #tpu.memory_space<vmem>>, vector<16xi32>,
      %and3A_759 = arith.constant 16383 : i32
      %and3A_760 = vector.broadcast %and3A_759 : i32 to vector<16xi32>
      %and3A_761 = arith.andi %get3A_758, %and3A_760 : vector<16xi32>
      %shift_right_logical3A_762 = arith.constant 14 : i32
      %shift_right_logical3A_763 = vector.broadcast %shift_right_logical3A_762 : i32 to vector<16xi32>
      %shift_right_logical3A_764 = arith.shrui %get3A_758, %shift_right_logical3A_763 : vector<16xi32>
      %swap3A_765 = arith.constant 1 : i32
      %swap3A_766 = arith.index_cast %swap3A_765 : i32 to index
      %swap3A_767 = arith.constant 0 : index
      %swap3A_768 = tpu.vector_load %arg15[%swap3A_766, %swap3A_767] {strides = array<i32>} : memref<2x48xi32, #tpu.memory_space<vmem>>, vector<16xi32>,
      tpu.vector_store %arg15[%swap3A_766, %swap3A_767], %shift_right_logical3A_764 {strides = array<i32>} : memref<2x48xi32, #tpu.memory_space<vmem>>, vector<16xi32>,
      %min3A_769 = arith.constant 9999 : i32
      %min3A_770 = vector.broadcast %min3A_769 : i32 to vector<16xi32>
      %min3A_771 = arith.minsi %and3A_761, %min3A_770 : vector<16xi32>
      %swap3A_772 = arith.constant 1 : i32
      %swap3A_773 = arith.index_cast %swap3A_772 : i32 to index
      %swap3A_774 = arith.constant 0 : index
      %swap3A_775 = tpu.vector_load %arg14[%swap3A_773, %swap3A_774] {strides = array<i32>} : memref<2x48xi32, #tpu.memory_space<vmem>>, vector<16xi32>,
      tpu.vector_store %arg14[%swap3A_773, %swap3A_774], %min3A_771 {strides = array<i32>} : memref<2x48xi32, #tpu.memory_space<vmem>>, vector<16xi32>,
      %mul3A_776 = arith.constant 48 : i32
      %mul3A_777 = arith.muli %min3A_752, %mul3A_776 : i32
      %add3A_778 = arith.constant 16 : i32
      %add3A_779 = arith.addi %mul3A_777, %add3A_778 : i32
      %get3A_780 = arith.index_cast %add3A_779 : i32 to index
      %get3A_781 = tpu.vector_load %arg10[%get3A_780] {strides = array<i32>} : memref<10112xi32, #tpu.memory_space<vmem>>, vector<16xi32>,
      %and3A_782 = arith.constant 16383 : i32
      %and3A_783 = vector.broadcast %and3A_782 : i32 to vector<16xi32>
      %and3A_784 = arith.andi %get3A_781, %and3A_783 : vector<16xi32>
      %shift_right_logical3A_785 = arith.constant 14 : i32
      %shift_right_logical3A_786 = vector.broadcast %shift_right_logical3A_785 : i32 to vector<16xi32>
      %shift_right_logical3A_787 = arith.shrui %get3A_781, %shift_right_logical3A_786 : vector<16xi32>
      %swap3A_788 = arith.constant 1 : i32
      %swap3A_789 = arith.index_cast %swap3A_788 : i32 to index
      %swap3A_790 = arith.constant 16 : index
      %swap3A_791 = tpu.vector_load %arg15[%swap3A_789, %swap3A_790] {strides = array<i32>} : memref<2x48xi32, #tpu.memory_space<vmem>>, vector<16xi32>,
      tpu.vector_store %arg15[%swap3A_789, %swap3A_790], %shift_right_logical3A_787 {strides = array<i32>} : memref<2x48xi32, #tpu.memory_space<vmem>>, vector<16xi32>,
      %min3A_792 = arith.constant 9999 : i32
      %min3A_793 = vector.broadcast %min3A_792 : i32 to vector<16xi32>
      %min3A_794 = arith.minsi %and3A_784, %min3A_793 : vector<16xi32>
      %swap3A_795 = arith.constant 1 : i32
      %swap3A_796 = arith.index_cast %swap3A_795 : i32 to index
      %swap3A_797 = arith.constant 16 : index
      %swap3A_798 = tpu.vector_load %arg14[%swap3A_796, %swap3A_797] {strides = array<i32>} : memref<2x48xi32, #tpu.memory_space<vmem>>, vector<16xi32>,
      tpu.vector_store %arg14[%swap3A_796, %swap3A_797], %min3A_794 {strides = array<i32>} : memref<2x48xi32, #tpu.memory_space<vmem>>, vector<16xi32>,
      %mul3A_799 = arith.constant 48 : i32
      %mul3A_800 = arith.muli %min3A_752, %mul3A_799 : i32
      %add3A_801 = arith.constant 32 : i32
      %add3A_802 = arith.addi %mul3A_800, %add3A_801 : i32
      %get3A_803 = arith.index_cast %add3A_802 : i32 to index
      %get3A_804 = tpu.vector_load %arg10[%get3A_803] {strides = array<i32>} : memref<10112xi32, #tpu.memory_space<vmem>>, vector<16xi32>,
      %and3A_805 = arith.constant 16383 : i32
      %and3A_806 = vector.broadcast %and3A_805 : i32 to vector<16xi32>
      %and3A_807 = arith.andi %get3A_804, %and3A_806 : vector<16xi32>
      %shift_right_logical3A_808 = arith.constant 14 : i32
      %shift_right_logical3A_809 = vector.broadcast %shift_right_logical3A_808 : i32 to vector<16xi32>
      %shift_right_logical3A_810 = arith.shrui %get3A_804, %shift_right_logical3A_809 : vector<16xi32>
      %swap3A_811 = arith.constant 1 : i32
      %swap3A_812 = arith.index_cast %swap3A_811 : i32 to index
      %swap3A_813 = arith.constant 32 : index
      %swap3A_814 = tpu.vector_load %arg15[%swap3A_812, %swap3A_813] {strides = array<i32>} : memref<2x48xi32, #tpu.memory_space<vmem>>, vector<16xi32>,
      tpu.vector_store %arg15[%swap3A_812, %swap3A_813], %shift_right_logical3A_810 {strides = array<i32>} : memref<2x48xi32, #tpu.memory_space<vmem>>, vector<16xi32>,
      %min3A_815 = arith.constant 9999 : i32
      %min3A_816 = vector.broadcast %min3A_815 : i32 to vector<16xi32>
      %min3A_817 = arith.minsi %and3A_807, %min3A_816 : vector<16xi32>
      %swap3A_818 = arith.constant 1 : i32
      %swap3A_819 = arith.index_cast %swap3A_818 : i32 to index
      %swap3A_820 = arith.constant 32 : index
      %swap3A_821 = tpu.vector_load %arg14[%swap3A_819, %swap3A_820] {strides = array<i32>} : memref<2x48xi32, #tpu.memory_space<vmem>>, vector<16xi32>,
      tpu.vector_store %arg14[%swap3A_819, %swap3A_820], %min3A_817 {strides = array<i32>} : memref<2x48xi32, #tpu.memory_space<vmem>>, vector<16xi32>,
    }
    %while3A_435 = arith.constant 1 : i32
    scf.for %while3A_503 = %while3A_433 to %while3A_429 step %while3A_435  : i32 {
      %mul3A_504 = arith.constant 2 : i32
      %mul3A_505 = arith.muli %mul3A_504, %while3A_503 : i32
      %dma_wait3A = arith.constant 0 : i32
      %dma_wait3A_506 = arith.constant 0 : i32
      %dma_wait3A_507 = tpu.memref_slice %arg14[%dma_wait3A, %dma_wait3A_506] : memref<2x48xi32, #tpu.memory_space<vmem>> -> memref<1x48xi32, #tpu.memory_space<vmem>>
      %dma_wait3A_508 = tpu.memref_squeeze %dma_wait3A_507 : memref<1x48xi32, #tpu.memory_space<vmem>> -> memref<48xi32, #tpu.memory_space<vmem>>
      %dma_wait3A_509 = arith.constant 0 : i32
      %dma_wait3A_510 = arith.constant 0 : i32
      %dma_wait3A_511 = tpu.memref_slice %arg6[%dma_wait3A_509, %dma_wait3A_510] : memref<10000x128xf32, #tpu.memory_space<hbm>> -> memref<10000x128xf32, #tpu.memory_space<hbm>>
      tpu.wait_indirect_dma semaphore(%arg24 : memref<!tpu.dma_semaphore, #tpu.memory_space<semaphore_mem>>) src(%dma_wait3A_511 : memref<10000x128xf32, #tpu.memory_space<hbm>>) dst(%arg19 : memref<48x128xf32, #tpu.memory_space<vmem>>)
      %dma_wait3A_512 = arith.constant 0 : i32
      %dma_wait3A_513 = arith.constant 0 : i32
      %dma_wait3A_514 = tpu.memref_slice %arg15[%dma_wait3A_512, %dma_wait3A_513] : memref<2x48xi32, #tpu.memory_space<vmem>> -> memref<1x48xi32, #tpu.memory_space<vmem>>
      %dma_wait3A_515 = tpu.memref_squeeze %dma_wait3A_514 : memref<1x48xi32, #tpu.memory_space<vmem>> -> memref<48xi32, #tpu.memory_space<vmem>>
      %dma_wait3A_516 = arith.constant 0 : i32
      %dma_wait3A_517 = arith.constant 0 : i32
      %dma_wait3A_518 = tpu.memref_slice %arg7[%dma_wait3A_516, %dma_wait3A_517] : memref<10000x128xf32, #tpu.memory_space<hbm>> -> memref<10000x128xf32, #tpu.memory_space<hbm>>
      tpu.wait_indirect_dma semaphore(%arg24 : memref<!tpu.dma_semaphore, #tpu.memory_space<semaphore_mem>>) src(%dma_wait3A_518 : memref<10000x128xf32, #tpu.memory_space<hbm>>) dst(%arg21 : memref<48x128xf32, #tpu.memory_space<vmem>>)
      %ge3A = arith.constant 1 : i32
      %ge3A_519 = arith.cmpi sge, %mul3A_505, %ge3A : i32
      %convert_element_type3A_520 = arith.extui %ge3A_519 : i1 to i32
      %cond3A_521 = arith.constant 0 : i32
      %cond3A_522 = arith.cmpi ne, %convert_element_type3A_520, %cond3A_521 : i32
      scf.if %cond3A_522 {
        %dma_wait3A_822 = arith.constant 1 : i32
        %dma_wait3A_823 = arith.constant 0 : i32
        %dma_wait3A_824 = tpu.memref_slice %arg16[%dma_wait3A_822, %dma_wait3A_823] : memref<2x48xi32, #tpu.memory_space<vmem>> -> memref<1x48xi32, #tpu.memory_space<vmem>>
        %dma_wait3A_825 = tpu.memref_squeeze %dma_wait3A_824 : memref<1x48xi32, #tpu.memory_space<vmem>> -> memref<48xi32, #tpu.memory_space<vmem>>
        %dma_wait3A_826 = arith.constant 0 : i32
        %dma_wait3A_827 = arith.constant 0 : i32
        %dma_wait3A_828 = tpu.memref_slice %arg9[%dma_wait3A_826, %dma_wait3A_827] : memref<10240x128xf32, #tpu.memory_space<vmem_shared>> -> memref<10240x128xf32, #tpu.memory_space<vmem_shared>>
        tpu.wait_indirect_dma semaphore(%arg27 : memref<!tpu.dma_semaphore, #tpu.memory_space<semaphore_mem>>) src(%arg20 : memref<48x128xf32, #tpu.memory_space<vmem>>) dst(%dma_wait3A_828 : memref<10240x128xf32, #tpu.memory_space<vmem_shared>>)
        %dma_wait3A_829 = arith.constant 1 : i32
        %dma_wait3A_830 = arith.constant 0 : i32
        %dma_wait3A_831 = tpu.memref_slice %arg17[%dma_wait3A_829, %dma_wait3A_830] : memref<2x48xi32, #tpu.memory_space<vmem>> -> memref<1x48xi32, #tpu.memory_space<vmem>>
        %dma_wait3A_832 = tpu.memref_squeeze %dma_wait3A_831 : memref<1x48xi32, #tpu.memory_space<vmem>> -> memref<48xi32, #tpu.memory_space<vmem>>
        %dma_wait3A_833 = arith.constant 0 : i32
        %dma_wait3A_834 = arith.constant 0 : i32
        %dma_wait3A_835 = tpu.memref_slice %arg9[%dma_wait3A_833, %dma_wait3A_834] : memref<10240x128xf32, #tpu.memory_space<vmem_shared>> -> memref<10240x128xf32, #tpu.memory_space<vmem_shared>>
        tpu.wait_indirect_dma semaphore(%arg27 : memref<!tpu.dma_semaphore, #tpu.memory_space<semaphore_mem>>) src(%arg23 : memref<48x128xf32, #tpu.memory_space<vmem>>) dst(%dma_wait3A_835 : memref<10240x128xf32, #tpu.memory_space<vmem_shared>>)
        %add3A_836 = arith.constant 0 : i32
        %add3A_837 = vector.broadcast %add3A_836 : i32 to vector<16xi32>
        %add3A_838 = arith.addi %add3A_837, %iota3A : vector<16xi32>
        %get3A_839 = arith.constant 1 : i32
        %get3A_840 = arith.index_cast %get3A_839 : i32 to index
        %get3A_841 = arith.constant 0 : index
        %get3A_842 = tpu.vector_load %arg16[%get3A_840, %get3A_841] {strides = array<i32>} : memref<2x48xi32, #tpu.memory_space<vmem>>, vector<16xi32>,
        %and3A_843 = arith.constant 127 : i32
        %and3A_844 = vector.broadcast %and3A_843 : i32 to vector<16xi32>
        %and3A_845 = arith.andi %get3A_842, %and3A_844 : vector<16xi32>
        tpu.vector_store_idx %arg23[%add3A_838, %and3A_845], %broadcast_in_dim3A_90 : memref<48x128xf32, #tpu.memory_space<vmem>>[vector<16xi32>, vector<16xi32>], vector<16xf32>,
        %add3A_846 = arith.constant 16 : i32
        %add3A_847 = vector.broadcast %add3A_846 : i32 to vector<16xi32>
        %add3A_848 = arith.addi %add3A_847, %iota3A : vector<16xi32>
        %get3A_849 = arith.constant 1 : i32
        %get3A_850 = arith.index_cast %get3A_849 : i32 to index
        %get3A_851 = arith.constant 16 : index
        %get3A_852 = tpu.vector_load %arg16[%get3A_850, %get3A_851] {strides = array<i32>} : memref<2x48xi32, #tpu.memory_space<vmem>>, vector<16xi32>,
        %and3A_853 = arith.constant 127 : i32
        %and3A_854 = vector.broadcast %and3A_853 : i32 to vector<16xi32>
        %and3A_855 = arith.andi %get3A_852, %and3A_854 : vector<16xi32>
        tpu.vector_store_idx %arg23[%add3A_848, %and3A_855], %broadcast_in_dim3A_90 : memref<48x128xf32, #tpu.memory_space<vmem>>[vector<16xi32>, vector<16xi32>], vector<16xf32>,
        %add3A_856 = arith.constant 32 : i32
        %add3A_857 = vector.broadcast %add3A_856 : i32 to vector<16xi32>
        %add3A_858 = arith.addi %add3A_857, %iota3A : vector<16xi32>
        %get3A_859 = arith.constant 1 : i32
        %get3A_860 = arith.index_cast %get3A_859 : i32 to index
        %get3A_861 = arith.constant 32 : index
        %get3A_862 = tpu.vector_load %arg16[%get3A_860, %get3A_861] {strides = array<i32>} : memref<2x48xi32, #tpu.memory_space<vmem>>, vector<16xi32>,
        %and3A_863 = arith.constant 127 : i32
        %and3A_864 = vector.broadcast %and3A_863 : i32 to vector<16xi32>
        %and3A_865 = arith.andi %get3A_862, %and3A_864 : vector<16xi32>
        tpu.vector_store_idx %arg23[%add3A_858, %and3A_865], %broadcast_in_dim3A_90 : memref<48x128xf32, #tpu.memory_space<vmem>>[vector<16xi32>, vector<16xi32>], vector<16xf32>,
        %add3A_866 = arith.constant 1 : i32
        %add3A_867 = arith.addi %mul3A_505, %add3A_866 : i32
        %sub3A_868 = arith.constant 1 : i32
        %sub3A_869 = arith.subi %select_n3A_86, %sub3A_868 : i32
        %min3A_870 = arith.minsi %add3A_867, %sub3A_869 : i32
        %mul3A_871 = arith.constant 48 : i32
        %mul3A_872 = arith.muli %min3A_870, %mul3A_871 : i32
        %add3A_873 = arith.constant 0 : i32
        %add3A_874 = arith.addi %mul3A_872, %add3A_873 : i32
        %get3A_875 = arith.index_cast %add3A_874 : i32 to index
        %get3A_876 = tpu.vector_load %arg10[%get3A_875] {strides = array<i32>} : memref<10112xi32, #tpu.memory_space<vmem>>, vector<16xi32>,
        %and3A_877 = arith.constant 16383 : i32
        %and3A_878 = vector.broadcast %and3A_877 : i32 to vector<16xi32>
        %and3A_879 = arith.andi %get3A_876, %and3A_878 : vector<16xi32>
        %swap3A_880 = arith.constant 1 : i32
        %swap3A_881 = arith.index_cast %swap3A_880 : i32 to index
        %swap3A_882 = arith.constant 0 : index
        %swap3A_883 = tpu.vector_load %arg16[%swap3A_881, %swap3A_882] {strides = array<i32>} : memref<2x48xi32, #tpu.memory_space<vmem>>, vector<16xi32>,
        tpu.vector_store %arg16[%swap3A_881, %swap3A_882], %and3A_879 {strides = array<i32>} : memref<2x48xi32, #tpu.memory_space<vmem>>, vector<16xi32>,
        %lt3A_884 = arith.constant 10000 : i32
        %lt3A_885 = vector.broadcast %lt3A_884 : i32 to vector<16xi32>
        %lt3A_886 = arith.cmpi slt, %and3A_879, %lt3A_885 : vector<16xi32>
        %shift_right_logical3A_887 = arith.constant 7 : i32
        %shift_right_logical3A_888 = vector.broadcast %shift_right_logical3A_887 : i32 to vector<16xi32>
        %shift_right_logical3A_889 = arith.shrui %and3A_879, %shift_right_logical3A_888 : vector<16xi32>
        %add3A_890 = arith.constant 10000 : i32
        %add3A_891 = vector.broadcast %add3A_890 : i32 to vector<16xi32>
        %add3A_892 = arith.addi %add3A_891, %shift_right_logical3A_889 : vector<16xi32>
        %add3A_893 = arith.constant 16 : i32
        %add3A_894 = vector.broadcast %add3A_893 : i32 to vector<16xi32>
        %add3A_895 = arith.addi %add3A_17, %add3A_894 : vector<16xi32>
        %select_n3A_896 = arith.select %lt3A_886, %add3A_892, %add3A_895 : vector<16xi1>, vector<16xi32>
        %swap3A_897 = arith.constant 1 : i32
        %swap3A_898 = arith.index_cast %swap3A_897 : i32 to index
        %swap3A_899 = arith.constant 0 : index
        %swap3A_900 = tpu.vector_load %arg17[%swap3A_898, %swap3A_899] {strides = array<i32>} : memref<2x48xi32, #tpu.memory_space<vmem>>, vector<16xi32>,
        tpu.vector_store %arg17[%swap3A_898, %swap3A_899], %select_n3A_896 {strides = array<i32>} : memref<2x48xi32, #tpu.memory_space<vmem>>, vector<16xi32>,
        %mul3A_901 = arith.constant 48 : i32
        %mul3A_902 = arith.muli %min3A_870, %mul3A_901 : i32
        %add3A_903 = arith.constant 16 : i32
        %add3A_904 = arith.addi %mul3A_902, %add3A_903 : i32
        %get3A_905 = arith.index_cast %add3A_904 : i32 to index
        %get3A_906 = tpu.vector_load %arg10[%get3A_905] {strides = array<i32>} : memref<10112xi32, #tpu.memory_space<vmem>>, vector<16xi32>,
        %and3A_907 = arith.constant 16383 : i32
        %and3A_908 = vector.broadcast %and3A_907 : i32 to vector<16xi32>
        %and3A_909 = arith.andi %get3A_906, %and3A_908 : vector<16xi32>
        %swap3A_910 = arith.constant 1 : i32
        %swap3A_911 = arith.index_cast %swap3A_910 : i32 to index
        %swap3A_912 = arith.constant 16 : index
        %swap3A_913 = tpu.vector_load %arg16[%swap3A_911, %swap3A_912] {strides = array<i32>} : memref<2x48xi32, #tpu.memory_space<vmem>>, vector<16xi32>,
        tpu.vector_store %arg16[%swap3A_911, %swap3A_912], %and3A_909 {strides = array<i32>} : memref<2x48xi32, #tpu.memory_space<vmem>>, vector<16xi32>,
        %lt3A_914 = arith.constant 10000 : i32
        %lt3A_915 = vector.broadcast %lt3A_914 : i32 to vector<16xi32>
        %lt3A_916 = arith.cmpi slt, %and3A_909, %lt3A_915 : vector<16xi32>
        %shift_right_logical3A_917 = arith.constant 7 : i32
        %shift_right_logical3A_918 = vector.broadcast %shift_right_logical3A_917 : i32 to vector<16xi32>
        %shift_right_logical3A_919 = arith.shrui %and3A_909, %shift_right_logical3A_918 : vector<16xi32>
        %add3A_920 = arith.constant 10000 : i32
        %add3A_921 = vector.broadcast %add3A_920 : i32 to vector<16xi32>
        %add3A_922 = arith.addi %add3A_921, %shift_right_logical3A_919 : vector<16xi32>
        %add3A_923 = arith.constant 16 : i32
        %add3A_924 = vector.broadcast %add3A_923 : i32 to vector<16xi32>
        %add3A_925 = arith.addi %add3A_17, %add3A_924 : vector<16xi32>
        %select_n3A_926 = arith.select %lt3A_916, %add3A_922, %add3A_925 : vector<16xi1>, vector<16xi32>
        %swap3A_927 = arith.constant 1 : i32
        %swap3A_928 = arith.index_cast %swap3A_927 : i32 to index
        %swap3A_929 = arith.constant 16 : index
        %swap3A_930 = tpu.vector_load %arg17[%swap3A_928, %swap3A_929] {strides = array<i32>} : memref<2x48xi32, #tpu.memory_space<vmem>>, vector<16xi32>,
        tpu.vector_store %arg17[%swap3A_928, %swap3A_929], %select_n3A_926 {strides = array<i32>} : memref<2x48xi32, #tpu.memory_space<vmem>>, vector<16xi32>,
        %mul3A_931 = arith.constant 48 : i32
        %mul3A_932 = arith.muli %min3A_870, %mul3A_931 : i32
        %add3A_933 = arith.constant 32 : i32
        %add3A_934 = arith.addi %mul3A_932, %add3A_933 : i32
        %get3A_935 = arith.index_cast %add3A_934 : i32 to index
        %get3A_936 = tpu.vector_load %arg10[%get3A_935] {strides = array<i32>} : memref<10112xi32, #tpu.memory_space<vmem>>, vector<16xi32>,
        %and3A_937 = arith.constant 16383 : i32
        %and3A_938 = vector.broadcast %and3A_937 : i32 to vector<16xi32>
        %and3A_939 = arith.andi %get3A_936, %and3A_938 : vector<16xi32>
        %swap3A_940 = arith.constant 1 : i32
        %swap3A_941 = arith.index_cast %swap3A_940 : i32 to index
        %swap3A_942 = arith.constant 32 : index
        %swap3A_943 = tpu.vector_load %arg16[%swap3A_941, %swap3A_942] {strides = array<i32>} : memref<2x48xi32, #tpu.memory_space<vmem>>, vector<16xi32>,
        tpu.vector_store %arg16[%swap3A_941, %swap3A_942], %and3A_939 {strides = array<i32>} : memref<2x48xi32, #tpu.memory_space<vmem>>, vector<16xi32>,
        %lt3A_944 = arith.constant 10000 : i32
        %lt3A_945 = vector.broadcast %lt3A_944 : i32 to vector<16xi32>
        %lt3A_946 = arith.cmpi slt, %and3A_939, %lt3A_945 : vector<16xi32>
        %shift_right_logical3A_947 = arith.constant 7 : i32
        %shift_right_logical3A_948 = vector.broadcast %shift_right_logical3A_947 : i32 to vector<16xi32>
        %shift_right_logical3A_949 = arith.shrui %and3A_939, %shift_right_logical3A_948 : vector<16xi32>
        %add3A_950 = arith.constant 10000 : i32
        %add3A_951 = vector.broadcast %add3A_950 : i32 to vector<16xi32>
        %add3A_952 = arith.addi %add3A_951, %shift_right_logical3A_949 : vector<16xi32>
        %add3A_953 = arith.constant 16 : i32
        %add3A_954 = vector.broadcast %add3A_953 : i32 to vector<16xi32>
        %add3A_955 = arith.addi %add3A_17, %add3A_954 : vector<16xi32>
        %select_n3A_956 = arith.select %lt3A_946, %add3A_952, %add3A_955 : vector<16xi1>, vector<16xi32>
        %swap3A_957 = arith.constant 1 : i32
        %swap3A_958 = arith.index_cast %swap3A_957 : i32 to index
        %swap3A_959 = arith.constant 32 : index
        %swap3A_960 = tpu.vector_load %arg17[%swap3A_958, %swap3A_959] {strides = array<i32>} : memref<2x48xi32, #tpu.memory_space<vmem>>, vector<16xi32>,
        tpu.vector_store %arg17[%swap3A_958, %swap3A_959], %select_n3A_956 {strides = array<i32>} : memref<2x48xi32, #tpu.memory_space<vmem>>, vector<16xi32>,
      } else {
      }
      %dma_start3A_523 = arith.constant 1 : i32
      %dma_start3A_524 = arith.constant 0 : i32
      %dma_start3A_525 = tpu.memref_slice %arg14[%dma_start3A_523, %dma_start3A_524] : memref<2x48xi32, #tpu.memory_space<vmem>> -> memref<1x48xi32, #tpu.memory_space<vmem>>
      %dma_start3A_526 = tpu.memref_squeeze %dma_start3A_525 : memref<1x48xi32, #tpu.memory_space<vmem>> -> memref<48xi32, #tpu.memory_space<vmem>>
      %dma_start3A_527 = arith.constant 0 : i32
      %dma_start3A_528 = arith.constant 0 : i32
      %dma_start3A_529 = tpu.memref_slice %arg6[%dma_start3A_527, %dma_start3A_528] : memref<10000x128xf32, #tpu.memory_space<hbm>> -> memref<10000x128xf32, #tpu.memory_space<hbm>>
      tpu.enqueue_indirect_dma source(%dma_start3A_529 : memref<10000x128xf32, #tpu.memory_space<hbm>>) target(%arg20 : memref<48x128xf32, #tpu.memory_space<vmem>>) offsets(%dma_start3A_526 : memref<48xi32, #tpu.memory_space<vmem>>) semaphore(%arg25 : memref<!tpu.dma_semaphore, #tpu.memory_space<semaphore_mem>>)
      %dma_start3A_530 = arith.constant 1 : i32
      %dma_start3A_531 = arith.constant 0 : i32
      %dma_start3A_532 = tpu.memref_slice %arg15[%dma_start3A_530, %dma_start3A_531] : memref<2x48xi32, #tpu.memory_space<vmem>> -> memref<1x48xi32, #tpu.memory_space<vmem>>
      %dma_start3A_533 = tpu.memref_squeeze %dma_start3A_532 : memref<1x48xi32, #tpu.memory_space<vmem>> -> memref<48xi32, #tpu.memory_space<vmem>>
      %dma_start3A_534 = arith.constant 0 : i32
      %dma_start3A_535 = arith.constant 0 : i32
      %dma_start3A_536 = tpu.memref_slice %arg7[%dma_start3A_534, %dma_start3A_535] : memref<10000x128xf32, #tpu.memory_space<hbm>> -> memref<10000x128xf32, #tpu.memory_space<hbm>>
      tpu.enqueue_indirect_dma source(%dma_start3A_536 : memref<10000x128xf32, #tpu.memory_space<hbm>>) target(%arg22 : memref<48x128xf32, #tpu.memory_space<vmem>>) offsets(%dma_start3A_533 : memref<48xi32, #tpu.memory_space<vmem>>) semaphore(%arg25 : memref<!tpu.dma_semaphore, #tpu.memory_space<semaphore_mem>>)
      %scan3A_537 = arith.constant 0 : i32
      %scan3A_538 = arith.constant 0 : i32
      %scan3A_539 = arith.constant 48 : i32
      %scan3A_540 = arith.addi %scan3A_538, %scan3A_539 : i32
      %scan3A_541 = arith.constant 1 : i32
      scf.for %scan3A_822 = %scan3A_538 to %scan3A_540 step %scan3A_541  : i32 {
        %get3A_823 = arith.index_cast %scan3A_822 : i32 to index
        %get3A_824 = arith.constant 0 : index
        %get3A_825 = tpu.vector_load %arg19[%get3A_823, %get3A_824] {strides = array<i32>} : memref<48x128xf32, #tpu.memory_space<vmem>>, vector<16xf32>,
        %get3A_826 = arith.index_cast %scan3A_822 : i32 to index
        %get3A_827 = arith.constant 0 : index
        %get3A_828 = tpu.vector_load %arg21[%get3A_826, %get3A_827] {strides = array<i32>} : memref<48x128xf32, #tpu.memory_space<vmem>>, vector<16xf32>,
        %add3A_829 = arith.addf %get3A_825, %get3A_828 : vector<16xf32>
        %neg3A = arith.constant 0.000000e+00 : f32
        %neg3A_830 = vector.broadcast %neg3A : f32 to vector<16xf32>
        %neg3A_831 = arith.subf %neg3A_830, %add3A_829 : vector<16xf32>
        %exp3A = math.exp %neg3A_831 : vector<16xf32>
        %add3A_832 = arith.constant 1.000000e+00 : f32
        %add3A_833 = vector.broadcast %add3A_832 : f32 to vector<16xf32>
        %add3A_834 = arith.addf %add3A_833, %exp3A : vector<16xf32>
        %div3A_835 = arith.divf %add3A_829, %add3A_834 : vector<16xf32>
        %swap3A_836 = arith.index_cast %scan3A_822 : i32 to index
        %swap3A_837 = arith.constant 0 : index
        %swap3A_838 = tpu.vector_load %arg19[%swap3A_836, %swap3A_837] {strides = array<i32>} : memref<48x128xf32, #tpu.memory_space<vmem>>, vector<16xf32>,
        tpu.vector_store %arg19[%swap3A_836, %swap3A_837], %div3A_835 {strides = array<i32>} : memref<48x128xf32, #tpu.memory_space<vmem>>, vector<16xf32>,
        %get3A_839 = arith.index_cast %scan3A_822 : i32 to index
        %get3A_840 = arith.constant 16 : index
        %get3A_841 = tpu.vector_load %arg19[%get3A_839, %get3A_840] {strides = array<i32>} : memref<48x128xf32, #tpu.memory_space<vmem>>, vector<16xf32>,
        %get3A_842 = arith.index_cast %scan3A_822 : i32 to index
        %get3A_843 = arith.constant 16 : index
        %get3A_844 = tpu.vector_load %arg21[%get3A_842, %get3A_843] {strides = array<i32>} : memref<48x128xf32, #tpu.memory_space<vmem>>, vector<16xf32>,
        %add3A_845 = arith.addf %get3A_841, %get3A_844 : vector<16xf32>
        %neg3A_846 = arith.constant 0.000000e+00 : f32
        %neg3A_847 = vector.broadcast %neg3A_846 : f32 to vector<16xf32>
        %neg3A_848 = arith.subf %neg3A_847, %add3A_845 : vector<16xf32>
        %exp3A_849 = math.exp %neg3A_848 : vector<16xf32>
        %add3A_850 = arith.constant 1.000000e+00 : f32
        %add3A_851 = vector.broadcast %add3A_850 : f32 to vector<16xf32>
        %add3A_852 = arith.addf %add3A_851, %exp3A_849 : vector<16xf32>
        %div3A_853 = arith.divf %add3A_845, %add3A_852 : vector<16xf32>
        %swap3A_854 = arith.index_cast %scan3A_822 : i32 to index
        %swap3A_855 = arith.constant 16 : index
        %swap3A_856 = tpu.vector_load %arg19[%swap3A_854, %swap3A_855] {strides = array<i32>} : memref<48x128xf32, #tpu.memory_space<vmem>>, vector<16xf32>,
        tpu.vector_store %arg19[%swap3A_854, %swap3A_855], %div3A_853 {strides = array<i32>} : memref<48x128xf32, #tpu.memory_space<vmem>>, vector<16xf32>,
        %get3A_857 = arith.index_cast %scan3A_822 : i32 to index
        %get3A_858 = arith.constant 32 : index
        %get3A_859 = tpu.vector_load %arg19[%get3A_857, %get3A_858] {strides = array<i32>} : memref<48x128xf32, #tpu.memory_space<vmem>>, vector<16xf32>,
        %get3A_860 = arith.index_cast %scan3A_822 : i32 to index
        %get3A_861 = arith.constant 32 : index
        %get3A_862 = tpu.vector_load %arg21[%get3A_860, %get3A_861] {strides = array<i32>} : memref<48x128xf32, #tpu.memory_space<vmem>>, vector<16xf32>,
        %add3A_863 = arith.addf %get3A_859, %get3A_862 : vector<16xf32>
        %neg3A_864 = arith.constant 0.000000e+00 : f32
        %neg3A_865 = vector.broadcast %neg3A_864 : f32 to vector<16xf32>
        %neg3A_866 = arith.subf %neg3A_865, %add3A_863 : vector<16xf32>
        %exp3A_867 = math.exp %neg3A_866 : vector<16xf32>
        %add3A_868 = arith.constant 1.000000e+00 : f32
        %add3A_869 = vector.broadcast %add3A_868 : f32 to vector<16xf32>
        %add3A_870 = arith.addf %add3A_869, %exp3A_867 : vector<16xf32>
        %div3A_871 = arith.divf %add3A_863, %add3A_870 : vector<16xf32>
        %swap3A_872 = arith.index_cast %scan3A_822 : i32 to index
        %swap3A_873 = arith.constant 32 : index
        %swap3A_874 = tpu.vector_load %arg19[%swap3A_872, %swap3A_873] {strides = array<i32>} : memref<48x128xf32, #tpu.memory_space<vmem>>, vector<16xf32>,
        tpu.vector_store %arg19[%swap3A_872, %swap3A_873], %div3A_871 {strides = array<i32>} : memref<48x128xf32, #tpu.memory_space<vmem>>, vector<16xf32>,
        %get3A_875 = arith.index_cast %scan3A_822 : i32 to index
        %get3A_876 = arith.constant 48 : index
        %get3A_877 = tpu.vector_load %arg19[%get3A_875, %get3A_876] {strides = array<i32>} : memref<48x128xf32, #tpu.memory_space<vmem>>, vector<16xf32>,
        %get3A_878 = arith.index_cast %scan3A_822 : i32 to index
        %get3A_879 = arith.constant 48 : index
        %get3A_880 = tpu.vector_load %arg21[%get3A_878, %get3A_879] {strides = array<i32>} : memref<48x128xf32, #tpu.memory_space<vmem>>, vector<16xf32>,
        %add3A_881 = arith.addf %get3A_877, %get3A_880 : vector<16xf32>
        %neg3A_882 = arith.constant 0.000000e+00 : f32
        %neg3A_883 = vector.broadcast %neg3A_882 : f32 to vector<16xf32>
        %neg3A_884 = arith.subf %neg3A_883, %add3A_881 : vector<16xf32>
        %exp3A_885 = math.exp %neg3A_884 : vector<16xf32>
        %add3A_886 = arith.constant 1.000000e+00 : f32
        %add3A_887 = vector.broadcast %add3A_886 : f32 to vector<16xf32>
        %add3A_888 = arith.addf %add3A_887, %exp3A_885 : vector<16xf32>
        %div3A_889 = arith.divf %add3A_881, %add3A_888 : vector<16xf32>
        %swap3A_890 = arith.index_cast %scan3A_822 : i32 to index
        %swap3A_891 = arith.constant 48 : index
        %swap3A_892 = tpu.vector_load %arg19[%swap3A_890, %swap3A_891] {strides = array<i32>} : memref<48x128xf32, #tpu.memory_space<vmem>>, vector<16xf32>,
        tpu.vector_store %arg19[%swap3A_890, %swap3A_891], %div3A_889 {strides = array<i32>} : memref<48x128xf32, #tpu.memory_space<vmem>>, vector<16xf32>,
        %get3A_893 = arith.index_cast %scan3A_822 : i32 to index
        %get3A_894 = arith.constant 64 : index
        %get3A_895 = tpu.vector_load %arg19[%get3A_893, %get3A_894] {strides = array<i32>} : memref<48x128xf32, #tpu.memory_space<vmem>>, vector<16xf32>,
        %get3A_896 = arith.index_cast %scan3A_822 : i32 to index
        %get3A_897 = arith.constant 64 : index
        %get3A_898 = tpu.vector_load %arg21[%get3A_896, %get3A_897] {strides = array<i32>} : memref<48x128xf32, #tpu.memory_space<vmem>>, vector<16xf32>,
        %add3A_899 = arith.addf %get3A_895, %get3A_898 : vector<16xf32>
        %neg3A_900 = arith.constant 0.000000e+00 : f32
        %neg3A_901 = vector.broadcast %neg3A_900 : f32 to vector<16xf32>
        %neg3A_902 = arith.subf %neg3A_901, %add3A_899 : vector<16xf32>
        %exp3A_903 = math.exp %neg3A_902 : vector<16xf32>
        %add3A_904 = arith.constant 1.000000e+00 : f32
        %add3A_905 = vector.broadcast %add3A_904 : f32 to vector<16xf32>
        %add3A_906 = arith.addf %add3A_905, %exp3A_903 : vector<16xf32>
        %div3A_907 = arith.divf %add3A_899, %add3A_906 : vector<16xf32>
        %swap3A_908 = arith.index_cast %scan3A_822 : i32 to index
        %swap3A_909 = arith.constant 64 : index
        %swap3A_910 = tpu.vector_load %arg19[%swap3A_908, %swap3A_909] {strides = array<i32>} : memref<48x128xf32, #tpu.memory_space<vmem>>, vector<16xf32>,
        tpu.vector_store %arg19[%swap3A_908, %swap3A_909], %div3A_907 {strides = array<i32>} : memref<48x128xf32, #tpu.memory_space<vmem>>, vector<16xf32>,
        %get3A_911 = arith.index_cast %scan3A_822 : i32 to index
        %get3A_912 = arith.constant 80 : index
        %get3A_913 = tpu.vector_load %arg19[%get3A_911, %get3A_912] {strides = array<i32>} : memref<48x128xf32, #tpu.memory_space<vmem>>, vector<16xf32>,
        %get3A_914 = arith.index_cast %scan3A_822 : i32 to index
        %get3A_915 = arith.constant 80 : index
        %get3A_916 = tpu.vector_load %arg21[%get3A_914, %get3A_915] {strides = array<i32>} : memref<48x128xf32, #tpu.memory_space<vmem>>, vector<16xf32>,
        %add3A_917 = arith.addf %get3A_913, %get3A_916 : vector<16xf32>
        %neg3A_918 = arith.constant 0.000000e+00 : f32
        %neg3A_919 = vector.broadcast %neg3A_918 : f32 to vector<16xf32>
        %neg3A_920 = arith.subf %neg3A_919, %add3A_917 : vector<16xf32>
        %exp3A_921 = math.exp %neg3A_920 : vector<16xf32>
        %add3A_922 = arith.constant 1.000000e+00 : f32
        %add3A_923 = vector.broadcast %add3A_922 : f32 to vector<16xf32>
        %add3A_924 = arith.addf %add3A_923, %exp3A_921 : vector<16xf32>
        %div3A_925 = arith.divf %add3A_917, %add3A_924 : vector<16xf32>
        %swap3A_926 = arith.index_cast %scan3A_822 : i32 to index
        %swap3A_927 = arith.constant 80 : index
        %swap3A_928 = tpu.vector_load %arg19[%swap3A_926, %swap3A_927] {strides = array<i32>} : memref<48x128xf32, #tpu.memory_space<vmem>>, vector<16xf32>,
        tpu.vector_store %arg19[%swap3A_926, %swap3A_927], %div3A_925 {strides = array<i32>} : memref<48x128xf32, #tpu.memory_space<vmem>>, vector<16xf32>,
        %get3A_929 = arith.index_cast %scan3A_822 : i32 to index
        %get3A_930 = arith.constant 96 : index
        %get3A_931 = tpu.vector_load %arg19[%get3A_929, %get3A_930] {strides = array<i32>} : memref<48x128xf32, #tpu.memory_space<vmem>>, vector<16xf32>,
        %get3A_932 = arith.index_cast %scan3A_822 : i32 to index
        %get3A_933 = arith.constant 96 : index
        %get3A_934 = tpu.vector_load %arg21[%get3A_932, %get3A_933] {strides = array<i32>} : memref<48x128xf32, #tpu.memory_space<vmem>>, vector<16xf32>,
        %add3A_935 = arith.addf %get3A_931, %get3A_934 : vector<16xf32>
        %neg3A_936 = arith.constant 0.000000e+00 : f32
        %neg3A_937 = vector.broadcast %neg3A_936 : f32 to vector<16xf32>
        %neg3A_938 = arith.subf %neg3A_937, %add3A_935 : vector<16xf32>
        %exp3A_939 = math.exp %neg3A_938 : vector<16xf32>
        %add3A_940 = arith.constant 1.000000e+00 : f32
        %add3A_941 = vector.broadcast %add3A_940 : f32 to vector<16xf32>
        %add3A_942 = arith.addf %add3A_941, %exp3A_939 : vector<16xf32>
        %div3A_943 = arith.divf %add3A_935, %add3A_942 : vector<16xf32>
        %swap3A_944 = arith.index_cast %scan3A_822 : i32 to index
        %swap3A_945 = arith.constant 96 : index
        %swap3A_946 = tpu.vector_load %arg19[%swap3A_944, %swap3A_945] {strides = array<i32>} : memref<48x128xf32, #tpu.memory_space<vmem>>, vector<16xf32>,
        tpu.vector_store %arg19[%swap3A_944, %swap3A_945], %div3A_943 {strides = array<i32>} : memref<48x128xf32, #tpu.memory_space<vmem>>, vector<16xf32>,
        %get3A_947 = arith.index_cast %scan3A_822 : i32 to index
        %get3A_948 = arith.constant 112 : index
        %get3A_949 = tpu.vector_load %arg19[%get3A_947, %get3A_948] {strides = array<i32>} : memref<48x128xf32, #tpu.memory_space<vmem>>, vector<16xf32>,
        %get3A_950 = arith.index_cast %scan3A_822 : i32 to index
        %get3A_951 = arith.constant 112 : index
        %get3A_952 = tpu.vector_load %arg21[%get3A_950, %get3A_951] {strides = array<i32>} : memref<48x128xf32, #tpu.memory_space<vmem>>, vector<16xf32>,
        %add3A_953 = arith.addf %get3A_949, %get3A_952 : vector<16xf32>
        %neg3A_954 = arith.constant 0.000000e+00 : f32
        %neg3A_955 = vector.broadcast %neg3A_954 : f32 to vector<16xf32>
        %neg3A_956 = arith.subf %neg3A_955, %add3A_953 : vector<16xf32>
        %exp3A_957 = math.exp %neg3A_956 : vector<16xf32>
        %add3A_958 = arith.constant 1.000000e+00 : f32
        %add3A_959 = vector.broadcast %add3A_958 : f32 to vector<16xf32>
        %add3A_960 = arith.addf %add3A_959, %exp3A_957 : vector<16xf32>
        %div3A_961 = arith.divf %add3A_953, %add3A_960 : vector<16xf32>
        %swap3A_962 = arith.index_cast %scan3A_822 : i32 to index
        %swap3A_963 = arith.constant 112 : index
        %swap3A_964 = tpu.vector_load %arg19[%swap3A_962, %swap3A_963] {strides = array<i32>} : memref<48x128xf32, #tpu.memory_space<vmem>>, vector<16xf32>,
        tpu.vector_store %arg19[%swap3A_962, %swap3A_963], %div3A_961 {strides = array<i32>} : memref<48x128xf32, #tpu.memory_space<vmem>>, vector<16xf32>,
      }
      %scan3A_542 = arith.constant 48 : i32
      %add3A_543 = arith.constant 0 : i32
      %add3A_544 = vector.broadcast %add3A_543 : i32 to vector<16xi32>
      %add3A_545 = arith.addi %add3A_544, %iota3A : vector<16xi32>
      %get3A_546 = arith.constant 0 : i32
      %get3A_547 = arith.index_cast %get3A_546 : i32 to index
      %get3A_548 = arith.constant 0 : index
      %get3A_549 = tpu.vector_load %arg16[%get3A_547, %get3A_548] {strides = array<i32>} : memref<2x48xi32, #tpu.memory_space<vmem>>, vector<16xi32>,
      %and3A_550 = arith.constant 127 : i32
      %and3A_551 = vector.broadcast %and3A_550 : i32 to vector<16xi32>
      %and3A_552 = arith.andi %get3A_549, %and3A_551 : vector<16xi32>
      tpu.vector_store_idx %arg23[%add3A_545, %and3A_552], %broadcast_in_dim3A_88 : memref<48x128xf32, #tpu.memory_space<vmem>>[vector<16xi32>, vector<16xi32>], vector<16xf32>,
      %add3A_553 = arith.constant 16 : i32
      %add3A_554 = vector.broadcast %add3A_553 : i32 to vector<16xi32>
      %add3A_555 = arith.addi %add3A_554, %iota3A : vector<16xi32>
      %get3A_556 = arith.constant 0 : i32
      %get3A_557 = arith.index_cast %get3A_556 : i32 to index
      %get3A_558 = arith.constant 16 : index
      %get3A_559 = tpu.vector_load %arg16[%get3A_557, %get3A_558] {strides = array<i32>} : memref<2x48xi32, #tpu.memory_space<vmem>>, vector<16xi32>,
      %and3A_560 = arith.constant 127 : i32
      %and3A_561 = vector.broadcast %and3A_560 : i32 to vector<16xi32>
      %and3A_562 = arith.andi %get3A_559, %and3A_561 : vector<16xi32>
      tpu.vector_store_idx %arg23[%add3A_555, %and3A_562], %broadcast_in_dim3A_88 : memref<48x128xf32, #tpu.memory_space<vmem>>[vector<16xi32>, vector<16xi32>], vector<16xf32>,
      %add3A_563 = arith.constant 32 : i32
      %add3A_564 = vector.broadcast %add3A_563 : i32 to vector<16xi32>
      %add3A_565 = arith.addi %add3A_564, %iota3A : vector<16xi32>
      %get3A_566 = arith.constant 0 : i32
      %get3A_567 = arith.index_cast %get3A_566 : i32 to index
      %get3A_568 = arith.constant 32 : index
      %get3A_569 = tpu.vector_load %arg16[%get3A_567, %get3A_568] {strides = array<i32>} : memref<2x48xi32, #tpu.memory_space<vmem>>, vector<16xi32>,
      %and3A_570 = arith.constant 127 : i32
      %and3A_571 = vector.broadcast %and3A_570 : i32 to vector<16xi32>
      %and3A_572 = arith.andi %get3A_569, %and3A_571 : vector<16xi32>
      tpu.vector_store_idx %arg23[%add3A_565, %and3A_572], %broadcast_in_dim3A_88 : memref<48x128xf32, #tpu.memory_space<vmem>>[vector<16xi32>, vector<16xi32>], vector<16xf32>,
      %dma_start3A_573 = arith.constant 0 : i32
      %dma_start3A_574 = arith.constant 0 : i32
      %dma_start3A_575 = tpu.memref_slice %arg16[%dma_start3A_573, %dma_start3A_574] : memref<2x48xi32, #tpu.memory_space<vmem>> -> memref<1x48xi32, #tpu.memory_space<vmem>>
      %dma_start3A_576 = tpu.memref_squeeze %dma_start3A_575 : memref<1x48xi32, #tpu.memory_space<vmem>> -> memref<48xi32, #tpu.memory_space<vmem>>
      %dma_start3A_577 = arith.constant 0 : i32
      %dma_start3A_578 = arith.constant 0 : i32
      %dma_start3A_579 = tpu.memref_slice %arg9[%dma_start3A_577, %dma_start3A_578] : memref<10240x128xf32, #tpu.memory_space<vmem_shared>> -> memref<10240x128xf32, #tpu.memory_space<vmem_shared>>
      tpu.enqueue_indirect_dma source(%arg19 : memref<48x128xf32, #tpu.memory_space<vmem>>) target(%dma_start3A_579 : memref<10240x128xf32, #tpu.memory_space<vmem_shared>>) offsets(%dma_start3A_576 : memref<48xi32, #tpu.memory_space<vmem>>) semaphore(%arg26 : memref<!tpu.dma_semaphore, #tpu.memory_space<semaphore_mem>>) {add = true}
      %dma_start3A_580 = arith.constant 0 : i32
      %dma_start3A_581 = arith.constant 0 : i32
      %dma_start3A_582 = tpu.memref_slice %arg17[%dma_start3A_580, %dma_start3A_581] : memref<2x48xi32, #tpu.memory_space<vmem>> -> memref<1x48xi32, #tpu.memory_space<vmem>>
      %dma_start3A_583 = tpu.memref_squeeze %dma_start3A_582 : memref<1x48xi32, #tpu.memory_space<vmem>> -> memref<48xi32, #tpu.memory_space<vmem>>
      %dma_start3A_584 = arith.constant 0 : i32
      %dma_start3A_585 = arith.constant 0 : i32
      %dma_start3A_586 = tpu.memref_slice %arg9[%dma_start3A_584, %dma_start3A_585] : memref<10240x128xf32, #tpu.memory_space<vmem_shared>> -> memref<10240x128xf32, #tpu.memory_space<vmem_shared>>
      tpu.enqueue_indirect_dma source(%arg23 : memref<48x128xf32, #tpu.memory_space<vmem>>) target(%dma_start3A_586 : memref<10240x128xf32, #tpu.memory_space<vmem_shared>>) offsets(%dma_start3A_583 : memref<48xi32, #tpu.memory_space<vmem>>) semaphore(%arg26 : memref<!tpu.dma_semaphore, #tpu.memory_space<semaphore_mem>>) {add = true}
      %add3A_587 = arith.constant 2 : i32
      %add3A_588 = arith.addi %mul3A_505, %add3A_587 : i32
      %sub3A_589 = arith.constant 1 : i32
      %sub3A_590 = arith.subi %select_n3A_86, %sub3A_589 : i32
      %min3A_591 = arith.minsi %add3A_588, %sub3A_590 : i32
      %mul3A_592 = arith.constant 48 : i32
      %mul3A_593 = arith.muli %min3A_591, %mul3A_592 : i32
      %add3A_594 = arith.constant 0 : i32
      %add3A_595 = arith.addi %mul3A_593, %add3A_594 : i32
      %get3A_596 = arith.index_cast %add3A_595 : i32 to index
      %get3A_597 = tpu.vector_load %arg10[%get3A_596] {strides = array<i32>} : memref<10112xi32, #tpu.memory_space<vmem>>, vector<16xi32>,
      %and3A_598 = arith.constant 16383 : i32
      %and3A_599 = vector.broadcast %and3A_598 : i32 to vector<16xi32>
      %and3A_600 = arith.andi %get3A_597, %and3A_599 : vector<16xi32>
      %shift_right_logical3A_601 = arith.constant 14 : i32
      %shift_right_logical3A_602 = vector.broadcast %shift_right_logical3A_601 : i32 to vector<16xi32>
      %shift_right_logical3A_603 = arith.shrui %get3A_597, %shift_right_logical3A_602 : vector<16xi32>
      %swap3A_604 = arith.constant 0 : i32
      %swap3A_605 = arith.index_cast %swap3A_604 : i32 to index
      %swap3A_606 = arith.constant 0 : index
      %swap3A_607 = tpu.vector_load %arg15[%swap3A_605, %swap3A_606] {strides = array<i32>} : memref<2x48xi32, #tpu.memory_space<vmem>>, vector<16xi32>,
      tpu.vector_store %arg15[%swap3A_605, %swap3A_606], %shift_right_logical3A_603 {strides = array<i32>} : memref<2x48xi32, #tpu.memory_space<vmem>>, vector<16xi32>,
      %min3A_608 = arith.constant 9999 : i32
      %min3A_609 = vector.broadcast %min3A_608 : i32 to vector<16xi32>
      %min3A_610 = arith.minsi %and3A_600, %min3A_609 : vector<16xi32>
      %swap3A_611 = arith.constant 0 : i32
      %swap3A_612 = arith.index_cast %swap3A_611 : i32 to index
      %swap3A_613 = arith.constant 0 : index
      %swap3A_614 = tpu.vector_load %arg14[%swap3A_612, %swap3A_613] {strides = array<i32>} : memref<2x48xi32, #tpu.memory_space<vmem>>, vector<16xi32>,
      tpu.vector_store %arg14[%swap3A_612, %swap3A_613], %min3A_610 {strides = array<i32>} : memref<2x48xi32, #tpu.memory_space<vmem>>, vector<16xi32>,
      %mul3A_615 = arith.constant 48 : i32
      %mul3A_616 = arith.muli %min3A_591, %mul3A_615 : i32
      %add3A_617 = arith.constant 16 : i32
      %add3A_618 = arith.addi %mul3A_616, %add3A_617 : i32
      %get3A_619 = arith.index_cast %add3A_618 : i32 to index
      %get3A_620 = tpu.vector_load %arg10[%get3A_619] {strides = array<i32>} : memref<10112xi32, #tpu.memory_space<vmem>>, vector<16xi32>,
      %and3A_621 = arith.constant 16383 : i32
      %and3A_622 = vector.broadcast %and3A_621 : i32 to vector<16xi32>
      %and3A_623 = arith.andi %get3A_620, %and3A_622 : vector<16xi32>
      %shift_right_logical3A_624 = arith.constant 14 : i32
      %shift_right_logical3A_625 = vector.broadcast %shift_right_logical3A_624 : i32 to vector<16xi32>
      %shift_right_logical3A_626 = arith.shrui %get3A_620, %shift_right_logical3A_625 : vector<16xi32>
      %swap3A_627 = arith.constant 0 : i32
      %swap3A_628 = arith.index_cast %swap3A_627 : i32 to index
      %swap3A_629 = arith.constant 16 : index
      %swap3A_630 = tpu.vector_load %arg15[%swap3A_628, %swap3A_629] {strides = array<i32>} : memref<2x48xi32, #tpu.memory_space<vmem>>, vector<16xi32>,
      tpu.vector_store %arg15[%swap3A_628, %swap3A_629], %shift_right_logical3A_626 {strides = array<i32>} : memref<2x48xi32, #tpu.memory_space<vmem>>, vector<16xi32>,
      %min3A_631 = arith.constant 9999 : i32
      %min3A_632 = vector.broadcast %min3A_631 : i32 to vector<16xi32>
      %min3A_633 = arith.minsi %and3A_623, %min3A_632 : vector<16xi32>
      %swap3A_634 = arith.constant 0 : i32
      %swap3A_635 = arith.index_cast %swap3A_634 : i32 to index
      %swap3A_636 = arith.constant 16 : index
      %swap3A_637 = tpu.vector_load %arg14[%swap3A_635, %swap3A_636] {strides = array<i32>} : memref<2x48xi32, #tpu.memory_space<vmem>>, vector<16xi32>,
      tpu.vector_store %arg14[%swap3A_635, %swap3A_636], %min3A_633 {strides = array<i32>} : memref<2x48xi32, #tpu.memory_space<vmem>>, vector<16xi32>,
      %mul3A_638 = arith.constant 48 : i32
      %mul3A_639 = arith.muli %min3A_591, %mul3A_638 : i32
      %add3A_640 = arith.constant 32 : i32
      %add3A_641 = arith.addi %mul3A_639, %add3A_640 : i32
      %get3A_642 = arith.index_cast %add3A_641 : i32 to index
      %get3A_643 = tpu.vector_load %arg10[%get3A_642] {strides = array<i32>} : memref<10112xi32, #tpu.memory_space<vmem>>, vector<16xi32>,
      %and3A_644 = arith.constant 16383 : i32
      %and3A_645 = vector.broadcast %and3A_644 : i32 to vector<16xi32>
      %and3A_646 = arith.andi %get3A_643, %and3A_645 : vector<16xi32>
      %shift_right_logical3A_647 = arith.constant 14 : i32
      %shift_right_logical3A_648 = vector.broadcast %shift_right_logical3A_647 : i32 to vector<16xi32>
      %shift_right_logical3A_649 = arith.shrui %get3A_643, %shift_right_logical3A_648 : vector<16xi32>
      %swap3A_650 = arith.constant 0 : i32
      %swap3A_651 = arith.index_cast %swap3A_650 : i32 to index
      %swap3A_652 = arith.constant 32 : index
      %swap3A_653 = tpu.vector_load %arg15[%swap3A_651, %swap3A_652] {strides = array<i32>} : memref<2x48xi32, #tpu.memory_space<vmem>>, vector<16xi32>,
      tpu.vector_store %arg15[%swap3A_651, %swap3A_652], %shift_right_logical3A_649 {strides = array<i32>} : memref<2x48xi32, #tpu.memory_space<vmem>>, vector<16xi32>,
      %min3A_654 = arith.constant 9999 : i32
      %min3A_655 = vector.broadcast %min3A_654 : i32 to vector<16xi32>
      %min3A_656 = arith.minsi %and3A_646, %min3A_655 : vector<16xi32>
      %swap3A_657 = arith.constant 0 : i32
      %swap3A_658 = arith.index_cast %swap3A_657 : i32 to index
      %swap3A_659 = arith.constant 32 : index
      %swap3A_660 = tpu.vector_load %arg14[%swap3A_658, %swap3A_659] {strides = array<i32>} : memref<2x48xi32, #tpu.memory_space<vmem>>, vector<16xi32>,
      tpu.vector_store %arg14[%swap3A_658, %swap3A_659], %min3A_656 {strides = array<i32>} : memref<2x48xi32, #tpu.memory_space<vmem>>, vector<16xi32>,
      %mul3A_661 = arith.constant 2 : i32
      %mul3A_662 = arith.muli %mul3A_661, %while3A_503 : i32
      %add3A_663 = arith.constant 1 : i32
      %add3A_664 = arith.addi %mul3A_662, %add3A_663 : i32
      %dma_wait3A_665 = arith.constant 1 : i32
      %dma_wait3A_666 = arith.constant 0 : i32
      %dma_wait3A_667 = tpu.memref_slice %arg14[%dma_wait3A_665, %dma_wait3A_666] : memref<2x48xi32, #tpu.memory_space<vmem>> -> memref<1x48xi32, #tpu.memory_space<vmem>>
      %dma_wait3A_668 = tpu.memref_squeeze %dma_wait3A_667 : memref<1x48xi32, #tpu.memory_space<vmem>> -> memref<48xi32, #tpu.memory_space<vmem>>
      %dma_wait3A_669 = arith.constant 0 : i32
      %dma_wait3A_670 = arith.constant 0 : i32
      %dma_wait3A_671 = tpu.memref_slice %arg6[%dma_wait3A_669, %dma_wait3A_670] : memref<10000x128xf32, #tpu.memory_space<hbm>> -> memref<10000x128xf32, #tpu.memory_space<hbm>>
      tpu.wait_indirect_dma semaphore(%arg25 : memref<!tpu.dma_semaphore, #tpu.memory_space<semaphore_mem>>) src(%dma_wait3A_671 : memref<10000x128xf32, #tpu.memory_space<hbm>>) dst(%arg20 : memref<48x128xf32, #tpu.memory_space<vmem>>)
      %dma_wait3A_672 = arith.constant 1 : i32
      %dma_wait3A_673 = arith.constant 0 : i32
      %dma_wait3A_674 = tpu.memref_slice %arg15[%dma_wait3A_672, %dma_wait3A_673] : memref<2x48xi32, #tpu.memory_space<vmem>> -> memref<1x48xi32, #tpu.memory_space<vmem>>
      %dma_wait3A_675 = tpu.memref_squeeze %dma_wait3A_674 : memref<1x48xi32, #tpu.memory_space<vmem>> -> memref<48xi32, #tpu.memory_space<vmem>>
      %dma_wait3A_676 = arith.constant 0 : i32
      %dma_wait3A_677 = arith.constant 0 : i32
      %dma_wait3A_678 = tpu.memref_slice %arg7[%dma_wait3A_676, %dma_wait3A_677] : memref<10000x128xf32, #tpu.memory_space<hbm>> -> memref<10000x128xf32, #tpu.memory_space<hbm>>
      tpu.wait_indirect_dma semaphore(%arg25 : memref<!tpu.dma_semaphore, #tpu.memory_space<semaphore_mem>>) src(%dma_wait3A_678 : memref<10000x128xf32, #tpu.memory_space<hbm>>) dst(%arg22 : memref<48x128xf32, #tpu.memory_space<vmem>>)
      %ge3A_679 = arith.constant 1 : i32
      %ge3A_680 = arith.cmpi sge, %add3A_664, %ge3A_679 : i32
      %convert_element_type3A_681 = arith.extui %ge3A_680 : i1 to i32
      %cond3A_682 = arith.constant 0 : i32
      %cond3A_683 = arith.cmpi ne, %convert_element_type3A_681, %cond3A_682 : i32
      scf.if %cond3A_683 {
        %dma_wait3A_822 = arith.constant 0 : i32
        %dma_wait3A_823 = arith.constant 0 : i32
        %dma_wait3A_824 = tpu.memref_slice %arg16[%dma_wait3A_822, %dma_wait3A_823] : memref<2x48xi32, #tpu.memory_space<vmem>> -> memref<1x48xi32, #tpu.memory_space<vmem>>
        %dma_wait3A_825 = tpu.memref_squeeze %dma_wait3A_824 : memref<1x48xi32, #tpu.memory_space<vmem>> -> memref<48xi32, #tpu.memory_space<vmem>>
        %dma_wait3A_826 = arith.constant 0 : i32
        %dma_wait3A_827 = arith.constant 0 : i32
        %dma_wait3A_828 = tpu.memref_slice %arg9[%dma_wait3A_826, %dma_wait3A_827] : memref<10240x128xf32, #tpu.memory_space<vmem_shared>> -> memref<10240x128xf32, #tpu.memory_space<vmem_shared>>
        tpu.wait_indirect_dma semaphore(%arg26 : memref<!tpu.dma_semaphore, #tpu.memory_space<semaphore_mem>>) src(%arg19 : memref<48x128xf32, #tpu.memory_space<vmem>>) dst(%dma_wait3A_828 : memref<10240x128xf32, #tpu.memory_space<vmem_shared>>)
        %dma_wait3A_829 = arith.constant 0 : i32
        %dma_wait3A_830 = arith.constant 0 : i32
        %dma_wait3A_831 = tpu.memref_slice %arg17[%dma_wait3A_829, %dma_wait3A_830] : memref<2x48xi32, #tpu.memory_space<vmem>> -> memref<1x48xi32, #tpu.memory_space<vmem>>
        %dma_wait3A_832 = tpu.memref_squeeze %dma_wait3A_831 : memref<1x48xi32, #tpu.memory_space<vmem>> -> memref<48xi32, #tpu.memory_space<vmem>>
        %dma_wait3A_833 = arith.constant 0 : i32
        %dma_wait3A_834 = arith.constant 0 : i32
        %dma_wait3A_835 = tpu.memref_slice %arg9[%dma_wait3A_833, %dma_wait3A_834] : memref<10240x128xf32, #tpu.memory_space<vmem_shared>> -> memref<10240x128xf32, #tpu.memory_space<vmem_shared>>
        tpu.wait_indirect_dma semaphore(%arg26 : memref<!tpu.dma_semaphore, #tpu.memory_space<semaphore_mem>>) src(%arg23 : memref<48x128xf32, #tpu.memory_space<vmem>>) dst(%dma_wait3A_835 : memref<10240x128xf32, #tpu.memory_space<vmem_shared>>)
        %add3A_836 = arith.constant 0 : i32
        %add3A_837 = vector.broadcast %add3A_836 : i32 to vector<16xi32>
        %add3A_838 = arith.addi %add3A_837, %iota3A : vector<16xi32>
        %get3A_839 = arith.constant 0 : i32
        %get3A_840 = arith.index_cast %get3A_839 : i32 to index
        %get3A_841 = arith.constant 0 : index
        %get3A_842 = tpu.vector_load %arg16[%get3A_840, %get3A_841] {strides = array<i32>} : memref<2x48xi32, #tpu.memory_space<vmem>>, vector<16xi32>,
        %and3A_843 = arith.constant 127 : i32
        %and3A_844 = vector.broadcast %and3A_843 : i32 to vector<16xi32>
        %and3A_845 = arith.andi %get3A_842, %and3A_844 : vector<16xi32>
        tpu.vector_store_idx %arg23[%add3A_838, %and3A_845], %broadcast_in_dim3A_90 : memref<48x128xf32, #tpu.memory_space<vmem>>[vector<16xi32>, vector<16xi32>], vector<16xf32>,
        %add3A_846 = arith.constant 16 : i32
        %add3A_847 = vector.broadcast %add3A_846 : i32 to vector<16xi32>
        %add3A_848 = arith.addi %add3A_847, %iota3A : vector<16xi32>
        %get3A_849 = arith.constant 0 : i32
        %get3A_850 = arith.index_cast %get3A_849 : i32 to index
        %get3A_851 = arith.constant 16 : index
        %get3A_852 = tpu.vector_load %arg16[%get3A_850, %get3A_851] {strides = array<i32>} : memref<2x48xi32, #tpu.memory_space<vmem>>, vector<16xi32>,
        %and3A_853 = arith.constant 127 : i32
        %and3A_854 = vector.broadcast %and3A_853 : i32 to vector<16xi32>
        %and3A_855 = arith.andi %get3A_852, %and3A_854 : vector<16xi32>
        tpu.vector_store_idx %arg23[%add3A_848, %and3A_855], %broadcast_in_dim3A_90 : memref<48x128xf32, #tpu.memory_space<vmem>>[vector<16xi32>, vector<16xi32>], vector<16xf32>,
        %add3A_856 = arith.constant 32 : i32
        %add3A_857 = vector.broadcast %add3A_856 : i32 to vector<16xi32>
        %add3A_858 = arith.addi %add3A_857, %iota3A : vector<16xi32>
        %get3A_859 = arith.constant 0 : i32
        %get3A_860 = arith.index_cast %get3A_859 : i32 to index
        %get3A_861 = arith.constant 32 : index
        %get3A_862 = tpu.vector_load %arg16[%get3A_860, %get3A_861] {strides = array<i32>} : memref<2x48xi32, #tpu.memory_space<vmem>>, vector<16xi32>,
        %and3A_863 = arith.constant 127 : i32
        %and3A_864 = vector.broadcast %and3A_863 : i32 to vector<16xi32>
        %and3A_865 = arith.andi %get3A_862, %and3A_864 : vector<16xi32>
        tpu.vector_store_idx %arg23[%add3A_858, %and3A_865], %broadcast_in_dim3A_90 : memref<48x128xf32, #tpu.memory_space<vmem>>[vector<16xi32>, vector<16xi32>], vector<16xf32>,
        %add3A_866 = arith.constant 1 : i32
        %add3A_867 = arith.addi %add3A_664, %add3A_866 : i32
        %sub3A_868 = arith.constant 1 : i32
        %sub3A_869 = arith.subi %select_n3A_86, %sub3A_868 : i32
        %min3A_870 = arith.minsi %add3A_867, %sub3A_869 : i32
        %mul3A_871 = arith.constant 48 : i32
        %mul3A_872 = arith.muli %min3A_870, %mul3A_871 : i32
        %add3A_873 = arith.constant 0 : i32
        %add3A_874 = arith.addi %mul3A_872, %add3A_873 : i32
        %get3A_875 = arith.index_cast %add3A_874 : i32 to index
        %get3A_876 = tpu.vector_load %arg10[%get3A_875] {strides = array<i32>} : memref<10112xi32, #tpu.memory_space<vmem>>, vector<16xi32>,
        %and3A_877 = arith.constant 16383 : i32
        %and3A_878 = vector.broadcast %and3A_877 : i32 to vector<16xi32>
        %and3A_879 = arith.andi %get3A_876, %and3A_878 : vector<16xi32>
        %swap3A_880 = arith.constant 0 : i32
        %swap3A_881 = arith.index_cast %swap3A_880 : i32 to index
        %swap3A_882 = arith.constant 0 : index
        %swap3A_883 = tpu.vector_load %arg16[%swap3A_881, %swap3A_882] {strides = array<i32>} : memref<2x48xi32, #tpu.memory_space<vmem>>, vector<16xi32>,
        tpu.vector_store %arg16[%swap3A_881, %swap3A_882], %and3A_879 {strides = array<i32>} : memref<2x48xi32, #tpu.memory_space<vmem>>, vector<16xi32>,
        %lt3A_884 = arith.constant 10000 : i32
        %lt3A_885 = vector.broadcast %lt3A_884 : i32 to vector<16xi32>
        %lt3A_886 = arith.cmpi slt, %and3A_879, %lt3A_885 : vector<16xi32>
        %shift_right_logical3A_887 = arith.constant 7 : i32
        %shift_right_logical3A_888 = vector.broadcast %shift_right_logical3A_887 : i32 to vector<16xi32>
        %shift_right_logical3A_889 = arith.shrui %and3A_879, %shift_right_logical3A_888 : vector<16xi32>
        %add3A_890 = arith.constant 10000 : i32
        %add3A_891 = vector.broadcast %add3A_890 : i32 to vector<16xi32>
        %add3A_892 = arith.addi %add3A_891, %shift_right_logical3A_889 : vector<16xi32>
        %add3A_893 = arith.constant 16 : i32
        %add3A_894 = vector.broadcast %add3A_893 : i32 to vector<16xi32>
        %add3A_895 = arith.addi %add3A_17, %add3A_894 : vector<16xi32>
        %select_n3A_896 = arith.select %lt3A_886, %add3A_892, %add3A_895 : vector<16xi1>, vector<16xi32>
        %swap3A_897 = arith.constant 0 : i32
        %swap3A_898 = arith.index_cast %swap3A_897 : i32 to index
        %swap3A_899 = arith.constant 0 : index
        %swap3A_900 = tpu.vector_load %arg17[%swap3A_898, %swap3A_899] {strides = array<i32>} : memref<2x48xi32, #tpu.memory_space<vmem>>, vector<16xi32>,
        tpu.vector_store %arg17[%swap3A_898, %swap3A_899], %select_n3A_896 {strides = array<i32>} : memref<2x48xi32, #tpu.memory_space<vmem>>, vector<16xi32>,
        %mul3A_901 = arith.constant 48 : i32
        %mul3A_902 = arith.muli %min3A_870, %mul3A_901 : i32
        %add3A_903 = arith.constant 16 : i32
        %add3A_904 = arith.addi %mul3A_902, %add3A_903 : i32
        %get3A_905 = arith.index_cast %add3A_904 : i32 to index
        %get3A_906 = tpu.vector_load %arg10[%get3A_905] {strides = array<i32>} : memref<10112xi32, #tpu.memory_space<vmem>>, vector<16xi32>,
        %and3A_907 = arith.constant 16383 : i32
        %and3A_908 = vector.broadcast %and3A_907 : i32 to vector<16xi32>
        %and3A_909 = arith.andi %get3A_906, %and3A_908 : vector<16xi32>
        %swap3A_910 = arith.constant 0 : i32
        %swap3A_911 = arith.index_cast %swap3A_910 : i32 to index
        %swap3A_912 = arith.constant 16 : index
        %swap3A_913 = tpu.vector_load %arg16[%swap3A_911, %swap3A_912] {strides = array<i32>} : memref<2x48xi32, #tpu.memory_space<vmem>>, vector<16xi32>,
        tpu.vector_store %arg16[%swap3A_911, %swap3A_912], %and3A_909 {strides = array<i32>} : memref<2x48xi32, #tpu.memory_space<vmem>>, vector<16xi32>,
        %lt3A_914 = arith.constant 10000 : i32
        %lt3A_915 = vector.broadcast %lt3A_914 : i32 to vector<16xi32>
        %lt3A_916 = arith.cmpi slt, %and3A_909, %lt3A_915 : vector<16xi32>
        %shift_right_logical3A_917 = arith.constant 7 : i32
        %shift_right_logical3A_918 = vector.broadcast %shift_right_logical3A_917 : i32 to vector<16xi32>
        %shift_right_logical3A_919 = arith.shrui %and3A_909, %shift_right_logical3A_918 : vector<16xi32>
        %add3A_920 = arith.constant 10000 : i32
        %add3A_921 = vector.broadcast %add3A_920 : i32 to vector<16xi32>
        %add3A_922 = arith.addi %add3A_921, %shift_right_logical3A_919 : vector<16xi32>
        %add3A_923 = arith.constant 16 : i32
        %add3A_924 = vector.broadcast %add3A_923 : i32 to vector<16xi32>
        %add3A_925 = arith.addi %add3A_17, %add3A_924 : vector<16xi32>
        %select_n3A_926 = arith.select %lt3A_916, %add3A_922, %add3A_925 : vector<16xi1>, vector<16xi32>
        %swap3A_927 = arith.constant 0 : i32
        %swap3A_928 = arith.index_cast %swap3A_927 : i32 to index
        %swap3A_929 = arith.constant 16 : index
        %swap3A_930 = tpu.vector_load %arg17[%swap3A_928, %swap3A_929] {strides = array<i32>} : memref<2x48xi32, #tpu.memory_space<vmem>>, vector<16xi32>,
        tpu.vector_store %arg17[%swap3A_928, %swap3A_929], %select_n3A_926 {strides = array<i32>} : memref<2x48xi32, #tpu.memory_space<vmem>>, vector<16xi32>,
        %mul3A_931 = arith.constant 48 : i32
        %mul3A_932 = arith.muli %min3A_870, %mul3A_931 : i32
        %add3A_933 = arith.constant 32 : i32
        %add3A_934 = arith.addi %mul3A_932, %add3A_933 : i32
        %get3A_935 = arith.index_cast %add3A_934 : i32 to index
        %get3A_936 = tpu.vector_load %arg10[%get3A_935] {strides = array<i32>} : memref<10112xi32, #tpu.memory_space<vmem>>, vector<16xi32>,
        %and3A_937 = arith.constant 16383 : i32
        %and3A_938 = vector.broadcast %and3A_937 : i32 to vector<16xi32>
        %and3A_939 = arith.andi %get3A_936, %and3A_938 : vector<16xi32>
        %swap3A_940 = arith.constant 0 : i32
        %swap3A_941 = arith.index_cast %swap3A_940 : i32 to index
        %swap3A_942 = arith.constant 32 : index
        %swap3A_943 = tpu.vector_load %arg16[%swap3A_941, %swap3A_942] {strides = array<i32>} : memref<2x48xi32, #tpu.memory_space<vmem>>, vector<16xi32>,
        tpu.vector_store %arg16[%swap3A_941, %swap3A_942], %and3A_939 {strides = array<i32>} : memref<2x48xi32, #tpu.memory_space<vmem>>, vector<16xi32>,
        %lt3A_944 = arith.constant 10000 : i32
        %lt3A_945 = vector.broadcast %lt3A_944 : i32 to vector<16xi32>
        %lt3A_946 = arith.cmpi slt, %and3A_939, %lt3A_945 : vector<16xi32>
        %shift_right_logical3A_947 = arith.constant 7 : i32
        %shift_right_logical3A_948 = vector.broadcast %shift_right_logical3A_947 : i32 to vector<16xi32>
        %shift_right_logical3A_949 = arith.shrui %and3A_939, %shift_right_logical3A_948 : vector<16xi32>
        %add3A_950 = arith.constant 10000 : i32
        %add3A_951 = vector.broadcast %add3A_950 : i32 to vector<16xi32>
        %add3A_952 = arith.addi %add3A_951, %shift_right_logical3A_949 : vector<16xi32>
        %add3A_953 = arith.constant 16 : i32
        %add3A_954 = vector.broadcast %add3A_953 : i32 to vector<16xi32>
        %add3A_955 = arith.addi %add3A_17, %add3A_954 : vector<16xi32>
        %select_n3A_956 = arith.select %lt3A_946, %add3A_952, %add3A_955 : vector<16xi1>, vector<16xi32>
        %swap3A_957 = arith.constant 0 : i32
        %swap3A_958 = arith.index_cast %swap3A_957 : i32 to index
        %swap3A_959 = arith.constant 32 : index
        %swap3A_960 = tpu.vector_load %arg17[%swap3A_958, %swap3A_959] {strides = array<i32>} : memref<2x48xi32, #tpu.memory_space<vmem>>, vector<16xi32>,
        tpu.vector_store %arg17[%swap3A_958, %swap3A_959], %select_n3A_956 {strides = array<i32>} : memref<2x48xi32, #tpu.memory_space<vmem>>, vector<16xi32>,
      } else {
      }
      %dma_start3A_684 = arith.constant 0 : i32
      %dma_start3A_685 = arith.constant 0 : i32
      %dma_start3A_686 = tpu.memref_slice %arg14[%dma_start3A_684, %dma_start3A_685] : memref<2x48xi32, #tpu.memory_space<vmem>> -> memref<1x48xi32, #tpu.memory_space<vmem>>
      %dma_start3A_687 = tpu.memref_squeeze %dma_start3A_686 : memref<1x48xi32, #tpu.memory_space<vmem>> -> memref<48xi32, #tpu.memory_space<vmem>>
      %dma_start3A_688 = arith.constant 0 : i32
      %dma_start3A_689 = arith.constant 0 : i32
      %dma_start3A_690 = tpu.memref_slice %arg6[%dma_start3A_688, %dma_start3A_689] : memref<10000x128xf32, #tpu.memory_space<hbm>> -> memref<10000x128xf32, #tpu.memory_space<hbm>>
      tpu.enqueue_indirect_dma source(%dma_start3A_690 : memref<10000x128xf32, #tpu.memory_space<hbm>>) target(%arg19 : memref<48x128xf32, #tpu.memory_space<vmem>>) offsets(%dma_start3A_687 : memref<48xi32, #tpu.memory_space<vmem>>) semaphore(%arg24 : memref<!tpu.dma_semaphore, #tpu.memory_space<semaphore_mem>>)
      %dma_start3A_691 = arith.constant 0 : i32
      %dma_start3A_692 = arith.constant 0 : i32
      %dma_start3A_693 = tpu.memref_slice %arg15[%dma_start3A_691, %dma_start3A_692] : memref<2x48xi32, #tpu.memory_space<vmem>> -> memref<1x48xi32, #tpu.memory_space<vmem>>
      %dma_start3A_694 = tpu.memref_squeeze %dma_start3A_693 : memref<1x48xi32, #tpu.memory_space<vmem>> -> memref<48xi32, #tpu.memory_space<vmem>>
      %dma_start3A_695 = arith.constant 0 : i32
      %dma_start3A_696 = arith.constant 0 : i32
      %dma_start3A_697 = tpu.memref_slice %arg7[%dma_start3A_695, %dma_start3A_696] : memref<10000x128xf32, #tpu.memory_space<hbm>> -> memref<10000x128xf32, #tpu.memory_space<hbm>>
      tpu.enqueue_indirect_dma source(%dma_start3A_697 : memref<10000x128xf32, #tpu.memory_space<hbm>>) target(%arg21 : memref<48x128xf32, #tpu.memory_space<vmem>>) offsets(%dma_start3A_694 : memref<48xi32, #tpu.memory_space<vmem>>) semaphore(%arg24 : memref<!tpu.dma_semaphore, #tpu.memory_space<semaphore_mem>>)
      %scan3A_698 = arith.constant 0 : i32
      %scan3A_699 = arith.constant 0 : i32
      %scan3A_700 = arith.constant 48 : i32
      %scan3A_701 = arith.addi %scan3A_699, %scan3A_700 : i32
      %scan3A_702 = arith.constant 1 : i32
      scf.for %scan3A_822 = %scan3A_699 to %scan3A_701 step %scan3A_702  : i32 {
        %get3A_823 = arith.index_cast %scan3A_822 : i32 to index
        %get3A_824 = arith.constant 0 : index
        %get3A_825 = tpu.vector_load %arg20[%get3A_823, %get3A_824] {strides = array<i32>} : memref<48x128xf32, #tpu.memory_space<vmem>>, vector<16xf32>,
        %get3A_826 = arith.index_cast %scan3A_822 : i32 to index
        %get3A_827 = arith.constant 0 : index
        %get3A_828 = tpu.vector_load %arg22[%get3A_826, %get3A_827] {strides = array<i32>} : memref<48x128xf32, #tpu.memory_space<vmem>>, vector<16xf32>,
        %add3A_829 = arith.addf %get3A_825, %get3A_828 : vector<16xf32>
        %neg3A = arith.constant 0.000000e+00 : f32
        %neg3A_830 = vector.broadcast %neg3A : f32 to vector<16xf32>
        %neg3A_831 = arith.subf %neg3A_830, %add3A_829 : vector<16xf32>
        %exp3A = math.exp %neg3A_831 : vector<16xf32>
        %add3A_832 = arith.constant 1.000000e+00 : f32
        %add3A_833 = vector.broadcast %add3A_832 : f32 to vector<16xf32>
        %add3A_834 = arith.addf %add3A_833, %exp3A : vector<16xf32>
        %div3A_835 = arith.divf %add3A_829, %add3A_834 : vector<16xf32>
        %swap3A_836 = arith.index_cast %scan3A_822 : i32 to index
        %swap3A_837 = arith.constant 0 : index
        %swap3A_838 = tpu.vector_load %arg20[%swap3A_836, %swap3A_837] {strides = array<i32>} : memref<48x128xf32, #tpu.memory_space<vmem>>, vector<16xf32>,
        tpu.vector_store %arg20[%swap3A_836, %swap3A_837], %div3A_835 {strides = array<i32>} : memref<48x128xf32, #tpu.memory_space<vmem>>, vector<16xf32>,
        %get3A_839 = arith.index_cast %scan3A_822 : i32 to index
        %get3A_840 = arith.constant 16 : index
        %get3A_841 = tpu.vector_load %arg20[%get3A_839, %get3A_840] {strides = array<i32>} : memref<48x128xf32, #tpu.memory_space<vmem>>, vector<16xf32>,
        %get3A_842 = arith.index_cast %scan3A_822 : i32 to index
        %get3A_843 = arith.constant 16 : index
        %get3A_844 = tpu.vector_load %arg22[%get3A_842, %get3A_843] {strides = array<i32>} : memref<48x128xf32, #tpu.memory_space<vmem>>, vector<16xf32>,
        %add3A_845 = arith.addf %get3A_841, %get3A_844 : vector<16xf32>
        %neg3A_846 = arith.constant 0.000000e+00 : f32
        %neg3A_847 = vector.broadcast %neg3A_846 : f32 to vector<16xf32>
        %neg3A_848 = arith.subf %neg3A_847, %add3A_845 : vector<16xf32>
        %exp3A_849 = math.exp %neg3A_848 : vector<16xf32>
        %add3A_850 = arith.constant 1.000000e+00 : f32
        %add3A_851 = vector.broadcast %add3A_850 : f32 to vector<16xf32>
        %add3A_852 = arith.addf %add3A_851, %exp3A_849 : vector<16xf32>
        %div3A_853 = arith.divf %add3A_845, %add3A_852 : vector<16xf32>
        %swap3A_854 = arith.index_cast %scan3A_822 : i32 to index
        %swap3A_855 = arith.constant 16 : index
        %swap3A_856 = tpu.vector_load %arg20[%swap3A_854, %swap3A_855] {strides = array<i32>} : memref<48x128xf32, #tpu.memory_space<vmem>>, vector<16xf32>,
        tpu.vector_store %arg20[%swap3A_854, %swap3A_855], %div3A_853 {strides = array<i32>} : memref<48x128xf32, #tpu.memory_space<vmem>>, vector<16xf32>,
        %get3A_857 = arith.index_cast %scan3A_822 : i32 to index
        %get3A_858 = arith.constant 32 : index
        %get3A_859 = tpu.vector_load %arg20[%get3A_857, %get3A_858] {strides = array<i32>} : memref<48x128xf32, #tpu.memory_space<vmem>>, vector<16xf32>,
        %get3A_860 = arith.index_cast %scan3A_822 : i32 to index
        %get3A_861 = arith.constant 32 : index
        %get3A_862 = tpu.vector_load %arg22[%get3A_860, %get3A_861] {strides = array<i32>} : memref<48x128xf32, #tpu.memory_space<vmem>>, vector<16xf32>,
        %add3A_863 = arith.addf %get3A_859, %get3A_862 : vector<16xf32>
        %neg3A_864 = arith.constant 0.000000e+00 : f32
        %neg3A_865 = vector.broadcast %neg3A_864 : f32 to vector<16xf32>
        %neg3A_866 = arith.subf %neg3A_865, %add3A_863 : vector<16xf32>
        %exp3A_867 = math.exp %neg3A_866 : vector<16xf32>
        %add3A_868 = arith.constant 1.000000e+00 : f32
        %add3A_869 = vector.broadcast %add3A_868 : f32 to vector<16xf32>
        %add3A_870 = arith.addf %add3A_869, %exp3A_867 : vector<16xf32>
        %div3A_871 = arith.divf %add3A_863, %add3A_870 : vector<16xf32>
        %swap3A_872 = arith.index_cast %scan3A_822 : i32 to index
        %swap3A_873 = arith.constant 32 : index
        %swap3A_874 = tpu.vector_load %arg20[%swap3A_872, %swap3A_873] {strides = array<i32>} : memref<48x128xf32, #tpu.memory_space<vmem>>, vector<16xf32>,
        tpu.vector_store %arg20[%swap3A_872, %swap3A_873], %div3A_871 {strides = array<i32>} : memref<48x128xf32, #tpu.memory_space<vmem>>, vector<16xf32>,
        %get3A_875 = arith.index_cast %scan3A_822 : i32 to index
        %get3A_876 = arith.constant 48 : index
        %get3A_877 = tpu.vector_load %arg20[%get3A_875, %get3A_876] {strides = array<i32>} : memref<48x128xf32, #tpu.memory_space<vmem>>, vector<16xf32>,
        %get3A_878 = arith.index_cast %scan3A_822 : i32 to index
        %get3A_879 = arith.constant 48 : index
        %get3A_880 = tpu.vector_load %arg22[%get3A_878, %get3A_879] {strides = array<i32>} : memref<48x128xf32, #tpu.memory_space<vmem>>, vector<16xf32>,
        %add3A_881 = arith.addf %get3A_877, %get3A_880 : vector<16xf32>
        %neg3A_882 = arith.constant 0.000000e+00 : f32
        %neg3A_883 = vector.broadcast %neg3A_882 : f32 to vector<16xf32>
        %neg3A_884 = arith.subf %neg3A_883, %add3A_881 : vector<16xf32>
        %exp3A_885 = math.exp %neg3A_884 : vector<16xf32>
        %add3A_886 = arith.constant 1.000000e+00 : f32
        %add3A_887 = vector.broadcast %add3A_886 : f32 to vector<16xf32>
        %add3A_888 = arith.addf %add3A_887, %exp3A_885 : vector<16xf32>
        %div3A_889 = arith.divf %add3A_881, %add3A_888 : vector<16xf32>
        %swap3A_890 = arith.index_cast %scan3A_822 : i32 to index
        %swap3A_891 = arith.constant 48 : index
        %swap3A_892 = tpu.vector_load %arg20[%swap3A_890, %swap3A_891] {strides = array<i32>} : memref<48x128xf32, #tpu.memory_space<vmem>>, vector<16xf32>,
        tpu.vector_store %arg20[%swap3A_890, %swap3A_891], %div3A_889 {strides = array<i32>} : memref<48x128xf32, #tpu.memory_space<vmem>>, vector<16xf32>,
        %get3A_893 = arith.index_cast %scan3A_822 : i32 to index
        %get3A_894 = arith.constant 64 : index
        %get3A_895 = tpu.vector_load %arg20[%get3A_893, %get3A_894] {strides = array<i32>} : memref<48x128xf32, #tpu.memory_space<vmem>>, vector<16xf32>,
        %get3A_896 = arith.index_cast %scan3A_822 : i32 to index
        %get3A_897 = arith.constant 64 : index
        %get3A_898 = tpu.vector_load %arg22[%get3A_896, %get3A_897] {strides = array<i32>} : memref<48x128xf32, #tpu.memory_space<vmem>>, vector<16xf32>,
        %add3A_899 = arith.addf %get3A_895, %get3A_898 : vector<16xf32>
        %neg3A_900 = arith.constant 0.000000e+00 : f32
        %neg3A_901 = vector.broadcast %neg3A_900 : f32 to vector<16xf32>
        %neg3A_902 = arith.subf %neg3A_901, %add3A_899 : vector<16xf32>
        %exp3A_903 = math.exp %neg3A_902 : vector<16xf32>
        %add3A_904 = arith.constant 1.000000e+00 : f32
        %add3A_905 = vector.broadcast %add3A_904 : f32 to vector<16xf32>
        %add3A_906 = arith.addf %add3A_905, %exp3A_903 : vector<16xf32>
        %div3A_907 = arith.divf %add3A_899, %add3A_906 : vector<16xf32>
        %swap3A_908 = arith.index_cast %scan3A_822 : i32 to index
        %swap3A_909 = arith.constant 64 : index
        %swap3A_910 = tpu.vector_load %arg20[%swap3A_908, %swap3A_909] {strides = array<i32>} : memref<48x128xf32, #tpu.memory_space<vmem>>, vector<16xf32>,
        tpu.vector_store %arg20[%swap3A_908, %swap3A_909], %div3A_907 {strides = array<i32>} : memref<48x128xf32, #tpu.memory_space<vmem>>, vector<16xf32>,
        %get3A_911 = arith.index_cast %scan3A_822 : i32 to index
        %get3A_912 = arith.constant 80 : index
        %get3A_913 = tpu.vector_load %arg20[%get3A_911, %get3A_912] {strides = array<i32>} : memref<48x128xf32, #tpu.memory_space<vmem>>, vector<16xf32>,
        %get3A_914 = arith.index_cast %scan3A_822 : i32 to index
        %get3A_915 = arith.constant 80 : index
        %get3A_916 = tpu.vector_load %arg22[%get3A_914, %get3A_915] {strides = array<i32>} : memref<48x128xf32, #tpu.memory_space<vmem>>, vector<16xf32>,
        %add3A_917 = arith.addf %get3A_913, %get3A_916 : vector<16xf32>
        %neg3A_918 = arith.constant 0.000000e+00 : f32
        %neg3A_919 = vector.broadcast %neg3A_918 : f32 to vector<16xf32>
        %neg3A_920 = arith.subf %neg3A_919, %add3A_917 : vector<16xf32>
        %exp3A_921 = math.exp %neg3A_920 : vector<16xf32>
        %add3A_922 = arith.constant 1.000000e+00 : f32
        %add3A_923 = vector.broadcast %add3A_922 : f32 to vector<16xf32>
        %add3A_924 = arith.addf %add3A_923, %exp3A_921 : vector<16xf32>
        %div3A_925 = arith.divf %add3A_917, %add3A_924 : vector<16xf32>
        %swap3A_926 = arith.index_cast %scan3A_822 : i32 to index
        %swap3A_927 = arith.constant 80 : index
        %swap3A_928 = tpu.vector_load %arg20[%swap3A_926, %swap3A_927] {strides = array<i32>} : memref<48x128xf32, #tpu.memory_space<vmem>>, vector<16xf32>,
        tpu.vector_store %arg20[%swap3A_926, %swap3A_927], %div3A_925 {strides = array<i32>} : memref<48x128xf32, #tpu.memory_space<vmem>>, vector<16xf32>,
        %get3A_929 = arith.index_cast %scan3A_822 : i32 to index
        %get3A_930 = arith.constant 96 : index
        %get3A_931 = tpu.vector_load %arg20[%get3A_929, %get3A_930] {strides = array<i32>} : memref<48x128xf32, #tpu.memory_space<vmem>>, vector<16xf32>,
        %get3A_932 = arith.index_cast %scan3A_822 : i32 to index
        %get3A_933 = arith.constant 96 : index
        %get3A_934 = tpu.vector_load %arg22[%get3A_932, %get3A_933] {strides = array<i32>} : memref<48x128xf32, #tpu.memory_space<vmem>>, vector<16xf32>,
        %add3A_935 = arith.addf %get3A_931, %get3A_934 : vector<16xf32>
        %neg3A_936 = arith.constant 0.000000e+00 : f32
        %neg3A_937 = vector.broadcast %neg3A_936 : f32 to vector<16xf32>
        %neg3A_938 = arith.subf %neg3A_937, %add3A_935 : vector<16xf32>
        %exp3A_939 = math.exp %neg3A_938 : vector<16xf32>
        %add3A_940 = arith.constant 1.000000e+00 : f32
        %add3A_941 = vector.broadcast %add3A_940 : f32 to vector<16xf32>
        %add3A_942 = arith.addf %add3A_941, %exp3A_939 : vector<16xf32>
        %div3A_943 = arith.divf %add3A_935, %add3A_942 : vector<16xf32>
        %swap3A_944 = arith.index_cast %scan3A_822 : i32 to index
        %swap3A_945 = arith.constant 96 : index
        %swap3A_946 = tpu.vector_load %arg20[%swap3A_944, %swap3A_945] {strides = array<i32>} : memref<48x128xf32, #tpu.memory_space<vmem>>, vector<16xf32>,
        tpu.vector_store %arg20[%swap3A_944, %swap3A_945], %div3A_943 {strides = array<i32>} : memref<48x128xf32, #tpu.memory_space<vmem>>, vector<16xf32>,
        %get3A_947 = arith.index_cast %scan3A_822 : i32 to index
        %get3A_948 = arith.constant 112 : index
        %get3A_949 = tpu.vector_load %arg20[%get3A_947, %get3A_948] {strides = array<i32>} : memref<48x128xf32, #tpu.memory_space<vmem>>, vector<16xf32>,
        %get3A_950 = arith.index_cast %scan3A_822 : i32 to index
        %get3A_951 = arith.constant 112 : index
        %get3A_952 = tpu.vector_load %arg22[%get3A_950, %get3A_951] {strides = array<i32>} : memref<48x128xf32, #tpu.memory_space<vmem>>, vector<16xf32>,
        %add3A_953 = arith.addf %get3A_949, %get3A_952 : vector<16xf32>
        %neg3A_954 = arith.constant 0.000000e+00 : f32
        %neg3A_955 = vector.broadcast %neg3A_954 : f32 to vector<16xf32>
        %neg3A_956 = arith.subf %neg3A_955, %add3A_953 : vector<16xf32>
        %exp3A_957 = math.exp %neg3A_956 : vector<16xf32>
        %add3A_958 = arith.constant 1.000000e+00 : f32
        %add3A_959 = vector.broadcast %add3A_958 : f32 to vector<16xf32>
        %add3A_960 = arith.addf %add3A_959, %exp3A_957 : vector<16xf32>
        %div3A_961 = arith.divf %add3A_953, %add3A_960 : vector<16xf32>
        %swap3A_962 = arith.index_cast %scan3A_822 : i32 to index
        %swap3A_963 = arith.constant 112 : index
        %swap3A_964 = tpu.vector_load %arg20[%swap3A_962, %swap3A_963] {strides = array<i32>} : memref<48x128xf32, #tpu.memory_space<vmem>>, vector<16xf32>,
        tpu.vector_store %arg20[%swap3A_962, %swap3A_963], %div3A_961 {strides = array<i32>} : memref<48x128xf32, #tpu.memory_space<vmem>>, vector<16xf32>,
      }
      %scan3A_703 = arith.constant 48 : i32
      %add3A_704 = arith.constant 0 : i32
      %add3A_705 = vector.broadcast %add3A_704 : i32 to vector<16xi32>
      %add3A_706 = arith.addi %add3A_705, %iota3A : vector<16xi32>
      %get3A_707 = arith.constant 1 : i32
      %get3A_708 = arith.index_cast %get3A_707 : i32 to index
      %get3A_709 = arith.constant 0 : index
      %get3A_710 = tpu.vector_load %arg16[%get3A_708, %get3A_709] {strides = array<i32>} : memref<2x48xi32, #tpu.memory_space<vmem>>, vector<16xi32>,
      %and3A_711 = arith.constant 127 : i32
      %and3A_712 = vector.broadcast %and3A_711 : i32 to vector<16xi32>
      %and3A_713 = arith.andi %get3A_710, %and3A_712 : vector<16xi32>
      tpu.vector_store_idx %arg23[%add3A_706, %and3A_713], %broadcast_in_dim3A_88 : memref<48x128xf32, #tpu.memory_space<vmem>>[vector<16xi32>, vector<16xi32>], vector<16xf32>,
      %add3A_714 = arith.constant 16 : i32
      %add3A_715 = vector.broadcast %add3A_714 : i32 to vector<16xi32>
      %add3A_716 = arith.addi %add3A_715, %iota3A : vector<16xi32>
      %get3A_717 = arith.constant 1 : i32
      %get3A_718 = arith.index_cast %get3A_717 : i32 to index
      %get3A_719 = arith.constant 16 : index
      %get3A_720 = tpu.vector_load %arg16[%get3A_718, %get3A_719] {strides = array<i32>} : memref<2x48xi32, #tpu.memory_space<vmem>>, vector<16xi32>,
      %and3A_721 = arith.constant 127 : i32
      %and3A_722 = vector.broadcast %and3A_721 : i32 to vector<16xi32>
      %and3A_723 = arith.andi %get3A_720, %and3A_722 : vector<16xi32>
      tpu.vector_store_idx %arg23[%add3A_716, %and3A_723], %broadcast_in_dim3A_88 : memref<48x128xf32, #tpu.memory_space<vmem>>[vector<16xi32>, vector<16xi32>], vector<16xf32>,
      %add3A_724 = arith.constant 32 : i32
      %add3A_725 = vector.broadcast %add3A_724 : i32 to vector<16xi32>
      %add3A_726 = arith.addi %add3A_725, %iota3A : vector<16xi32>
      %get3A_727 = arith.constant 1 : i32
      %get3A_728 = arith.index_cast %get3A_727 : i32 to index
      %get3A_729 = arith.constant 32 : index
      %get3A_730 = tpu.vector_load %arg16[%get3A_728, %get3A_729] {strides = array<i32>} : memref<2x48xi32, #tpu.memory_space<vmem>>, vector<16xi32>,
      %and3A_731 = arith.constant 127 : i32
      %and3A_732 = vector.broadcast %and3A_731 : i32 to vector<16xi32>
      %and3A_733 = arith.andi %get3A_730, %and3A_732 : vector<16xi32>
      tpu.vector_store_idx %arg23[%add3A_726, %and3A_733], %broadcast_in_dim3A_88 : memref<48x128xf32, #tpu.memory_space<vmem>>[vector<16xi32>, vector<16xi32>], vector<16xf32>,
      %dma_start3A_734 = arith.constant 1 : i32
      %dma_start3A_735 = arith.constant 0 : i32
      %dma_start3A_736 = tpu.memref_slice %arg16[%dma_start3A_734, %dma_start3A_735] : memref<2x48xi32, #tpu.memory_space<vmem>> -> memref<1x48xi32, #tpu.memory_space<vmem>>
      %dma_start3A_737 = tpu.memref_squeeze %dma_start3A_736 : memref<1x48xi32, #tpu.memory_space<vmem>> -> memref<48xi32, #tpu.memory_space<vmem>>
      %dma_start3A_738 = arith.constant 0 : i32
      %dma_start3A_739 = arith.constant 0 : i32
      %dma_start3A_740 = tpu.memref_slice %arg9[%dma_start3A_738, %dma_start3A_739] : memref<10240x128xf32, #tpu.memory_space<vmem_shared>> -> memref<10240x128xf32, #tpu.memory_space<vmem_shared>>
      tpu.enqueue_indirect_dma source(%arg20 : memref<48x128xf32, #tpu.memory_space<vmem>>) target(%dma_start3A_740 : memref<10240x128xf32, #tpu.memory_space<vmem_shared>>) offsets(%dma_start3A_737 : memref<48xi32, #tpu.memory_space<vmem>>) semaphore(%arg27 : memref<!tpu.dma_semaphore, #tpu.memory_space<semaphore_mem>>) {add = true}
      %dma_start3A_741 = arith.constant 1 : i32
      %dma_start3A_742 = arith.constant 0 : i32
      %dma_start3A_743 = tpu.memref_slice %arg17[%dma_start3A_741, %dma_start3A_742] : memref<2x48xi32, #tpu.memory_space<vmem>> -> memref<1x48xi32, #tpu.memory_space<vmem>>
      %dma_start3A_744 = tpu.memref_squeeze %dma_start3A_743 : memref<1x48xi32, #tpu.memory_space<vmem>> -> memref<48xi32, #tpu.memory_space<vmem>>
      %dma_start3A_745 = arith.constant 0 : i32
      %dma_start3A_746 = arith.constant 0 : i32
      %dma_start3A_747 = tpu.memref_slice %arg9[%dma_start3A_745, %dma_start3A_746] : memref<10240x128xf32, #tpu.memory_space<vmem_shared>> -> memref<10240x128xf32, #tpu.memory_space<vmem_shared>>
      tpu.enqueue_indirect_dma source(%arg23 : memref<48x128xf32, #tpu.memory_space<vmem>>) target(%dma_start3A_747 : memref<10240x128xf32, #tpu.memory_space<vmem_shared>>) offsets(%dma_start3A_744 : memref<48xi32, #tpu.memory_space<vmem>>) semaphore(%arg27 : memref<!tpu.dma_semaphore, #tpu.memory_space<semaphore_mem>>) {add = true}
      %add3A_748 = arith.constant 2 : i32
      %add3A_749 = arith.addi %add3A_664, %add3A_748 : i32
      %sub3A_750 = arith.constant 1 : i32
      %sub3A_751 = arith.subi %select_n3A_86, %sub3A_750 : i32
      %min3A_752 = arith.minsi %add3A_749, %sub3A_751 : i32
      %mul3A_753 = arith.constant 48 : i32
      %mul3A_754 = arith.muli %min3A_752, %mul3A_753 : i32
      %add3A_755 = arith.constant 0 : i32
      %add3A_756 = arith.addi %mul3A_754, %add3A_755 : i32
      %get3A_757 = arith.index_cast %add3A_756 : i32 to index
      %get3A_758 = tpu.vector_load %arg10[%get3A_757] {strides = array<i32>} : memref<10112xi32, #tpu.memory_space<vmem>>, vector<16xi32>,
      %and3A_759 = arith.constant 16383 : i32
      %and3A_760 = vector.broadcast %and3A_759 : i32 to vector<16xi32>
      %and3A_761 = arith.andi %get3A_758, %and3A_760 : vector<16xi32>
      %shift_right_logical3A_762 = arith.constant 14 : i32
      %shift_right_logical3A_763 = vector.broadcast %shift_right_logical3A_762 : i32 to vector<16xi32>
      %shift_right_logical3A_764 = arith.shrui %get3A_758, %shift_right_logical3A_763 : vector<16xi32>
      %swap3A_765 = arith.constant 1 : i32
      %swap3A_766 = arith.index_cast %swap3A_765 : i32 to index
      %swap3A_767 = arith.constant 0 : index
      %swap3A_768 = tpu.vector_load %arg15[%swap3A_766, %swap3A_767] {strides = array<i32>} : memref<2x48xi32, #tpu.memory_space<vmem>>, vector<16xi32>,
      tpu.vector_store %arg15[%swap3A_766, %swap3A_767], %shift_right_logical3A_764 {strides = array<i32>} : memref<2x48xi32, #tpu.memory_space<vmem>>, vector<16xi32>,
      %min3A_769 = arith.constant 9999 : i32
      %min3A_770 = vector.broadcast %min3A_769 : i32 to vector<16xi32>
      %min3A_771 = arith.minsi %and3A_761, %min3A_770 : vector<16xi32>
      %swap3A_772 = arith.constant 1 : i32
      %swap3A_773 = arith.index_cast %swap3A_772 : i32 to index
      %swap3A_774 = arith.constant 0 : index
      %swap3A_775 = tpu.vector_load %arg14[%swap3A_773, %swap3A_774] {strides = array<i32>} : memref<2x48xi32, #tpu.memory_space<vmem>>, vector<16xi32>,
      tpu.vector_store %arg14[%swap3A_773, %swap3A_774], %min3A_771 {strides = array<i32>} : memref<2x48xi32, #tpu.memory_space<vmem>>, vector<16xi32>,
      %mul3A_776 = arith.constant 48 : i32
      %mul3A_777 = arith.muli %min3A_752, %mul3A_776 : i32
      %add3A_778 = arith.constant 16 : i32
      %add3A_779 = arith.addi %mul3A_777, %add3A_778 : i32
      %get3A_780 = arith.index_cast %add3A_779 : i32 to index
      %get3A_781 = tpu.vector_load %arg10[%get3A_780] {strides = array<i32>} : memref<10112xi32, #tpu.memory_space<vmem>>, vector<16xi32>,
      %and3A_782 = arith.constant 16383 : i32
      %and3A_783 = vector.broadcast %and3A_782 : i32 to vector<16xi32>
      %and3A_784 = arith.andi %get3A_781, %and3A_783 : vector<16xi32>
      %shift_right_logical3A_785 = arith.constant 14 : i32
      %shift_right_logical3A_786 = vector.broadcast %shift_right_logical3A_785 : i32 to vector<16xi32>
      %shift_right_logical3A_787 = arith.shrui %get3A_781, %shift_right_logical3A_786 : vector<16xi32>
      %swap3A_788 = arith.constant 1 : i32
      %swap3A_789 = arith.index_cast %swap3A_788 : i32 to index
      %swap3A_790 = arith.constant 16 : index
      %swap3A_791 = tpu.vector_load %arg15[%swap3A_789, %swap3A_790] {strides = array<i32>} : memref<2x48xi32, #tpu.memory_space<vmem>>, vector<16xi32>,
      tpu.vector_store %arg15[%swap3A_789, %swap3A_790], %shift_right_logical3A_787 {strides = array<i32>} : memref<2x48xi32, #tpu.memory_space<vmem>>, vector<16xi32>,
      %min3A_792 = arith.constant 9999 : i32
      %min3A_793 = vector.broadcast %min3A_792 : i32 to vector<16xi32>
      %min3A_794 = arith.minsi %and3A_784, %min3A_793 : vector<16xi32>
      %swap3A_795 = arith.constant 1 : i32
      %swap3A_796 = arith.index_cast %swap3A_795 : i32 to index
      %swap3A_797 = arith.constant 16 : index
      %swap3A_798 = tpu.vector_load %arg14[%swap3A_796, %swap3A_797] {strides = array<i32>} : memref<2x48xi32, #tpu.memory_space<vmem>>, vector<16xi32>,
      tpu.vector_store %arg14[%swap3A_796, %swap3A_797], %min3A_794 {strides = array<i32>} : memref<2x48xi32, #tpu.memory_space<vmem>>, vector<16xi32>,
      %mul3A_799 = arith.constant 48 : i32
      %mul3A_800 = arith.muli %min3A_752, %mul3A_799 : i32
      %add3A_801 = arith.constant 32 : i32
      %add3A_802 = arith.addi %mul3A_800, %add3A_801 : i32
      %get3A_803 = arith.index_cast %add3A_802 : i32 to index
      %get3A_804 = tpu.vector_load %arg10[%get3A_803] {strides = array<i32>} : memref<10112xi32, #tpu.memory_space<vmem>>, vector<16xi32>,
      %and3A_805 = arith.constant 16383 : i32
      %and3A_806 = vector.broadcast %and3A_805 : i32 to vector<16xi32>
      %and3A_807 = arith.andi %get3A_804, %and3A_806 : vector<16xi32>
      %shift_right_logical3A_808 = arith.constant 14 : i32
      %shift_right_logical3A_809 = vector.broadcast %shift_right_logical3A_808 : i32 to vector<16xi32>
      %shift_right_logical3A_810 = arith.shrui %get3A_804, %shift_right_logical3A_809 : vector<16xi32>
      %swap3A_811 = arith.constant 1 : i32
      %swap3A_812 = arith.index_cast %swap3A_811 : i32 to index
      %swap3A_813 = arith.constant 32 : index
      %swap3A_814 = tpu.vector_load %arg15[%swap3A_812, %swap3A_813] {strides = array<i32>} : memref<2x48xi32, #tpu.memory_space<vmem>>, vector<16xi32>,
      tpu.vector_store %arg15[%swap3A_812, %swap3A_813], %shift_right_logical3A_810 {strides = array<i32>} : memref<2x48xi32, #tpu.memory_space<vmem>>, vector<16xi32>,
      %min3A_815 = arith.constant 9999 : i32
      %min3A_816 = vector.broadcast %min3A_815 : i32 to vector<16xi32>
      %min3A_817 = arith.minsi %and3A_807, %min3A_816 : vector<16xi32>
      %swap3A_818 = arith.constant 1 : i32
      %swap3A_819 = arith.index_cast %swap3A_818 : i32 to index
      %swap3A_820 = arith.constant 32 : index
      %swap3A_821 = tpu.vector_load %arg14[%swap3A_819, %swap3A_820] {strides = array<i32>} : memref<2x48xi32, #tpu.memory_space<vmem>>, vector<16xi32>,
      tpu.vector_store %arg14[%swap3A_819, %swap3A_820], %min3A_817 {strides = array<i32>} : memref<2x48xi32, #tpu.memory_space<vmem>>, vector<16xi32>,
    }
    %jit3A_436 = arith.constant 2 : i32
    %eq3A = arith.constant 0 : i32
    %eq3A_437 = arith.cmpi eq, %jit3A_436, %eq3A : i32
    %jit3A_438 = arith.constant 1 : i32
    %select_n3A_439 = arith.select %eq3A_437, %jit3A_438, %jit3A_436 : i32
    %rem3A_440 = arith.remsi %select_n3A_86, %select_n3A_439 : i32
    %ne3A_441 = arith.constant 0 : i32
    %ne3A_442 = arith.cmpi ne, %rem3A_440, %ne3A_441 : i32
    %lt3A_443 = arith.constant 0 : i32
    %lt3A_444 = arith.cmpi slt, %rem3A_440, %lt3A_443 : i32
    %lt3A_445 = arith.constant 0 : i32
    %lt3A_446 = arith.cmpi slt, %select_n3A_439, %lt3A_445 : i32
    %ne3A_447 = arith.xori %lt3A_444, %lt3A_446 : i1
    %and3A_448 = arith.andi %ne3A_447, %ne3A_442 : i1
    %add3A_449 = arith.addi %rem3A_440, %select_n3A_439 : i32
    %select_n3A_450 = arith.select %and3A_448, %add3A_449, %rem3A_440 : i32
    %eq3A_451 = arith.constant 1 : i32
    %eq3A_452 = arith.cmpi eq, %select_n3A_450, %eq3A_451 : i32
    %convert_element_type3A = arith.extui %eq3A_452 : i1 to i32
    %cond3A = arith.constant 0 : i32
    %cond3A_453 = arith.cmpi ne, %convert_element_type3A, %cond3A : i32
    scf.if %cond3A_453 {
      %sub3A_503 = arith.constant 1 : i32
      %sub3A_504 = arith.subi %select_n3A_86, %sub3A_503 : i32
      %dma_wait3A = arith.constant 0 : i32
      %dma_wait3A_505 = arith.constant 0 : i32
      %dma_wait3A_506 = tpu.memref_slice %arg14[%dma_wait3A, %dma_wait3A_505] : memref<2x48xi32, #tpu.memory_space<vmem>> -> memref<1x48xi32, #tpu.memory_space<vmem>>
      %dma_wait3A_507 = tpu.memref_squeeze %dma_wait3A_506 : memref<1x48xi32, #tpu.memory_space<vmem>> -> memref<48xi32, #tpu.memory_space<vmem>>
      %dma_wait3A_508 = arith.constant 0 : i32
      %dma_wait3A_509 = arith.constant 0 : i32
      %dma_wait3A_510 = tpu.memref_slice %arg6[%dma_wait3A_508, %dma_wait3A_509] : memref<10000x128xf32, #tpu.memory_space<hbm>> -> memref<10000x128xf32, #tpu.memory_space<hbm>>
      tpu.wait_indirect_dma semaphore(%arg24 : memref<!tpu.dma_semaphore, #tpu.memory_space<semaphore_mem>>) src(%dma_wait3A_510 : memref<10000x128xf32, #tpu.memory_space<hbm>>) dst(%arg19 : memref<48x128xf32, #tpu.memory_space<vmem>>)
      %dma_wait3A_511 = arith.constant 0 : i32
      %dma_wait3A_512 = arith.constant 0 : i32
      %dma_wait3A_513 = tpu.memref_slice %arg15[%dma_wait3A_511, %dma_wait3A_512] : memref<2x48xi32, #tpu.memory_space<vmem>> -> memref<1x48xi32, #tpu.memory_space<vmem>>
      %dma_wait3A_514 = tpu.memref_squeeze %dma_wait3A_513 : memref<1x48xi32, #tpu.memory_space<vmem>> -> memref<48xi32, #tpu.memory_space<vmem>>
      %dma_wait3A_515 = arith.constant 0 : i32
      %dma_wait3A_516 = arith.constant 0 : i32
      %dma_wait3A_517 = tpu.memref_slice %arg7[%dma_wait3A_515, %dma_wait3A_516] : memref<10000x128xf32, #tpu.memory_space<hbm>> -> memref<10000x128xf32, #tpu.memory_space<hbm>>
      tpu.wait_indirect_dma semaphore(%arg24 : memref<!tpu.dma_semaphore, #tpu.memory_space<semaphore_mem>>) src(%dma_wait3A_517 : memref<10000x128xf32, #tpu.memory_space<hbm>>) dst(%arg21 : memref<48x128xf32, #tpu.memory_space<vmem>>)
      %ge3A = arith.constant 1 : i32
      %ge3A_518 = arith.cmpi sge, %sub3A_504, %ge3A : i32
      %convert_element_type3A_519 = arith.extui %ge3A_518 : i1 to i32
      %cond3A_520 = arith.constant 0 : i32
      %cond3A_521 = arith.cmpi ne, %convert_element_type3A_519, %cond3A_520 : i32
      scf.if %cond3A_521 {
        %dma_wait3A_660 = arith.constant 1 : i32
        %dma_wait3A_661 = arith.constant 0 : i32
        %dma_wait3A_662 = tpu.memref_slice %arg16[%dma_wait3A_660, %dma_wait3A_661] : memref<2x48xi32, #tpu.memory_space<vmem>> -> memref<1x48xi32, #tpu.memory_space<vmem>>
        %dma_wait3A_663 = tpu.memref_squeeze %dma_wait3A_662 : memref<1x48xi32, #tpu.memory_space<vmem>> -> memref<48xi32, #tpu.memory_space<vmem>>
        %dma_wait3A_664 = arith.constant 0 : i32
        %dma_wait3A_665 = arith.constant 0 : i32
        %dma_wait3A_666 = tpu.memref_slice %arg9[%dma_wait3A_664, %dma_wait3A_665] : memref<10240x128xf32, #tpu.memory_space<vmem_shared>> -> memref<10240x128xf32, #tpu.memory_space<vmem_shared>>
        tpu.wait_indirect_dma semaphore(%arg27 : memref<!tpu.dma_semaphore, #tpu.memory_space<semaphore_mem>>) src(%arg20 : memref<48x128xf32, #tpu.memory_space<vmem>>) dst(%dma_wait3A_666 : memref<10240x128xf32, #tpu.memory_space<vmem_shared>>)
        %dma_wait3A_667 = arith.constant 1 : i32
        %dma_wait3A_668 = arith.constant 0 : i32
        %dma_wait3A_669 = tpu.memref_slice %arg17[%dma_wait3A_667, %dma_wait3A_668] : memref<2x48xi32, #tpu.memory_space<vmem>> -> memref<1x48xi32, #tpu.memory_space<vmem>>
        %dma_wait3A_670 = tpu.memref_squeeze %dma_wait3A_669 : memref<1x48xi32, #tpu.memory_space<vmem>> -> memref<48xi32, #tpu.memory_space<vmem>>
        %dma_wait3A_671 = arith.constant 0 : i32
        %dma_wait3A_672 = arith.constant 0 : i32
        %dma_wait3A_673 = tpu.memref_slice %arg9[%dma_wait3A_671, %dma_wait3A_672] : memref<10240x128xf32, #tpu.memory_space<vmem_shared>> -> memref<10240x128xf32, #tpu.memory_space<vmem_shared>>
        tpu.wait_indirect_dma semaphore(%arg27 : memref<!tpu.dma_semaphore, #tpu.memory_space<semaphore_mem>>) src(%arg23 : memref<48x128xf32, #tpu.memory_space<vmem>>) dst(%dma_wait3A_673 : memref<10240x128xf32, #tpu.memory_space<vmem_shared>>)
        %add3A_674 = arith.constant 0 : i32
        %add3A_675 = vector.broadcast %add3A_674 : i32 to vector<16xi32>
        %add3A_676 = arith.addi %add3A_675, %iota3A : vector<16xi32>
        %get3A_677 = arith.constant 1 : i32
        %get3A_678 = arith.index_cast %get3A_677 : i32 to index
        %get3A_679 = arith.constant 0 : index
        %get3A_680 = tpu.vector_load %arg16[%get3A_678, %get3A_679] {strides = array<i32>} : memref<2x48xi32, #tpu.memory_space<vmem>>, vector<16xi32>,
        %and3A_681 = arith.constant 127 : i32
        %and3A_682 = vector.broadcast %and3A_681 : i32 to vector<16xi32>
        %and3A_683 = arith.andi %get3A_680, %and3A_682 : vector<16xi32>
        tpu.vector_store_idx %arg23[%add3A_676, %and3A_683], %broadcast_in_dim3A_90 : memref<48x128xf32, #tpu.memory_space<vmem>>[vector<16xi32>, vector<16xi32>], vector<16xf32>,
        %add3A_684 = arith.constant 16 : i32
        %add3A_685 = vector.broadcast %add3A_684 : i32 to vector<16xi32>
        %add3A_686 = arith.addi %add3A_685, %iota3A : vector<16xi32>
        %get3A_687 = arith.constant 1 : i32
        %get3A_688 = arith.index_cast %get3A_687 : i32 to index
        %get3A_689 = arith.constant 16 : index
        %get3A_690 = tpu.vector_load %arg16[%get3A_688, %get3A_689] {strides = array<i32>} : memref<2x48xi32, #tpu.memory_space<vmem>>, vector<16xi32>,
        %and3A_691 = arith.constant 127 : i32
        %and3A_692 = vector.broadcast %and3A_691 : i32 to vector<16xi32>
        %and3A_693 = arith.andi %get3A_690, %and3A_692 : vector<16xi32>
        tpu.vector_store_idx %arg23[%add3A_686, %and3A_693], %broadcast_in_dim3A_90 : memref<48x128xf32, #tpu.memory_space<vmem>>[vector<16xi32>, vector<16xi32>], vector<16xf32>,
        %add3A_694 = arith.constant 32 : i32
        %add3A_695 = vector.broadcast %add3A_694 : i32 to vector<16xi32>
        %add3A_696 = arith.addi %add3A_695, %iota3A : vector<16xi32>
        %get3A_697 = arith.constant 1 : i32
        %get3A_698 = arith.index_cast %get3A_697 : i32 to index
        %get3A_699 = arith.constant 32 : index
        %get3A_700 = tpu.vector_load %arg16[%get3A_698, %get3A_699] {strides = array<i32>} : memref<2x48xi32, #tpu.memory_space<vmem>>, vector<16xi32>,
        %and3A_701 = arith.constant 127 : i32
        %and3A_702 = vector.broadcast %and3A_701 : i32 to vector<16xi32>
        %and3A_703 = arith.andi %get3A_700, %and3A_702 : vector<16xi32>
        tpu.vector_store_idx %arg23[%add3A_696, %and3A_703], %broadcast_in_dim3A_90 : memref<48x128xf32, #tpu.memory_space<vmem>>[vector<16xi32>, vector<16xi32>], vector<16xf32>,
        %add3A_704 = arith.constant 1 : i32
        %add3A_705 = arith.addi %sub3A_504, %add3A_704 : i32
        %sub3A_706 = arith.constant 1 : i32
        %sub3A_707 = arith.subi %select_n3A_86, %sub3A_706 : i32
        %min3A_708 = arith.minsi %add3A_705, %sub3A_707 : i32
        %mul3A_709 = arith.constant 48 : i32
        %mul3A_710 = arith.muli %min3A_708, %mul3A_709 : i32
        %add3A_711 = arith.constant 0 : i32
        %add3A_712 = arith.addi %mul3A_710, %add3A_711 : i32
        %get3A_713 = arith.index_cast %add3A_712 : i32 to index
        %get3A_714 = tpu.vector_load %arg10[%get3A_713] {strides = array<i32>} : memref<10112xi32, #tpu.memory_space<vmem>>, vector<16xi32>,
        %and3A_715 = arith.constant 16383 : i32
        %and3A_716 = vector.broadcast %and3A_715 : i32 to vector<16xi32>
        %and3A_717 = arith.andi %get3A_714, %and3A_716 : vector<16xi32>
        %swap3A_718 = arith.constant 1 : i32
        %swap3A_719 = arith.index_cast %swap3A_718 : i32 to index
        %swap3A_720 = arith.constant 0 : index
        %swap3A_721 = tpu.vector_load %arg16[%swap3A_719, %swap3A_720] {strides = array<i32>} : memref<2x48xi32, #tpu.memory_space<vmem>>, vector<16xi32>,
        tpu.vector_store %arg16[%swap3A_719, %swap3A_720], %and3A_717 {strides = array<i32>} : memref<2x48xi32, #tpu.memory_space<vmem>>, vector<16xi32>,
        %lt3A_722 = arith.constant 10000 : i32
        %lt3A_723 = vector.broadcast %lt3A_722 : i32 to vector<16xi32>
        %lt3A_724 = arith.cmpi slt, %and3A_717, %lt3A_723 : vector<16xi32>
        %shift_right_logical3A_725 = arith.constant 7 : i32
        %shift_right_logical3A_726 = vector.broadcast %shift_right_logical3A_725 : i32 to vector<16xi32>
        %shift_right_logical3A_727 = arith.shrui %and3A_717, %shift_right_logical3A_726 : vector<16xi32>
        %add3A_728 = arith.constant 10000 : i32
        %add3A_729 = vector.broadcast %add3A_728 : i32 to vector<16xi32>
        %add3A_730 = arith.addi %add3A_729, %shift_right_logical3A_727 : vector<16xi32>
        %add3A_731 = arith.constant 16 : i32
        %add3A_732 = vector.broadcast %add3A_731 : i32 to vector<16xi32>
        %add3A_733 = arith.addi %add3A_17, %add3A_732 : vector<16xi32>
        %select_n3A_734 = arith.select %lt3A_724, %add3A_730, %add3A_733 : vector<16xi1>, vector<16xi32>
        %swap3A_735 = arith.constant 1 : i32
        %swap3A_736 = arith.index_cast %swap3A_735 : i32 to index
        %swap3A_737 = arith.constant 0 : index
        %swap3A_738 = tpu.vector_load %arg17[%swap3A_736, %swap3A_737] {strides = array<i32>} : memref<2x48xi32, #tpu.memory_space<vmem>>, vector<16xi32>,
        tpu.vector_store %arg17[%swap3A_736, %swap3A_737], %select_n3A_734 {strides = array<i32>} : memref<2x48xi32, #tpu.memory_space<vmem>>, vector<16xi32>,
        %mul3A_739 = arith.constant 48 : i32
        %mul3A_740 = arith.muli %min3A_708, %mul3A_739 : i32
        %add3A_741 = arith.constant 16 : i32
        %add3A_742 = arith.addi %mul3A_740, %add3A_741 : i32
        %get3A_743 = arith.index_cast %add3A_742 : i32 to index
        %get3A_744 = tpu.vector_load %arg10[%get3A_743] {strides = array<i32>} : memref<10112xi32, #tpu.memory_space<vmem>>, vector<16xi32>,
        %and3A_745 = arith.constant 16383 : i32
        %and3A_746 = vector.broadcast %and3A_745 : i32 to vector<16xi32>
        %and3A_747 = arith.andi %get3A_744, %and3A_746 : vector<16xi32>
        %swap3A_748 = arith.constant 1 : i32
        %swap3A_749 = arith.index_cast %swap3A_748 : i32 to index
        %swap3A_750 = arith.constant 16 : index
        %swap3A_751 = tpu.vector_load %arg16[%swap3A_749, %swap3A_750] {strides = array<i32>} : memref<2x48xi32, #tpu.memory_space<vmem>>, vector<16xi32>,
        tpu.vector_store %arg16[%swap3A_749, %swap3A_750], %and3A_747 {strides = array<i32>} : memref<2x48xi32, #tpu.memory_space<vmem>>, vector<16xi32>,
        %lt3A_752 = arith.constant 10000 : i32
        %lt3A_753 = vector.broadcast %lt3A_752 : i32 to vector<16xi32>
        %lt3A_754 = arith.cmpi slt, %and3A_747, %lt3A_753 : vector<16xi32>
        %shift_right_logical3A_755 = arith.constant 7 : i32
        %shift_right_logical3A_756 = vector.broadcast %shift_right_logical3A_755 : i32 to vector<16xi32>
        %shift_right_logical3A_757 = arith.shrui %and3A_747, %shift_right_logical3A_756 : vector<16xi32>
        %add3A_758 = arith.constant 10000 : i32
        %add3A_759 = vector.broadcast %add3A_758 : i32 to vector<16xi32>
        %add3A_760 = arith.addi %add3A_759, %shift_right_logical3A_757 : vector<16xi32>
        %add3A_761 = arith.constant 16 : i32
        %add3A_762 = vector.broadcast %add3A_761 : i32 to vector<16xi32>
        %add3A_763 = arith.addi %add3A_17, %add3A_762 : vector<16xi32>
        %select_n3A_764 = arith.select %lt3A_754, %add3A_760, %add3A_763 : vector<16xi1>, vector<16xi32>
        %swap3A_765 = arith.constant 1 : i32
        %swap3A_766 = arith.index_cast %swap3A_765 : i32 to index
        %swap3A_767 = arith.constant 16 : index
        %swap3A_768 = tpu.vector_load %arg17[%swap3A_766, %swap3A_767] {strides = array<i32>} : memref<2x48xi32, #tpu.memory_space<vmem>>, vector<16xi32>,
        tpu.vector_store %arg17[%swap3A_766, %swap3A_767], %select_n3A_764 {strides = array<i32>} : memref<2x48xi32, #tpu.memory_space<vmem>>, vector<16xi32>,
        %mul3A_769 = arith.constant 48 : i32
        %mul3A_770 = arith.muli %min3A_708, %mul3A_769 : i32
        %add3A_771 = arith.constant 32 : i32
        %add3A_772 = arith.addi %mul3A_770, %add3A_771 : i32
        %get3A_773 = arith.index_cast %add3A_772 : i32 to index
        %get3A_774 = tpu.vector_load %arg10[%get3A_773] {strides = array<i32>} : memref<10112xi32, #tpu.memory_space<vmem>>, vector<16xi32>,
        %and3A_775 = arith.constant 16383 : i32
        %and3A_776 = vector.broadcast %and3A_775 : i32 to vector<16xi32>
        %and3A_777 = arith.andi %get3A_774, %and3A_776 : vector<16xi32>
        %swap3A_778 = arith.constant 1 : i32
        %swap3A_779 = arith.index_cast %swap3A_778 : i32 to index
        %swap3A_780 = arith.constant 32 : index
        %swap3A_781 = tpu.vector_load %arg16[%swap3A_779, %swap3A_780] {strides = array<i32>} : memref<2x48xi32, #tpu.memory_space<vmem>>, vector<16xi32>,
        tpu.vector_store %arg16[%swap3A_779, %swap3A_780], %and3A_777 {strides = array<i32>} : memref<2x48xi32, #tpu.memory_space<vmem>>, vector<16xi32>,
        %lt3A_782 = arith.constant 10000 : i32
        %lt3A_783 = vector.broadcast %lt3A_782 : i32 to vector<16xi32>
        %lt3A_784 = arith.cmpi slt, %and3A_777, %lt3A_783 : vector<16xi32>
        %shift_right_logical3A_785 = arith.constant 7 : i32
        %shift_right_logical3A_786 = vector.broadcast %shift_right_logical3A_785 : i32 to vector<16xi32>
        %shift_right_logical3A_787 = arith.shrui %and3A_777, %shift_right_logical3A_786 : vector<16xi32>
        %add3A_788 = arith.constant 10000 : i32
        %add3A_789 = vector.broadcast %add3A_788 : i32 to vector<16xi32>
        %add3A_790 = arith.addi %add3A_789, %shift_right_logical3A_787 : vector<16xi32>
        %add3A_791 = arith.constant 16 : i32
        %add3A_792 = vector.broadcast %add3A_791 : i32 to vector<16xi32>
        %add3A_793 = arith.addi %add3A_17, %add3A_792 : vector<16xi32>
        %select_n3A_794 = arith.select %lt3A_784, %add3A_790, %add3A_793 : vector<16xi1>, vector<16xi32>
        %swap3A_795 = arith.constant 1 : i32
        %swap3A_796 = arith.index_cast %swap3A_795 : i32 to index
        %swap3A_797 = arith.constant 32 : index
        %swap3A_798 = tpu.vector_load %arg17[%swap3A_796, %swap3A_797] {strides = array<i32>} : memref<2x48xi32, #tpu.memory_space<vmem>>, vector<16xi32>,
        tpu.vector_store %arg17[%swap3A_796, %swap3A_797], %select_n3A_794 {strides = array<i32>} : memref<2x48xi32, #tpu.memory_space<vmem>>, vector<16xi32>,
      } else {
      }
      %dma_start3A_522 = arith.constant 1 : i32
      %dma_start3A_523 = arith.constant 0 : i32
      %dma_start3A_524 = tpu.memref_slice %arg14[%dma_start3A_522, %dma_start3A_523] : memref<2x48xi32, #tpu.memory_space<vmem>> -> memref<1x48xi32, #tpu.memory_space<vmem>>
      %dma_start3A_525 = tpu.memref_squeeze %dma_start3A_524 : memref<1x48xi32, #tpu.memory_space<vmem>> -> memref<48xi32, #tpu.memory_space<vmem>>
      %dma_start3A_526 = arith.constant 0 : i32
      %dma_start3A_527 = arith.constant 0 : i32
      %dma_start3A_528 = tpu.memref_slice %arg6[%dma_start3A_526, %dma_start3A_527] : memref<10000x128xf32, #tpu.memory_space<hbm>> -> memref<10000x128xf32, #tpu.memory_space<hbm>>
      tpu.enqueue_indirect_dma source(%dma_start3A_528 : memref<10000x128xf32, #tpu.memory_space<hbm>>) target(%arg20 : memref<48x128xf32, #tpu.memory_space<vmem>>) offsets(%dma_start3A_525 : memref<48xi32, #tpu.memory_space<vmem>>) semaphore(%arg25 : memref<!tpu.dma_semaphore, #tpu.memory_space<semaphore_mem>>)
      %dma_start3A_529 = arith.constant 1 : i32
      %dma_start3A_530 = arith.constant 0 : i32
      %dma_start3A_531 = tpu.memref_slice %arg15[%dma_start3A_529, %dma_start3A_530] : memref<2x48xi32, #tpu.memory_space<vmem>> -> memref<1x48xi32, #tpu.memory_space<vmem>>
      %dma_start3A_532 = tpu.memref_squeeze %dma_start3A_531 : memref<1x48xi32, #tpu.memory_space<vmem>> -> memref<48xi32, #tpu.memory_space<vmem>>
      %dma_start3A_533 = arith.constant 0 : i32
      %dma_start3A_534 = arith.constant 0 : i32
      %dma_start3A_535 = tpu.memref_slice %arg7[%dma_start3A_533, %dma_start3A_534] : memref<10000x128xf32, #tpu.memory_space<hbm>> -> memref<10000x128xf32, #tpu.memory_space<hbm>>
      tpu.enqueue_indirect_dma source(%dma_start3A_535 : memref<10000x128xf32, #tpu.memory_space<hbm>>) target(%arg22 : memref<48x128xf32, #tpu.memory_space<vmem>>) offsets(%dma_start3A_532 : memref<48xi32, #tpu.memory_space<vmem>>) semaphore(%arg25 : memref<!tpu.dma_semaphore, #tpu.memory_space<semaphore_mem>>)
      %scan3A_536 = arith.constant 0 : i32
      %scan3A_537 = arith.constant 0 : i32
      %scan3A_538 = arith.constant 48 : i32
      %scan3A_539 = arith.addi %scan3A_537, %scan3A_538 : i32
      %scan3A_540 = arith.constant 1 : i32
      scf.for %scan3A_660 = %scan3A_537 to %scan3A_539 step %scan3A_540  : i32 {
        %get3A_661 = arith.index_cast %scan3A_660 : i32 to index
        %get3A_662 = arith.constant 0 : index
        %get3A_663 = tpu.vector_load %arg19[%get3A_661, %get3A_662] {strides = array<i32>} : memref<48x128xf32, #tpu.memory_space<vmem>>, vector<16xf32>,
        %get3A_664 = arith.index_cast %scan3A_660 : i32 to index
        %get3A_665 = arith.constant 0 : index
        %get3A_666 = tpu.vector_load %arg21[%get3A_664, %get3A_665] {strides = array<i32>} : memref<48x128xf32, #tpu.memory_space<vmem>>, vector<16xf32>,
        %add3A_667 = arith.addf %get3A_663, %get3A_666 : vector<16xf32>
        %neg3A = arith.constant 0.000000e+00 : f32
        %neg3A_668 = vector.broadcast %neg3A : f32 to vector<16xf32>
        %neg3A_669 = arith.subf %neg3A_668, %add3A_667 : vector<16xf32>
        %exp3A = math.exp %neg3A_669 : vector<16xf32>
        %add3A_670 = arith.constant 1.000000e+00 : f32
        %add3A_671 = vector.broadcast %add3A_670 : f32 to vector<16xf32>
        %add3A_672 = arith.addf %add3A_671, %exp3A : vector<16xf32>
        %div3A_673 = arith.divf %add3A_667, %add3A_672 : vector<16xf32>
        %swap3A_674 = arith.index_cast %scan3A_660 : i32 to index
        %swap3A_675 = arith.constant 0 : index
        %swap3A_676 = tpu.vector_load %arg19[%swap3A_674, %swap3A_675] {strides = array<i32>} : memref<48x128xf32, #tpu.memory_space<vmem>>, vector<16xf32>,
        tpu.vector_store %arg19[%swap3A_674, %swap3A_675], %div3A_673 {strides = array<i32>} : memref<48x128xf32, #tpu.memory_space<vmem>>, vector<16xf32>,
        %get3A_677 = arith.index_cast %scan3A_660 : i32 to index
        %get3A_678 = arith.constant 16 : index
        %get3A_679 = tpu.vector_load %arg19[%get3A_677, %get3A_678] {strides = array<i32>} : memref<48x128xf32, #tpu.memory_space<vmem>>, vector<16xf32>,
        %get3A_680 = arith.index_cast %scan3A_660 : i32 to index
        %get3A_681 = arith.constant 16 : index
        %get3A_682 = tpu.vector_load %arg21[%get3A_680, %get3A_681] {strides = array<i32>} : memref<48x128xf32, #tpu.memory_space<vmem>>, vector<16xf32>,
        %add3A_683 = arith.addf %get3A_679, %get3A_682 : vector<16xf32>
        %neg3A_684 = arith.constant 0.000000e+00 : f32
        %neg3A_685 = vector.broadcast %neg3A_684 : f32 to vector<16xf32>
        %neg3A_686 = arith.subf %neg3A_685, %add3A_683 : vector<16xf32>
        %exp3A_687 = math.exp %neg3A_686 : vector<16xf32>
        %add3A_688 = arith.constant 1.000000e+00 : f32
        %add3A_689 = vector.broadcast %add3A_688 : f32 to vector<16xf32>
        %add3A_690 = arith.addf %add3A_689, %exp3A_687 : vector<16xf32>
        %div3A_691 = arith.divf %add3A_683, %add3A_690 : vector<16xf32>
        %swap3A_692 = arith.index_cast %scan3A_660 : i32 to index
        %swap3A_693 = arith.constant 16 : index
        %swap3A_694 = tpu.vector_load %arg19[%swap3A_692, %swap3A_693] {strides = array<i32>} : memref<48x128xf32, #tpu.memory_space<vmem>>, vector<16xf32>,
        tpu.vector_store %arg19[%swap3A_692, %swap3A_693], %div3A_691 {strides = array<i32>} : memref<48x128xf32, #tpu.memory_space<vmem>>, vector<16xf32>,
        %get3A_695 = arith.index_cast %scan3A_660 : i32 to index
        %get3A_696 = arith.constant 32 : index
        %get3A_697 = tpu.vector_load %arg19[%get3A_695, %get3A_696] {strides = array<i32>} : memref<48x128xf32, #tpu.memory_space<vmem>>, vector<16xf32>,
        %get3A_698 = arith.index_cast %scan3A_660 : i32 to index
        %get3A_699 = arith.constant 32 : index
        %get3A_700 = tpu.vector_load %arg21[%get3A_698, %get3A_699] {strides = array<i32>} : memref<48x128xf32, #tpu.memory_space<vmem>>, vector<16xf32>,
        %add3A_701 = arith.addf %get3A_697, %get3A_700 : vector<16xf32>
        %neg3A_702 = arith.constant 0.000000e+00 : f32
        %neg3A_703 = vector.broadcast %neg3A_702 : f32 to vector<16xf32>
        %neg3A_704 = arith.subf %neg3A_703, %add3A_701 : vector<16xf32>
        %exp3A_705 = math.exp %neg3A_704 : vector<16xf32>
        %add3A_706 = arith.constant 1.000000e+00 : f32
        %add3A_707 = vector.broadcast %add3A_706 : f32 to vector<16xf32>
        %add3A_708 = arith.addf %add3A_707, %exp3A_705 : vector<16xf32>
        %div3A_709 = arith.divf %add3A_701, %add3A_708 : vector<16xf32>
        %swap3A_710 = arith.index_cast %scan3A_660 : i32 to index
        %swap3A_711 = arith.constant 32 : index
        %swap3A_712 = tpu.vector_load %arg19[%swap3A_710, %swap3A_711] {strides = array<i32>} : memref<48x128xf32, #tpu.memory_space<vmem>>, vector<16xf32>,
        tpu.vector_store %arg19[%swap3A_710, %swap3A_711], %div3A_709 {strides = array<i32>} : memref<48x128xf32, #tpu.memory_space<vmem>>, vector<16xf32>,
        %get3A_713 = arith.index_cast %scan3A_660 : i32 to index
        %get3A_714 = arith.constant 48 : index
        %get3A_715 = tpu.vector_load %arg19[%get3A_713, %get3A_714] {strides = array<i32>} : memref<48x128xf32, #tpu.memory_space<vmem>>, vector<16xf32>,
        %get3A_716 = arith.index_cast %scan3A_660 : i32 to index
        %get3A_717 = arith.constant 48 : index
        %get3A_718 = tpu.vector_load %arg21[%get3A_716, %get3A_717] {strides = array<i32>} : memref<48x128xf32, #tpu.memory_space<vmem>>, vector<16xf32>,
        %add3A_719 = arith.addf %get3A_715, %get3A_718 : vector<16xf32>
        %neg3A_720 = arith.constant 0.000000e+00 : f32
        %neg3A_721 = vector.broadcast %neg3A_720 : f32 to vector<16xf32>
        %neg3A_722 = arith.subf %neg3A_721, %add3A_719 : vector<16xf32>
        %exp3A_723 = math.exp %neg3A_722 : vector<16xf32>
        %add3A_724 = arith.constant 1.000000e+00 : f32
        %add3A_725 = vector.broadcast %add3A_724 : f32 to vector<16xf32>
        %add3A_726 = arith.addf %add3A_725, %exp3A_723 : vector<16xf32>
        %div3A_727 = arith.divf %add3A_719, %add3A_726 : vector<16xf32>
        %swap3A_728 = arith.index_cast %scan3A_660 : i32 to index
        %swap3A_729 = arith.constant 48 : index
        %swap3A_730 = tpu.vector_load %arg19[%swap3A_728, %swap3A_729] {strides = array<i32>} : memref<48x128xf32, #tpu.memory_space<vmem>>, vector<16xf32>,
        tpu.vector_store %arg19[%swap3A_728, %swap3A_729], %div3A_727 {strides = array<i32>} : memref<48x128xf32, #tpu.memory_space<vmem>>, vector<16xf32>,
        %get3A_731 = arith.index_cast %scan3A_660 : i32 to index
        %get3A_732 = arith.constant 64 : index
        %get3A_733 = tpu.vector_load %arg19[%get3A_731, %get3A_732] {strides = array<i32>} : memref<48x128xf32, #tpu.memory_space<vmem>>, vector<16xf32>,
        %get3A_734 = arith.index_cast %scan3A_660 : i32 to index
        %get3A_735 = arith.constant 64 : index
        %get3A_736 = tpu.vector_load %arg21[%get3A_734, %get3A_735] {strides = array<i32>} : memref<48x128xf32, #tpu.memory_space<vmem>>, vector<16xf32>,
        %add3A_737 = arith.addf %get3A_733, %get3A_736 : vector<16xf32>
        %neg3A_738 = arith.constant 0.000000e+00 : f32
        %neg3A_739 = vector.broadcast %neg3A_738 : f32 to vector<16xf32>
        %neg3A_740 = arith.subf %neg3A_739, %add3A_737 : vector<16xf32>
        %exp3A_741 = math.exp %neg3A_740 : vector<16xf32>
        %add3A_742 = arith.constant 1.000000e+00 : f32
        %add3A_743 = vector.broadcast %add3A_742 : f32 to vector<16xf32>
        %add3A_744 = arith.addf %add3A_743, %exp3A_741 : vector<16xf32>
        %div3A_745 = arith.divf %add3A_737, %add3A_744 : vector<16xf32>
        %swap3A_746 = arith.index_cast %scan3A_660 : i32 to index
        %swap3A_747 = arith.constant 64 : index
        %swap3A_748 = tpu.vector_load %arg19[%swap3A_746, %swap3A_747] {strides = array<i32>} : memref<48x128xf32, #tpu.memory_space<vmem>>, vector<16xf32>,
        tpu.vector_store %arg19[%swap3A_746, %swap3A_747], %div3A_745 {strides = array<i32>} : memref<48x128xf32, #tpu.memory_space<vmem>>, vector<16xf32>,
        %get3A_749 = arith.index_cast %scan3A_660 : i32 to index
        %get3A_750 = arith.constant 80 : index
        %get3A_751 = tpu.vector_load %arg19[%get3A_749, %get3A_750] {strides = array<i32>} : memref<48x128xf32, #tpu.memory_space<vmem>>, vector<16xf32>,
        %get3A_752 = arith.index_cast %scan3A_660 : i32 to index
        %get3A_753 = arith.constant 80 : index
        %get3A_754 = tpu.vector_load %arg21[%get3A_752, %get3A_753] {strides = array<i32>} : memref<48x128xf32, #tpu.memory_space<vmem>>, vector<16xf32>,
        %add3A_755 = arith.addf %get3A_751, %get3A_754 : vector<16xf32>
        %neg3A_756 = arith.constant 0.000000e+00 : f32
        %neg3A_757 = vector.broadcast %neg3A_756 : f32 to vector<16xf32>
        %neg3A_758 = arith.subf %neg3A_757, %add3A_755 : vector<16xf32>
        %exp3A_759 = math.exp %neg3A_758 : vector<16xf32>
        %add3A_760 = arith.constant 1.000000e+00 : f32
        %add3A_761 = vector.broadcast %add3A_760 : f32 to vector<16xf32>
        %add3A_762 = arith.addf %add3A_761, %exp3A_759 : vector<16xf32>
        %div3A_763 = arith.divf %add3A_755, %add3A_762 : vector<16xf32>
        %swap3A_764 = arith.index_cast %scan3A_660 : i32 to index
        %swap3A_765 = arith.constant 80 : index
        %swap3A_766 = tpu.vector_load %arg19[%swap3A_764, %swap3A_765] {strides = array<i32>} : memref<48x128xf32, #tpu.memory_space<vmem>>, vector<16xf32>,
        tpu.vector_store %arg19[%swap3A_764, %swap3A_765], %div3A_763 {strides = array<i32>} : memref<48x128xf32, #tpu.memory_space<vmem>>, vector<16xf32>,
        %get3A_767 = arith.index_cast %scan3A_660 : i32 to index
        %get3A_768 = arith.constant 96 : index
        %get3A_769 = tpu.vector_load %arg19[%get3A_767, %get3A_768] {strides = array<i32>} : memref<48x128xf32, #tpu.memory_space<vmem>>, vector<16xf32>,
        %get3A_770 = arith.index_cast %scan3A_660 : i32 to index
        %get3A_771 = arith.constant 96 : index
        %get3A_772 = tpu.vector_load %arg21[%get3A_770, %get3A_771] {strides = array<i32>} : memref<48x128xf32, #tpu.memory_space<vmem>>, vector<16xf32>,
        %add3A_773 = arith.addf %get3A_769, %get3A_772 : vector<16xf32>
        %neg3A_774 = arith.constant 0.000000e+00 : f32
        %neg3A_775 = vector.broadcast %neg3A_774 : f32 to vector<16xf32>
        %neg3A_776 = arith.subf %neg3A_775, %add3A_773 : vector<16xf32>
        %exp3A_777 = math.exp %neg3A_776 : vector<16xf32>
        %add3A_778 = arith.constant 1.000000e+00 : f32
        %add3A_779 = vector.broadcast %add3A_778 : f32 to vector<16xf32>
        %add3A_780 = arith.addf %add3A_779, %exp3A_777 : vector<16xf32>
        %div3A_781 = arith.divf %add3A_773, %add3A_780 : vector<16xf32>
        %swap3A_782 = arith.index_cast %scan3A_660 : i32 to index
        %swap3A_783 = arith.constant 96 : index
        %swap3A_784 = tpu.vector_load %arg19[%swap3A_782, %swap3A_783] {strides = array<i32>} : memref<48x128xf32, #tpu.memory_space<vmem>>, vector<16xf32>,
        tpu.vector_store %arg19[%swap3A_782, %swap3A_783], %div3A_781 {strides = array<i32>} : memref<48x128xf32, #tpu.memory_space<vmem>>, vector<16xf32>,
        %get3A_785 = arith.index_cast %scan3A_660 : i32 to index
        %get3A_786 = arith.constant 112 : index
        %get3A_787 = tpu.vector_load %arg19[%get3A_785, %get3A_786] {strides = array<i32>} : memref<48x128xf32, #tpu.memory_space<vmem>>, vector<16xf32>,
        %get3A_788 = arith.index_cast %scan3A_660 : i32 to index
        %get3A_789 = arith.constant 112 : index
        %get3A_790 = tpu.vector_load %arg21[%get3A_788, %get3A_789] {strides = array<i32>} : memref<48x128xf32, #tpu.memory_space<vmem>>, vector<16xf32>,
        %add3A_791 = arith.addf %get3A_787, %get3A_790 : vector<16xf32>
        %neg3A_792 = arith.constant 0.000000e+00 : f32
        %neg3A_793 = vector.broadcast %neg3A_792 : f32 to vector<16xf32>
        %neg3A_794 = arith.subf %neg3A_793, %add3A_791 : vector<16xf32>
        %exp3A_795 = math.exp %neg3A_794 : vector<16xf32>
        %add3A_796 = arith.constant 1.000000e+00 : f32
        %add3A_797 = vector.broadcast %add3A_796 : f32 to vector<16xf32>
        %add3A_798 = arith.addf %add3A_797, %exp3A_795 : vector<16xf32>
        %div3A_799 = arith.divf %add3A_791, %add3A_798 : vector<16xf32>
        %swap3A_800 = arith.index_cast %scan3A_660 : i32 to index
        %swap3A_801 = arith.constant 112 : index
        %swap3A_802 = tpu.vector_load %arg19[%swap3A_800, %swap3A_801] {strides = array<i32>} : memref<48x128xf32, #tpu.memory_space<vmem>>, vector<16xf32>,
        tpu.vector_store %arg19[%swap3A_800, %swap3A_801], %div3A_799 {strides = array<i32>} : memref<48x128xf32, #tpu.memory_space<vmem>>, vector<16xf32>,
      }
      %scan3A_541 = arith.constant 48 : i32
      %add3A_542 = arith.constant 0 : i32
      %add3A_543 = vector.broadcast %add3A_542 : i32 to vector<16xi32>
      %add3A_544 = arith.addi %add3A_543, %iota3A : vector<16xi32>
      %get3A_545 = arith.constant 0 : i32
      %get3A_546 = arith.index_cast %get3A_545 : i32 to index
      %get3A_547 = arith.constant 0 : index
      %get3A_548 = tpu.vector_load %arg16[%get3A_546, %get3A_547] {strides = array<i32>} : memref<2x48xi32, #tpu.memory_space<vmem>>, vector<16xi32>,
      %and3A_549 = arith.constant 127 : i32
      %and3A_550 = vector.broadcast %and3A_549 : i32 to vector<16xi32>
      %and3A_551 = arith.andi %get3A_548, %and3A_550 : vector<16xi32>
      tpu.vector_store_idx %arg23[%add3A_544, %and3A_551], %broadcast_in_dim3A_88 : memref<48x128xf32, #tpu.memory_space<vmem>>[vector<16xi32>, vector<16xi32>], vector<16xf32>,
      %add3A_552 = arith.constant 16 : i32
      %add3A_553 = vector.broadcast %add3A_552 : i32 to vector<16xi32>
      %add3A_554 = arith.addi %add3A_553, %iota3A : vector<16xi32>
      %get3A_555 = arith.constant 0 : i32
      %get3A_556 = arith.index_cast %get3A_555 : i32 to index
      %get3A_557 = arith.constant 16 : index
      %get3A_558 = tpu.vector_load %arg16[%get3A_556, %get3A_557] {strides = array<i32>} : memref<2x48xi32, #tpu.memory_space<vmem>>, vector<16xi32>,
      %and3A_559 = arith.constant 127 : i32
      %and3A_560 = vector.broadcast %and3A_559 : i32 to vector<16xi32>
      %and3A_561 = arith.andi %get3A_558, %and3A_560 : vector<16xi32>
      tpu.vector_store_idx %arg23[%add3A_554, %and3A_561], %broadcast_in_dim3A_88 : memref<48x128xf32, #tpu.memory_space<vmem>>[vector<16xi32>, vector<16xi32>], vector<16xf32>,
      %add3A_562 = arith.constant 32 : i32
      %add3A_563 = vector.broadcast %add3A_562 : i32 to vector<16xi32>
      %add3A_564 = arith.addi %add3A_563, %iota3A : vector<16xi32>
      %get3A_565 = arith.constant 0 : i32
      %get3A_566 = arith.index_cast %get3A_565 : i32 to index
      %get3A_567 = arith.constant 32 : index
      %get3A_568 = tpu.vector_load %arg16[%get3A_566, %get3A_567] {strides = array<i32>} : memref<2x48xi32, #tpu.memory_space<vmem>>, vector<16xi32>,
      %and3A_569 = arith.constant 127 : i32
      %and3A_570 = vector.broadcast %and3A_569 : i32 to vector<16xi32>
      %and3A_571 = arith.andi %get3A_568, %and3A_570 : vector<16xi32>
      tpu.vector_store_idx %arg23[%add3A_564, %and3A_571], %broadcast_in_dim3A_88 : memref<48x128xf32, #tpu.memory_space<vmem>>[vector<16xi32>, vector<16xi32>], vector<16xf32>,
      %dma_start3A_572 = arith.constant 0 : i32
      %dma_start3A_573 = arith.constant 0 : i32
      %dma_start3A_574 = tpu.memref_slice %arg16[%dma_start3A_572, %dma_start3A_573] : memref<2x48xi32, #tpu.memory_space<vmem>> -> memref<1x48xi32, #tpu.memory_space<vmem>>
      %dma_start3A_575 = tpu.memref_squeeze %dma_start3A_574 : memref<1x48xi32, #tpu.memory_space<vmem>> -> memref<48xi32, #tpu.memory_space<vmem>>
      %dma_start3A_576 = arith.constant 0 : i32
      %dma_start3A_577 = arith.constant 0 : i32
      %dma_start3A_578 = tpu.memref_slice %arg9[%dma_start3A_576, %dma_start3A_577] : memref<10240x128xf32, #tpu.memory_space<vmem_shared>> -> memref<10240x128xf32, #tpu.memory_space<vmem_shared>>
      tpu.enqueue_indirect_dma source(%arg19 : memref<48x128xf32, #tpu.memory_space<vmem>>) target(%dma_start3A_578 : memref<10240x128xf32, #tpu.memory_space<vmem_shared>>) offsets(%dma_start3A_575 : memref<48xi32, #tpu.memory_space<vmem>>) semaphore(%arg26 : memref<!tpu.dma_semaphore, #tpu.memory_space<semaphore_mem>>) {add = true}
      %dma_start3A_579 = arith.constant 0 : i32
      %dma_start3A_580 = arith.constant 0 : i32
      %dma_start3A_581 = tpu.memref_slice %arg17[%dma_start3A_579, %dma_start3A_580] : memref<2x48xi32, #tpu.memory_space<vmem>> -> memref<1x48xi32, #tpu.memory_space<vmem>>
      %dma_start3A_582 = tpu.memref_squeeze %dma_start3A_581 : memref<1x48xi32, #tpu.memory_space<vmem>> -> memref<48xi32, #tpu.memory_space<vmem>>
      %dma_start3A_583 = arith.constant 0 : i32
      %dma_start3A_584 = arith.constant 0 : i32
      %dma_start3A_585 = tpu.memref_slice %arg9[%dma_start3A_583, %dma_start3A_584] : memref<10240x128xf32, #tpu.memory_space<vmem_shared>> -> memref<10240x128xf32, #tpu.memory_space<vmem_shared>>
      tpu.enqueue_indirect_dma source(%arg23 : memref<48x128xf32, #tpu.memory_space<vmem>>) target(%dma_start3A_585 : memref<10240x128xf32, #tpu.memory_space<vmem_shared>>) offsets(%dma_start3A_582 : memref<48xi32, #tpu.memory_space<vmem>>) semaphore(%arg26 : memref<!tpu.dma_semaphore, #tpu.memory_space<semaphore_mem>>) {add = true}
      %add3A_586 = arith.constant 2 : i32
      %add3A_587 = arith.addi %sub3A_504, %add3A_586 : i32
      %sub3A_588 = arith.constant 1 : i32
      %sub3A_589 = arith.subi %select_n3A_86, %sub3A_588 : i32
      %min3A_590 = arith.minsi %add3A_587, %sub3A_589 : i32
      %mul3A_591 = arith.constant 48 : i32
      %mul3A_592 = arith.muli %min3A_590, %mul3A_591 : i32
      %add3A_593 = arith.constant 0 : i32
      %add3A_594 = arith.addi %mul3A_592, %add3A_593 : i32
      %get3A_595 = arith.index_cast %add3A_594 : i32 to index
      %get3A_596 = tpu.vector_load %arg10[%get3A_595] {strides = array<i32>} : memref<10112xi32, #tpu.memory_space<vmem>>, vector<16xi32>,
      %and3A_597 = arith.constant 16383 : i32
      %and3A_598 = vector.broadcast %and3A_597 : i32 to vector<16xi32>
      %and3A_599 = arith.andi %get3A_596, %and3A_598 : vector<16xi32>
      %shift_right_logical3A_600 = arith.constant 14 : i32
      %shift_right_logical3A_601 = vector.broadcast %shift_right_logical3A_600 : i32 to vector<16xi32>
      %shift_right_logical3A_602 = arith.shrui %get3A_596, %shift_right_logical3A_601 : vector<16xi32>
      %swap3A_603 = arith.constant 0 : i32
      %swap3A_604 = arith.index_cast %swap3A_603 : i32 to index
      %swap3A_605 = arith.constant 0 : index
      %swap3A_606 = tpu.vector_load %arg15[%swap3A_604, %swap3A_605] {strides = array<i32>} : memref<2x48xi32, #tpu.memory_space<vmem>>, vector<16xi32>,
      tpu.vector_store %arg15[%swap3A_604, %swap3A_605], %shift_right_logical3A_602 {strides = array<i32>} : memref<2x48xi32, #tpu.memory_space<vmem>>, vector<16xi32>,
      %min3A_607 = arith.constant 9999 : i32
      %min3A_608 = vector.broadcast %min3A_607 : i32 to vector<16xi32>
      %min3A_609 = arith.minsi %and3A_599, %min3A_608 : vector<16xi32>
      %swap3A_610 = arith.constant 0 : i32
      %swap3A_611 = arith.index_cast %swap3A_610 : i32 to index
      %swap3A_612 = arith.constant 0 : index
      %swap3A_613 = tpu.vector_load %arg14[%swap3A_611, %swap3A_612] {strides = array<i32>} : memref<2x48xi32, #tpu.memory_space<vmem>>, vector<16xi32>,
      tpu.vector_store %arg14[%swap3A_611, %swap3A_612], %min3A_609 {strides = array<i32>} : memref<2x48xi32, #tpu.memory_space<vmem>>, vector<16xi32>,
      %mul3A_614 = arith.constant 48 : i32
      %mul3A_615 = arith.muli %min3A_590, %mul3A_614 : i32
      %add3A_616 = arith.constant 16 : i32
      %add3A_617 = arith.addi %mul3A_615, %add3A_616 : i32
      %get3A_618 = arith.index_cast %add3A_617 : i32 to index
      %get3A_619 = tpu.vector_load %arg10[%get3A_618] {strides = array<i32>} : memref<10112xi32, #tpu.memory_space<vmem>>, vector<16xi32>,
      %and3A_620 = arith.constant 16383 : i32
      %and3A_621 = vector.broadcast %and3A_620 : i32 to vector<16xi32>
      %and3A_622 = arith.andi %get3A_619, %and3A_621 : vector<16xi32>
      %shift_right_logical3A_623 = arith.constant 14 : i32
      %shift_right_logical3A_624 = vector.broadcast %shift_right_logical3A_623 : i32 to vector<16xi32>
      %shift_right_logical3A_625 = arith.shrui %get3A_619, %shift_right_logical3A_624 : vector<16xi32>
      %swap3A_626 = arith.constant 0 : i32
      %swap3A_627 = arith.index_cast %swap3A_626 : i32 to index
      %swap3A_628 = arith.constant 16 : index
      %swap3A_629 = tpu.vector_load %arg15[%swap3A_627, %swap3A_628] {strides = array<i32>} : memref<2x48xi32, #tpu.memory_space<vmem>>, vector<16xi32>,
      tpu.vector_store %arg15[%swap3A_627, %swap3A_628], %shift_right_logical3A_625 {strides = array<i32>} : memref<2x48xi32, #tpu.memory_space<vmem>>, vector<16xi32>,
      %min3A_630 = arith.constant 9999 : i32
      %min3A_631 = vector.broadcast %min3A_630 : i32 to vector<16xi32>
      %min3A_632 = arith.minsi %and3A_622, %min3A_631 : vector<16xi32>
      %swap3A_633 = arith.constant 0 : i32
      %swap3A_634 = arith.index_cast %swap3A_633 : i32 to index
      %swap3A_635 = arith.constant 16 : index
      %swap3A_636 = tpu.vector_load %arg14[%swap3A_634, %swap3A_635] {strides = array<i32>} : memref<2x48xi32, #tpu.memory_space<vmem>>, vector<16xi32>,
      tpu.vector_store %arg14[%swap3A_634, %swap3A_635], %min3A_632 {strides = array<i32>} : memref<2x48xi32, #tpu.memory_space<vmem>>, vector<16xi32>,
      %mul3A_637 = arith.constant 48 : i32
      %mul3A_638 = arith.muli %min3A_590, %mul3A_637 : i32
      %add3A_639 = arith.constant 32 : i32
      %add3A_640 = arith.addi %mul3A_638, %add3A_639 : i32
      %get3A_641 = arith.index_cast %add3A_640 : i32 to index
      %get3A_642 = tpu.vector_load %arg10[%get3A_641] {strides = array<i32>} : memref<10112xi32, #tpu.memory_space<vmem>>, vector<16xi32>,
      %and3A_643 = arith.constant 16383 : i32
      %and3A_644 = vector.broadcast %and3A_643 : i32 to vector<16xi32>
      %and3A_645 = arith.andi %get3A_642, %and3A_644 : vector<16xi32>
      %shift_right_logical3A_646 = arith.constant 14 : i32
      %shift_right_logical3A_647 = vector.broadcast %shift_right_logical3A_646 : i32 to vector<16xi32>
      %shift_right_logical3A_648 = arith.shrui %get3A_642, %shift_right_logical3A_647 : vector<16xi32>
      %swap3A_649 = arith.constant 0 : i32
      %swap3A_650 = arith.index_cast %swap3A_649 : i32 to index
      %swap3A_651 = arith.constant 32 : index
      %swap3A_652 = tpu.vector_load %arg15[%swap3A_650, %swap3A_651] {strides = array<i32>} : memref<2x48xi32, #tpu.memory_space<vmem>>, vector<16xi32>,
      tpu.vector_store %arg15[%swap3A_650, %swap3A_651], %shift_right_logical3A_648 {strides = array<i32>} : memref<2x48xi32, #tpu.memory_space<vmem>>, vector<16xi32>,
      %min3A_653 = arith.constant 9999 : i32
      %min3A_654 = vector.broadcast %min3A_653 : i32 to vector<16xi32>
      %min3A_655 = arith.minsi %and3A_645, %min3A_654 : vector<16xi32>
      %swap3A_656 = arith.constant 0 : i32
      %swap3A_657 = arith.index_cast %swap3A_656 : i32 to index
      %swap3A_658 = arith.constant 32 : index
      %swap3A_659 = tpu.vector_load %arg14[%swap3A_657, %swap3A_658] {strides = array<i32>} : memref<2x48xi32, #tpu.memory_space<vmem>>, vector<16xi32>,
      tpu.vector_store %arg14[%swap3A_657, %swap3A_658], %min3A_655 {strides = array<i32>} : memref<2x48xi32, #tpu.memory_space<vmem>>, vector<16xi32>,
    } else {
    }
    %jit3A_454 = arith.constant 2 : i32
    %eq3A_455 = arith.constant 0 : i32
    %eq3A_456 = arith.cmpi eq, %jit3A_454, %eq3A_455 : i32
    %jit3A_457 = arith.constant 1 : i32
    %select_n3A_458 = arith.select %eq3A_456, %jit3A_457, %jit3A_454 : i32
    %rem3A_459 = arith.remsi %select_n3A_86, %select_n3A_458 : i32
    %ne3A_460 = arith.constant 0 : i32
    %ne3A_461 = arith.cmpi ne, %rem3A_459, %ne3A_460 : i32
    %lt3A_462 = arith.constant 0 : i32
    %lt3A_463 = arith.cmpi slt, %rem3A_459, %lt3A_462 : i32
    %lt3A_464 = arith.constant 0 : i32
    %lt3A_465 = arith.cmpi slt, %select_n3A_458, %lt3A_464 : i32
    %ne3A_466 = arith.xori %lt3A_463, %lt3A_465 : i1
    %and3A_467 = arith.andi %ne3A_466, %ne3A_461 : i1
    %add3A_468 = arith.addi %rem3A_459, %select_n3A_458 : i32
    %select_n3A_469 = arith.select %and3A_467, %add3A_468, %rem3A_459 : i32
    %eq3A_470 = arith.constant 0 : i32
    %eq3A_471 = arith.cmpi eq, %select_n3A_469, %eq3A_470 : i32
    %convert_element_type3A_472 = arith.extui %eq3A_471 : i1 to i32
    %cond3A_473 = arith.constant 0 : i32
    %cond3A_474 = arith.cmpi ne, %convert_element_type3A_472, %cond3A_473 : i32
    scf.if %cond3A_474 {
      %dma_wait3A = arith.constant 1 : i32
      %dma_wait3A_503 = arith.constant 0 : i32
      %dma_wait3A_504 = tpu.memref_slice %arg16[%dma_wait3A, %dma_wait3A_503] : memref<2x48xi32, #tpu.memory_space<vmem>> -> memref<1x48xi32, #tpu.memory_space<vmem>>
      %dma_wait3A_505 = tpu.memref_squeeze %dma_wait3A_504 : memref<1x48xi32, #tpu.memory_space<vmem>> -> memref<48xi32, #tpu.memory_space<vmem>>
      %dma_wait3A_506 = arith.constant 0 : i32
      %dma_wait3A_507 = arith.constant 0 : i32
      %dma_wait3A_508 = tpu.memref_slice %arg9[%dma_wait3A_506, %dma_wait3A_507] : memref<10240x128xf32, #tpu.memory_space<vmem_shared>> -> memref<10240x128xf32, #tpu.memory_space<vmem_shared>>
      tpu.wait_indirect_dma semaphore(%arg27 : memref<!tpu.dma_semaphore, #tpu.memory_space<semaphore_mem>>) src(%arg20 : memref<48x128xf32, #tpu.memory_space<vmem>>) dst(%dma_wait3A_508 : memref<10240x128xf32, #tpu.memory_space<vmem_shared>>)
      %dma_wait3A_509 = arith.constant 1 : i32
      %dma_wait3A_510 = arith.constant 0 : i32
      %dma_wait3A_511 = tpu.memref_slice %arg17[%dma_wait3A_509, %dma_wait3A_510] : memref<2x48xi32, #tpu.memory_space<vmem>> -> memref<1x48xi32, #tpu.memory_space<vmem>>
      %dma_wait3A_512 = tpu.memref_squeeze %dma_wait3A_511 : memref<1x48xi32, #tpu.memory_space<vmem>> -> memref<48xi32, #tpu.memory_space<vmem>>
      %dma_wait3A_513 = arith.constant 0 : i32
      %dma_wait3A_514 = arith.constant 0 : i32
      %dma_wait3A_515 = tpu.memref_slice %arg9[%dma_wait3A_513, %dma_wait3A_514] : memref<10240x128xf32, #tpu.memory_space<vmem_shared>> -> memref<10240x128xf32, #tpu.memory_space<vmem_shared>>
      tpu.wait_indirect_dma semaphore(%arg27 : memref<!tpu.dma_semaphore, #tpu.memory_space<semaphore_mem>>) src(%arg23 : memref<48x128xf32, #tpu.memory_space<vmem>>) dst(%dma_wait3A_515 : memref<10240x128xf32, #tpu.memory_space<vmem_shared>>)
      %dma_wait3A_516 = arith.constant 0 : i32
      %dma_wait3A_517 = arith.constant 0 : i32
      %dma_wait3A_518 = tpu.memref_slice %arg14[%dma_wait3A_516, %dma_wait3A_517] : memref<2x48xi32, #tpu.memory_space<vmem>> -> memref<1x48xi32, #tpu.memory_space<vmem>>
      %dma_wait3A_519 = tpu.memref_squeeze %dma_wait3A_518 : memref<1x48xi32, #tpu.memory_space<vmem>> -> memref<48xi32, #tpu.memory_space<vmem>>
      %dma_wait3A_520 = arith.constant 0 : i32
      %dma_wait3A_521 = arith.constant 0 : i32
      %dma_wait3A_522 = tpu.memref_slice %arg6[%dma_wait3A_520, %dma_wait3A_521] : memref<10000x128xf32, #tpu.memory_space<hbm>> -> memref<10000x128xf32, #tpu.memory_space<hbm>>
      tpu.wait_indirect_dma semaphore(%arg24 : memref<!tpu.dma_semaphore, #tpu.memory_space<semaphore_mem>>) src(%dma_wait3A_522 : memref<10000x128xf32, #tpu.memory_space<hbm>>) dst(%arg19 : memref<48x128xf32, #tpu.memory_space<vmem>>)
      %dma_wait3A_523 = arith.constant 0 : i32
      %dma_wait3A_524 = arith.constant 0 : i32
      %dma_wait3A_525 = tpu.memref_slice %arg15[%dma_wait3A_523, %dma_wait3A_524] : memref<2x48xi32, #tpu.memory_space<vmem>> -> memref<1x48xi32, #tpu.memory_space<vmem>>
      %dma_wait3A_526 = tpu.memref_squeeze %dma_wait3A_525 : memref<1x48xi32, #tpu.memory_space<vmem>> -> memref<48xi32, #tpu.memory_space<vmem>>
      %dma_wait3A_527 = arith.constant 0 : i32
      %dma_wait3A_528 = arith.constant 0 : i32
      %dma_wait3A_529 = tpu.memref_slice %arg7[%dma_wait3A_527, %dma_wait3A_528] : memref<10000x128xf32, #tpu.memory_space<hbm>> -> memref<10000x128xf32, #tpu.memory_space<hbm>>
      tpu.wait_indirect_dma semaphore(%arg24 : memref<!tpu.dma_semaphore, #tpu.memory_space<semaphore_mem>>) src(%dma_wait3A_529 : memref<10000x128xf32, #tpu.memory_space<hbm>>) dst(%arg21 : memref<48x128xf32, #tpu.memory_space<vmem>>)
    } else {
    }
    %jit3A_475 = arith.constant 2 : i32
    %eq3A_476 = arith.constant 0 : i32
    %eq3A_477 = arith.cmpi eq, %jit3A_475, %eq3A_476 : i32
    %jit3A_478 = arith.constant 1 : i32
    %select_n3A_479 = arith.select %eq3A_477, %jit3A_478, %jit3A_475 : i32
    %rem3A_480 = arith.remsi %select_n3A_86, %select_n3A_479 : i32
    %ne3A_481 = arith.constant 0 : i32
    %ne3A_482 = arith.cmpi ne, %rem3A_480, %ne3A_481 : i32
    %lt3A_483 = arith.constant 0 : i32
    %lt3A_484 = arith.cmpi slt, %rem3A_480, %lt3A_483 : i32
    %lt3A_485 = arith.constant 0 : i32
    %lt3A_486 = arith.cmpi slt, %select_n3A_479, %lt3A_485 : i32
    %ne3A_487 = arith.xori %lt3A_484, %lt3A_486 : i1
    %and3A_488 = arith.andi %ne3A_487, %ne3A_482 : i1
    %add3A_489 = arith.addi %rem3A_480, %select_n3A_479 : i32
    %select_n3A_490 = arith.select %and3A_488, %add3A_489, %rem3A_480 : i32
    %eq3A_491 = arith.constant 1 : i32
    %eq3A_492 = arith.cmpi eq, %select_n3A_490, %eq3A_491 : i32
    %convert_element_type3A_493 = arith.extui %eq3A_492 : i1 to i32
    %cond3A_494 = arith.constant 0 : i32
    %cond3A_495 = arith.cmpi ne, %convert_element_type3A_493, %cond3A_494 : i32
    scf.if %cond3A_495 {
      %dma_wait3A = arith.constant 0 : i32
      %dma_wait3A_503 = arith.constant 0 : i32
      %dma_wait3A_504 = tpu.memref_slice %arg16[%dma_wait3A, %dma_wait3A_503] : memref<2x48xi32, #tpu.memory_space<vmem>> -> memref<1x48xi32, #tpu.memory_space<vmem>>
      %dma_wait3A_505 = tpu.memref_squeeze %dma_wait3A_504 : memref<1x48xi32, #tpu.memory_space<vmem>> -> memref<48xi32, #tpu.memory_space<vmem>>
      %dma_wait3A_506 = arith.constant 0 : i32
      %dma_wait3A_507 = arith.constant 0 : i32
      %dma_wait3A_508 = tpu.memref_slice %arg9[%dma_wait3A_506, %dma_wait3A_507] : memref<10240x128xf32, #tpu.memory_space<vmem_shared>> -> memref<10240x128xf32, #tpu.memory_space<vmem_shared>>
      tpu.wait_indirect_dma semaphore(%arg26 : memref<!tpu.dma_semaphore, #tpu.memory_space<semaphore_mem>>) src(%arg19 : memref<48x128xf32, #tpu.memory_space<vmem>>) dst(%dma_wait3A_508 : memref<10240x128xf32, #tpu.memory_space<vmem_shared>>)
      %dma_wait3A_509 = arith.constant 0 : i32
      %dma_wait3A_510 = arith.constant 0 : i32
      %dma_wait3A_511 = tpu.memref_slice %arg17[%dma_wait3A_509, %dma_wait3A_510] : memref<2x48xi32, #tpu.memory_space<vmem>> -> memref<1x48xi32, #tpu.memory_space<vmem>>
      %dma_wait3A_512 = tpu.memref_squeeze %dma_wait3A_511 : memref<1x48xi32, #tpu.memory_space<vmem>> -> memref<48xi32, #tpu.memory_space<vmem>>
      %dma_wait3A_513 = arith.constant 0 : i32
      %dma_wait3A_514 = arith.constant 0 : i32
      %dma_wait3A_515 = tpu.memref_slice %arg9[%dma_wait3A_513, %dma_wait3A_514] : memref<10240x128xf32, #tpu.memory_space<vmem_shared>> -> memref<10240x128xf32, #tpu.memory_space<vmem_shared>>
      tpu.wait_indirect_dma semaphore(%arg26 : memref<!tpu.dma_semaphore, #tpu.memory_space<semaphore_mem>>) src(%arg23 : memref<48x128xf32, #tpu.memory_space<vmem>>) dst(%dma_wait3A_515 : memref<10240x128xf32, #tpu.memory_space<vmem_shared>>)
      %dma_wait3A_516 = arith.constant 1 : i32
      %dma_wait3A_517 = arith.constant 0 : i32
      %dma_wait3A_518 = tpu.memref_slice %arg14[%dma_wait3A_516, %dma_wait3A_517] : memref<2x48xi32, #tpu.memory_space<vmem>> -> memref<1x48xi32, #tpu.memory_space<vmem>>
      %dma_wait3A_519 = tpu.memref_squeeze %dma_wait3A_518 : memref<1x48xi32, #tpu.memory_space<vmem>> -> memref<48xi32, #tpu.memory_space<vmem>>
      %dma_wait3A_520 = arith.constant 0 : i32
      %dma_wait3A_521 = arith.constant 0 : i32
      %dma_wait3A_522 = tpu.memref_slice %arg6[%dma_wait3A_520, %dma_wait3A_521] : memref<10000x128xf32, #tpu.memory_space<hbm>> -> memref<10000x128xf32, #tpu.memory_space<hbm>>
      tpu.wait_indirect_dma semaphore(%arg25 : memref<!tpu.dma_semaphore, #tpu.memory_space<semaphore_mem>>) src(%dma_wait3A_522 : memref<10000x128xf32, #tpu.memory_space<hbm>>) dst(%arg20 : memref<48x128xf32, #tpu.memory_space<vmem>>)
      %dma_wait3A_523 = arith.constant 1 : i32
      %dma_wait3A_524 = arith.constant 0 : i32
      %dma_wait3A_525 = tpu.memref_slice %arg15[%dma_wait3A_523, %dma_wait3A_524] : memref<2x48xi32, #tpu.memory_space<vmem>> -> memref<1x48xi32, #tpu.memory_space<vmem>>
      %dma_wait3A_526 = tpu.memref_squeeze %dma_wait3A_525 : memref<1x48xi32, #tpu.memory_space<vmem>> -> memref<48xi32, #tpu.memory_space<vmem>>
      %dma_wait3A_527 = arith.constant 0 : i32
      %dma_wait3A_528 = arith.constant 0 : i32
      %dma_wait3A_529 = tpu.memref_slice %arg7[%dma_wait3A_527, %dma_wait3A_528] : memref<10000x128xf32, #tpu.memory_space<hbm>> -> memref<10000x128xf32, #tpu.memory_space<hbm>>
      tpu.wait_indirect_dma semaphore(%arg25 : memref<!tpu.dma_semaphore, #tpu.memory_space<semaphore_mem>>) src(%dma_wait3A_529 : memref<10000x128xf32, #tpu.memory_space<hbm>>) dst(%arg22 : memref<48x128xf32, #tpu.memory_space<vmem>>)
    } else {
    }
    %barrier3A_496 = arith.constant 0 : index
    tpu.barrier barrier_id(%barrier3A_496)
    %scan3A_497 = arith.constant 0 : i32
    %scan3A_498 = arith.constant 0 : i32
    %scan3A_499 = arith.constant 16 : i32
    %scan3A_500 = arith.addi %scan3A_498, %scan3A_499 : i32
    %scan3A_501 = arith.constant 1 : i32
    scf.for %scan3A_503 = %scan3A_498 to %scan3A_500 step %scan3A_501  : i32 {
      %mul3A_504 = arith.constant 40 : i32
      %mul3A_505 = arith.muli %scan3A_503, %mul3A_504 : i32
      %add3A_506 = arith.addi %mul3A_7, %mul3A_505 : i32
      "tpu.region"() ({
        %run_scoped3A = tpu.sem_alloc : memref<!tpu.dma_semaphore, #tpu.memory_space<semaphore_mem>>
        %dma_start3A_510 = arith.constant 0 : i32
        %dma_start3A_511 = arith.constant 0 : i32
        %dma_start3A_512 = tpu.memref_slice %arg23[%dma_start3A_510, %dma_start3A_511] : memref<48x128xf32, #tpu.memory_space<vmem>> -> memref<40x128xf32, #tpu.memory_space<vmem>>
        %dma_start3A_513 = arith.constant 0 : i32
        %dma_start3A_514 = tpu.memref_slice %arg9[%add3A_506, %dma_start3A_513] : memref<10240x128xf32, #tpu.memory_space<vmem_shared>> -> memref<40x128xf32, #tpu.memory_space<vmem_shared>>
        %dma_start3A_515 = arith.constant 0 : i32
        %dma_start3A_516 = arith.constant 0 : i32
        %dma_start3A_517 = tpu.memref_slice %arg23[%dma_start3A_515, %dma_start3A_516] : memref<48x128xf32, #tpu.memory_space<vmem>> -> memref<40x128xf32, #tpu.memory_space<vmem>>
        %dma_start3A_518 = arith.constant 0 : i32
        %dma_start3A_519 = tpu.memref_slice %arg9[%add3A_506, %dma_start3A_518] : memref<10240x128xf32, #tpu.memory_space<vmem_shared>> -> memref<40x128xf32, #tpu.memory_space<vmem_shared>>
        tpu.enqueue_dma source(%dma_start3A_519 : memref<40x128xf32, #tpu.memory_space<vmem_shared>>) target(%dma_start3A_517 : memref<40x128xf32, #tpu.memory_space<vmem>>) target_semaphore(%run_scoped3A : memref<!tpu.dma_semaphore, #tpu.memory_space<semaphore_mem>>)
        %dma_wait3A = arith.constant 0 : i32
        %dma_wait3A_520 = arith.constant 0 : i32
        %dma_wait3A_521 = tpu.memref_slice %arg23[%dma_wait3A, %dma_wait3A_520] : memref<48x128xf32, #tpu.memory_space<vmem>> -> memref<40x128xf32, #tpu.memory_space<vmem>>
        %dma_wait3A_522 = arith.constant 0 : i32
        %dma_wait3A_523 = tpu.memref_slice %arg9[%add3A_506, %dma_wait3A_522] : memref<10240x128xf32, #tpu.memory_space<vmem_shared>> -> memref<40x128xf32, #tpu.memory_space<vmem_shared>>
        %dma_wait3A_524 = arith.constant 0 : i32
        %dma_wait3A_525 = arith.constant 0 : i32
        %dma_wait3A_526 = tpu.memref_slice %arg23[%dma_wait3A_524, %dma_wait3A_525] : memref<48x128xf32, #tpu.memory_space<vmem>> -> memref<40x128xf32, #tpu.memory_space<vmem>>
        %dma_wait3A_527 = arith.constant 0 : i32
        %dma_wait3A_528 = tpu.memref_slice %arg9[%add3A_506, %dma_wait3A_527] : memref<10240x128xf32, #tpu.memory_space<vmem_shared>> -> memref<40x128xf32, #tpu.memory_space<vmem_shared>>
        tpu.wait_dma2 semaphore(%run_scoped3A : memref<!tpu.dma_semaphore, #tpu.memory_space<semaphore_mem>>) src(%dma_wait3A_528 : memref<40x128xf32, #tpu.memory_space<vmem_shared>>) dst(%dma_wait3A_526 : memref<40x128xf32, #tpu.memory_space<vmem>>)
        tpu.yield
      }) : () -> ()
      %mul3A_507 = arith.constant 40 : i32
      %mul3A_508 = arith.muli %scan3A_503, %mul3A_507 : i32
      %add3A_509 = arith.addi %mul3A_7, %mul3A_508 : i32
      "tpu.region"() ({
        %run_scoped3A = tpu.sem_alloc : memref<!tpu.dma_semaphore, #tpu.memory_space<semaphore_mem>>
        %dma_start3A_510 = arith.constant 0 : i32
        %dma_start3A_511 = arith.constant 0 : i32
        %dma_start3A_512 = tpu.memref_slice %arg23[%dma_start3A_510, %dma_start3A_511] : memref<48x128xf32, #tpu.memory_space<vmem>> -> memref<40x128xf32, #tpu.memory_space<vmem>>
        %dma_start3A_513 = arith.constant 0 : i32
        %dma_start3A_514 = tpu.memref_slice %arg8[%arg0, %add3A_509, %dma_start3A_513] : memref<2x10240x128xf32, #tpu.memory_space<hbm>> -> memref<1x40x128xf32, #tpu.memory_space<hbm>>
        %dma_start3A_515 = tpu.memref_squeeze %dma_start3A_514 : memref<1x40x128xf32, #tpu.memory_space<hbm>> -> memref<40x128xf32, #tpu.memory_space<hbm>>
        %dma_start3A_516 = arith.constant 0 : i32
        %dma_start3A_517 = tpu.memref_slice %arg8[%arg0, %add3A_509, %dma_start3A_516] : memref<2x10240x128xf32, #tpu.memory_space<hbm>> -> memref<1x40x128xf32, #tpu.memory_space<hbm>>
        %dma_start3A_518 = tpu.memref_squeeze %dma_start3A_517 : memref<1x40x128xf32, #tpu.memory_space<hbm>> -> memref<40x128xf32, #tpu.memory_space<hbm>>
        %dma_start3A_519 = arith.constant 0 : i32
        %dma_start3A_520 = arith.constant 0 : i32
        %dma_start3A_521 = tpu.memref_slice %arg23[%dma_start3A_519, %dma_start3A_520] : memref<48x128xf32, #tpu.memory_space<vmem>> -> memref<40x128xf32, #tpu.memory_space<vmem>>
        tpu.enqueue_dma source(%dma_start3A_521 : memref<40x128xf32, #tpu.memory_space<vmem>>) target(%dma_start3A_518 : memref<40x128xf32, #tpu.memory_space<hbm>>) target_semaphore(%run_scoped3A : memref<!tpu.dma_semaphore, #tpu.memory_space<semaphore_mem>>)
        %dma_wait3A = arith.constant 0 : i32
        %dma_wait3A_522 = arith.constant 0 : i32
        %dma_wait3A_523 = tpu.memref_slice %arg23[%dma_wait3A, %dma_wait3A_522] : memref<48x128xf32, #tpu.memory_space<vmem>> -> memref<40x128xf32, #tpu.memory_space<vmem>>
        %dma_wait3A_524 = arith.constant 0 : i32
        %dma_wait3A_525 = tpu.memref_slice %arg8[%arg0, %add3A_509, %dma_wait3A_524] : memref<2x10240x128xf32, #tpu.memory_space<hbm>> -> memref<1x40x128xf32, #tpu.memory_space<hbm>>
        %dma_wait3A_526 = tpu.memref_squeeze %dma_wait3A_525 : memref<1x40x128xf32, #tpu.memory_space<hbm>> -> memref<40x128xf32, #tpu.memory_space<hbm>>
        %dma_wait3A_527 = arith.constant 0 : i32
        %dma_wait3A_528 = tpu.memref_slice %arg8[%arg0, %add3A_509, %dma_wait3A_527] : memref<2x10240x128xf32, #tpu.memory_space<hbm>> -> memref<1x40x128xf32, #tpu.memory_space<hbm>>
        %dma_wait3A_529 = tpu.memref_squeeze %dma_wait3A_528 : memref<1x40x128xf32, #tpu.memory_space<hbm>> -> memref<40x128xf32, #tpu.memory_space<hbm>>
        %dma_wait3A_530 = arith.constant 0 : i32
        %dma_wait3A_531 = arith.constant 0 : i32
        %dma_wait3A_532 = tpu.memref_slice %arg23[%dma_wait3A_530, %dma_wait3A_531] : memref<48x128xf32, #tpu.memory_space<vmem>> -> memref<40x128xf32, #tpu.memory_space<vmem>>
        tpu.wait_dma2 semaphore(%run_scoped3A : memref<!tpu.dma_semaphore, #tpu.memory_space<semaphore_mem>>) src(%dma_wait3A_532 : memref<40x128xf32, #tpu.memory_space<vmem>>) dst(%dma_wait3A_529 : memref<40x128xf32, #tpu.memory_space<hbm>>)
        tpu.yield
      }) : () -> ()
    }
    %scan3A_502 = arith.constant 16 : i32
    return
  }
}

</mosaic_0001>

<sc_bundles>
// kernel: _sc_edges.3.cloned.1.call-start
scs
__scs_entry_jumppad:
0x0: {  	(pc) =	sbr.rel $0x88, $3  }
0x1: {  	(tag) =	ssettag $0x0;
	lr =	simm.s32 $0x1  }
0x2: {  	[smem:$0x3F9B] =	sst lr;
	_ =	strace $0xD0000000  }
0x3: {  	_ = 	snop  }
0x4: {  	_ = 	snop  }
0x5: {  	_ = 	snop  }
0x6: {  	_ = 	snop  }
0x7: {  	_ = 	snop  }
__scs_overlays_trampoline_lowered:
0x8: {  	[smem:$0x3FAA] =	sst s0  }
0x9: {  	[smem:$0x3FAB] =	sst s1  }
0xa: {  	[smem:$0x3FAC] =	sst s2  }
0xb: {  	[smem:$0x3FAD] =	sst s3  }
0xc: {  	[smem:$0x3FAE] =	sst s4  }
0xd: {  	[smem:$0x3FAF] =	sst s5  }
0xe: {  	[smem:$0x3FB0] =	sst s6  }
0xf: {  	[smem:$0x3FB1] =	sst s7  }
0x10: {  	[smem:$0x3FB2] =	sst s8  }
0x11: {  	[smem:$0x3FB3] =	sst s9;
	s0 =	simm.s32 @!p0 $0x0  }
0x12: {  	s1 =	sld [smem:$0x3F99];
	s0 =	simm.s32 @p0 $0x1  }
0x13: {  	[smem:$0x3FB4] =	sst s0;
	s0 =	simm.s32 @!p1 $0x0  }
0x14: {  	s2 =	sld [smem:$0x3F98];
	s0 =	simm.s32 @p1 $0x1  }
0x15: {  	[smem:$0x3FB5] =	sst s0;
	s0 =	simm.s32 @!p2 $0x0  }
0x16: {  	s3 =	sld [smem:$0x3FDB];
	s0 =	simm.s32 @p2 $0x1  }
0x17: {  	s4 =	simm.s32 $0x1BF5;
	[smem:$0x3FB7] =	sst s0  }
0x18: {  	s0 =	sld [smem:$0x3F9A];
	_ =	swait.ge [sflag:s4], $0x0  }
0x19: {  	s7 =	sld [smem:$0x3F9B]  }
0x1a: {  	s8 =	sadd.s32 $0xFFFFE003, lr  }
0x1b: {  	s9 =	sadd.s32 $0xFFFFFEF7, lr;
	s5 =	simm.s32 $0xFFFFFFFF;
	p2 =	slt.u32 s8, $0xFFFFF086  }
0x1c: {  	p1 =	slt.u32 s9, $0xF7A;
	s5 =	simm.s32 @!p2 $0x0  }
0x1d: {  	s5 =	simm.s32 @p1 $0x1;
	p0 =	seq.s32 s7, s2  }
0x1e: {  	s7 =	smul.u32 @!p0 $0xF7A, s2;
	p2 =	seq.s32 @!p0 s5, $0x0  }
0x1f: {  	s9 =	smul.u32 $0xF7A, s1;
	s8 =	simm.s32 @!p0 $0x1BF5;
	p2 =	por !p2, p0  }
0x20: {  	[sflag:s8] =	ssyncset.s32 @!p0 $0xFFFFF086;
	s6 =	sadd.s32 @!p0 s3, s7;
	s7 =	simm.s32 @!p0 $0x108  }
0x21: {  	s3 =	sadd.s32 s3, s9;
	s6 =	sadd.s32 @!p0 $0x88, s6;
	s7 =	simm.s32 @p2 $0x1082  }
0x22: {  	[simem:s7], [sflag:s8] =	dma.local @!p0 [hbm:s6], $0xF7A  }
0x23: {  	s9 =	sor.u32 $0xD0000000, s2;
	s6 =	simm.s32 $0x108;
	_ =	swait.ge @!p0 [sflag:s8], $0x0  }
0x24: {  	s3 =	sadd.s32 $0x88, s3;
	s6 =	simm.s32 @!p1 $0x1082;
	[sflag:s4] =	ssyncset.s32 $0xFFFFF086  }
0x25: {  	[simem:s6], [sflag:s4] =	dma.local [hbm:s3], $0xF7A  }
0x26: {  	[smem:$0x3F9B] =	sst s1;
	(tag) =	ssettag s2;
	_ =	strace s9  }
0x27: {  	s1 =	sld [smem:$0x3FAB]  }
0x28: {  	s2 =	sld [smem:$0x3FAC]  }
0x29: {  	s4 =	sld [smem:$0x3FAE]  }
0x2a: {  	p0 =	seq.s32 s5, $0x0;
	s5 =	sld [smem:$0x3FAF]  }
0x2b: {  	s6 =	sld [smem:$0x3FB0]  }
0x2c: {  	s7 =	sld [smem:$0x3FB1]  }
0x2d: {  	s3 =	simm.s32 $0x108;
	s8 =	sld [smem:$0x3FB2]  }
0x2e: {  	s3 =	simm.s32 @!p0 $0x1082;
	s9 =	sld [smem:$0x3FB3]  }
0x2f: {  	lr =	sadd.s32 s0, s3;
	s0 =	sld [smem:$0x3FAA]  }
0x30: {  	s3 =	sld [smem:$0x3FAD]  }
0x31: {  	[smem:$0x3FB6] =	sst s10  }
0x32: {  	s10 =	sld [smem:$0x3FB4];
	_ =	sdelay $0x3  }
0x33: {  	p0 =	seq.s32 s10, $0x1;
	s10 =	sld [smem:$0x3FB6];
	_ =	sdelay $0x3  }
0x34: {  	[smem:$0x3FB6] =	sst s10  }
0x35: {  	s10 =	sld [smem:$0x3FB5];
	_ =	sdelay $0x3  }
0x36: {  	p1 =	seq.s32 s10, $0x1;
	s10 =	sld [smem:$0x3FB6];
	_ =	sdelay $0x3  }
0x37: {  	[smem:$0x3FB6] =	sst s10  }
0x38: {  	s10 =	sld [smem:$0x3FB7]  }
0x39: {  	_ = 	snop;
	(pc) =	sbr.ind lr, $3  }
0x3a: {  	_ = 	snop  }
0x3b: {  	_ = 	snop  }
0x3c: {  	p2 =	seq.s32 s10, $0x1;
	s10 =	sld [smem:$0x3FB6]  }
0x3d: {  	_ =	shalt  }
0x3e: {  	_ =	shalt  }
0x3f: {  	_ =	shalt  }
0x40: {  	_ =	shalt  }
0x41: {  	_ =	shalt  }
0x42: {  	_ =	shalt  }
0x43: {  	_ =	shalt  }
0x44: {  	_ =	shalt  }
0x45: {  	_ =	shalt  }
0x46: {  	_ =	shalt  }
0x47: {  	_ =	shalt  }
0x48: {  	_ =	shalt  }
0x49: {  	_ =	shalt  }
0x4a: {  	_ =	shalt  }
0x4b: {  	_ =	shalt  }
0x4c: {  	_ =	shalt  }
0x4d: {  	_ =	shalt  }
0x4e: {  	_ =	shalt  }
0x4f: {  	_ =	shalt  }
0x50: {  	_ =	shalt  }
0x51: {  	_ =	shalt  }
0x52: {  	_ =	shalt  }
0x53: {  	_ =	shalt  }
0x54: {  	_ =	shalt  }
0x55: {  	_ =	shalt  }
0x56: {  	_ =	shalt  }
0x57: {  	_ =	shalt  }
0x58: {  	_ =	shalt  }
0x59: {  	_ =	shalt  }
0x5a: {  	_ =	shalt  }
0x5b: {  	_ =	shalt  }
0x5c: {  	_ =	shalt  }
0x5d: {  	_ =	shalt  }
0x5e: {  	_ =	shalt  }
0x5f: {  	_ =	shalt  }
0x60: {  	_ =	shalt  }
0x61: {  	_ =	shalt  }
0x62: {  	_ =	shalt  }
0x63: {  	_ =	shalt  }
0x64: {  	_ =	shalt  }
0x65: {  	_ =	shalt  }
0x66: {  	_ =	shalt  }
0x67: {  	_ =	shalt  }
0x68: {  	_ =	shalt  }
0x69: {  	_ =	shalt  }
0x6a: {  	_ =	shalt  }
0x6b: {  	_ =	shalt  }
0x6c: {  	_ =	shalt  }
0x6d: {  	_ =	shalt  }
0x6e: {  	_ =	shalt  }
0x6f: {  	_ =	shalt  }
0x70: {  	_ =	shalt  }
0x71: {  	_ =	shalt  }
0x72: {  	_ =	shalt  }
0x73: {  	_ =	shalt  }
0x74: {  	_ =	shalt  }
0x75: {  	_ =	shalt  }
0x76: {  	_ =	shalt  }
0x77: {  	_ =	shalt  }
0x78: {  	_ =	shalt  }
0x79: {  	_ =	shalt  }
0x7a: {  	_ =	shalt  }
0x7b: {  	_ =	shalt  }
0x7c: {  	_ =	shalt  }
0x7d: {  	_ =	shalt  }
0x7e: {  	_ =	shalt  }
0x7f: {  	_ =	shalt  }
0x80: {  	_ =	shalt  }
0x81: {  	_ =	shalt  }
0x82: {  	_ =	shalt  }
0x83: {  	_ =	shalt  }
0x84: {  	_ =	shalt  }
0x85: {  	_ =	shalt  }
0x86: {  	_ =	shalt  }
0x87: {  	_ =	shalt  }
.Lfunc_end0:
.L_simem_size_0:
called_computation_lowered:
.L_overlay_start_0:
0x88: {  	s2 =	sld [smem:$0x3FD9]  }
0x89: {  	s3 =	sld [smem:$0x3FFE];
	_ =	sdelay $0x1  }
0x8a: {  	s1 =	srdreg.scid  }
0x8b: {  	s0 =	sand.u32 $0x1, s1  }
0x8c: {  	s18 =	sshll.u32 s0, $0xA;
	s2 =	sadd.s32 s3, s2  }
0x8d: {  	s2 =	sadd.s32 s2, s18  }
0x8e: {  	[smem:$0x3FC2] =	sst s2  }
0x8f: {  	_ = 	snop  }
0x90: {  	s2 =	sld [smem:$0x3FC9]  }
0x91: {  	s19 =	sld [smem:$0x3FC8]  }
0x92: {  	s4 =	sld [smem:$0x3FC7]  }
0x93: {  	s5 =	sld [smem:$0x3FC6]  }
0x94: {  	s6 =	sld [smem:$0x3FC5]  }
0x95: {  	s7 =	sld [smem:$0x3FC4]  }
0x96: {  	s8 =	sld [smem:$0x3FD0];
	(tm) =	ssettm $0x1  }
0x97: {  	s9 =	sld [smem:$0x3FFB];
	_ =	sdelay $0x3  }
0x98: {  	_ =	strace s9  }
0x99: {  	s9 =	sld [smem:$0x3FFC];
	_ =	sdelay $0x3  }
0x9a: {  	_ =	strace s9  }
0x9b: {  	s9 =	sld [smem:$0x3FFD];
	_ =	sdelay $0x3  }
0x9c: {  	_ =	strace s9  }
0x9d: {  	_ =	strace $0x8FFFFFFF  }
0x9e: {  	s20 =	sld [smem:$0x3FDB];
	_ =	sdelay $0x1  }
0x9f: {  	s10 =	simm.s32 $_scs_section_size  }
0xa0: {  	s11 =	simm.s32 $_size__tile_overlayer_lowered;
	s12 =	simm.s32 $_tile_overlayer_lowered  }
0xa1: {  	s23 =	simm.s32 $0x1BFF;
	s22 =	sshll.u32 s12, $0x1;
	s9 =	sadd.s32 s10, s20  }
0xa2: {  	s13 =	simm.s32 $0x0;
	s21 =	sshll.u32 s11, $0x1;
	s11 =	sadd.s32 s22, s9  }
0xa3: {  	[timem:s13], [sflag:s23] =	dma.local [hbm:s11], s21  }
0xa4: {  	_ =	swait.ge [sflag:s23], s21  }
0xa5: {  	s10 =	ssub.s32 $0x0, s21;
	[sflag:s23] =	ssyncset.done $0x0  }
0xa6: {  	[sflag:s23] =	ssyncadd.s32 s10;
	_ =	sdelay $0x1  }
0xa7: {  	s24 =	simm.s32 $0x1B8B  }
0xa8: {  	_ =	swait.ge [sflag:s24], $0x1  }
0xa9: {  	[sflag:s24] =	ssyncset.done $0x0  }
0xaa: {  	s25 =	simm.s32 $0x1B8E;
	[sflag:s24] =	ssyncadd.s32 $0xFFFFFFFF  }
0xab: {  	s26 =	simm.s32 $execute0_lowered;
	[smem:$0x3FD2] =	sst s25  }
0xac: {  	s10 =	sshll.u32 s26, $0x1;
	_ =	strace $0x80000046;
	[dreg:$0x1] =	wrdreg $0xFFFFFFFF  }
0xad: {  	s28 =	simm.s32 $_size_execute0_lowered;
	s9 =	sadd.s32 s9, s10;
	[dreg:$0x0] =	wrdreg $0x0  }
0xae: {  	s10 =	sshll.u32 s28, $0x1;
	[dreg:$0x2] =	wrdreg s9  }
0xaf: {  	[dreg:$0x3] =	wrdreg s10  }
0xb0: {  	[dreg:$0x4] =	wrdreg $0xC0  }
0xb1: {  	_ =	task [dreg:s13], $0x5FFFF  }
0xb2: {  	[dreg:$0x1] =	wrdreg $0xFFFFFFFF  }
0xb3: {  	[dreg:$0x0] =	wrdreg $0x60  }
0xb4: {  	[dreg:$0x2] =	wrdreg s2  }
0xb5: {  	[dreg:$0x3] =	wrdreg s19  }
0xb6: {  	[dreg:$0x4] =	wrdreg s4  }
0xb7: {  	[dreg:$0x5] =	wrdreg s5  }
0xb8: {  	[dreg:$0x6] =	wrdreg s6  }
0xb9: {  	[dreg:$0x7] =	wrdreg s7  }
0xba: {  	[dreg:$0x8] =	wrdreg s8  }
0xbb: {  	[dreg:$0x9] =	wrdreg $0x0  }
0xbc: {  	[dreg:$0xa] =	wrdreg $0x9  }
0xbd: {  	_ =	task.clear_ibuf [dreg:s13], $0xBFFFF;
	_ =	strace $0x90000046  }
0xbe: {  	s29 =	simm.s32 $0x9;
	_ =	strace $0x80000048  }
0xbf: {  	_ =	swait.ge [sflag:s29], $0x1  }
0xc0: {  	[sflag:s29] =	ssyncadd.s32 $0xFFFFFFFF  }
0xc1: {  	_ =	strace $0x90000048  }
0xc2: {  	_ =	sfence  }
0xc3: {  	s30 =	sld [smem:$0x0];
	_ =	sdelay $0x2  }
0xc4: {  	s31 =	sshll.u32 s1, $0xD;
	s1 =	sshrl.u32 s1, $0x2  }
0xc5: {  	s3 =	sand.u32 $0x4000, s31;
	s1 =	sadd.s32 s1, s30  }
0xc6: {  	s0 =	sor.u32 s3, s0;
	s1 =	sshll.u32 s1, $0x11  }
0xc7: {  	s0 =	sor.u32 s1, s0  }
0xc8: {  	s0 =	sadd.s32 $0x8F2B, s0  }
0xc9: {  	[sflag:s0] =	ssyncadd.remote.s32 $0x1  }
0xca: {  	_ =	sfence.sel $0xFFFF  }
0xcb: {  	[dreg:$0x0] =	wrdreg $0xFFFFFFFF;
	(pc) =	sbr.abs _section_cstart, $3  }
0xcc: {  	[dreg:$0x1] =	wrdreg $0xFFFFFFFF  }
0xcd: {  	_ =	task.clear_ibuf [dreg:s13], $0x2FFFF;
	_ =	strace $0x9FFFFFFF  }
0xce: {  	(tm) =	ssettm $0x7FFFFFFF  }
0xcf: {  	_ =	shalt  }
tec
execute0_lowered:
.L_overlay_start_1:
0x0: {  	(tag) =	ssettag $0x1  }
0x1: {  	s0 =	rddreg [dreg:$0x0]  }
0x2: {  	s1 =	rddreg [dreg:$0x1]  }
0x3: {  	s3 =	rddreg [dreg:$0x2]  }
0x4: {  	s5 =	rddreg [dreg:$0x4]  }
0x5: {  	s6 =	rddreg [dreg:$0x5]  }
0x6: {  	s4 =	srdreg.scid;
	s13 =	stileid.u32  }
0x7: {  	s2 =	rddreg [dreg:$0x6];
	s4 =	sand.u32 $0x1, s4;
	s7 =	smul.u32 $0x50000, s13  }
0x8: {  	s8 =	rddreg [dreg:$0x7];
	s9 =	simm.s32 $0x0;
	s10 =	ssub.s32 $0x2, s4  }
0x9: {  	[smem:$0x7FF] =	sst s9;
	s12 =	sshrl.u32 s10, $0x1;
	s7 =	sshrl.u32 s7, $0x2  }
0xa: {  	s11 =	sshll.u32 s13, $0x1;
	s12 =	ssub.s32 s10, s12;
	s19 =	sadd.s32 s7, s8  }
0xb: {  	_ =	strace $0x80000047;
	s26 =	smax.u32 s12, $0x1;
	[dreg:$0x9] =	wrdreg s19  }
0xc: {  	s11 =	sor.u32 s4, s11;
	s29 =	sadd.s32 $0x1400, s19;
	[dreg:$0xa] =	wrdreg s26  }
0xd: {  	s10 =	smul.u32 $0x2710, s11;
	s11 =	sadd.s32 $0x2800, s19;
	[dreg:$0xb] =	wrdreg s29  }
0xe: {  	s12 =	sadd.s32 $0x3C00, s19;
	[dreg:$0xc] =	wrdreg s11  }
0xf: {  	s14 =	sadd.s32 $0x5000, s19;
	[dreg:$0xd] =	wrdreg s12  }
0x10: {  	s30 =	simm.s32 $0x1E400;
	s15 =	sadd.s32 $0x6400, s19;
	[dreg:$0xe] =	wrdreg s14  }
0x11: {  	s31 =	simm.s32 $0x5;
	s16 =	sadd.s32 $0x7800, s19;
	[dreg:$0xf] =	wrdreg s15  }
0x12: {  	s13 =	smul.u32 $0x14000, s13;
	s17 =	sadd.s32 $0x8C00, s19;
	[dreg:$0x10] =	wrdreg s16  }
0x13: {  	s4 =	smul.u32 $0x140000, s4;
	s18 =	sadd.s32 $0xA000, s19;
	[dreg:$0x11] =	wrdreg s17  }
0x14: {  	s28 =	simm.s32 $0x3;
	s20 =	sadd.s32 $0xB400, s19;
	[dreg:$0x12] =	wrdreg s18  }
0x15: {  	s4 =	sadd.s32 s13, s4;
	s21 =	sadd.s32 $0xC800, s19;
	[dreg:$0x13] =	wrdreg s20  }
0x16: {  	s7 =	simm.s32 $0x16780;
	s22 =	sadd.s32 $0xDC00, s19;
	[dreg:$0x14] =	wrdreg s21  }
0x17: {  	s13 =	simm.s32 $0x1;
	s23 =	sadd.s32 $0xF000, s19;
	[dreg:$0x15] =	wrdreg s22  }
0x18: {  	s4 =	sshrl.u32 s4, $0x3;
	s25 =	sadd.s32 $0x10400, s19;
	[dreg:$0x16] =	wrdreg s23  }
0x19: {  	s24 =	sadd.s32 s4, s2;
	[dreg:$0x17] =	wrdreg s25;
	s26 =	sadd.s32 $0x11800, s19  }
0x1a: {  	v4 =	vlaneseq.u32;
	s29 =	sadd.s32 $0x12C00, s19;
	s4 =	simm.s32 $0x16F80;
	s2 =	simm.s32 $0x17780  }
0x1b: {  	v0 =	vimm.f32 $0.0e+00;
	v1 =	vmul.u32 $0x80, v4;
	s12 =	simm.s32 $0x14000;
	s14 =	simm.s32 $0x30;
	s16 =	simm.s32 $0x18400  }
0x1c: {  	v2 =	vimm.s32 $0x0;
	v5 =	vimm.f32 $1.000000000e+00;
	v3 =	vadd.s32 $0x276F, v4;
	s18 =	simm.s32 $0x1B400;
	s20 =	simm.s32 $0x19C00;
	[dreg:$0x18] =	wrdreg s26  }
0x1d: {  	v4 =	vadd.s32 $0x277F, v4;
	v6 =	vor.u32 $0x800, v1;
	v7 =	vor.u32 $0x1000, v1;
	s15 =	simm.s32 $0x0;
	[dreg:$0x19] =	wrdreg s29;
	s26 =	simm.s32 $0x2  }
.LBB2_1:
0x1e: {  	[dreg:$0x1a] =	wrdreg s15;
	s11 =	simm.s32 $0x0;
	s15 =	simm.s32 $0x200  }
.LBB2_2:
0x1f: {  	p0 =	sne.s32 s15, $0x5E00;
	[tilespmem:s11+$0x1E470] =	vst v0  }
0x20: {  	[tilespmem:s11+$0x1E400] =	vst v0  }
0x21: {  	[tilespmem:s11+$0x1E410] =	vst v0  }
.Ltmp0:
0x22: {  	[tilespmem:s11+$0x1E420] =	vst v0;
	(pc) =	sbr.rel @p0 .LBB2_2-.Ltmp0, $4  }
0x23: {  	[tilespmem:s11+$0x1E430] =	vst v0  }
0x24: {  	[tilespmem:s11+$0x1E440] =	vst v0  }
0x25: {  	[tilespmem:s11+$0x1E450] =	vst v0  }
0x26: {  	[tilespmem:s11+$0x1E460] =	vst v0;
	s11 =	sshra.s32 s15, $0x2;
	s15 =	sadd.s32 $0x200, s15  }
0x27: {  	[tilespmem:s11+$0x1E470] =	vst v0  }
0x28: {  	[tilespmem:s11+$0x1E400] =	vst v0  }
0x29: {  	[tilespmem:s11+$0x1E410] =	vst v0  }
0x2a: {  	[tilespmem:s11+$0x1E420] =	vst v0  }
0x2b: {  	[tilespmem:s11+$0x1E430] =	vst v0  }
0x2c: {  	[tilespmem:s11+$0x1E440] =	vst v0  }
0x2d: {  	[tilespmem:s11+$0x1E450] =	vst v0  }
0x2e: {  	[tilespmem:s11+$0x1E460] =	vst v0  }
0x2f: {  	[spmem:s19] =	stream.linear.scatter [tilespmem:s30], [sflag:$0x5], $0x1400, $0x38;
	[tilespmem:$0x1FC00] =	vst v63  }
0x30: {  	_ =	swait.ge [sflag:s31], $0x1400  }
0x31: {  	[sflag:s31] =	ssyncset.done $0x0  }
0x32: {  	s17 =	rddreg [dreg:$0xb];
	[sflag:s31] =	ssyncadd.s32 $0xFFFFEC00  }
0x33: {  	[spmem:s17] =	stream.linear.scatter [tilespmem:s30], [sflag:$0x5], $0x1400, $0x38;
	[tilespmem:$0x1FC00] =	vst v63  }
0x34: {  	_ =	swait.ge [sflag:s31], $0x1400  }
0x35: {  	[sflag:s31] =	ssyncset.done $0x0  }
0x36: {  	s19 =	rddreg [dreg:$0xc];
	[sflag:s31] =	ssyncadd.s32 $0xFFFFEC00  }
0x37: {  	[spmem:s19] =	stream.linear.scatter [tilespmem:s30], [sflag:$0x5], $0x1400, $0x38;
	[tilespmem:$0x1FC00] =	vst v63  }
0x38: {  	_ =	swait.ge [sflag:s31], $0x1400  }
0x39: {  	[sflag:s31] =	ssyncset.done $0x0  }
0x3a: {  	s21 =	rddreg [dreg:$0xd];
	[sflag:s31] =	ssyncadd.s32 $0xFFFFEC00  }
0x3b: {  	[spmem:s21] =	stream.linear.scatter [tilespmem:s30], [sflag:$0x5], $0x1400, $0x38;
	[tilespmem:$0x1FC00] =	vst v63  }
0x3c: {  	_ =	swait.ge [sflag:s31], $0x1400  }
0x3d: {  	[sflag:s31] =	ssyncset.done $0x0  }
0x3e: {  	s22 =	rddreg [dreg:$0xe];
	[sflag:s31] =	ssyncadd.s32 $0xFFFFEC00  }
0x3f: {  	[spmem:s22] =	stream.linear.scatter [tilespmem:s30], [sflag:$0x5], $0x1400, $0x38;
	[tilespmem:$0x1FC00] =	vst v63  }
0x40: {  	_ =	swait.ge [sflag:s31], $0x1400  }
0x41: {  	[sflag:s31] =	ssyncset.done $0x0  }
0x42: {  	s23 =	rddreg [dreg:$0xf];
	[sflag:s31] =	ssyncadd.s32 $0xFFFFEC00  }
0x43: {  	[spmem:s23] =	stream.linear.scatter [tilespmem:s30], [sflag:$0x5], $0x1400, $0x38;
	[tilespmem:$0x1FC00] =	vst v63  }
0x44: {  	_ =	swait.ge [sflag:s31], $0x1400  }
0x45: {  	[sflag:s31] =	ssyncset.done $0x0  }
0x46: {  	s25 =	rddreg [dreg:$0x10];
	[sflag:s31] =	ssyncadd.s32 $0xFFFFEC00  }
0x47: {  	[spmem:s25] =	stream.linear.scatter [tilespmem:s30], [sflag:$0x5], $0x1400, $0x38;
	[tilespmem:$0x1FC00] =	vst v63  }
0x48: {  	_ =	swait.ge [sflag:s31], $0x1400  }
0x49: {  	[sflag:s31] =	ssyncset.done $0x0  }
0x4a: {  	s29 =	rddreg [dreg:$0x11];
	[sflag:s31] =	ssyncadd.s32 $0xFFFFEC00  }
0x4b: {  	[spmem:s29] =	stream.linear.scatter [tilespmem:s30], [sflag:$0x5], $0x1400, $0x38;
	[tilespmem:$0x1FC00] =	vst v63  }
0x4c: {  	_ =	swait.ge [sflag:s31], $0x1400  }
0x4d: {  	[sflag:s31] =	ssyncset.done $0x0  }
0x4e: {  	s15 =	rddreg [dreg:$0x12];
	[sflag:s31] =	ssyncadd.s32 $0xFFFFEC00  }
0x4f: {  	[spmem:s15] =	stream.linear.scatter [tilespmem:s30], [sflag:$0x5], $0x1400, $0x38;
	[tilespmem:$0x1FC00] =	vst v63  }
0x50: {  	_ =	swait.ge [sflag:s31], $0x1400  }
0x51: {  	[sflag:s31] =	ssyncset.done $0x0  }
0x52: {  	s17 =	rddreg [dreg:$0x13];
	[sflag:s31] =	ssyncadd.s32 $0xFFFFEC00  }
0x53: {  	[spmem:s17] =	stream.linear.scatter [tilespmem:s30], [sflag:$0x5], $0x1400, $0x38;
	[tilespmem:$0x1FC00] =	vst v63  }
0x54: {  	_ =	swait.ge [sflag:s31], $0x1400  }
0x55: {  	[sflag:s31] =	ssyncset.done $0x0  }
0x56: {  	s19 =	rddreg [dreg:$0x14];
	[sflag:s31] =	ssyncadd.s32 $0xFFFFEC00  }
0x57: {  	[spmem:s19] =	stream.linear.scatter [tilespmem:s30], [sflag:$0x5], $0x1400, $0x38;
	[tilespmem:$0x1FC00] =	vst v63  }
0x58: {  	_ =	swait.ge [sflag:s31], $0x1400  }
0x59: {  	[sflag:s31] =	ssyncset.done $0x0  }
0x5a: {  	s21 =	rddreg [dreg:$0x15];
	[sflag:s31] =	ssyncadd.s32 $0xFFFFEC00  }
0x5b: {  	[spmem:s21] =	stream.linear.scatter [tilespmem:s30], [sflag:$0x5], $0x1400, $0x38;
	[tilespmem:$0x1FC00] =	vst v63  }
0x5c: {  	_ =	swait.ge [sflag:s31], $0x1400  }
0x5d: {  	[sflag:s31] =	ssyncset.done $0x0  }
0x5e: {  	s22 =	rddreg [dreg:$0x16];
	[sflag:s31] =	ssyncadd.s32 $0xFFFFEC00  }
0x5f: {  	[spmem:s22] =	stream.linear.scatter [tilespmem:s30], [sflag:$0x5], $0x1400, $0x38;
	[tilespmem:$0x1FC00] =	vst v63  }
0x60: {  	_ =	swait.ge [sflag:s31], $0x1400  }
0x61: {  	[sflag:s31] =	ssyncset.done $0x0  }
0x62: {  	s23 =	rddreg [dreg:$0x17];
	[sflag:s31] =	ssyncadd.s32 $0xFFFFEC00  }
0x63: {  	[spmem:s23] =	stream.linear.scatter [tilespmem:s30], [sflag:$0x5], $0x1400, $0x38;
	[tilespmem:$0x1FC00] =	vst v63  }
0x64: {  	_ =	swait.ge [sflag:s31], $0x1400  }
0x65: {  	[sflag:s31] =	ssyncset.done $0x0  }
0x66: {  	s25 =	rddreg [dreg:$0x18];
	[sflag:s31] =	ssyncadd.s32 $0xFFFFEC00  }
0x67: {  	[spmem:s25] =	stream.linear.scatter [tilespmem:s30], [sflag:$0x5], $0x1400, $0x38;
	[tilespmem:$0x1FC00] =	vst v63  }
0x68: {  	_ =	swait.ge [sflag:s31], $0x1400  }
0x69: {  	[sflag:s31] =	ssyncset.done $0x0  }
0x6a: {  	s29 =	rddreg [dreg:$0x19];
	[sflag:s31] =	ssyncadd.s32 $0xFFFFEC00  }
0x6b: {  	[spmem:s29] =	stream.linear.scatter [tilespmem:s30], [sflag:$0x5], $0x1400, $0x38;
	[tilespmem:$0x1FC00] =	vst v63  }
0x6c: {  	_ =	swait.ge [sflag:s31], $0x1400  }
0x6d: {  	[sflag:s31] =	ssyncset.done $0x0  }
0x6e: {  	[sflag:s31] =	ssyncadd.s32 $0xFFFFEC00  }
0x6f: {  	[bflag:$0x0] =	sbarrier.arrive $0xFFFF  }
0x70: {  	s11 =	simm.s32 $0x0;
	s17 =	simm.s32 $0x18380;
	s15 =	rddreg [dreg:$0x3]  }
0x71: {  	[tilespmem:s17], [sflag:$0x5] =	stream.linear.gather [hbm4b:s15+s11], $0x80, $0x38;
	[tilespmem:$0x1FC00] =	vst v63  }
0x72: {  	_ =	swait.ge [sflag:s31], $0x80  }
0x73: {  	[sflag:s31] =	ssyncset.done $0x0  }
0x74: {  	[sflag:s31] =	ssyncadd.s32 $0xFFFFFF80  }
0x75: {  	v8 =	vimm.s32 $0xFFFFFFFF;
	s15 =	simm.s32 $0x0;
	v9 =	vld [tilespmem:$0x18380]  }
.LBB2_4:
0x76: {  	s17 =	smul.u32 $0x7D0, s15;
	_ =	sdelay $0x1  }
0x77: {  	s17 =	sadd.s32 s10, s17  }
0x78: {  	s17 =	sshrl.u32 s17, $0x3  }
0x79: {  	s19 =	sadd.s32 s0, s17  }
0x7a: {  	[tilespmem:s7], [sflag:$0x5] =	stream.linear.gather [hbm4b:s19+s11], $0x7D0, $0x38;
	[tilespmem:$0x1FC00] =	vst v63  }
0x7b: {  	_ =	swait.ge [sflag:s31], $0x7D0  }
0x7c: {  	[sflag:s31] =	ssyncset.done $0x0  }
0x7d: {  	s29 =	sadd.s32 s1, s17;
	[sflag:s31] =	ssyncadd.s32 $0xFFFFF830  }
0x7e: {  	[tilespmem:s4], [sflag:$0x5] =	stream.linear.gather [hbm4b:s29+s11], $0x7D0, $0x38;
	[tilespmem:$0x1FC00] =	vst v63  }
0x7f: {  	_ =	swait.ge [sflag:s31], $0x7D0  }
0x80: {  	[sflag:s31] =	ssyncset.done $0x0  }
0x81: {  	s17 =	sadd.s32 s3, s17;
	[sflag:s31] =	ssyncadd.s32 $0xFFFFF830  }
0x82: {  	[tilespmem:s2], [sflag:$0x5] =	stream.linear.gather [hbm4b:s17+s11], $0x7D0, $0x38;
	[tilespmem:$0x1FC00] =	vst v63  }
0x83: {  	_ =	swait.ge [sflag:s31], $0x7D0  }
0x84: {  	[sflag:s31] =	ssyncset.done $0x0  }
0x85: {  	v10 =	vmov v8;
	s19 =	simm.s32 $0x0;
	s17 =	simm.s32 $0x40;
	[sflag:s31] =	ssyncadd.s32 $0xFFFFF830  }
.LBB2_5:
0x86: {  	p0 =	sne.s32 s17, $0x1F00;
	v11 =	vld [tilespmem:s19+$0x17780];
	_ =	sdelay $0x4  }
0x87: {  	vm0 =	vlt.f32 v11, v9  }
0x88: {  	v11 =	vsel vm0, $0x1, v2;
	v12 =	vmpcnt.ones.xlane vm0  }
0x89: {  	(xrf0) =	vadd.scan.msk.s32 $0xffff, v11  }
0x8a: {  	v8 =	vadd.s32 v8, v12;
	_ =	sdelay $0x3  }
0x8b: {  	v11 =	vld [tilespmem:s19+$0x16F80]  }
0x8c: {  	v12 =	vld [tilespmem:s19+$0x16780];
	v13, _, _ =	vpop (xrf0)  }
0x8d: {  	v13 =	vadd.s32 v10, v13;
	v10 =	vmov v8  }
.Ltmp1:
0x8e: {  	(pc) =	sbr.rel @p0 .LBB2_5-.Ltmp1, $4  }
0x8f: {  	_ = 	snop  }
0x90: {  	v11 =	vshll.u32 v11, $0xE  }
0x91: {  	v11 =	vor.u32 v12, v11  }
0x92: {  	s19 =	sshra.s32 s17, $0x2;
	s17 =	sadd.s32 $0x40, s17;
	[tilespmem:v13+s12+$0x0] =	vst.idx.msk vm0, v11  }
0x93: {  	v11 =	vld [tilespmem:s19+$0x17780];
	_ =	sdelay $0x4  }
0x94: {  	vm0 =	vlt.f32 v11, v9  }
0x95: {  	v11 =	vsel vm0, $0x1, v2  }
0x96: {  	(xrf0) =	vadd.scan.msk.s32 $0xffff, v11;
	_ =	sdelay $0x4  }
0x97: {  	v11 =	vld [tilespmem:s19+$0x16F80]  }
0x98: {  	v12 =	vld [tilespmem:s19+$0x16780];
	s15 =	sadd.s32 $0x1, s15;
	v13, _, _ =	vpop (xrf0)  }
0x99: {  	p0 =	sne.s32 s15, $0x5;
	v10 =	vadd.s32 v10, v13  }
.Ltmp2:
0x9a: {  	_ = 	snop;
	(pc) =	sbr.rel @p0 .LBB2_4-.Ltmp2, $4  }
0x9b: {  	_ = 	snop  }
0x9c: {  	v63 =	vmpcnt.ones.xlane vm0;
	v11 =	vshll.u32 v11, $0xE  }
0x9d: {  	v11 =	vor.u32 v12, v11  }
0x9e: {  	v8 =	vadd.s32 v8, v63;
	[tilespmem:v10+s12+$0x0] =	vst.idx.msk vm0, v11  }
0x9f: {  	(v2sf) =	vpush v8, $0x0;
	_ =	sdelay $0xe  }
0xa0: {  	s11 =	spop (v2sf)  }
0xa1: {  	s15 =	sadd.s32 $0x1, s11  }
0xa2: {  	p0 =	sgt.s32 s15, $0x1  }
0xa3: {  	s15 =	simm.s32 @!p0 $0x1  }
0xa4: {  	s17 =	sadd.s32 $0x2F, s15  }
0xa5: {  	[tilespmem:s11+$0x14001] =	vst v3;
	s19 =	smulhi.u32 $0x2AAAAAAB, s17;
	s21 =	sshra.s32 s17, $0x1F  }
0xa6: {  	[tilespmem:s11+$0x14011] =	vst v3;
	s21 =	smul.u32 $0x2AAAAAAB, s21  }
0xa7: {  	[tilespmem:s11+$0x14021] =	vst v3  }
0xa8: {  	[tilespmem:s11+$0x14031] =	vst v3;
	s19 =	sadd.s32 s21, s19  }
0xa9: {  	v8 =	vld [tilespmem:$0x14000];
	s21 =	sshrl.u32 s19, $0x1F;
	s19 =	sshra.s32 s19, $0x3  }
0xaa: {  	v9 =	vld [tilespmem:$0x14010];
	s19 =	sadd.s32 s21, s19  }
0xab: {  	v11 =	vld [tilespmem:$0x14000];
	s21 =	smul.u32 $0xFFFFFFD0, s19  }
0xac: {  	v10 =	vld [tilespmem:$0x14020];
	s15 =	ssub.s32 $0xFFFFFFD1, s15  }
0xad: {  	v52 =	vld [tilespmem:$0x14010];
	p2 =	slt.s32 s17, $0x0;
	p1 =	sne.s32 s21, s15  }
0xae: {  	v12 =	vand.u32 $0x3FFF, v8;
	v8 =	vshrl.u32 v8, $0xE;
	p0 =	por !p2, !p1  }
0xaf: {  	s11 =	simm.s32 $0x1;
	[tilespmem:$0x18080] =	vst v8;
	v8 =	vmin.u32 v12, $0x270F;
	p0 =	por !p0, !p0  }
0xb0: {  	v11 =	vand.u32 $0x3FFF, v11;
	[tilespmem:$0x17F80] =	vst v8;
	v8 =	vand.u32 $0x3FFF, v9;
	s11 =	simm.s32 @!p0 $0x0  }
0xb1: {  	v53 =	vld [tilespmem:$0x14020];
	[tilespmem:$0x18180] =	vst v11;
	v8 =	vmin.u32 v8, $0x270F;
	s11 =	ssub.s32 s19, s11  }
0xb2: {  	v55 =	vand.u32 $0x3FFF, v52;
	[tilespmem:$0x17F90] =	vst v8;
	v8 =	vand.u32 $0x3FFF, v10;
	s11 =	smul.u32 $0x30, s11  }
0xb3: {  	v54 =	vshrl.u32 v11, $0x7;
	[tilespmem:$0x18190] =	vst v55;
	v8 =	vmin.u32 v8, $0x270F  }
0xb4: {  	vm0 =	vlt.u32 v11, $0x2710;
	v9 =	vshrl.u32 v9, $0xE;
	[tilespmem:$0x17FA0] =	vst v8;
	v8 =	vadd.s32 $0x2710, v54;
	s22 =	smulhi.u32 $0x2AAAAAAB, s11;
	s23 =	sshra.s32 s11, $0x1F  }
0xb5: {  	v56 =	vshrl.u32 v55, $0x7;
	[tilespmem:$0x18090] =	vst v9;
	v8 =	vsel vm0, v8, v4;
	s17 =	smul.u32 $0x2AAAAAAB, s23  }
0xb6: {  	vm11 =	vlt.u32 v55, $0x2710;
	v9 =	vand.u32 $0x3FFF, v53;
	[tilespmem:$0x18280] =	vst v8;
	v8 =	vadd.s32 $0x2710, v56  }
0xb7: {  	v57 =	vshrl.u32 v9, $0x7;
	[tilespmem:$0x181A0] =	vst v9;
	v8 =	vsel vm11, v8, v4;
	s15 =	sadd.s32 s17, s22  }
0xb8: {  	v10 =	vshrl.u32 v10, $0xE;
	vm12 =	vlt.u32 v9, $0x2710;
	[tilespmem:$0x18290] =	vst v8;
	v8 =	vadd.s32 $0x2710, v57;
	s17 =	sshrl.u32 s15, $0x1F;
	s15 =	sshra.s32 s15, $0x3  }
0xb9: {  	[tilespmem:$0x180A0] =	vst v10;
	v8 =	vsel vm12, v8, v4;
	s15 =	sadd.s32 s17, s15  }
0xba: {  	s21 =	simm.s32 $0x17F80;
	[tilespmem:$0x182A0] =	vst v8;
	s25 =	ssub.s32 $0x0, s11;
	s17 =	smul.u32 $0xFFFFFFD0, s15  }
0xbb: {  	[tilespmem:s16], [sflag:$0x1] =	stream.indirect.gather [hbm4b:s5+s14], $0x80, s21, s14, $0xb8;
	[tilespmem:$0x1FC00] =	vst v63  }
0xbc: {  	p3 =	slt.s32 s11, $0x1;
	p4 =	sne.s32 s17, s25  }
0xbd: {  	p0 =	por !p3, !p4  }
0xbe: {  	s11 =	simm.s32 $0x1;
	p0 =	por !p0, !p0  }
0xbf: {  	s11 =	simm.s32 @!p0 $0x0  }
0xc0: {  	s11 =	ssub.s32 s15, s11  }
0xc1: {  	s29 =	sadd.s32 $0xFFFFFFFF, s11  }
0xc2: {  	p0 =	slt.s32 s29, $0x1;
	s15 =	smov.u32 s29  }
0xc3: {  	s15 =	simm.s32 @!p0 $0x1  }
0xc4: {  	s22 =	simm.s32 $0x18080;
	s15 =	smul.u32 $0xC0, s15  }
0xc5: {  	[tilespmem:s18], [sflag:$0x1] =	stream.indirect.gather [hbm4b:s6+s14], $0x80, s22, s14, $0xb8;
	[tilespmem:$0x1FC00] =	vst v63  }
0xc6: {  	s15 =	sshra.s32 s15, $0x2  }
0xc7: {  	v8 =	vld [tilespmem:s15+$0x14000];
	_ =	sdelay $0x4  }
0xc8: {  	v58 =	vand.u32 $0x3FFF, v8;
	v8 =	vshrl.u32 v8, $0xE  }
0xc9: {  	[tilespmem:$0x18100] =	vst v8;
	v8 =	vmin.u32 v58, $0x270F  }
0xca: {  	[tilespmem:$0x18000] =	vst v8  }
0xcb: {  	v8 =	vld [tilespmem:s15+$0x14010];
	_ =	sdelay $0x4  }
0xcc: {  	v59 =	vand.u32 $0x3FFF, v8;
	v8 =	vshrl.u32 v8, $0xE  }
0xcd: {  	[tilespmem:$0x18110] =	vst v8;
	v8 =	vmin.u32 v59, $0x270F  }
0xce: {  	[tilespmem:$0x18010] =	vst v8  }
0xcf: {  	v8 =	vld [tilespmem:s15+$0x14020];
	_ =	sdelay $0x4  }
0xd0: {  	v60 =	vand.u32 $0x3FFF, v8;
	v8 =	vshrl.u32 v8, $0xE  }
0xd1: {  	[tilespmem:$0x18120] =	vst v8;
	v8 =	vmin.u32 v60, $0x270F  }
0xd2: {  	[tilespmem:$0x18020] =	vst v8  }
0xd3: {  	v8 =	vld [tilespmem:s15+$0x14000];
	_ =	sdelay $0x4  }
0xd4: {  	v8 =	vand.u32 $0x3FFF, v8  }
0xd5: {  	v61 =	vshrl.u32 v8, $0x7  }
0xd6: {  	vm13 =	vlt.u32 v8, $0x2710;
	v9 =	vadd.s32 $0x2710, v61  }
0xd7: {  	[tilespmem:$0x18200] =	vst v8;
	v8 =	vsel vm13, v9, v4  }
0xd8: {  	[tilespmem:$0x18300] =	vst v8  }
0xd9: {  	v8 =	vld [tilespmem:s15+$0x14010];
	_ =	sdelay $0x4  }
0xda: {  	v8 =	vand.u32 $0x3FFF, v8  }
0xdb: {  	v62 =	vshrl.u32 v8, $0x7  }
0xdc: {  	vm14 =	vlt.u32 v8, $0x2710;
	v9 =	vadd.s32 $0x2710, v62  }
0xdd: {  	[tilespmem:$0x18210] =	vst v8;
	v8 =	vsel vm14, v9, v4  }
0xde: {  	s23 =	sshrl.u32 s11, $0x1F;
	[tilespmem:$0x18310] =	vst v8  }
0xdf: {  	v8 =	vld [tilespmem:s15+$0x14020];
	s15 =	sadd.s32 s23, s11  }
0xe0: {  	s25 =	sand.u32 $0xFFFFFFFE, s15  }
0xe1: {  	p5 =	slt.s32 s11, $0x1;
	p6 =	sne.s32 s11, s25  }
0xe2: {  	p0 =	por !p5, !p6  }
0xe3: {  	s17 =	simm.s32 $0x1;
	p0 =	por !p0, !p0  }
0xe4: {  	s15 =	sshra.s32 s15, $0x1;
	s17 =	simm.s32 @!p0 $0x0  }
0xe5: {  	s19 =	ssub.s32 s15, s17  }
0xe6: {  	p0 =	slt.s32 s19, $0x1  }
.Ltmp3:
0xe7: {  	v8 =	vand.u32 $0x3FFF, v8;
	(pc) =	sbr.rel @p0 .LBB2_13-.Ltmp3, $4  }
0xe8: {  	v63 =	vshrl.u32 v8, $0x7  }
0xe9: {  	vm15 =	vlt.u32 v8, $0x2710;
	v9 =	vadd.s32 $0x2710, v63  }
0xea: {  	[tilespmem:$0x18220] =	vst v8;
	v8 =	vsel vm15, v9, v4  }
0xeb: {  	s21 =	simm.s32 $0x0;
	[tilespmem:$0x18320] =	vst v8  }
.LBB2_8:
0xec: {  	_ =	swait.ge [sflag:s13], $0x1800  }
0xed: {  	[sflag:s13] =	ssyncset.done $0x0  }
0xee: {  	[sflag:s13] =	ssyncadd.s32 $0xFFFFE800  }
0xef: {  	_ =	swait.ge [sflag:s13], $0x1800  }
0xf0: {  	p0 =	seq.s32 s21, $0x0;
	[sflag:s13] =	ssyncset.done $0x0  }
0xf1: {  	s15 =	simm.s32 @!p0 $0x4;
	[sflag:s13] =	ssyncadd.s32 $0xFFFFE800  }
0xf2: {  	_ =	swait.ge @!p0 [sflag:s15], $0x1800  }
0xf3: {  	[sflag:s15] =	ssyncset.done @!p0 $0x0  }
0xf4: {  	[sflag:s15] =	ssyncadd.s32 @!p0 $0xFFFFE800  }
0xf5: {  	_ =	swait.ge @!p0 [sflag:s15], $0x1800  }
0xf6: {  	[sflag:s15] =	ssyncset.done @!p0 $0x0  }
0xf7: {  	[sflag:s15] =	ssyncadd.s32 @!p0 $0xFFFFE800  }
0xf8: {  	v8 =	vld @!p0 [tilespmem:$0x18200];
	_ =	sdelay $0x2  }
0xf9: {  	v9 =	vlaneseq.u32 @!p0  }
0xfa: {  	v10 =	vmul.u32 @!p0 $0x80, v9  }
0xfb: {  	v8 =	vand.u32 @!p0 $0x7F, v8  }
0xfc: {  	v8 =	vor.u32 @!p0 v10, v8;
	_ =	sdelay $0x3  }
0xfd: {  	v11 =	vimm.f32 @!p0 $0.0e+00;
	s15 =	simm.s32 @!p0 $0x1E400  }
0xfe: {  	[tilespmem:v8+s15+$0x0] =	vst.idx.msk @!p0 $0xffff, v11  }
0xff: {  	v8 =	vld @!p0 [tilespmem:$0x18210];
	_ =	sdelay $0x4  }
0x100: {  	v12 =	vor.u32 @!p0 $0x800, v10;
	v8 =	vand.u32 @!p0 $0x7F, v8  }
0x101: {  	v8 =	vor.u32 @!p0 v12, v8;
	_ =	sdelay $0x4  }
0x102: {  	[tilespmem:v8+s15+$0x0] =	vst.idx.msk @!p0 $0xffff, v11  }
0x103: {  	v8 =	vld @!p0 [tilespmem:$0x18220];
	_ =	sdelay $0x3  }
0x104: {  	s22 =	sshll.u32 s21, $0x1  }
0x105: {  	s17 =	sor.u32 @!p0 $0x1, s22;
	v10 =	vor.u32 @!p0 $0x1000, v10;
	v8 =	vand.u32 @!p0 $0x7F, v8  }
0x106: {  	p1 =	slt.s32 @!p0 s17, s29;
	v8 =	vor.u32 @!p0 v10, v8  }
0x107: {  	p1 =	por !p1, p0  }
0x108: {  	s17 =	smov.u32 @p1 s29  }
0x109: {  	s17 =	smul.u32 @!p0 $0xC0, s17;
	_ =	sdelay $0x1  }
0x10a: {  	[tilespmem:v8+s15+$0x0] =	vst.idx.msk @!p0 $0xffff, v11;
	s15 =	sshra.s32 @!p0 s17, $0x2  }
0x10b: {  	v8 =	vld @!p0 [tilespmem:s15+$0x14000];
	_ =	sdelay $0x4  }
0x10c: {  	v8 =	vand.u32 @!p0 $0x3FFF, v8  }
0x10d: {  	v10 =	vshrl.u32 @!p0 v8, $0x7  }
0x10e: {  	v9 =	vadd.s32 @!p0 $0x277F, v9;
	vm0 =	vlt.u32 @!p0 v8, $0x2710;
	v10 =	vadd.s32 @!p0 $0x2710, v10  }
0x10f: {  	[tilespmem:$0x18200] =	vst @!p0 v8;
	v8 =	vsel @!p0 vm0, v10, v9  }
0x110: {  	[tilespmem:$0x18300] =	vst @!p0 v8  }
0x111: {  	v8 =	vld @!p0 [tilespmem:s15+$0x14010];
	_ =	sdelay $0x4  }
0x112: {  	v8 =	vand.u32 @!p0 $0x3FFF, v8  }
0x113: {  	v10 =	vshrl.u32 @!p0 v8, $0x7  }
0x114: {  	vm0 =	vlt.u32 @!p0 v8, $0x2710;
	v10 =	vadd.s32 @!p0 $0x2710, v10  }
0x115: {  	[tilespmem:$0x18210] =	vst @!p0 v8;
	v8 =	vsel @!p0 vm0, v10, v9  }
0x116: {  	[tilespmem:$0x18310] =	vst @!p0 v8  }
0x117: {  	v8 =	vld @!p0 [tilespmem:s15+$0x14020];
	_ =	sdelay $0x4  }
0x118: {  	v8 =	vand.u32 @!p0 $0x3FFF, v8  }
0x119: {  	v10 =	vshrl.u32 @!p0 v8, $0x7  }
0x11a: {  	vm0 =	vlt.u32 @!p0 v8, $0x2710;
	v10 =	vadd.s32 @!p0 $0x2710, v10  }
0x11b: {  	[tilespmem:$0x18220] =	vst @!p0 v8;
	v8 =	vsel @!p0 vm0, v10, v9  }
0x11c: {  	s17 =	simm.s32 $0x18000;
	[tilespmem:$0x18320] =	vst @!p0 v8  }
0x11d: {  	[tilespmem:s20], [sflag:$0x2] =	stream.indirect.gather [hbm4b:s5+s14], $0x80, s17, s14, $0xb8;
	[tilespmem:$0x1FC00] =	vst v63  }
0x11e: {  	s23 =	simm.s32 $0x18100;
	s25 =	simm.s32 $0x1CC00  }
0x11f: {  	[tilespmem:s25], [sflag:$0x2] =	stream.indirect.gather [hbm4b:s6+s14], $0x80, s23, s14, $0xb8;
	[tilespmem:$0x1FC00] =	vst v63  }
0x120: {  	s23 =	simm.s32 $0x0  }
0x121: {  	v8 =	vld [tilespmem:s23+$0x1B420]  }
0x122: {  	v9 =	vld [tilespmem:s23+$0x1B440]  }
0x123: {  	v12 =	vld [tilespmem:s23+$0x1B460]  }
0x124: {  	v13 =	vld [tilespmem:s23+$0x1B470]  }
0x125: {  	v10 =	vld [tilespmem:s23+$0x1B450]  }
0x126: {  	v11 =	vld [tilespmem:s23+$0x18450]  }
0x127: {  	v14 =	vld [tilespmem:s23+$0x18440]  }
0x128: {  	v15 =	vld [tilespmem:s23+$0x18470]  }
0x129: {  	v16 =	vld [tilespmem:s23+$0x18460]  }
0x12a: {  	v17 =	vld [tilespmem:s23+$0x18420]  }
0x12b: {  	v10 =	vadd.f32 v10, v11  }
0x12c: {  	v11 =	vadd.f32 v9, v14  }
0x12d: {  	v14 =	vadd.f32 v13, v15;
	v15 =	vld [tilespmem:s23+$0x1B430];
	v9 =	vsub.f32 $0.0e+00, v10  }
0x12e: {  	v13 =	vadd.f32 v12, v16;
	v12 =	vld [tilespmem:s23+$0x18430];
	v20 =	vsub.f32 $0.0e+00, v11  }
0x12f: {  	v18 =	vld [tilespmem:s23+$0x1B410];
	v16 =	vmul.f32 $1.442695020e+00, v9;
	v9 =	vadd.f32 v8, v17;
	v8 =	vsub.f32 $0.0e+00, v14  }
0x130: {  	v19 =	vld [tilespmem:s23+$0x1B400];
	v21 =	vsub.f32 $0.0e+00, v13;
	v20 =	vmul.f32 $1.442695020e+00, v20  }
0x131: {  	v17 =	vld [tilespmem:s23+$0x18410];
	(erf) = vpow2.f32 v16;
	v16 =	vsub.f32 $0.0e+00, v9;
	v8 =	vmul.f32 $1.442695020e+00, v8  }
0x132: {  	v22 =	vld [tilespmem:s23+$0x18400];
	(erf) = vpow2.f32 v20;
	v20 =	vmul.f32 $1.442695020e+00, v21  }
0x133: {  	v15 =	vadd.f32 v15, v12;
	v16 =	vmul.f32 $1.442695020e+00, v16;
	(erf) = vpow2.f32 v8  }
0x134: {  	(erf) = vpow2.f32 v20  }
0x135: {  	(erf) = vpow2.f32 v16;
	v16 =	vsub.f32 $0.0e+00, v15  }
0x136: {  	v12 =	vadd.f32 v18, v17  }
0x137: {  	v8 =	vadd.f32 v19, v22;
	v16 =	vmul.f32 $1.442695020e+00, v16  }
0x138: {  	v17 =	vsub.f32 $0.0e+00, v12  }
0x139: {  	v18 =	vsub.f32 $0.0e+00, v8  }
0x13a: {  	v17 =	vmul.f32 $1.442695020e+00, v17  }
0x13b: {  	v18 =	vmul.f32 $1.442695020e+00, v18;
	(erf) = vpow2.f32 v16;
	v16 =	vpop (erf)  }
0x13c: {  	(erf) = vpow2.f32 v17;
	v16 =	vadd.f32 $1.000000000e+00, v16  }
0x13d: {  	(erf) = vpow2.f32 v18  }
0x13e: {  	v17 =	vpop (erf);
	(erf) = vrcp.f32 v16  }
0x13f: {  	v17 =	vadd.f32 $1.000000000e+00, v17  }
0x140: {  	v18 =	vpop (erf)  }
0x141: {  	(erf) = vrcp.f32 v17;
	v16 =	vpop (erf)  }
0x142: {  	s15 =	simm.s32 $0x200;
	s25 =	simm.s32 $0x400;
	v17 =	vadd.f32 $1.000000000e+00, v18;
	v16 =	vadd.f32 $1.000000000e+00, v16;
	v18 =	vpop (erf)  }
.LBB2_9:
0x143: {  	p0 =	sne.s32 s25, $0x5E00  }
0x144: {  	s17 =	sshra.s32 s15, $0x2;
	v18 =	vadd.f32 $1.000000000e+00, v18;
	v19 =	vpop (erf);
	(erf) = vrcp.f32 v17;
	s15 =	smov.u32 s25;
	s25 =	sadd.s32 $0x200, s25  }
0x145: {  	v17 =	vld [tilespmem:s17+$0x1B420];
	v22 =	vadd.f32 $1.000000000e+00, v19;
	v20 =	vpop (erf);
	(erf) = vrcp.f32 v16  }
0x146: {  	v16 =	vld [tilespmem:s17+$0x1B440];
	v20 =	vadd.f32 $1.000000000e+00, v20;
	v21 =	vpop (erf);
	(erf) = vrcp.f32 v18  }
0x147: {  	v18 =	vld [tilespmem:s17+$0x1B460];
	v21 =	vadd.f32 $1.000000000e+00, v21;
	(erf) = vrcp.f32 v22;
	v19 =	vpop (erf)  }
0x148: {  	v22 =	vld [tilespmem:s17+$0x1B470];
	v23 =	vmul.f32 v19, v10;
	(erf) = vrcp.f32 v20  }
0x149: {  	v19 =	vld [tilespmem:s17+$0x1B450];
	(erf) = vrcp.f32 v21  }
0x14a: {  	v20 =	vld [tilespmem:s17+$0x1B410];
	[tilespmem:s23+$0x18450] =	vst v23;
	v10 =	vpop (erf)  }
0x14b: {  	v21 =	vld [tilespmem:s17+$0x18450];
	v11 =	vmul.f32 v10, v11;
	_ =	sdelay $0x1  }
0x14c: {  	[tilespmem:s23+$0x18440] =	vst v11;
	v10 =	vpop (erf)  }
0x14d: {  	v11 =	vld [tilespmem:s17+$0x18440];
	v26 =	vmul.f32 v10, v14;
	v10 =	vpop (erf)  }
0x14e: {  	v23 =	vld [tilespmem:s17+$0x1B400];
	v27 =	vmul.f32 v10, v13;
	v24 =	vpop (erf)  }
0x14f: {  	v25 =	vld [tilespmem:s17+$0x1B430];
	v10 =	vadd.f32 v19, v21;
	v24 =	vmul.f32 v24, v9;
	[tilespmem:s23+$0x18470] =	vst v26;
	v14 =	vpop (erf)  }
0x150: {  	v19 =	vld [tilespmem:s17+$0x18470];
	v14 =	vmul.f32 v14, v15;
	[tilespmem:s23+$0x18460] =	vst v27;
	v13 =	vpop (erf)  }
0x151: {  	v15 =	vsub.f32 $0.0e+00, v10;
	v21 =	vld [tilespmem:s17+$0x18460];
	v12 =	vmul.f32 v13, v12;
	[tilespmem:s23+$0x18420] =	vst v24;
	v9 =	vpop (erf)  }
0x152: {  	v24 =	vld [tilespmem:s17+$0x18420];
	v11 =	vadd.f32 v16, v11;
	v8 =	vmul.f32 v9, v8;
	[tilespmem:s23+$0x18430] =	vst v14  }
0x153: {  	v16 =	vld [tilespmem:s17+$0x18430];
	v9 =	vmul.f32 $1.442695020e+00, v15;
	[tilespmem:s23+$0x18410] =	vst v12  }
0x154: {  	v12 =	vld [tilespmem:s17+$0x18410];
	v13 =	vsub.f32 $0.0e+00, v11;
	[tilespmem:s23+$0x18400] =	vst v8;
	s23 =	smov.u32 s17  }
0x155: {  	v8 =	vld [tilespmem:s23+$0x18400];
	v14 =	vadd.f32 v22, v19;
	(erf) = vpow2.f32 v9  }
0x156: {  	v19 =	vmul.f32 $1.442695020e+00, v13;
	v13 =	vadd.f32 v18, v21  }
0x157: {  	v9 =	vadd.f32 v17, v24;
	v17 =	vsub.f32 $0.0e+00, v14  }
0x158: {  	v15 =	vadd.f32 v25, v16;
	v16 =	vsub.f32 $0.0e+00, v13;
	(erf) = vpow2.f32 v19  }
0x159: {  	v12 =	vadd.f32 v20, v12;
	v18 =	vsub.f32 $0.0e+00, v9;
	v17 =	vmul.f32 $1.442695020e+00, v17  }
0x15a: {  	v8 =	vadd.f32 v23, v8;
	v19 =	vsub.f32 $0.0e+00, v15;
	v16 =	vmul.f32 $1.442695020e+00, v16  }
0x15b: {  	v20 =	vsub.f32 $0.0e+00, v12;
	v21 =	vmul.f32 $1.442695020e+00, v18;
	(erf) = vpow2.f32 v17  }
0x15c: {  	v17 =	vsub.f32 $0.0e+00, v8;
	v19 =	vmul.f32 $1.442695020e+00, v19;
	(erf) = vpow2.f32 v16  }
0x15d: {  	v16 =	vmul.f32 $1.442695020e+00, v20;
	(erf) = vpow2.f32 v21  }
0x15e: {  	v17 =	vmul.f32 $1.442695020e+00, v17;
	(erf) = vpow2.f32 v19;
	v18 =	vpop (erf)  }
0x15f: {  	v18 =	vadd.f32 $1.000000000e+00, v18;
	(erf) = vpow2.f32 v16  }
0x160: {  	(erf) = vpow2.f32 v17  }
0x161: {  	v16 =	vpop (erf);
	(erf) = vrcp.f32 v18  }
.Ltmp4:
0x162: {  	v17 =	vadd.f32 $1.000000000e+00, v16;
	(pc) =	sbr.rel @p0 .LBB2_9-.Ltmp4, $4  }
0x163: {  	_ = 	snop  }
0x164: {  	(erf) = vrcp.f32 v17;
	v16 =	vpop (erf)  }
0x165: {  	v17 =	vadd.f32 $1.000000000e+00, v16;
	v16 =	vpop (erf)  }
0x166: {  	v16 =	vadd.f32 $1.000000000e+00, v16;
	v18 =	vpop (erf)  }
0x167: {  	_ = 	snop  }
0x168: {  	s15 =	sshra.s32 s15, $0x2;
	v19 =	vpop (erf)  }
0x169: {  	(erf) = vrcp.f32 v17;
	v17 =	vld [tilespmem:s15+$0x1B420];
	v20 =	vpop (erf)  }
0x16a: {  	v21 =	vld [tilespmem:s15+$0x1B440];
	(erf) = vrcp.f32 v16;
	v16 =	vpop (erf)  }
0x16b: {  	v22 =	vld [tilespmem:s15+$0x1B460];
	v23 =	vpop (erf)  }
0x16c: {  	v18 =	vadd.f32 $1.000000000e+00, v18;
	v24 =	vld [tilespmem:s15+$0x1B470];
	v10 =	vmul.f32 v23, v10  }
0x16d: {  	v61 =	vld [tilespmem:s15+$0x1B410];
	v25 =	vpop (erf)  }
0x16e: {  	(erf) = vrcp.f32 v18;
	v18 =	vld [tilespmem:s15+$0x1B450];
	[tilespmem:s23+$0x18450] =	vst v10;
	v10 =	vmul.f32 v25, v11  }
0x16f: {  	v19 =	vadd.f32 $1.000000000e+00, v19;
	_ =	sdelay $0x1  }
0x170: {  	(erf) = vrcp.f32 v19;
	v19 =	vadd.f32 $1.000000000e+00, v20  }
0x171: {  	v16 =	vadd.f32 $1.000000000e+00, v16;
	v11 =	vld [tilespmem:s15+$0x18450];
	[tilespmem:s23+$0x18440] =	vst v10;
	v10 =	vpop (erf)  }
0x172: {  	(erf) = vrcp.f32 v19;
	v10 =	vmul.f32 v10, v14  }
0x173: {  	(erf) = vrcp.f32 v16  }
0x174: {  	v19 =	vld [tilespmem:s15+$0x18440]  }
0x175: {  	v20 =	vld [tilespmem:s15+$0x1B430];
	v16 =	vpop (erf)  }
0x176: {  	v14 =	vld [tilespmem:s15+$0x1B400];
	[tilespmem:s23+$0x18470] =	vst v10;
	v10 =	vpop (erf)  }
0x177: {  	v9 =	vmul.f32 v10, v9  }
0x178: {  	v13 =	vmul.f32 v16, v13  }
0x179: {  	v10 =	vpop (erf)  }
0x17a: {  	v16 =	vld [tilespmem:s15+$0x18470];
	[tilespmem:s23+$0x18460] =	vst v13;
	v10 =	vmul.f32 v10, v15  }
0x17b: {  	v13 =	vld [tilespmem:s15+$0x18460];
	[tilespmem:s23+$0x18420] =	vst v9;
	v9 =	vpop (erf)  }
0x17c: {  	v15 =	vld [tilespmem:s15+$0x18420];
	[tilespmem:s23+$0x18430] =	vst v10;
	v10 =	vadd.f32 v18, v11;
	v9 =	vmul.f32 v9, v12;
	v11 =	vpop (erf)  }
0x17d: {  	v8 =	vmul.f32 v11, v8  }
0x17e: {  	v18 =	vadd.f32 v21, v19;
	v12 =	vld [tilespmem:s15+$0x18430];
	[tilespmem:s23+$0x18410] =	vst v9;
	v9 =	vsub.f32 $0.0e+00, v10  }
0x17f: {  	v11 =	vld [tilespmem:s15+$0x18410];
	[tilespmem:s23+$0x18400] =	vst v8  }
0x180: {  	v19 =	vsub.f32 $0.0e+00, v18;
	v8 =	vmul.f32 $1.442695020e+00, v9;
	v9 =	vld [tilespmem:s15+$0x18400]  }
0x181: {  	v16 =	vadd.f32 v24, v16  }
0x182: {  	v13 =	vadd.f32 v22, v13;
	v19 =	vmul.f32 $1.442695020e+00, v19  }
0x183: {  	(erf) = vpow2.f32 v8;
	v8 =	vadd.f32 v17, v15;
	v15 =	vsub.f32 $0.0e+00, v16  }
0x184: {  	v12 =	vadd.f32 v20, v12;
	v17 =	vsub.f32 $0.0e+00, v13;
	(erf) = vpow2.f32 v19  }
0x185: {  	v19 =	vsub.f32 $0.0e+00, v8;
	v15 =	vmul.f32 $1.442695020e+00, v15;
	v9 =	vadd.f32 v14, v9  }
0x186: {  	v11 =	vadd.f32 v61, v11;
	v17 =	vmul.f32 $1.442695020e+00, v17;
	v14 =	vsub.f32 $0.0e+00, v12  }
0x187: {  	v19 =	vmul.f32 $1.442695020e+00, v19;
	(erf) = vpow2.f32 v15;
	v15 =	vsub.f32 $0.0e+00, v9  }
0x188: {  	v20 =	vsub.f32 $0.0e+00, v11;
	v14 =	vmul.f32 $1.442695020e+00, v14;
	(erf) = vpow2.f32 v17  }
0x189: {  	(erf) = vpow2.f32 v19;
	v15 =	vmul.f32 $1.442695020e+00, v15  }
0x18a: {  	v17 =	vmul.f32 $1.442695020e+00, v20;
	(erf) = vpow2.f32 v14;
	_ =	sdelay $0x1  }
0x18b: {  	(erf) = vpow2.f32 v17;
	v14 =	vpop (erf)  }
0x18c: {  	(erf) = vpow2.f32 v15;
	v14 =	vadd.f32 $1.000000000e+00, v14;
	v15 =	vpop (erf)  }
0x18d: {  	v15 =	vadd.f32 $1.000000000e+00, v15  }
0x18e: {  	(erf) = vrcp.f32 v14  }
0x18f: {  	v17 =	vpop (erf);
	(erf) = vrcp.f32 v15  }
0x190: {  	v14 =	vadd.f32 $1.000000000e+00, v17;
	v17 =	vpop (erf)  }
0x191: {  	v15 =	vadd.f32 $1.000000000e+00, v17;
	v17 =	vpop (erf)  }
0x192: {  	v17 =	vadd.f32 $1.000000000e+00, v17;
	v19 =	vpop (erf);
	(erf) = vrcp.f32 v14  }
0x193: {  	v14 =	vadd.f32 $1.000000000e+00, v19;
	(erf) = vrcp.f32 v15  }
0x194: {  	(erf) = vrcp.f32 v17  }
0x195: {  	v19 =	vpop (erf)  }
0x196: {  	v15 =	vadd.f32 $1.000000000e+00, v19;
	v19 =	vpop (erf)  }
0x197: {  	v17 =	vadd.f32 $1.000000000e+00, v19;
	(erf) = vrcp.f32 v14;
	v14 =	vpop (erf)  }
0x198: {  	(erf) = vrcp.f32 v15;
	v10 =	vmul.f32 v14, v10;
	v14 =	vpop (erf)  }
0x199: {  	(erf) = vrcp.f32 v17;
	v14 =	vmul.f32 v14, v18;
	_ =	sdelay $0x1  }
0x19a: {  	v15 =	vpop (erf)  }
0x19b: {  	[tilespmem:s15+$0x18450] =	vst v10;
	v10 =	vmul.f32 v15, v16;
	v15 =	vpop (erf)  }
0x19c: {  	[tilespmem:s15+$0x18440] =	vst v14;
	v14 =	vpop (erf)  }
0x19d: {  	v8 =	vmul.f32 v14, v8  }
0x19e: {  	v13 =	vmul.f32 v15, v13  }
0x19f: {  	[tilespmem:s15+$0x18470] =	vst v10;
	v10 =	vpop (erf)  }
0x1a0: {  	[tilespmem:s15+$0x18460] =	vst v13;
	v10 =	vmul.f32 v10, v12;
	v12 =	vpop (erf)  }
0x1a1: {  	[tilespmem:s15+$0x18420] =	vst v8;
	v11 =	vmul.f32 v12, v11;
	v8 =	vpop (erf)  }
0x1a2: {  	[tilespmem:s15+$0x18430] =	vst v10;
	v8 =	vmul.f32 v8, v9  }
0x1a3: {  	[tilespmem:s15+$0x18410] =	vst v11  }
0x1a4: {  	[tilespmem:s15+$0x18400] =	vst v8  }
0x1a5: {  	v8 =	vld [tilespmem:$0x18180];
	_ =	sdelay $0x4  }
0x1a6: {  	v8 =	vand.u32 $0x7F, v8  }
0x1a7: {  	v8 =	vor.u32 v1, v8;
	_ =	sdelay $0x4  }
0x1a8: {  	[tilespmem:v8+s30+$0x0] =	vst.idx.msk $0xffff, v5  }
0x1a9: {  	v8 =	vld [tilespmem:$0x18190];
	_ =	sdelay $0x4  }
0x1aa: {  	v8 =	vand.u32 $0x7F, v8  }
0x1ab: {  	v8 =	vor.u32 v6, v8;
	_ =	sdelay $0x4  }
0x1ac: {  	[tilespmem:v8+s30+$0x0] =	vst.idx.msk $0xffff, v5  }
0x1ad: {  	v8 =	vld [tilespmem:$0x181A0];
	_ =	sdelay $0x4  }
0x1ae: {  	v8 =	vand.u32 $0x7F, v8  }
0x1af: {  	v8 =	vor.u32 v7, v8;
	_ =	sdelay $0x1  }
0x1b0: {  	s15 =	sadd.s32 $0x2, s22  }
0x1b1: {  	s17 =	smov.u32 s29;
	p0 =	slt.s32 s15, s29  }
0x1b2: {  	s17 =	smov.u32 @p0 s15  }
0x1b3: {  	s23 =	simm.s32 $0x18180;
	s15 =	smul.u32 $0xC0, s17;
	[tilespmem:v8+s30+$0x0] =	vst.idx.msk $0xffff, v5  }
0x1b4: {  	[spmem:s8] =	stream.indirect.scatter.add.f32 [tilespmem:s16], [sflag:$0x3], $0x80, s23, s14, $0xb8;
	[tilespmem:$0x1FC00] =	vst v63  }
0x1b5: {  	s25 =	simm.s32 $0x18280;
	s15 =	sshra.s32 s15, $0x2  }
0x1b6: {  	[spmem:s8] =	stream.indirect.scatter.add.f32 [tilespmem:s30], [sflag:$0x3], $0x80, s25, s14, $0xb8;
	[tilespmem:$0x1FC00] =	vst v63  }
0x1b7: {  	v8 =	vld [tilespmem:s15+$0x14000];
	_ =	sdelay $0x4  }
0x1b8: {  	v9 =	vand.u32 $0x3FFF, v8;
	v8 =	vshrl.u32 v8, $0xE  }
0x1b9: {  	[tilespmem:$0x18080] =	vst v8;
	v8 =	vmin.u32 v9, $0x270F  }
0x1ba: {  	[tilespmem:$0x17F80] =	vst v8  }
0x1bb: {  	v8 =	vld [tilespmem:s15+$0x14010];
	_ =	sdelay $0x4  }
0x1bc: {  	v9 =	vand.u32 $0x3FFF, v8;
	v8 =	vshrl.u32 v8, $0xE  }
0x1bd: {  	[tilespmem:$0x18090] =	vst v8;
	v8 =	vmin.u32 v9, $0x270F  }
0x1be: {  	[tilespmem:$0x17F90] =	vst v8  }
0x1bf: {  	v8 =	vld [tilespmem:s15+$0x14020];
	_ =	sdelay $0x4  }
0x1c0: {  	v9 =	vand.u32 $0x3FFF, v8;
	v8 =	vshrl.u32 v8, $0xE  }
0x1c1: {  	[tilespmem:$0x180A0] =	vst v8;
	v8 =	vmin.u32 v9, $0x270F  }
0x1c2: {  	[tilespmem:$0x17FA0] =	vst v8  }
0x1c3: {  	_ =	swait.ge [sflag:s26], $0x1800  }
0x1c4: {  	[sflag:s26] =	ssyncset.done $0x0  }
0x1c5: {  	[sflag:s26] =	ssyncadd.s32 $0xFFFFE800  }
0x1c6: {  	_ =	swait.ge [sflag:s26], $0x1800  }
0x1c7: {  	[sflag:s26] =	ssyncset.done $0x0  }
0x1c8: {  	[sflag:s26] =	ssyncadd.s32 $0xFFFFE800  }
0x1c9: {  	_ =	swait.ge [sflag:s28], $0x1800  }
0x1ca: {  	[sflag:s28] =	ssyncset.done $0x0  }
0x1cb: {  	[sflag:s28] =	ssyncadd.s32 $0xFFFFE800  }
0x1cc: {  	_ =	swait.ge [sflag:s28], $0x1800  }
0x1cd: {  	[sflag:s28] =	ssyncset.done $0x0  }
0x1ce: {  	[sflag:s28] =	ssyncadd.s32 $0xFFFFE800  }
0x1cf: {  	v8 =	vld [tilespmem:$0x18180];
	_ =	sdelay $0x4  }
0x1d0: {  	v8 =	vand.u32 $0x7F, v8  }
0x1d1: {  	v8 =	vor.u32 v1, v8;
	_ =	sdelay $0x4  }
0x1d2: {  	[tilespmem:v8+s30+$0x0] =	vst.idx.msk $0xffff, v0  }
0x1d3: {  	v8 =	vld [tilespmem:$0x18190];
	_ =	sdelay $0x4  }
0x1d4: {  	v8 =	vand.u32 $0x7F, v8  }
0x1d5: {  	v8 =	vor.u32 v6, v8;
	_ =	sdelay $0x4  }
0x1d6: {  	[tilespmem:v8+s30+$0x0] =	vst.idx.msk $0xffff, v0  }
0x1d7: {  	v8 =	vld [tilespmem:$0x181A0];
	_ =	sdelay $0x4  }
0x1d8: {  	v8 =	vand.u32 $0x7F, v8  }
0x1d9: {  	v8 =	vor.u32 v7, v8;
	_ =	sdelay $0x4  }
0x1da: {  	[tilespmem:v8+s30+$0x0] =	vst.idx.msk $0xffff, v0  }
0x1db: {  	v8 =	vld [tilespmem:s15+$0x14000];
	_ =	sdelay $0x4  }
0x1dc: {  	v8 =	vand.u32 $0x3FFF, v8  }
0x1dd: {  	v9 =	vshrl.u32 v8, $0x7  }
0x1de: {  	vm0 =	vlt.u32 v8, $0x2710;
	v9 =	vadd.s32 $0x2710, v9  }
0x1df: {  	[tilespmem:$0x18180] =	vst v8;
	v8 =	vsel vm0, v9, v4  }
0x1e0: {  	[tilespmem:$0x18280] =	vst v8  }
0x1e1: {  	v8 =	vld [tilespmem:s15+$0x14010];
	_ =	sdelay $0x4  }
0x1e2: {  	v8 =	vand.u32 $0x3FFF, v8  }
0x1e3: {  	v9 =	vshrl.u32 v8, $0x7  }
0x1e4: {  	vm14 =	vlt.u32 v8, $0x2710;
	v9 =	vadd.s32 $0x2710, v9  }
0x1e5: {  	[tilespmem:$0x18190] =	vst v8;
	v8 =	vsel vm14, v9, v4  }
0x1e6: {  	[tilespmem:$0x18290] =	vst v8  }
0x1e7: {  	v8 =	vld [tilespmem:s15+$0x14020];
	_ =	sdelay $0x4  }
0x1e8: {  	v8 =	vand.u32 $0x3FFF, v8  }
0x1e9: {  	v9 =	vshrl.u32 v8, $0x7  }
0x1ea: {  	vm15 =	vlt.u32 v8, $0x2710;
	v9 =	vadd.s32 $0x2710, v9  }
0x1eb: {  	[tilespmem:$0x181A0] =	vst v8;
	v8 =	vsel vm15, v9, v4  }
0x1ec: {  	s23 =	simm.s32 $0x17F80;
	[tilespmem:$0x182A0] =	vst v8  }
0x1ed: {  	[tilespmem:s16], [sflag:$0x1] =	stream.indirect.gather [hbm4b:s5+s14], $0x80, s23, s14, $0xb8;
	[tilespmem:$0x1FC00] =	vst v63  }
0x1ee: {  	s25 =	simm.s32 $0x18080;
	s23 =	simm.s32 $0x0  }
0x1ef: {  	[tilespmem:s18], [sflag:$0x1] =	stream.indirect.gather [hbm4b:s6+s14], $0x80, s25, s14, $0xb8;
	[tilespmem:$0x1FC00] =	vst v63  }
0x1f0: {  	v8 =	vld [tilespmem:s23+$0x1CC20]  }
0x1f1: {  	v9 =	vld [tilespmem:s23+$0x1CC40]  }
0x1f2: {  	v12 =	vld [tilespmem:s23+$0x1CC60]  }
0x1f3: {  	v13 =	vld [tilespmem:s23+$0x1CC70]  }
0x1f4: {  	v10 =	vld [tilespmem:s23+$0x1CC50]  }
0x1f5: {  	v11 =	vld [tilespmem:s23+$0x19C50]  }
0x1f6: {  	v14 =	vld [tilespmem:s23+$0x19C40]  }
0x1f7: {  	v15 =	vld [tilespmem:s23+$0x19C70]  }
0x1f8: {  	v16 =	vld [tilespmem:s23+$0x19C60]  }
0x1f9: {  	v17 =	vld [tilespmem:s23+$0x19C20]  }
0x1fa: {  	v10 =	vadd.f32 v10, v11  }
0x1fb: {  	v11 =	vadd.f32 v9, v14  }
0x1fc: {  	v14 =	vadd.f32 v13, v15;
	v15 =	vld [tilespmem:s23+$0x1CC30];
	v9 =	vsub.f32 $0.0e+00, v10  }
0x1fd: {  	v13 =	vadd.f32 v12, v16;
	v12 =	vld [tilespmem:s23+$0x19C30];
	v20 =	vsub.f32 $0.0e+00, v11  }
0x1fe: {  	v18 =	vld [tilespmem:s23+$0x1CC10];
	v16 =	vmul.f32 $1.442695020e+00, v9;
	v9 =	vadd.f32 v8, v17;
	v8 =	vsub.f32 $0.0e+00, v14  }
0x1ff: {  	v62 =	vsub.f32 $0.0e+00, v13;
	v17 =	vld [tilespmem:s23+$0x19C10];
	v20 =	vmul.f32 $1.442695020e+00, v20  }
0x200: {  	v19 =	vld [tilespmem:s23+$0x1CC00];
	(erf) = vpow2.f32 v16;
	v16 =	vsub.f32 $0.0e+00, v9;
	v8 =	vmul.f32 $1.442695020e+00, v8  }
0x201: {  	v63 =	vld [tilespmem:s23+$0x19C00];
	(erf) = vpow2.f32 v20;
	v20 =	vmul.f32 $1.442695020e+00, v62  }
0x202: {  	v15 =	vadd.f32 v15, v12;
	v16 =	vmul.f32 $1.442695020e+00, v16;
	(erf) = vpow2.f32 v8  }
0x203: {  	(erf) = vpow2.f32 v20  }
0x204: {  	v12 =	vadd.f32 v18, v17;
	(erf) = vpow2.f32 v16;
	v16 =	vsub.f32 $0.0e+00, v15;
	_ =	sdelay $0x1  }
0x205: {  	v8 =	vadd.f32 v19, v63;
	v17 =	vsub.f32 $0.0e+00, v12;
	v16 =	vmul.f32 $1.442695020e+00, v16;
	_ =	sdelay $0x1  }
0x206: {  	v18 =	vsub.f32 $0.0e+00, v8;
	v17 =	vmul.f32 $1.442695020e+00, v17;
	_ =	sdelay $0x1  }
0x207: {  	v18 =	vmul.f32 $1.442695020e+00, v18;
	(erf) = vpow2.f32 v16;
	v16 =	vpop (erf)  }
0x208: {  	(erf) = vpow2.f32 v17;
	v16 =	vadd.f32 $1.000000000e+00, v16  }
0x209: {  	v17 =	vpop (erf);
	(erf) = vpow2.f32 v18  }
0x20a: {  	(erf) = vrcp.f32 v16  }
0x20b: {  	v17 =	vadd.f32 $1.000000000e+00, v17  }
0x20c: {  	v18 =	vpop (erf)  }
0x20d: {  	(erf) = vrcp.f32 v17;
	v16 =	vpop (erf)  }
0x20e: {  	s15 =	simm.s32 $0x200;
	s25 =	simm.s32 $0x400;
	v17 =	vadd.f32 $1.000000000e+00, v18;
	v16 =	vadd.f32 $1.000000000e+00, v16;
	v18 =	vpop (erf)  }
.LBB2_11:
0x20f: {  	p0 =	sne.s32 s25, $0x5E00  }
0x210: {  	s17 =	sshra.s32 s15, $0x2;
	v18 =	vadd.f32 $1.000000000e+00, v18;
	v19 =	vpop (erf);
	(erf) = vrcp.f32 v17;
	s15 =	smov.u32 s25;
	s25 =	sadd.s32 $0x200, s25  }
0x211: {  	v17 =	vld [tilespmem:s17+$0x1CC20];
	v22 =	vadd.f32 $1.000000000e+00, v19;
	v20 =	vpop (erf);
	(erf) = vrcp.f32 v16  }
0x212: {  	v16 =	vld [tilespmem:s17+$0x1CC40];
	v20 =	vadd.f32 $1.000000000e+00, v20;
	v21 =	vpop (erf);
	(erf) = vrcp.f32 v18  }
0x213: {  	v18 =	vld [tilespmem:s17+$0x1CC60];
	v21 =	vadd.f32 $1.000000000e+00, v21;
	(erf) = vrcp.f32 v22;
	v19 =	vpop (erf)  }
0x214: {  	v22 =	vld [tilespmem:s17+$0x1CC70];
	v23 =	vmul.f32 v19, v10;
	(erf) = vrcp.f32 v20  }
0x215: {  	v19 =	vld [tilespmem:s17+$0x1CC50];
	(erf) = vrcp.f32 v21  }
0x216: {  	v20 =	vld [tilespmem:s17+$0x1CC10];
	[tilespmem:s23+$0x19C50] =	vst v23;
	v10 =	vpop (erf)  }
0x217: {  	v21 =	vld [tilespmem:s17+$0x19C50];
	v11 =	vmul.f32 v10, v11;
	_ =	sdelay $0x1  }
0x218: {  	[tilespmem:s23+$0x19C40] =	vst v11;
	v10 =	vpop (erf)  }
0x219: {  	v11 =	vld [tilespmem:s17+$0x19C40];
	v26 =	vmul.f32 v10, v14;
	v10 =	vpop (erf)  }
0x21a: {  	v23 =	vld [tilespmem:s17+$0x1CC00];
	v27 =	vmul.f32 v10, v13;
	v24 =	vpop (erf)  }
0x21b: {  	v25 =	vld [tilespmem:s17+$0x1CC30];
	v10 =	vadd.f32 v19, v21;
	v24 =	vmul.f32 v24, v9;
	[tilespmem:s23+$0x19C70] =	vst v26;
	v14 =	vpop (erf)  }
0x21c: {  	v19 =	vld [tilespmem:s17+$0x19C70];
	v14 =	vmul.f32 v14, v15;
	[tilespmem:s23+$0x19C60] =	vst v27;
	v13 =	vpop (erf)  }
0x21d: {  	v15 =	vsub.f32 $0.0e+00, v10;
	v21 =	vld [tilespmem:s17+$0x19C60];
	v12 =	vmul.f32 v13, v12;
	[tilespmem:s23+$0x19C20] =	vst v24;
	v9 =	vpop (erf)  }
0x21e: {  	v24 =	vld [tilespmem:s17+$0x19C20];
	v11 =	vadd.f32 v16, v11;
	v8 =	vmul.f32 v9, v8;
	[tilespmem:s23+$0x19C30] =	vst v14  }
0x21f: {  	v16 =	vld [tilespmem:s17+$0x19C30];
	v9 =	vmul.f32 $1.442695020e+00, v15;
	[tilespmem:s23+$0x19C10] =	vst v12  }
0x220: {  	v12 =	vld [tilespmem:s17+$0x19C10];
	v13 =	vsub.f32 $0.0e+00, v11;
	[tilespmem:s23+$0x19C00] =	vst v8;
	s23 =	smov.u32 s17  }
0x221: {  	v8 =	vld [tilespmem:s23+$0x19C00];
	v14 =	vadd.f32 v22, v19;
	(erf) = vpow2.f32 v9  }
0x222: {  	v19 =	vmul.f32 $1.442695020e+00, v13;
	v13 =	vadd.f32 v18, v21  }
0x223: {  	v9 =	vadd.f32 v17, v24;
	v17 =	vsub.f32 $0.0e+00, v14  }
0x224: {  	v15 =	vadd.f32 v25, v16;
	v16 =	vsub.f32 $0.0e+00, v13;
	(erf) = vpow2.f32 v19  }
0x225: {  	v12 =	vadd.f32 v20, v12;
	v18 =	vsub.f32 $0.0e+00, v9;
	v17 =	vmul.f32 $1.442695020e+00, v17  }
0x226: {  	v8 =	vadd.f32 v23, v8;
	v19 =	vsub.f32 $0.0e+00, v15;
	v16 =	vmul.f32 $1.442695020e+00, v16  }
0x227: {  	v20 =	vsub.f32 $0.0e+00, v12;
	v21 =	vmul.f32 $1.442695020e+00, v18;
	(erf) = vpow2.f32 v17  }
0x228: {  	v17 =	vsub.f32 $0.0e+00, v8;
	v19 =	vmul.f32 $1.442695020e+00, v19;
	(erf) = vpow2.f32 v16  }
0x229: {  	v16 =	vmul.f32 $1.442695020e+00, v20;
	(erf) = vpow2.f32 v21  }
0x22a: {  	v17 =	vmul.f32 $1.442695020e+00, v17;
	(erf) = vpow2.f32 v19;
	v18 =	vpop (erf)  }
0x22b: {  	v18 =	vadd.f32 $1.000000000e+00, v18;
	(erf) = vpow2.f32 v16  }
0x22c: {  	(erf) = vpow2.f32 v17  }
0x22d: {  	v16 =	vpop (erf);
	(erf) = vrcp.f32 v18  }
.Ltmp5:
0x22e: {  	v17 =	vadd.f32 $1.000000000e+00, v16;
	(pc) =	sbr.rel @p0 .LBB2_11-.Ltmp5, $4  }
0x22f: {  	_ = 	snop  }
0x230: {  	(erf) = vrcp.f32 v17;
	v16 =	vpop (erf)  }
0x231: {  	v17 =	vadd.f32 $1.000000000e+00, v16;
	v16 =	vpop (erf)  }
0x232: {  	v16 =	vadd.f32 $1.000000000e+00, v16;
	v18 =	vpop (erf)  }
0x233: {  	(erf) = vrcp.f32 v17;
	_ =	sdelay $0x2  }
0x234: {  	v19 =	vpop (erf);
	v18 =	vadd.f32 $1.000000000e+00, v18  }
0x235: {  	v20 =	vpop (erf);
	(erf) = vrcp.f32 v16  }
0x236: {  	s15 =	sshra.s32 s15, $0x2;
	v19 =	vadd.f32 $1.000000000e+00, v19;
	v49 =	vpop (erf);
	(erf) = vrcp.f32 v18  }
0x237: {  	v48 =	vld [tilespmem:s15+$0x1CC20];
	v52 =	vadd.f32 $1.000000000e+00, v20  }
0x238: {  	v21 =	vld [tilespmem:s15+$0x1CC40];
	v23 =	vpop (erf);
	(erf) = vrcp.f32 v19;
	v16 =	vadd.f32 $1.000000000e+00, v49  }
0x239: {  	v22 =	vld [tilespmem:s15+$0x1CC60];
	(erf) = vrcp.f32 v52;
	v25 =	vpop (erf)  }
0x23a: {  	v24 =	vld [tilespmem:s15+$0x1CC70];
	v10 =	vmul.f32 v23, v10;
	v55 =	vpop (erf);
	(erf) = vrcp.f32 v16  }
0x23b: {  	v50 =	vld [tilespmem:s15+$0x1CC50];
	v53 =	vmul.f32 v25, v11  }
0x23c: {  	v51 =	vld [tilespmem:s15+$0x1CC10];
	[tilespmem:s23+$0x19C50] =	vst v10  }
0x23d: {  	v54 =	vld [tilespmem:s15+$0x19C50];
	[tilespmem:s23+$0x19C40] =	vst v53  }
0x23e: {  	v56 =	vld [tilespmem:s15+$0x19C40];
	v10 =	vmul.f32 v55, v14;
	v58 =	vpop (erf)  }
0x23f: {  	v57 =	vld [tilespmem:s15+$0x1CC00];
	v13 =	vmul.f32 v58, v13;
	v60 =	vpop (erf)  }
0x240: {  	v59 =	vld [tilespmem:s15+$0x1CC30];
	[tilespmem:s23+$0x19C70] =	vst v10;
	v9 =	vmul.f32 v60, v9  }
0x241: {  	v62 =	vpop (erf);
	v61 =	vld [tilespmem:s15+$0x19C70];
	[tilespmem:s23+$0x19C60] =	vst v13  }
0x242: {  	v26 =	vadd.f32 v50, v54;
	v10 =	vmul.f32 v62, v15;
	v63 =	vpop (erf);
	v13 =	vld [tilespmem:s15+$0x19C60];
	[tilespmem:s23+$0x19C20] =	vst v9  }
0x243: {  	v9 =	vmul.f32 v63, v12;
	v25 =	vld [tilespmem:s15+$0x19C20];
	v27 =	vpop (erf)  }
0x244: {  	v30 =	vsub.f32 $0.0e+00, v26;
	[tilespmem:s23+$0x19C30] =	vst v10;
	v8 =	vmul.f32 v27, v8  }
0x245: {  	v29 =	vadd.f32 v21, v56;
	v28 =	vld [tilespmem:s15+$0x19C30];
	[tilespmem:s23+$0x19C10] =	vst v9  }
0x246: {  	v31 =	vld [tilespmem:s15+$0x19C10];
	v16 =	vadd.f32 v24, v61;
	[tilespmem:s23+$0x19C00] =	vst v8;
	v8 =	vmul.f32 $1.442695020e+00, v30  }
0x247: {  	v19 =	vsub.f32 $0.0e+00, v29;
	v13 =	vadd.f32 v22, v13  }
0x248: {  	v33 =	vsub.f32 $0.0e+00, v16;
	v32 =	vld [tilespmem:s15+$0x19C00];
	(erf) = vpow2.f32 v8;
	v8 =	vadd.f32 v48, v25  }
0x249: {  	v19 =	vmul.f32 $1.442695020e+00, v19;
	v34 =	vsub.f32 $0.0e+00, v13  }
0x24a: {  	v15 =	vmul.f32 $1.442695020e+00, v33;
	v35 =	vsub.f32 $0.0e+00, v8  }
0x24b: {  	v12 =	vadd.f32 v59, v28;
	v17 =	vmul.f32 $1.442695020e+00, v34;
	(erf) = vpow2.f32 v19  }
0x24c: {  	v11 =	vadd.f32 v51, v31;
	(erf) = vpow2.f32 v15;
	v19 =	vmul.f32 $1.442695020e+00, v35  }
0x24d: {  	v36 =	vsub.f32 $0.0e+00, v12;
	(erf) = vpow2.f32 v17;
	v9 =	vadd.f32 v57, v32  }
0x24e: {  	v37 =	vsub.f32 $0.0e+00, v11;
	(erf) = vpow2.f32 v19  }
0x24f: {  	v14 =	vmul.f32 $1.442695020e+00, v36;
	v38 =	vsub.f32 $0.0e+00, v9  }
0x250: {  	v39 =	vmul.f32 $1.442695020e+00, v37  }
0x251: {  	(erf) = vpow2.f32 v14;
	v15 =	vmul.f32 $1.442695020e+00, v38  }
0x252: {  	(erf) = vpow2.f32 v39  }
0x253: {  	v40 =	vpop (erf);
	(erf) = vpow2.f32 v15  }
0x254: {  	v14 =	vadd.f32 $1.000000000e+00, v40;
	v41 =	vpop (erf)  }
0x255: {  	v15 =	vadd.f32 $1.000000000e+00, v41;
	v42 =	vpop (erf)  }
0x256: {  	(erf) = vrcp.f32 v14;
	v43 =	vadd.f32 $1.000000000e+00, v42;
	v44 =	vpop (erf)  }
0x257: {  	(erf) = vrcp.f32 v15;
	v45 =	vadd.f32 $1.000000000e+00, v44;
	v46 =	vpop (erf)  }
0x258: {  	(erf) = vrcp.f32 v43;
	v17 =	vadd.f32 $1.000000000e+00, v46  }
0x259: {  	(erf) = vrcp.f32 v45  }
0x25a: {  	v47 =	vpop (erf);
	(erf) = vrcp.f32 v17  }
0x25b: {  	v48 =	vadd.f32 $1.000000000e+00, v47;
	v49 =	vpop (erf)  }
0x25c: {  	v50 =	vadd.f32 $1.000000000e+00, v49;
	v51 =	vpop (erf)  }
0x25d: {  	(erf) = vrcp.f32 v48;
	v52 =	vadd.f32 $1.000000000e+00, v51  }
0x25e: {  	(erf) = vrcp.f32 v50  }
0x25f: {  	v53 =	vpop (erf);
	(erf) = vrcp.f32 v52  }
0x260: {  	v54 =	vpop (erf)  }
0x261: {  	v55 =	vpop (erf)  }
0x262: {  	v10 =	vmul.f32 v53, v26;
	v57 =	vpop (erf)  }
0x263: {  	v14 =	vmul.f32 v54, v29;
	v58 =	vpop (erf)  }
0x264: {  	[tilespmem:s15+$0x19C50] =	vst v10;
	v56 =	vmul.f32 v55, v16;
	v8 =	vmul.f32 v58, v8  }
0x265: {  	[tilespmem:s15+$0x19C40] =	vst v14;
	v13 =	vmul.f32 v57, v13  }
0x266: {  	[tilespmem:s15+$0x19C70] =	vst v56;
	v59 =	vpop (erf)  }
0x267: {  	[tilespmem:s15+$0x19C60] =	vst v13;
	v10 =	vmul.f32 v59, v12;
	v60 =	vpop (erf)  }
0x268: {  	v11 =	vmul.f32 v60, v11;
	[tilespmem:s15+$0x19C20] =	vst v8;
	v8 =	vpop (erf)  }
0x269: {  	[tilespmem:s15+$0x19C30] =	vst v10;
	v8 =	vmul.f32 v8, v9  }
0x26a: {  	[tilespmem:s15+$0x19C10] =	vst v11  }
0x26b: {  	[tilespmem:s15+$0x19C00] =	vst v8  }
0x26c: {  	v8 =	vld [tilespmem:$0x18200];
	_ =	sdelay $0x4  }
0x26d: {  	v8 =	vand.u32 $0x7F, v8  }
0x26e: {  	v8 =	vor.u32 v1, v8;
	_ =	sdelay $0x4  }
0x26f: {  	[tilespmem:v8+s30+$0x0] =	vst.idx.msk $0xffff, v5  }
0x270: {  	v8 =	vld [tilespmem:$0x18210];
	_ =	sdelay $0x4  }
0x271: {  	v8 =	vand.u32 $0x7F, v8  }
0x272: {  	v8 =	vor.u32 v6, v8;
	_ =	sdelay $0x4  }
0x273: {  	[tilespmem:v8+s30+$0x0] =	vst.idx.msk $0xffff, v5  }
0x274: {  	v8 =	vld [tilespmem:$0x18220];
	_ =	sdelay $0x4  }
0x275: {  	v8 =	vand.u32 $0x7F, v8  }
0x276: {  	v8 =	vor.u32 v7, v8;
	_ =	sdelay $0x1  }
0x277: {  	s15 =	sadd.s32 $0x3, s22  }
0x278: {  	s17 =	smov.u32 s29;
	p0 =	slt.s32 s15, s29  }
0x279: {  	s17 =	smov.u32 @p0 s15  }
0x27a: {  	s23 =	simm.s32 $0x18200;
	s15 =	smul.u32 $0xC0, s17;
	[tilespmem:v8+s30+$0x0] =	vst.idx.msk $0xffff, v5  }
0x27b: {  	[spmem:s8] =	stream.indirect.scatter.add.f32 [tilespmem:s20], [sflag:$0x4], $0x80, s23, s14, $0xb8;
	[tilespmem:$0x1FC00] =	vst v63  }
0x27c: {  	s25 =	simm.s32 $0x18300;
	s15 =	sshra.s32 s15, $0x2  }
0x27d: {  	[spmem:s8] =	stream.indirect.scatter.add.f32 [tilespmem:s30], [sflag:$0x4], $0x80, s25, s14, $0xb8;
	[tilespmem:$0x1FC00] =	vst v63  }
0x27e: {  	v8 =	vld [tilespmem:s15+$0x14000];
	_ =	sdelay $0x4  }
0x27f: {  	v61 =	vand.u32 $0x3FFF, v8;
	v8 =	vshrl.u32 v8, $0xE  }
0x280: {  	[tilespmem:$0x18100] =	vst v8;
	v8 =	vmin.u32 v61, $0x270F  }
0x281: {  	[tilespmem:$0x18000] =	vst v8  }
0x282: {  	v8 =	vld [tilespmem:s15+$0x14010];
	_ =	sdelay $0x4  }
0x283: {  	v62 =	vand.u32 $0x3FFF, v8;
	v8 =	vshrl.u32 v8, $0xE  }
0x284: {  	[tilespmem:$0x18110] =	vst v8;
	v8 =	vmin.u32 v62, $0x270F  }
0x285: {  	[tilespmem:$0x18010] =	vst v8  }
0x286: {  	v8 =	vld [tilespmem:s15+$0x14020]  }
0x287: {  	s21 =	sadd.s32 $0x1, s21  }
0x288: {  	p0 =	sne.s32 s21, s19  }
.Ltmp6:
0x289: {  	_ = 	snop;
	(pc) =	sbr.rel @p0 .LBB2_8-.Ltmp6, $4  }
0x28a: {  	_ = 	snop  }
0x28b: {  	v63 =	vand.u32 $0x3FFF, v8;
	v8 =	vshrl.u32 v8, $0xE  }
0x28c: {  	[tilespmem:$0x18120] =	vst v8;
	v8 =	vmin.u32 v63, $0x270F  }
0x28d: {  	[tilespmem:$0x18020] =	vst v8  }
.LBB2_13:
0x28e: {  	s15 =	sand.u32 $0x1, s11  }
0x28f: {  	p0 =	seq.s32 s15, $0x0  }
.Ltmp7:
0x290: {  	_ = 	snop;
	(pc) =	sbr.rel @!p0 .LBB2_15-.Ltmp7, $1  }
0x291: {  	_ =	sdelay $0x3  }
.Ltmp8:
0x292: {  	(pc) =	sbr.rel .LBB2_18-.Ltmp8, $2  }
0x293: {  	_ =	sdelay $0x2  }
0x294: {  	s11 =	simm.s32 $0x1;
	s15 =	simm.s32 $0x4  }
.LBB2_15:
0x295: {  	_ =	swait.ge [sflag:s13], $0x1800  }
0x296: {  	[sflag:s13] =	ssyncset.done $0x0  }
0x297: {  	[sflag:s13] =	ssyncadd.s32 $0xFFFFE800  }
0x298: {  	_ =	swait.ge [sflag:s13], $0x1800  }
0x299: {  	p0 =	slt.s32 s11, $0x2;
	[sflag:s13] =	ssyncset.done $0x0  }
0x29a: {  	s11 =	simm.s32 @!p0 $0x4;
	[sflag:s13] =	ssyncadd.s32 $0xFFFFE800  }
0x29b: {  	_ =	swait.ge @!p0 [sflag:s11], $0x1800  }
0x29c: {  	[sflag:s11] =	ssyncset.done @!p0 $0x0  }
0x29d: {  	[sflag:s11] =	ssyncadd.s32 @!p0 $0xFFFFE800  }
0x29e: {  	_ =	swait.ge @!p0 [sflag:s11], $0x1800  }
0x29f: {  	[sflag:s11] =	ssyncset.done @!p0 $0x0  }
0x2a0: {  	[sflag:s11] =	ssyncadd.s32 @!p0 $0xFFFFE800  }
0x2a1: {  	v8 =	vld @!p0 [tilespmem:$0x18200];
	_ =	sdelay $0x2  }
0x2a2: {  	v9 =	vlaneseq.u32 @!p0  }
0x2a3: {  	v10 =	vmul.u32 @!p0 $0x80, v9  }
0x2a4: {  	v8 =	vand.u32 @!p0 $0x7F, v8  }
0x2a5: {  	v8 =	vor.u32 @!p0 v10, v8;
	_ =	sdelay $0x3  }
0x2a6: {  	v11 =	vimm.f32 @!p0 $0.0e+00;
	s11 =	simm.s32 @!p0 $0x1E400  }
0x2a7: {  	[tilespmem:v8+s11+$0x0] =	vst.idx.msk @!p0 $0xffff, v11  }
0x2a8: {  	v8 =	vld @!p0 [tilespmem:$0x18210];
	_ =	sdelay $0x4  }
0x2a9: {  	v12 =	vor.u32 @!p0 $0x800, v10;
	v8 =	vand.u32 @!p0 $0x7F, v8  }
0x2aa: {  	v8 =	vor.u32 @!p0 v12, v8;
	_ =	sdelay $0x4  }
0x2ab: {  	[tilespmem:v8+s11+$0x0] =	vst.idx.msk @!p0 $0xffff, v11  }
0x2ac: {  	v8 =	vld @!p0 [tilespmem:$0x18220];
	_ =	sdelay $0x4  }
0x2ad: {  	v10 =	vor.u32 @!p0 $0x1000, v10;
	v8 =	vand.u32 @!p0 $0x7F, v8  }
0x2ae: {  	v8 =	vor.u32 @!p0 v10, v8;
	_ =	sdelay $0x2  }
0x2af: {  	s15 =	smul.u32 @!p0 $0xC0, s29;
	_ =	sdelay $0x1  }
0x2b0: {  	[tilespmem:v8+s11+$0x0] =	vst.idx.msk @!p0 $0xffff, v11;
	s11 =	sshra.s32 @!p0 s15, $0x2  }
0x2b1: {  	v8 =	vld @!p0 [tilespmem:s11+$0x14000];
	_ =	sdelay $0x4  }
0x2b2: {  	v8 =	vand.u32 @!p0 $0x3FFF, v8  }
0x2b3: {  	v10 =	vshrl.u32 @!p0 v8, $0x7  }
0x2b4: {  	v9 =	vadd.s32 @!p0 $0x277F, v9;
	vm0 =	vlt.u32 @!p0 v8, $0x2710;
	v10 =	vadd.s32 @!p0 $0x2710, v10  }
0x2b5: {  	[tilespmem:$0x18200] =	vst @!p0 v8;
	v8 =	vsel @!p0 vm0, v10, v9  }
0x2b6: {  	[tilespmem:$0x18300] =	vst @!p0 v8  }
0x2b7: {  	v8 =	vld @!p0 [tilespmem:s11+$0x14010];
	_ =	sdelay $0x4  }
0x2b8: {  	v8 =	vand.u32 @!p0 $0x3FFF, v8  }
0x2b9: {  	v10 =	vshrl.u32 @!p0 v8, $0x7  }
0x2ba: {  	vm0 =	vlt.u32 @!p0 v8, $0x2710;
	v10 =	vadd.s32 @!p0 $0x2710, v10  }
0x2bb: {  	[tilespmem:$0x18210] =	vst @!p0 v8;
	v8 =	vsel @!p0 vm0, v10, v9  }
0x2bc: {  	[tilespmem:$0x18310] =	vst @!p0 v8  }
0x2bd: {  	v8 =	vld @!p0 [tilespmem:s11+$0x14020];
	_ =	sdelay $0x4  }
0x2be: {  	v8 =	vand.u32 @!p0 $0x3FFF, v8  }
0x2bf: {  	v10 =	vshrl.u32 @!p0 v8, $0x7  }
0x2c0: {  	vm0 =	vlt.u32 @!p0 v8, $0x2710;
	v10 =	vadd.s32 @!p0 $0x2710, v10  }
0x2c1: {  	[tilespmem:$0x18220] =	vst @!p0 v8;
	v8 =	vsel @!p0 vm0, v10, v9  }
0x2c2: {  	s22 =	simm.s32 $0x18000;
	[tilespmem:$0x18320] =	vst @!p0 v8  }
0x2c3: {  	[tilespmem:s20], [sflag:$0x2] =	stream.indirect.gather [hbm4b:s5+s14], $0x80, s22, s14, $0xb8;
	[tilespmem:$0x1FC00] =	vst v63  }
0x2c4: {  	s23 =	simm.s32 $0x18100;
	s25 =	simm.s32 $0x1CC00;
	s11 =	simm.s32 $0x0  }
0x2c5: {  	[tilespmem:s25], [sflag:$0x2] =	stream.indirect.gather [hbm4b:s6+s14], $0x80, s23, s14, $0xb8;
	[tilespmem:$0x1FC00] =	vst v63  }
0x2c6: {  	v8 =	vld [tilespmem:s11+$0x1B420]  }
0x2c7: {  	v9 =	vld [tilespmem:s11+$0x1B440]  }
0x2c8: {  	v12 =	vld [tilespmem:s11+$0x1B460]  }
0x2c9: {  	v13 =	vld [tilespmem:s11+$0x1B470]  }
0x2ca: {  	v10 =	vld [tilespmem:s11+$0x1B450]  }
0x2cb: {  	v11 =	vld [tilespmem:s11+$0x18450]  }
0x2cc: {  	v14 =	vld [tilespmem:s11+$0x18440]  }
0x2cd: {  	v15 =	vld [tilespmem:s11+$0x18470]  }
0x2ce: {  	v16 =	vld [tilespmem:s11+$0x18460]  }
0x2cf: {  	v17 =	vld [tilespmem:s11+$0x18420]  }
0x2d0: {  	v10 =	vadd.f32 v10, v11  }
0x2d1: {  	v11 =	vadd.f32 v9, v14  }
0x2d2: {  	v14 =	vadd.f32 v13, v15;
	v15 =	vld [tilespmem:s11+$0x1B430];
	v9 =	vsub.f32 $0.0e+00, v10  }
0x2d3: {  	v13 =	vadd.f32 v12, v16;
	v12 =	vld [tilespmem:s11+$0x18430];
	v20 =	vsub.f32 $0.0e+00, v11  }
0x2d4: {  	v18 =	vld [tilespmem:s11+$0x1B410];
	v16 =	vmul.f32 $1.442695020e+00, v9;
	v9 =	vadd.f32 v8, v17;
	v8 =	vsub.f32 $0.0e+00, v14  }
0x2d5: {  	v19 =	vld [tilespmem:s11+$0x1B400];
	v21 =	vsub.f32 $0.0e+00, v13;
	v20 =	vmul.f32 $1.442695020e+00, v20  }
0x2d6: {  	v17 =	vld [tilespmem:s11+$0x18410];
	(erf) = vpow2.f32 v16;
	v16 =	vsub.f32 $0.0e+00, v9;
	v8 =	vmul.f32 $1.442695020e+00, v8  }
0x2d7: {  	v22 =	vld [tilespmem:s11+$0x18400];
	(erf) = vpow2.f32 v20;
	v20 =	vmul.f32 $1.442695020e+00, v21  }
0x2d8: {  	v15 =	vadd.f32 v15, v12;
	v16 =	vmul.f32 $1.442695020e+00, v16;
	(erf) = vpow2.f32 v8  }
0x2d9: {  	(erf) = vpow2.f32 v20  }
0x2da: {  	(erf) = vpow2.f32 v16;
	v16 =	vsub.f32 $0.0e+00, v15  }
0x2db: {  	v12 =	vadd.f32 v18, v17  }
0x2dc: {  	v8 =	vadd.f32 v19, v22;
	v16 =	vmul.f32 $1.442695020e+00, v16  }
0x2dd: {  	v17 =	vsub.f32 $0.0e+00, v12  }
0x2de: {  	v18 =	vsub.f32 $0.0e+00, v8  }
0x2df: {  	v17 =	vmul.f32 $1.442695020e+00, v17  }
0x2e0: {  	v18 =	vmul.f32 $1.442695020e+00, v18;
	(erf) = vpow2.f32 v16;
	v16 =	vpop (erf)  }
0x2e1: {  	(erf) = vpow2.f32 v17;
	v16 =	vadd.f32 $1.000000000e+00, v16  }
0x2e2: {  	(erf) = vpow2.f32 v18  }
0x2e3: {  	v17 =	vpop (erf);
	(erf) = vrcp.f32 v16  }
0x2e4: {  	v17 =	vadd.f32 $1.000000000e+00, v17  }
0x2e5: {  	v18 =	vpop (erf)  }
0x2e6: {  	(erf) = vrcp.f32 v17;
	v16 =	vpop (erf)  }
0x2e7: {  	s19 =	simm.s32 $0x400;
	s15 =	simm.s32 $0x200;
	v17 =	vadd.f32 $1.000000000e+00, v18;
	v16 =	vadd.f32 $1.000000000e+00, v16;
	v18 =	vpop (erf)  }
.LBB2_16:
0x2e8: {  	p0 =	sne.s32 s19, $0x5E00  }
0x2e9: {  	s17 =	sshra.s32 s15, $0x2;
	v18 =	vadd.f32 $1.000000000e+00, v18;
	v19 =	vpop (erf);
	(erf) = vrcp.f32 v17;
	s15 =	smov.u32 s19;
	s19 =	sadd.s32 $0x200, s19  }
0x2ea: {  	v17 =	vld [tilespmem:s17+$0x1B420];
	v22 =	vadd.f32 $1.000000000e+00, v19;
	v20 =	vpop (erf);
	(erf) = vrcp.f32 v16  }
0x2eb: {  	v16 =	vld [tilespmem:s17+$0x1B440];
	v20 =	vadd.f32 $1.000000000e+00, v20;
	v21 =	vpop (erf);
	(erf) = vrcp.f32 v18  }
0x2ec: {  	v18 =	vld [tilespmem:s17+$0x1B460];
	v21 =	vadd.f32 $1.000000000e+00, v21;
	(erf) = vrcp.f32 v22;
	v19 =	vpop (erf)  }
0x2ed: {  	v22 =	vld [tilespmem:s17+$0x1B470];
	v23 =	vmul.f32 v19, v10;
	(erf) = vrcp.f32 v20  }
0x2ee: {  	v19 =	vld [tilespmem:s17+$0x1B450];
	(erf) = vrcp.f32 v21  }
0x2ef: {  	v20 =	vld [tilespmem:s17+$0x1B410];
	[tilespmem:s11+$0x18450] =	vst v23;
	v10 =	vpop (erf)  }
0x2f0: {  	v21 =	vld [tilespmem:s17+$0x18450];
	v11 =	vmul.f32 v10, v11;
	_ =	sdelay $0x1  }
0x2f1: {  	[tilespmem:s11+$0x18440] =	vst v11;
	v10 =	vpop (erf)  }
0x2f2: {  	v11 =	vld [tilespmem:s17+$0x18440];
	v26 =	vmul.f32 v10, v14;
	v10 =	vpop (erf)  }
0x2f3: {  	v23 =	vld [tilespmem:s17+$0x1B400];
	v27 =	vmul.f32 v10, v13;
	v24 =	vpop (erf)  }
0x2f4: {  	v25 =	vld [tilespmem:s17+$0x1B430];
	v10 =	vadd.f32 v19, v21;
	v24 =	vmul.f32 v24, v9;
	[tilespmem:s11+$0x18470] =	vst v26;
	v14 =	vpop (erf)  }
0x2f5: {  	v19 =	vld [tilespmem:s17+$0x18470];
	v14 =	vmul.f32 v14, v15;
	[tilespmem:s11+$0x18460] =	vst v27;
	v13 =	vpop (erf)  }
0x2f6: {  	v15 =	vsub.f32 $0.0e+00, v10;
	v21 =	vld [tilespmem:s17+$0x18460];
	v12 =	vmul.f32 v13, v12;
	[tilespmem:s11+$0x18420] =	vst v24;
	v9 =	vpop (erf)  }
0x2f7: {  	v24 =	vld [tilespmem:s17+$0x18420];
	v11 =	vadd.f32 v16, v11;
	v8 =	vmul.f32 v9, v8;
	[tilespmem:s11+$0x18430] =	vst v14  }
0x2f8: {  	v16 =	vld [tilespmem:s17+$0x18430];
	v9 =	vmul.f32 $1.442695020e+00, v15;
	[tilespmem:s11+$0x18410] =	vst v12  }
0x2f9: {  	v12 =	vld [tilespmem:s17+$0x18410];
	v13 =	vsub.f32 $0.0e+00, v11;
	[tilespmem:s11+$0x18400] =	vst v8;
	s11 =	smov.u32 s17  }
0x2fa: {  	v8 =	vld [tilespmem:s11+$0x18400];
	v14 =	vadd.f32 v22, v19;
	(erf) = vpow2.f32 v9  }
0x2fb: {  	v19 =	vmul.f32 $1.442695020e+00, v13;
	v13 =	vadd.f32 v18, v21  }
0x2fc: {  	v9 =	vadd.f32 v17, v24;
	v17 =	vsub.f32 $0.0e+00, v14  }
0x2fd: {  	v15 =	vadd.f32 v25, v16;
	v16 =	vsub.f32 $0.0e+00, v13;
	(erf) = vpow2.f32 v19  }
0x2fe: {  	v12 =	vadd.f32 v20, v12;
	v18 =	vsub.f32 $0.0e+00, v9;
	v17 =	vmul.f32 $1.442695020e+00, v17  }
0x2ff: {  	v8 =	vadd.f32 v23, v8;
	v19 =	vsub.f32 $0.0e+00, v15;
	v16 =	vmul.f32 $1.442695020e+00, v16  }
0x300: {  	v20 =	vsub.f32 $0.0e+00, v12;
	v21 =	vmul.f32 $1.442695020e+00, v18;
	(erf) = vpow2.f32 v17  }
0x301: {  	v17 =	vsub.f32 $0.0e+00, v8;
	v19 =	vmul.f32 $1.442695020e+00, v19;
	(erf) = vpow2.f32 v16  }
0x302: {  	v16 =	vmul.f32 $1.442695020e+00, v20;
	(erf) = vpow2.f32 v21  }
0x303: {  	v17 =	vmul.f32 $1.442695020e+00, v17;
	(erf) = vpow2.f32 v19;
	v18 =	vpop (erf)  }
0x304: {  	v18 =	vadd.f32 $1.000000000e+00, v18;
	(erf) = vpow2.f32 v16  }
0x305: {  	(erf) = vpow2.f32 v17  }
0x306: {  	v16 =	vpop (erf);
	(erf) = vrcp.f32 v18  }
.Ltmp9:
0x307: {  	v17 =	vadd.f32 $1.000000000e+00, v16;
	(pc) =	sbr.rel @p0 .LBB2_16-.Ltmp9, $4  }
0x308: {  	_ = 	snop  }
0x309: {  	(erf) = vrcp.f32 v17;
	v16 =	vpop (erf)  }
0x30a: {  	v17 =	vadd.f32 $1.000000000e+00, v16;
	v16 =	vpop (erf)  }
0x30b: {  	v16 =	vadd.f32 $1.000000000e+00, v16;
	v18 =	vpop (erf)  }
0x30c: {  	(erf) = vrcp.f32 v17;
	_ =	sdelay $0x2  }
0x30d: {  	v19 =	vpop (erf);
	v18 =	vadd.f32 $1.000000000e+00, v18  }
0x30e: {  	v20 =	vpop (erf);
	(erf) = vrcp.f32 v16  }
0x30f: {  	s15 =	sshra.s32 s15, $0x2;
	v19 =	vadd.f32 $1.000000000e+00, v19;
	v49 =	vpop (erf);
	(erf) = vrcp.f32 v18  }
0x310: {  	v48 =	vld [tilespmem:s15+$0x1B420];
	v52 =	vadd.f32 $1.000000000e+00, v20  }
0x311: {  	v21 =	vld [tilespmem:s15+$0x1B440];
	v23 =	vpop (erf);
	(erf) = vrcp.f32 v19;
	v16 =	vadd.f32 $1.000000000e+00, v49  }
0x312: {  	v22 =	vld [tilespmem:s15+$0x1B460];
	(erf) = vrcp.f32 v52;
	v25 =	vpop (erf)  }
0x313: {  	v24 =	vld [tilespmem:s15+$0x1B470];
	v10 =	vmul.f32 v23, v10;
	v55 =	vpop (erf);
	(erf) = vrcp.f32 v16  }
0x314: {  	v50 =	vld [tilespmem:s15+$0x1B450];
	v53 =	vmul.f32 v25, v11  }
0x315: {  	v51 =	vld [tilespmem:s15+$0x1B410];
	[tilespmem:s11+$0x18450] =	vst v10  }
0x316: {  	v54 =	vld [tilespmem:s15+$0x18450];
	[tilespmem:s11+$0x18440] =	vst v53  }
0x317: {  	v56 =	vld [tilespmem:s15+$0x18440];
	v10 =	vmul.f32 v55, v14;
	v58 =	vpop (erf)  }
0x318: {  	v57 =	vld [tilespmem:s15+$0x1B400];
	v13 =	vmul.f32 v58, v13;
	v60 =	vpop (erf)  }
0x319: {  	v59 =	vld [tilespmem:s15+$0x1B430];
	[tilespmem:s11+$0x18470] =	vst v10;
	v9 =	vmul.f32 v60, v9  }
0x31a: {  	v62 =	vpop (erf);
	v61 =	vld [tilespmem:s15+$0x18470];
	[tilespmem:s11+$0x18460] =	vst v13  }
0x31b: {  	v26 =	vadd.f32 v50, v54;
	v10 =	vmul.f32 v62, v15;
	v63 =	vpop (erf);
	v13 =	vld [tilespmem:s15+$0x18460];
	[tilespmem:s11+$0x18420] =	vst v9  }
0x31c: {  	v9 =	vmul.f32 v63, v12;
	v25 =	vld [tilespmem:s15+$0x18420];
	v27 =	vpop (erf)  }
0x31d: {  	v30 =	vsub.f32 $0.0e+00, v26;
	[tilespmem:s11+$0x18430] =	vst v10;
	v8 =	vmul.f32 v27, v8  }
0x31e: {  	v29 =	vadd.f32 v21, v56;
	v28 =	vld [tilespmem:s15+$0x18430];
	[tilespmem:s11+$0x18410] =	vst v9  }
0x31f: {  	v31 =	vld [tilespmem:s15+$0x18410];
	v16 =	vadd.f32 v24, v61;
	[tilespmem:s11+$0x18400] =	vst v8;
	v8 =	vmul.f32 $1.442695020e+00, v30  }
0x320: {  	v19 =	vsub.f32 $0.0e+00, v29;
	v13 =	vadd.f32 v22, v13  }
0x321: {  	v33 =	vsub.f32 $0.0e+00, v16;
	v32 =	vld [tilespmem:s15+$0x18400];
	(erf) = vpow2.f32 v8;
	v8 =	vadd.f32 v48, v25  }
0x322: {  	v19 =	vmul.f32 $1.442695020e+00, v19;
	v34 =	vsub.f32 $0.0e+00, v13  }
0x323: {  	v15 =	vmul.f32 $1.442695020e+00, v33;
	v35 =	vsub.f32 $0.0e+00, v8  }
0x324: {  	v12 =	vadd.f32 v59, v28;
	v17 =	vmul.f32 $1.442695020e+00, v34;
	(erf) = vpow2.f32 v19  }
0x325: {  	v11 =	vadd.f32 v51, v31;
	(erf) = vpow2.f32 v15;
	v19 =	vmul.f32 $1.442695020e+00, v35  }
0x326: {  	v36 =	vsub.f32 $0.0e+00, v12;
	(erf) = vpow2.f32 v17;
	v9 =	vadd.f32 v57, v32  }
0x327: {  	v37 =	vsub.f32 $0.0e+00, v11;
	(erf) = vpow2.f32 v19  }
0x328: {  	v14 =	vmul.f32 $1.442695020e+00, v36;
	v38 =	vsub.f32 $0.0e+00, v9  }
0x329: {  	v39 =	vmul.f32 $1.442695020e+00, v37  }
0x32a: {  	(erf) = vpow2.f32 v14;
	v15 =	vmul.f32 $1.442695020e+00, v38  }
0x32b: {  	(erf) = vpow2.f32 v39  }
0x32c: {  	v40 =	vpop (erf);
	(erf) = vpow2.f32 v15  }
0x32d: {  	v14 =	vadd.f32 $1.000000000e+00, v40;
	v41 =	vpop (erf)  }
0x32e: {  	v15 =	vadd.f32 $1.000000000e+00, v41;
	v42 =	vpop (erf)  }
0x32f: {  	(erf) = vrcp.f32 v14;
	v43 =	vadd.f32 $1.000000000e+00, v42;
	v44 =	vpop (erf)  }
0x330: {  	(erf) = vrcp.f32 v15;
	v45 =	vadd.f32 $1.000000000e+00, v44;
	v46 =	vpop (erf)  }
0x331: {  	(erf) = vrcp.f32 v43;
	v17 =	vadd.f32 $1.000000000e+00, v46  }
0x332: {  	(erf) = vrcp.f32 v45  }
0x333: {  	v47 =	vpop (erf);
	(erf) = vrcp.f32 v17  }
0x334: {  	v48 =	vadd.f32 $1.000000000e+00, v47;
	v49 =	vpop (erf)  }
0x335: {  	v50 =	vadd.f32 $1.000000000e+00, v49;
	v51 =	vpop (erf)  }
0x336: {  	(erf) = vrcp.f32 v48;
	v52 =	vadd.f32 $1.000000000e+00, v51  }
0x337: {  	(erf) = vrcp.f32 v50  }
0x338: {  	v53 =	vpop (erf);
	(erf) = vrcp.f32 v52  }
0x339: {  	v54 =	vpop (erf)  }
0x33a: {  	v55 =	vpop (erf)  }
0x33b: {  	v10 =	vmul.f32 v53, v26;
	v57 =	vpop (erf)  }
0x33c: {  	v14 =	vmul.f32 v54, v29;
	v58 =	vpop (erf)  }
0x33d: {  	[tilespmem:s15+$0x18450] =	vst v10;
	v56 =	vmul.f32 v55, v16;
	v8 =	vmul.f32 v58, v8  }
0x33e: {  	[tilespmem:s15+$0x18440] =	vst v14;
	v13 =	vmul.f32 v57, v13  }
0x33f: {  	[tilespmem:s15+$0x18470] =	vst v56;
	v59 =	vpop (erf)  }
0x340: {  	[tilespmem:s15+$0x18460] =	vst v13;
	v10 =	vmul.f32 v59, v12;
	v60 =	vpop (erf)  }
0x341: {  	v11 =	vmul.f32 v60, v11;
	[tilespmem:s15+$0x18420] =	vst v8;
	v8 =	vpop (erf)  }
0x342: {  	[tilespmem:s15+$0x18430] =	vst v10;
	v8 =	vmul.f32 v8, v9  }
0x343: {  	[tilespmem:s15+$0x18410] =	vst v11  }
0x344: {  	[tilespmem:s15+$0x18400] =	vst v8  }
0x345: {  	v8 =	vld [tilespmem:$0x18180];
	_ =	sdelay $0x4  }
0x346: {  	v8 =	vand.u32 $0x7F, v8  }
0x347: {  	v8 =	vor.u32 v1, v8;
	_ =	sdelay $0x4  }
0x348: {  	[tilespmem:v8+s30+$0x0] =	vst.idx.msk $0xffff, v5  }
0x349: {  	v8 =	vld [tilespmem:$0x18190];
	_ =	sdelay $0x4  }
0x34a: {  	v8 =	vand.u32 $0x7F, v8  }
0x34b: {  	v8 =	vor.u32 v6, v8;
	_ =	sdelay $0x4  }
0x34c: {  	[tilespmem:v8+s30+$0x0] =	vst.idx.msk $0xffff, v5  }
0x34d: {  	v8 =	vld [tilespmem:$0x181A0];
	_ =	sdelay $0x4  }
0x34e: {  	v8 =	vand.u32 $0x7F, v8  }
0x34f: {  	v8 =	vor.u32 v7, v8;
	_ =	sdelay $0x4  }
0x350: {  	s23 =	simm.s32 $0x18180;
	s25 =	smul.u32 $0xC0, s29;
	[tilespmem:v8+s30+$0x0] =	vst.idx.msk $0xffff, v5  }
0x351: {  	[spmem:s8] =	stream.indirect.scatter.add.f32 [tilespmem:s16], [sflag:$0x3], $0x80, s23, s14, $0xb8;
	[tilespmem:$0x1FC00] =	vst v63  }
0x352: {  	s29 =	simm.s32 $0x18280;
	s11 =	sshra.s32 s25, $0x2  }
0x353: {  	[spmem:s8] =	stream.indirect.scatter.add.f32 [tilespmem:s30], [sflag:$0x3], $0x80, s29, s14, $0xb8;
	[tilespmem:$0x1FC00] =	vst v63  }
0x354: {  	v8 =	vld [tilespmem:s11+$0x14000];
	_ =	sdelay $0x4  }
0x355: {  	v61 =	vand.u32 $0x3FFF, v8;
	v8 =	vshrl.u32 v8, $0xE  }
0x356: {  	[tilespmem:$0x18080] =	vst v8;
	v8 =	vmin.u32 v61, $0x270F  }
0x357: {  	[tilespmem:$0x17F80] =	vst v8  }
0x358: {  	v8 =	vld [tilespmem:s11+$0x14010];
	_ =	sdelay $0x4  }
0x359: {  	v62 =	vand.u32 $0x3FFF, v8;
	v8 =	vshrl.u32 v8, $0xE  }
0x35a: {  	[tilespmem:$0x18090] =	vst v8;
	v8 =	vmin.u32 v62, $0x270F  }
0x35b: {  	[tilespmem:$0x17F90] =	vst v8  }
0x35c: {  	v8 =	vld [tilespmem:s11+$0x14020];
	_ =	sdelay $0x4  }
0x35d: {  	v63 =	vand.u32 $0x3FFF, v8;
	v8 =	vshrl.u32 v8, $0xE  }
0x35e: {  	[tilespmem:$0x180A0] =	vst v8;
	v8 =	vmin.u32 v63, $0x270F  }
0x35f: {  	s15 =	simm.s32 $0x3;
	s11 =	simm.s32 $0x2;
	[tilespmem:$0x17FA0] =	vst v8  }
.LBB2_18:
0x360: {  	_ =	swait.ge [sflag:s15], $0x1800  }
0x361: {  	[sflag:s15] =	ssyncset.done $0x0  }
0x362: {  	[sflag:s15] =	ssyncadd.s32 $0xFFFFE800  }
0x363: {  	_ =	swait.ge [sflag:s15], $0x1800  }
0x364: {  	[sflag:s15] =	ssyncset.done $0x0  }
0x365: {  	[sflag:s15] =	ssyncadd.s32 $0xFFFFE800  }
0x366: {  	_ =	swait.ge [sflag:s11], $0x1800  }
0x367: {  	[sflag:s11] =	ssyncset.done $0x0  }
0x368: {  	[sflag:s11] =	ssyncadd.s32 $0xFFFFE800  }
0x369: {  	_ =	swait.ge [sflag:s11], $0x1800  }
0x36a: {  	[sflag:s11] =	ssyncset.done $0x0  }
0x36b: {  	[sflag:s11] =	ssyncadd.s32 $0xFFFFE800  }
0x36c: {  	[bflag:$0x0] =	sbarrier.arrive $0xFFFF  }
0x36d: {  	s19 =	rddreg [dreg:$0x9]  }
0x36e: {  	[tilespmem:s30], [sflag:$0x5] =	stream.linear.gather [spmem:s19], $0x1400, $0x38;
	[tilespmem:$0x1FC00] =	vst v63  }
0x36f: {  	_ =	swait.ge [sflag:s31], $0x1400  }
0x370: {  	[sflag:s31] =	ssyncset.done $0x0  }
0x371: {  	s29 =	sadd.s32 $0x0, s24;
	[sflag:s31] =	ssyncadd.s32 $0xFFFFEC00  }
0x372: {  	[hbm4b:s29+s9] =	stream.linear.scatter [tilespmem:s30], [sflag:$0x5], $0x1400, $0x38;
	[tilespmem:$0x1FC00] =	vst v63  }
0x373: {  	_ =	swait.ge [sflag:s31], $0x1400  }
0x374: {  	s11 =	simm.s32 $0x280;
	s15 =	smov.u32 s19;
	[sflag:s31] =	ssyncset.done $0x0  }
.LBB2_19:
0x375: {  	p0 =	sne.s32 s11, $0x2580;
	[sflag:s31] =	ssyncadd.s32 $0xFFFFEC00;
	s15 =	sadd.s32 $0x1400, s15  }
0x376: {  	[tilespmem:s30], [sflag:$0x5] =	stream.linear.gather [spmem:s15], $0x1400, $0x38;
	[tilespmem:$0x1FC00] =	vst v63  }
0x377: {  	s17 =	smov.u32 s11;
	s11 =	sadd.s32 $0x280, s11;
	_ =	swait.ge [sflag:s31], $0x1400  }
.Ltmp10:
0x378: {  	[sflag:s31] =	ssyncset.done $0x0;
	(pc) =	sbr.rel @p0 .LBB2_19-.Ltmp10, $4  }
0x379: {  	s17 =	sadd.s32 s17, s24;
	[sflag:s31] =	ssyncadd.s32 $0xFFFFEC00  }
0x37a: {  	[hbm4b:s17+s9] =	stream.linear.scatter [tilespmem:s30], [sflag:$0x5], $0x1400, $0x38;
	[tilespmem:$0x1FC00] =	vst v63  }
0x37b: {  	_ =	swait.ge [sflag:s31], $0x1400  }
0x37c: {  	[sflag:s31] =	ssyncset.done $0x0  }
0x37d: {  	s15 =	rddreg [dreg:$0x1a]  }
0x37e: {  	s11 =	rddreg [dreg:$0xa];
	s15 =	sadd.s32 $0x1, s15  }
0x37f: {  	p0 =	sne.s32 s15, s11  }
.Ltmp11:
0x380: {  	_ = 	snop;
	(pc) =	sbr.rel @p0 .LBB2_1-.Ltmp11, $2  }
0x381: {  	_ =	sdelay $0x2  }
0x382: {  	[sflag:s31] =	ssyncadd.s32 $0xFFFFEC00  }
0x383: {  	_ =	sfence.sel $0x180000  }
0x384: {  	[bflag:$0x0] =	sbarrier.arrive $0xFFFF  }
0x385: {  	_ =	strace $0x90000047  }
0x386: {  	s0 =	stileid.u32;
	[bflag:$0x2] =	sbarrier.arrive $0xFFFF  }
0x387: {  	p0 =	sne.s32 s0, $0x0;
	s0 =	rddreg [dreg:$0x8]  }
0x388: {  	s0 =	sadd.s32 @!p0 $0x100000, s0  }
0x389: {  	[sflag:s0] =	ssyncadd.tile.s32 @!p0 $0x1;
	_ =	shalt  }
.Lfunc_end2:
_tile_overlayer_lowered:
.L_overlay_start_2:
0x38a: {  	(tag) =	ssettag $0x2  }
0x38b: {  	s0 =	rddreg [dreg:$0x0];
	s2 =	stileid.u32  }
0x38c: {  	s1 =	rddreg [dreg:$0x1];
	p0 =	sne.s32 s2, $0x0  }
0x38d: {  	s3 =	rddreg [dreg:$0x2];
	[bflag:$0x3] =	sbarrier.arrive $0xFFFF;
	s2 =	simm.s32 @!p0 $0x1C05  }
0x38e: {  	[timem:s3], [sflag:s2] =	dma.local @!p0 [hbm:s0], s1  }
0x38f: {  	s0 =	simm.s32 @!p0 $0x5  }
0x390: {  	_ =	swait.ge @!p0 [sflag:s0], s1  }
0x391: {  	s1 =	ssub.s32 @!p0 $0x0, s1;
	[sflag:s0] =	ssyncset.done @!p0 $0x0  }
0x392: {  	[sflag:s0] =	ssyncadd.s32 @!p0 s1  }
0x393: {  	[bflag:$0x3] =	sbarrier.arrive $0xFFFF  }
0x394: {  	_ =	shalt  }

</sc_bundles>
